<compile_context>
chip_gen: v7x
topology: tpu7x:2x2x1
jax: 0.10.2.dev20260603
libtpu: 0.0.44.dev20260713+nightly
codegen_flags: <defaults>
</compile_context>

<pallas_src>
import functools

import jax
import jax.numpy as jnp
from jax import lax
from jax.experimental import pallas as pl
from jax.experimental.pallas import tpu as pltpu
from jax.experimental.pallas import tpu_sc as plsc

K_SEL = 512
B, C, D, N = 4, 128, 3, 8192
NS, NL = 8, 1024
NBLK = 2
LB = NL // NBLK
NBLOCKS = 64
ROWS = B * C * D
NW = 32
RPW = ROWS // NW
CPR = K_SEL // 128
NEG_INF = float("-inf")


def _means_body(x_ref, y_ref, gx_ref, gy_ref):
    def accum(ref):
        def step(c, acc):
            return acc + ref[0, c]
        acc = lax.fori_loop(1, C, step, ref[0, 0], unroll=8)
        m = acc * jnp.float32(0.0078125)
        n2 = m[1] * m[1] + (m[2] * m[2] + m[0] * m[0])
        nrm = n2 * lax.rsqrt(n2) + jnp.float32(1e-6)
        return m * pl.reciprocal(nrm, approx=True)[None]
    gx_ref[0] = accum(x_ref)
    gy_ref[0] = accum(y_ref)


def _score_body(x_ref, y_ref, gx_ref, gy_ref, s_ref):
    gx = gx_ref[0]
    gy = gy_ref[0]

    def _phi_prod(c):
        xc = x_ref[0, c]
        yc = y_ref[0, c]
        px = (xc[0] * gx[0] + xc[1] * gx[1]) + xc[2] * gx[2]
        py = (yc[0] * gy[0] + yc[1] * gy[1]) + yc[2] * gy[2]
        return px * py

    def step(k, accs):
        return tuple(accs[s] + _phi_prod(8 * k + s) for s in range(8))

    p = lax.fori_loop(0, C // 8, step,
                      tuple(jnp.zeros((NS, LB), jnp.float32) for _ in range(8)))
    s_ref[0] = ((p[7] + p[3]) + (p[5] + p[1])) + ((p[6] + p[2]) + (p[4] + p[0]))


def _scores(f_X, f_Y):
    x5 = f_X.reshape(B, C, D, NS, NL)
    y5 = f_Y.reshape(B, C, D, NS, NL)

    f_spec = pl.BlockSpec((1, C, D, NS, LB), lambda b, j: (b, 0, 0, 0, j))
    g_spec = pl.BlockSpec((1, D, NS, LB), lambda b, j: (b, 0, 0, j))
    s_spec = pl.BlockSpec((1, NS, LB), lambda b, j: (b, 0, j))

    gx, gy = pl.pallas_call(
        _means_body,
        grid=(B, NBLK),
        in_specs=[f_spec, f_spec],
        out_specs=[g_spec, g_spec],
        out_shape=[jax.ShapeDtypeStruct((B, D, NS, NL), jnp.float32)] * 2,
    )(x5, y5)

    s = pl.pallas_call(
        _score_body,
        grid=(B, NBLK),
        in_specs=[f_spec, f_spec, g_spec, g_spec],
        out_specs=s_spec,
        out_shape=jax.ShapeDtypeStruct((B, NS, NL), jnp.float32),
    )(x5, y5, gx, gy)
    return s.reshape(B, N)


def _topk_body(s_ref, o_ref, w_ref, bm_ref, bp_ref, scr_ref):
    w_ref[...] = s_ref[...]
    iota128 = lax.broadcasted_iota(jnp.int32, (B, 128), 1)
    iota128r = iota128[0:1]
    iota64 = lax.broadcasted_iota(jnp.int32, (B, NBLOCKS), 1)
    iota64r = iota64[0:1]

    for blk in range(NBLOCKS):
        wb = w_ref[:, blk * 128:(blk + 1) * 128]
        m = jnp.max(wb, axis=1, keepdims=True)
        pos = jnp.min(jnp.where(wb == m, iota128, 1 << 20), axis=1, keepdims=True)
        bm_ref[:, blk:blk + 1] = m
        bp_ref[:, blk:blk + 1] = pos + blk * 128

    def step(t, _):
        bm = bm_ref[...]
        m = jnp.max(bm, axis=1, keepdims=True)
        jv = jnp.min(jnp.where(bm == m, iota64, 1 << 20), axis=1, keepdims=True)
        nv = jnp.sum(jnp.where(iota64 == jv, bp_ref[...], 0), axis=1, keepdims=True)
        o_ref[pl.ds(t, 1), :] = nv.reshape(1, B)
        scr_ref[:, 0:1] = jv
        scr_ref[:, 1:2] = nv
        for b in range(B):
            jb = scr_ref[b, 0]
            nb = scr_ref[b, 1]
            start = pl.multiple_of(jb * 128, 128)
            row = w_ref[pl.ds(b, 1), pl.ds(start, 128)]
            row = jnp.where(iota128r == nb - jb * 128, NEG_INF, row)
            w_ref[pl.ds(b, 1), pl.ds(start, 128)] = row
            m2 = jnp.max(row, axis=1, keepdims=True)
            p2 = jnp.min(jnp.where(row == m2, iota128r, 1 << 20),
                         axis=1, keepdims=True) + jb * 128
            bmask = iota64r == jb
            bm_ref[pl.ds(b, 1), :] = jnp.where(bmask, m2, bm_ref[pl.ds(b, 1), :])
            bp_ref[pl.ds(b, 1), :] = jnp.where(bmask, p2, bp_ref[pl.ds(b, 1), :])
        return 0

    lax.fori_loop(0, K_SEL, step, 0, unroll=2)


def _topk_idx(s):
    return pl.pallas_call(
        _topk_body,
        out_shape=jax.ShapeDtypeStruct((K_SEL, B), jnp.int32),
        scratch_shapes=[
            pltpu.VMEM((B, N), jnp.float32),
            pltpu.VMEM((B, NBLOCKS), jnp.float32),
            pltpu.VMEM((B, NBLOCKS), jnp.int32),
            pltpu.VMEM((B, 128), jnp.int32),
        ],
    )(s)


def _sc_gather_body(fx_hbm, fy_hbm, idx_hbm, outx_hbm, outy_hbm,
                    idxb_v, eidx_v, gx_v, gy_v, semx, semy):
    wid = lax.axis_index("s") * 2 + lax.axis_index("c")
    b = wid // 8
    pltpu.sync_copy(idx_hbm.at[pl.ds(pl.multiple_of(b * K_SEL, 8), K_SEL)], idxb_v)

    def row_step(r, carry):
        base = (wid * RPW + r) * N
        for q in range(CPR):
            ci = r * CPR + q
            for j in range(128 // 16):
                v = idxb_v[pl.ds(q * 128 + j * 16, 16)] + base
                eidx_v[ci, pl.ds(j * 16, 16)] = v
        cps = []
        for q in range(CPR):
            ci = r * CPR + q
            cps.append(pltpu.async_copy(fx_hbm.at[eidx_v.at[ci]], gx_v.at[ci], semx))
            cps.append(pltpu.async_copy(fy_hbm.at[eidx_v.at[ci]], gy_v.at[ci], semy))
        for cp in cps:
            cp.wait()
        return carry

    lax.fori_loop(0, RPW, row_step, 0)
    out0 = pl.multiple_of(wid * (RPW * CPR), 8)
    pltpu.sync_copy(gx_v, outx_hbm.at[pl.ds(out0, RPW * CPR)])
    pltpu.sync_copy(gy_v, outy_hbm.at[pl.ds(out0, RPW * CPR)])


@functools.partial(
    pl.kernel,
    mesh=plsc.VectorSubcoreMesh(core_axis_name="c", subcore_axis_name="s"),
    out_type=[jax.ShapeDtypeStruct((ROWS * CPR, 128), jnp.float32)] * 2,
    scratch_types=[
        pltpu.VMEM((K_SEL,), jnp.int32),
        pltpu.VMEM((RPW * CPR, 128), jnp.int32),
        pltpu.VMEM((RPW * CPR, 128), jnp.float32),
        pltpu.VMEM((RPW * CPR, 128), jnp.float32),
        pltpu.SemaphoreType.DMA,
        pltpu.SemaphoreType.DMA,
    ],
)
def _sc_gather(fx_hbm, fy_hbm, idx_hbm, outx_hbm, outy_hbm, *rest):
    _sc_gather_body(fx_hbm, fy_hbm, idx_hbm, outx_hbm, outy_hbm, *rest)


def kernel(f_X, f_Y):
    s = _scores(f_X, f_Y)
    idx_kb = _topk_idx(s)
    idx = idx_kb.T.reshape(B * K_SEL)
    outx, outy = _sc_gather(f_X.reshape(ROWS * N), f_Y.reshape(ROWS * N), idx)
    f_X_out = outx.reshape(B, C, D, K_SEL)
    f_Y_out = outy.reshape(B, C, D, K_SEL)
    return (f_X_out, f_Y_out)

# --- scband reference (transcript-rebuilt; emitter-appended) ---
"""Pipeline reference for scband-invariant-node-pooling-86792699118052 (READ-ONLY COPY).

The authoritative reference and input builder live on the scoring server;
editing this copy changes nothing except your own understanding.
"""

import jax, jax.numpy as jnp
import numpy as np

K_POOL = 512

def _invariant_mapping(f):
    # f: [B, C, D, N]
    f_avg = jnp.mean(f, axis=1, keepdims=True)                      # [B,1,D,N]
    f_avg = f_avg / (jnp.linalg.norm(f_avg, axis=2, keepdims=True) + 1e-06)
    # einsum 'bcdn,bcdn->bcn' with broadcast over c
    return jnp.sum(f * f_avg, axis=2)                                # [B,C,N]

def setup_inputs(seed: int = 0) -> dict:
    key = jax.random.key(seed)
    k1, k2 = jax.random.split(key)
    f_X = jax.random.normal(k1, (4, 128, 3, 8192), dtype=jnp.float32)
    f_Y = jax.random.normal(k2, (4, 128, 3, 8192), dtype=jnp.float32)
    return {"f_X": f_X, "f_Y": f_Y}

def reference(f_X, f_Y):
    B, C, D, N = f_X.shape
    phi_X = _invariant_mapping(f_X)                                  # [B,C,N]
    phi_Y = _invariant_mapping(f_Y)                                  # [B,C,N]
    s_C = jnp.sum(phi_X * phi_Y, axis=1)                             # [B,N]
    s_C = jax.nn.softmax(s_C, axis=-1)
    _, idx = jax.lax.top_k(s_C, K_POOL)                              # [B,K]
    idx_e = jnp.broadcast_to(idx[:, None, None, :], (B, C, D, K_POOL))
    f_X_out = jnp.take_along_axis(f_X, idx_e, axis=-1)
    f_Y_out = jnp.take_along_axis(f_Y, idx_e, axis=-1)
    return (f_X_out, f_Y_out)

if __name__ == "__main__":
    import jax
    _d = setup_inputs()
    print(jax.jit(kernel)(*tuple(_d.values())))

</pallas_src>

<mosaic_0001>
#map = affine_map<(d0, d1) -> (0)>
#map1 = affine_map<(d0, d1) -> (0, 0)>
module attributes {stable_mosaic.version = 14 : i64} {
  func.func @_sc_gather(%arg0: i32, %arg1: i32, %arg2: memref<12582912xf32, #tpu.memory_space<hbm>>, %arg3: memref<12582912xf32, #tpu.memory_space<hbm>>, %arg4: memref<2048xi32, #tpu.memory_space<hbm>>, %arg5: memref<6144x128xf32, #tpu.memory_space<hbm>>, %arg6: memref<6144x128xf32, #tpu.memory_space<hbm>>, %arg7: memref<512xi32, #tpu.memory_space<vmem>>, %arg8: memref<192x128xi32, #tpu.memory_space<vmem>>, %arg9: memref<192x128xf32, #tpu.memory_space<vmem>>, %arg10: memref<192x128xf32, #tpu.memory_space<vmem>>, %arg11: memref<!tpu.dma_semaphore, #tpu.memory_space<semaphore_mem>>, %arg12: memref<!tpu.dma_semaphore, #tpu.memory_space<semaphore_mem>>) attributes {dimension_semantics = [#tpu.dimension_semantics<core_parallel>, #tpu.dimension_semantics<subcore_parallel>], iteration_bounds = array<i64: 2, 16>, scalar_prefetch = 0 : i64, scratch_operands = 6 : i64, tpu.core_type = #tpu.core_type<sc_vector_subcore>, window_params = [{transform_indices = #map}, {transform_indices = #map}, {transform_indices = #map}, {transform_indices = #map1}, {transform_indices = #map1}]} {
    %mul3A = arith.constant 2 : i32
    %mul3A_0 = arith.muli %arg1, %mul3A : i32
    %add3A = arith.addi %mul3A_0, %arg0 : i32
    %jit3A = arith.constant 8 : i32
    %div3A = arith.divsi %add3A, %jit3A : i32
    %sign3A = arith.constant 0 : i32
    %sign3A_1 = arith.cmpi sgt, %add3A, %sign3A : i32
    %sign3A_2 = arith.extui %sign3A_1 : i1 to i32
    %sign3A_3 = arith.constant 0 : i32
    %sign3A_4 = arith.cmpi slt, %add3A, %sign3A_3 : i32
    %sign3A_5 = arith.extui %sign3A_4 : i1 to i32
    %sign3A_6 = arith.subi %sign3A_2, %sign3A_5 : i32
    %sign3A_7 = arith.constant 0 : i32
    %sign3A_8 = arith.cmpi sgt, %jit3A, %sign3A_7 : i32
    %sign3A_9 = arith.extui %sign3A_8 : i1 to i32
    %sign3A_10 = arith.constant 0 : i32
    %sign3A_11 = arith.cmpi slt, %jit3A, %sign3A_10 : i32
    %sign3A_12 = arith.extui %sign3A_11 : i1 to i32
    %sign3A_13 = arith.subi %sign3A_9, %sign3A_12 : i32
    %ne3A = arith.cmpi ne, %sign3A_6, %sign3A_13 : i32
    %rem3A = arith.remsi %add3A, %jit3A : i32
    %ne3A_14 = arith.constant 0 : i32
    %ne3A_15 = arith.cmpi ne, %rem3A, %ne3A_14 : i32
    %and3A = arith.andi %ne3A, %ne3A_15 : i1
    %sub3A = arith.constant 1 : i32
    %sub3A_16 = arith.subi %div3A, %sub3A : i32
    %select_n3A = arith.select %and3A, %sub3A_16, %div3A : i32
    %mul3A_17 = arith.constant 512 : i32
    %mul3A_18 = arith.muli %select_n3A, %mul3A_17 : i32
    %multiple_of3A = tpu.assume_multiple %mul3A_18, 8 : i32
    "tpu.region"() ({
      %run_scoped3A = tpu.sem_alloc : memref<!tpu.dma_semaphore, #tpu.memory_space<semaphore_mem>>
      %dma_start3A = tpu.memref_slice %arg4[%multiple_of3A] : memref<2048xi32, #tpu.memory_space<hbm>> -> memref<512xi32, #tpu.memory_space<hbm>>
      %dma_start3A_27 = tpu.memref_slice %arg4[%multiple_of3A] : memref<2048xi32, #tpu.memory_space<hbm>> -> memref<512xi32, #tpu.memory_space<hbm>>
      tpu.enqueue_dma source(%dma_start3A_27 : memref<512xi32, #tpu.memory_space<hbm>>) target(%arg7 : memref<512xi32, #tpu.memory_space<vmem>>) target_semaphore(%run_scoped3A : memref<!tpu.dma_semaphore, #tpu.memory_space<semaphore_mem>>)
      %dma_wait3A = tpu.memref_slice %arg4[%multiple_of3A] : memref<2048xi32, #tpu.memory_space<hbm>> -> memref<512xi32, #tpu.memory_space<hbm>>
      %dma_wait3A_28 = tpu.memref_slice %arg4[%multiple_of3A] : memref<2048xi32, #tpu.memory_space<hbm>> -> memref<512xi32, #tpu.memory_space<hbm>>
      tpu.wait_dma2 semaphore(%run_scoped3A : memref<!tpu.dma_semaphore, #tpu.memory_space<semaphore_mem>>) src(%dma_wait3A_28 : memref<512xi32, #tpu.memory_space<hbm>>) dst(%arg7 : memref<512xi32, #tpu.memory_space<vmem>>)
      tpu.yield
    }) : () -> ()
    %scan3A = arith.constant 0 : i32
    %scan3A_19 = arith.constant 0 : i32
    %scan3A_20 = arith.constant 48 : i32
    %scan3A_21 = arith.addi %scan3A_19, %scan3A_20 : i32
    %scan3A_22 = arith.constant 1 : i32
    scf.for %scan3A_27 = %scan3A_19 to %scan3A_21 step %scan3A_22  : i32 {
      %mul3A_28 = arith.constant 48 : i32
      %mul3A_29 = arith.muli %add3A, %mul3A_28 : i32
      %add3A_30 = arith.addi %mul3A_29, %scan3A_27 : i32
      %mul3A_31 = arith.constant 8192 : i32
      %mul3A_32 = arith.muli %add3A_30, %mul3A_31 : i32
      %mul3A_33 = arith.constant 4 : i32
      %mul3A_34 = arith.muli %scan3A_27, %mul3A_33 : i32
      %add3A_35 = arith.constant 0 : i32
      %add3A_36 = arith.addi %mul3A_34, %add3A_35 : i32
      %get3A = arith.constant 0 : index
      %get3A_37 = tpu.vector_load %arg7[%get3A] {strides = array<i32>} : memref<512xi32, #tpu.memory_space<vmem>>, vector<16xi32>,
      %get3A_38 = vector.shape_cast %get3A_37 : vector<16xi32> to vector<16xi32>
      %add3A_39 = vector.broadcast %mul3A_32 : i32 to vector<16xi32>
      %add3A_40 = arith.addi %get3A_38, %add3A_39 : vector<16xi32>
      %swap3A = arith.index_cast %add3A_36 : i32 to index
      %swap3A_41 = arith.constant 0 : index
      %swap3A_42 = tpu.vector_load %arg8[%swap3A, %swap3A_41] {strides = array<i32>} : memref<192x128xi32, #tpu.memory_space<vmem>>, vector<1x16xi32>,
      %swap3A_43 = vector.shape_cast %swap3A_42 : vector<1x16xi32> to vector<16xi32>
      %swap3A_44 = vector.shape_cast %add3A_40 : vector<16xi32> to vector<1x16xi32>
      tpu.vector_store %arg8[%swap3A, %swap3A_41], %swap3A_44 {strides = array<i32>} : memref<192x128xi32, #tpu.memory_space<vmem>>, vector<1x16xi32>,
      %get3A_45 = arith.constant 16 : index
      %get3A_46 = tpu.vector_load %arg7[%get3A_45] {strides = array<i32>} : memref<512xi32, #tpu.memory_space<vmem>>, vector<16xi32>,
      %get3A_47 = vector.shape_cast %get3A_46 : vector<16xi32> to vector<16xi32>
      %add3A_48 = vector.broadcast %mul3A_32 : i32 to vector<16xi32>
      %add3A_49 = arith.addi %get3A_47, %add3A_48 : vector<16xi32>
      %swap3A_50 = arith.index_cast %add3A_36 : i32 to index
      %swap3A_51 = arith.constant 16 : index
      %swap3A_52 = tpu.vector_load %arg8[%swap3A_50, %swap3A_51] {strides = array<i32>} : memref<192x128xi32, #tpu.memory_space<vmem>>, vector<1x16xi32>,
      %swap3A_53 = vector.shape_cast %swap3A_52 : vector<1x16xi32> to vector<16xi32>
      %swap3A_54 = vector.shape_cast %add3A_49 : vector<16xi32> to vector<1x16xi32>
      tpu.vector_store %arg8[%swap3A_50, %swap3A_51], %swap3A_54 {strides = array<i32>} : memref<192x128xi32, #tpu.memory_space<vmem>>, vector<1x16xi32>,
      %get3A_55 = arith.constant 32 : index
      %get3A_56 = tpu.vector_load %arg7[%get3A_55] {strides = array<i32>} : memref<512xi32, #tpu.memory_space<vmem>>, vector<16xi32>,
      %get3A_57 = vector.shape_cast %get3A_56 : vector<16xi32> to vector<16xi32>
      %add3A_58 = vector.broadcast %mul3A_32 : i32 to vector<16xi32>
      %add3A_59 = arith.addi %get3A_57, %add3A_58 : vector<16xi32>
      %swap3A_60 = arith.index_cast %add3A_36 : i32 to index
      %swap3A_61 = arith.constant 32 : index
      %swap3A_62 = tpu.vector_load %arg8[%swap3A_60, %swap3A_61] {strides = array<i32>} : memref<192x128xi32, #tpu.memory_space<vmem>>, vector<1x16xi32>,
      %swap3A_63 = vector.shape_cast %swap3A_62 : vector<1x16xi32> to vector<16xi32>
      %swap3A_64 = vector.shape_cast %add3A_59 : vector<16xi32> to vector<1x16xi32>
      tpu.vector_store %arg8[%swap3A_60, %swap3A_61], %swap3A_64 {strides = array<i32>} : memref<192x128xi32, #tpu.memory_space<vmem>>, vector<1x16xi32>,
      %get3A_65 = arith.constant 48 : index
      %get3A_66 = tpu.vector_load %arg7[%get3A_65] {strides = array<i32>} : memref<512xi32, #tpu.memory_space<vmem>>, vector<16xi32>,
      %get3A_67 = vector.shape_cast %get3A_66 : vector<16xi32> to vector<16xi32>
      %add3A_68 = vector.broadcast %mul3A_32 : i32 to vector<16xi32>
      %add3A_69 = arith.addi %get3A_67, %add3A_68 : vector<16xi32>
      %swap3A_70 = arith.index_cast %add3A_36 : i32 to index
      %swap3A_71 = arith.constant 48 : index
      %swap3A_72 = tpu.vector_load %arg8[%swap3A_70, %swap3A_71] {strides = array<i32>} : memref<192x128xi32, #tpu.memory_space<vmem>>, vector<1x16xi32>,
      %swap3A_73 = vector.shape_cast %swap3A_72 : vector<1x16xi32> to vector<16xi32>
      %swap3A_74 = vector.shape_cast %add3A_69 : vector<16xi32> to vector<1x16xi32>
      tpu.vector_store %arg8[%swap3A_70, %swap3A_71], %swap3A_74 {strides = array<i32>} : memref<192x128xi32, #tpu.memory_space<vmem>>, vector<1x16xi32>,
      %get3A_75 = arith.constant 64 : index
      %get3A_76 = tpu.vector_load %arg7[%get3A_75] {strides = array<i32>} : memref<512xi32, #tpu.memory_space<vmem>>, vector<16xi32>,
      %get3A_77 = vector.shape_cast %get3A_76 : vector<16xi32> to vector<16xi32>
      %add3A_78 = vector.broadcast %mul3A_32 : i32 to vector<16xi32>
      %add3A_79 = arith.addi %get3A_77, %add3A_78 : vector<16xi32>
      %swap3A_80 = arith.index_cast %add3A_36 : i32 to index
      %swap3A_81 = arith.constant 64 : index
      %swap3A_82 = tpu.vector_load %arg8[%swap3A_80, %swap3A_81] {strides = array<i32>} : memref<192x128xi32, #tpu.memory_space<vmem>>, vector<1x16xi32>,
      %swap3A_83 = vector.shape_cast %swap3A_82 : vector<1x16xi32> to vector<16xi32>
      %swap3A_84 = vector.shape_cast %add3A_79 : vector<16xi32> to vector<1x16xi32>
      tpu.vector_store %arg8[%swap3A_80, %swap3A_81], %swap3A_84 {strides = array<i32>} : memref<192x128xi32, #tpu.memory_space<vmem>>, vector<1x16xi32>,
      %get3A_85 = arith.constant 80 : index
      %get3A_86 = tpu.vector_load %arg7[%get3A_85] {strides = array<i32>} : memref<512xi32, #tpu.memory_space<vmem>>, vector<16xi32>,
      %get3A_87 = vector.shape_cast %get3A_86 : vector<16xi32> to vector<16xi32>
      %add3A_88 = vector.broadcast %mul3A_32 : i32 to vector<16xi32>
      %add3A_89 = arith.addi %get3A_87, %add3A_88 : vector<16xi32>
      %swap3A_90 = arith.index_cast %add3A_36 : i32 to index
      %swap3A_91 = arith.constant 80 : index
      %swap3A_92 = tpu.vector_load %arg8[%swap3A_90, %swap3A_91] {strides = array<i32>} : memref<192x128xi32, #tpu.memory_space<vmem>>, vector<1x16xi32>,
      %swap3A_93 = vector.shape_cast %swap3A_92 : vector<1x16xi32> to vector<16xi32>
      %swap3A_94 = vector.shape_cast %add3A_89 : vector<16xi32> to vector<1x16xi32>
      tpu.vector_store %arg8[%swap3A_90, %swap3A_91], %swap3A_94 {strides = array<i32>} : memref<192x128xi32, #tpu.memory_space<vmem>>, vector<1x16xi32>,
      %get3A_95 = arith.constant 96 : index
      %get3A_96 = tpu.vector_load %arg7[%get3A_95] {strides = array<i32>} : memref<512xi32, #tpu.memory_space<vmem>>, vector<16xi32>,
      %get3A_97 = vector.shape_cast %get3A_96 : vector<16xi32> to vector<16xi32>
      %add3A_98 = vector.broadcast %mul3A_32 : i32 to vector<16xi32>
      %add3A_99 = arith.addi %get3A_97, %add3A_98 : vector<16xi32>
      %swap3A_100 = arith.index_cast %add3A_36 : i32 to index
      %swap3A_101 = arith.constant 96 : index
      %swap3A_102 = tpu.vector_load %arg8[%swap3A_100, %swap3A_101] {strides = array<i32>} : memref<192x128xi32, #tpu.memory_space<vmem>>, vector<1x16xi32>,
      %swap3A_103 = vector.shape_cast %swap3A_102 : vector<1x16xi32> to vector<16xi32>
      %swap3A_104 = vector.shape_cast %add3A_99 : vector<16xi32> to vector<1x16xi32>
      tpu.vector_store %arg8[%swap3A_100, %swap3A_101], %swap3A_104 {strides = array<i32>} : memref<192x128xi32, #tpu.memory_space<vmem>>, vector<1x16xi32>,
      %get3A_105 = arith.constant 112 : index
      %get3A_106 = tpu.vector_load %arg7[%get3A_105] {strides = array<i32>} : memref<512xi32, #tpu.memory_space<vmem>>, vector<16xi32>,
      %get3A_107 = vector.shape_cast %get3A_106 : vector<16xi32> to vector<16xi32>
      %add3A_108 = vector.broadcast %mul3A_32 : i32 to vector<16xi32>
      %add3A_109 = arith.addi %get3A_107, %add3A_108 : vector<16xi32>
      %swap3A_110 = arith.index_cast %add3A_36 : i32 to index
      %swap3A_111 = arith.constant 112 : index
      %swap3A_112 = tpu.vector_load %arg8[%swap3A_110, %swap3A_111] {strides = array<i32>} : memref<192x128xi32, #tpu.memory_space<vmem>>, vector<1x16xi32>,
      %swap3A_113 = vector.shape_cast %swap3A_112 : vector<1x16xi32> to vector<16xi32>
      %swap3A_114 = vector.shape_cast %add3A_109 : vector<16xi32> to vector<1x16xi32>
      tpu.vector_store %arg8[%swap3A_110, %swap3A_111], %swap3A_114 {strides = array<i32>} : memref<192x128xi32, #tpu.memory_space<vmem>>, vector<1x16xi32>,
      %mul3A_115 = arith.constant 4 : i32
      %mul3A_116 = arith.muli %scan3A_27, %mul3A_115 : i32
      %add3A_117 = arith.constant 1 : i32
      %add3A_118 = arith.addi %mul3A_116, %add3A_117 : i32
      %get3A_119 = arith.constant 128 : index
      %get3A_120 = tpu.vector_load %arg7[%get3A_119] {strides = array<i32>} : memref<512xi32, #tpu.memory_space<vmem>>, vector<16xi32>,
      %get3A_121 = vector.shape_cast %get3A_120 : vector<16xi32> to vector<16xi32>
      %add3A_122 = vector.broadcast %mul3A_32 : i32 to vector<16xi32>
      %add3A_123 = arith.addi %get3A_121, %add3A_122 : vector<16xi32>
      %swap3A_124 = arith.index_cast %add3A_118 : i32 to index
      %swap3A_125 = arith.constant 0 : index
      %swap3A_126 = tpu.vector_load %arg8[%swap3A_124, %swap3A_125] {strides = array<i32>} : memref<192x128xi32, #tpu.memory_space<vmem>>, vector<1x16xi32>,
      %swap3A_127 = vector.shape_cast %swap3A_126 : vector<1x16xi32> to vector<16xi32>
      %swap3A_128 = vector.shape_cast %add3A_123 : vector<16xi32> to vector<1x16xi32>
      tpu.vector_store %arg8[%swap3A_124, %swap3A_125], %swap3A_128 {strides = array<i32>} : memref<192x128xi32, #tpu.memory_space<vmem>>, vector<1x16xi32>,
      %get3A_129 = arith.constant 144 : index
      %get3A_130 = tpu.vector_load %arg7[%get3A_129] {strides = array<i32>} : memref<512xi32, #tpu.memory_space<vmem>>, vector<16xi32>,
      %get3A_131 = vector.shape_cast %get3A_130 : vector<16xi32> to vector<16xi32>
      %add3A_132 = vector.broadcast %mul3A_32 : i32 to vector<16xi32>
      %add3A_133 = arith.addi %get3A_131, %add3A_132 : vector<16xi32>
      %swap3A_134 = arith.index_cast %add3A_118 : i32 to index
      %swap3A_135 = arith.constant 16 : index
      %swap3A_136 = tpu.vector_load %arg8[%swap3A_134, %swap3A_135] {strides = array<i32>} : memref<192x128xi32, #tpu.memory_space<vmem>>, vector<1x16xi32>,
      %swap3A_137 = vector.shape_cast %swap3A_136 : vector<1x16xi32> to vector<16xi32>
      %swap3A_138 = vector.shape_cast %add3A_133 : vector<16xi32> to vector<1x16xi32>
      tpu.vector_store %arg8[%swap3A_134, %swap3A_135], %swap3A_138 {strides = array<i32>} : memref<192x128xi32, #tpu.memory_space<vmem>>, vector<1x16xi32>,
      %get3A_139 = arith.constant 160 : index
      %get3A_140 = tpu.vector_load %arg7[%get3A_139] {strides = array<i32>} : memref<512xi32, #tpu.memory_space<vmem>>, vector<16xi32>,
      %get3A_141 = vector.shape_cast %get3A_140 : vector<16xi32> to vector<16xi32>
      %add3A_142 = vector.broadcast %mul3A_32 : i32 to vector<16xi32>
      %add3A_143 = arith.addi %get3A_141, %add3A_142 : vector<16xi32>
      %swap3A_144 = arith.index_cast %add3A_118 : i32 to index
      %swap3A_145 = arith.constant 32 : index
      %swap3A_146 = tpu.vector_load %arg8[%swap3A_144, %swap3A_145] {strides = array<i32>} : memref<192x128xi32, #tpu.memory_space<vmem>>, vector<1x16xi32>,
      %swap3A_147 = vector.shape_cast %swap3A_146 : vector<1x16xi32> to vector<16xi32>
      %swap3A_148 = vector.shape_cast %add3A_143 : vector<16xi32> to vector<1x16xi32>
      tpu.vector_store %arg8[%swap3A_144, %swap3A_145], %swap3A_148 {strides = array<i32>} : memref<192x128xi32, #tpu.memory_space<vmem>>, vector<1x16xi32>,
      %get3A_149 = arith.constant 176 : index
      %get3A_150 = tpu.vector_load %arg7[%get3A_149] {strides = array<i32>} : memref<512xi32, #tpu.memory_space<vmem>>, vector<16xi32>,
      %get3A_151 = vector.shape_cast %get3A_150 : vector<16xi32> to vector<16xi32>
      %add3A_152 = vector.broadcast %mul3A_32 : i32 to vector<16xi32>
      %add3A_153 = arith.addi %get3A_151, %add3A_152 : vector<16xi32>
      %swap3A_154 = arith.index_cast %add3A_118 : i32 to index
      %swap3A_155 = arith.constant 48 : index
      %swap3A_156 = tpu.vector_load %arg8[%swap3A_154, %swap3A_155] {strides = array<i32>} : memref<192x128xi32, #tpu.memory_space<vmem>>, vector<1x16xi32>,
      %swap3A_157 = vector.shape_cast %swap3A_156 : vector<1x16xi32> to vector<16xi32>
      %swap3A_158 = vector.shape_cast %add3A_153 : vector<16xi32> to vector<1x16xi32>
      tpu.vector_store %arg8[%swap3A_154, %swap3A_155], %swap3A_158 {strides = array<i32>} : memref<192x128xi32, #tpu.memory_space<vmem>>, vector<1x16xi32>,
      %get3A_159 = arith.constant 192 : index
      %get3A_160 = tpu.vector_load %arg7[%get3A_159] {strides = array<i32>} : memref<512xi32, #tpu.memory_space<vmem>>, vector<16xi32>,
      %get3A_161 = vector.shape_cast %get3A_160 : vector<16xi32> to vector<16xi32>
      %add3A_162 = vector.broadcast %mul3A_32 : i32 to vector<16xi32>
      %add3A_163 = arith.addi %get3A_161, %add3A_162 : vector<16xi32>
      %swap3A_164 = arith.index_cast %add3A_118 : i32 to index
      %swap3A_165 = arith.constant 64 : index
      %swap3A_166 = tpu.vector_load %arg8[%swap3A_164, %swap3A_165] {strides = array<i32>} : memref<192x128xi32, #tpu.memory_space<vmem>>, vector<1x16xi32>,
      %swap3A_167 = vector.shape_cast %swap3A_166 : vector<1x16xi32> to vector<16xi32>
      %swap3A_168 = vector.shape_cast %add3A_163 : vector<16xi32> to vector<1x16xi32>
      tpu.vector_store %arg8[%swap3A_164, %swap3A_165], %swap3A_168 {strides = array<i32>} : memref<192x128xi32, #tpu.memory_space<vmem>>, vector<1x16xi32>,
      %get3A_169 = arith.constant 208 : index
      %get3A_170 = tpu.vector_load %arg7[%get3A_169] {strides = array<i32>} : memref<512xi32, #tpu.memory_space<vmem>>, vector<16xi32>,
      %get3A_171 = vector.shape_cast %get3A_170 : vector<16xi32> to vector<16xi32>
      %add3A_172 = vector.broadcast %mul3A_32 : i32 to vector<16xi32>
      %add3A_173 = arith.addi %get3A_171, %add3A_172 : vector<16xi32>
      %swap3A_174 = arith.index_cast %add3A_118 : i32 to index
      %swap3A_175 = arith.constant 80 : index
      %swap3A_176 = tpu.vector_load %arg8[%swap3A_174, %swap3A_175] {strides = array<i32>} : memref<192x128xi32, #tpu.memory_space<vmem>>, vector<1x16xi32>,
      %swap3A_177 = vector.shape_cast %swap3A_176 : vector<1x16xi32> to vector<16xi32>
      %swap3A_178 = vector.shape_cast %add3A_173 : vector<16xi32> to vector<1x16xi32>
      tpu.vector_store %arg8[%swap3A_174, %swap3A_175], %swap3A_178 {strides = array<i32>} : memref<192x128xi32, #tpu.memory_space<vmem>>, vector<1x16xi32>,
      %get3A_179 = arith.constant 224 : index
      %get3A_180 = tpu.vector_load %arg7[%get3A_179] {strides = array<i32>} : memref<512xi32, #tpu.memory_space<vmem>>, vector<16xi32>,
      %get3A_181 = vector.shape_cast %get3A_180 : vector<16xi32> to vector<16xi32>
      %add3A_182 = vector.broadcast %mul3A_32 : i32 to vector<16xi32>
      %add3A_183 = arith.addi %get3A_181, %add3A_182 : vector<16xi32>
      %swap3A_184 = arith.index_cast %add3A_118 : i32 to index
      %swap3A_185 = arith.constant 96 : index
      %swap3A_186 = tpu.vector_load %arg8[%swap3A_184, %swap3A_185] {strides = array<i32>} : memref<192x128xi32, #tpu.memory_space<vmem>>, vector<1x16xi32>,
      %swap3A_187 = vector.shape_cast %swap3A_186 : vector<1x16xi32> to vector<16xi32>
      %swap3A_188 = vector.shape_cast %add3A_183 : vector<16xi32> to vector<1x16xi32>
      tpu.vector_store %arg8[%swap3A_184, %swap3A_185], %swap3A_188 {strides = array<i32>} : memref<192x128xi32, #tpu.memory_space<vmem>>, vector<1x16xi32>,
      %get3A_189 = arith.constant 240 : index
      %get3A_190 = tpu.vector_load %arg7[%get3A_189] {strides = array<i32>} : memref<512xi32, #tpu.memory_space<vmem>>, vector<16xi32>,
      %get3A_191 = vector.shape_cast %get3A_190 : vector<16xi32> to vector<16xi32>
      %add3A_192 = vector.broadcast %mul3A_32 : i32 to vector<16xi32>
      %add3A_193 = arith.addi %get3A_191, %add3A_192 : vector<16xi32>
      %swap3A_194 = arith.index_cast %add3A_118 : i32 to index
      %swap3A_195 = arith.constant 112 : index
      %swap3A_196 = tpu.vector_load %arg8[%swap3A_194, %swap3A_195] {strides = array<i32>} : memref<192x128xi32, #tpu.memory_space<vmem>>, vector<1x16xi32>,
      %swap3A_197 = vector.shape_cast %swap3A_196 : vector<1x16xi32> to vector<16xi32>
      %swap3A_198 = vector.shape_cast %add3A_193 : vector<16xi32> to vector<1x16xi32>
      tpu.vector_store %arg8[%swap3A_194, %swap3A_195], %swap3A_198 {strides = array<i32>} : memref<192x128xi32, #tpu.memory_space<vmem>>, vector<1x16xi32>,
      %mul3A_199 = arith.constant 4 : i32
      %mul3A_200 = arith.muli %scan3A_27, %mul3A_199 : i32
      %add3A_201 = arith.constant 2 : i32
      %add3A_202 = arith.addi %mul3A_200, %add3A_201 : i32
      %get3A_203 = arith.constant 256 : index
      %get3A_204 = tpu.vector_load %arg7[%get3A_203] {strides = array<i32>} : memref<512xi32, #tpu.memory_space<vmem>>, vector<16xi32>,
      %get3A_205 = vector.shape_cast %get3A_204 : vector<16xi32> to vector<16xi32>
      %add3A_206 = vector.broadcast %mul3A_32 : i32 to vector<16xi32>
      %add3A_207 = arith.addi %get3A_205, %add3A_206 : vector<16xi32>
      %swap3A_208 = arith.index_cast %add3A_202 : i32 to index
      %swap3A_209 = arith.constant 0 : index
      %swap3A_210 = tpu.vector_load %arg8[%swap3A_208, %swap3A_209] {strides = array<i32>} : memref<192x128xi32, #tpu.memory_space<vmem>>, vector<1x16xi32>,
      %swap3A_211 = vector.shape_cast %swap3A_210 : vector<1x16xi32> to vector<16xi32>
      %swap3A_212 = vector.shape_cast %add3A_207 : vector<16xi32> to vector<1x16xi32>
      tpu.vector_store %arg8[%swap3A_208, %swap3A_209], %swap3A_212 {strides = array<i32>} : memref<192x128xi32, #tpu.memory_space<vmem>>, vector<1x16xi32>,
      %get3A_213 = arith.constant 272 : index
      %get3A_214 = tpu.vector_load %arg7[%get3A_213] {strides = array<i32>} : memref<512xi32, #tpu.memory_space<vmem>>, vector<16xi32>,
      %get3A_215 = vector.shape_cast %get3A_214 : vector<16xi32> to vector<16xi32>
      %add3A_216 = vector.broadcast %mul3A_32 : i32 to vector<16xi32>
      %add3A_217 = arith.addi %get3A_215, %add3A_216 : vector<16xi32>
      %swap3A_218 = arith.index_cast %add3A_202 : i32 to index
      %swap3A_219 = arith.constant 16 : index
      %swap3A_220 = tpu.vector_load %arg8[%swap3A_218, %swap3A_219] {strides = array<i32>} : memref<192x128xi32, #tpu.memory_space<vmem>>, vector<1x16xi32>,
      %swap3A_221 = vector.shape_cast %swap3A_220 : vector<1x16xi32> to vector<16xi32>
      %swap3A_222 = vector.shape_cast %add3A_217 : vector<16xi32> to vector<1x16xi32>
      tpu.vector_store %arg8[%swap3A_218, %swap3A_219], %swap3A_222 {strides = array<i32>} : memref<192x128xi32, #tpu.memory_space<vmem>>, vector<1x16xi32>,
      %get3A_223 = arith.constant 288 : index
      %get3A_224 = tpu.vector_load %arg7[%get3A_223] {strides = array<i32>} : memref<512xi32, #tpu.memory_space<vmem>>, vector<16xi32>,
      %get3A_225 = vector.shape_cast %get3A_224 : vector<16xi32> to vector<16xi32>
      %add3A_226 = vector.broadcast %mul3A_32 : i32 to vector<16xi32>
      %add3A_227 = arith.addi %get3A_225, %add3A_226 : vector<16xi32>
      %swap3A_228 = arith.index_cast %add3A_202 : i32 to index
      %swap3A_229 = arith.constant 32 : index
      %swap3A_230 = tpu.vector_load %arg8[%swap3A_228, %swap3A_229] {strides = array<i32>} : memref<192x128xi32, #tpu.memory_space<vmem>>, vector<1x16xi32>,
      %swap3A_231 = vector.shape_cast %swap3A_230 : vector<1x16xi32> to vector<16xi32>
      %swap3A_232 = vector.shape_cast %add3A_227 : vector<16xi32> to vector<1x16xi32>
      tpu.vector_store %arg8[%swap3A_228, %swap3A_229], %swap3A_232 {strides = array<i32>} : memref<192x128xi32, #tpu.memory_space<vmem>>, vector<1x16xi32>,
      %get3A_233 = arith.constant 304 : index
      %get3A_234 = tpu.vector_load %arg7[%get3A_233] {strides = array<i32>} : memref<512xi32, #tpu.memory_space<vmem>>, vector<16xi32>,
      %get3A_235 = vector.shape_cast %get3A_234 : vector<16xi32> to vector<16xi32>
      %add3A_236 = vector.broadcast %mul3A_32 : i32 to vector<16xi32>
      %add3A_237 = arith.addi %get3A_235, %add3A_236 : vector<16xi32>
      %swap3A_238 = arith.index_cast %add3A_202 : i32 to index
      %swap3A_239 = arith.constant 48 : index
      %swap3A_240 = tpu.vector_load %arg8[%swap3A_238, %swap3A_239] {strides = array<i32>} : memref<192x128xi32, #tpu.memory_space<vmem>>, vector<1x16xi32>,
      %swap3A_241 = vector.shape_cast %swap3A_240 : vector<1x16xi32> to vector<16xi32>
      %swap3A_242 = vector.shape_cast %add3A_237 : vector<16xi32> to vector<1x16xi32>
      tpu.vector_store %arg8[%swap3A_238, %swap3A_239], %swap3A_242 {strides = array<i32>} : memref<192x128xi32, #tpu.memory_space<vmem>>, vector<1x16xi32>,
      %get3A_243 = arith.constant 320 : index
      %get3A_244 = tpu.vector_load %arg7[%get3A_243] {strides = array<i32>} : memref<512xi32, #tpu.memory_space<vmem>>, vector<16xi32>,
      %get3A_245 = vector.shape_cast %get3A_244 : vector<16xi32> to vector<16xi32>
      %add3A_246 = vector.broadcast %mul3A_32 : i32 to vector<16xi32>
      %add3A_247 = arith.addi %get3A_245, %add3A_246 : vector<16xi32>
      %swap3A_248 = arith.index_cast %add3A_202 : i32 to index
      %swap3A_249 = arith.constant 64 : index
      %swap3A_250 = tpu.vector_load %arg8[%swap3A_248, %swap3A_249] {strides = array<i32>} : memref<192x128xi32, #tpu.memory_space<vmem>>, vector<1x16xi32>,
      %swap3A_251 = vector.shape_cast %swap3A_250 : vector<1x16xi32> to vector<16xi32>
      %swap3A_252 = vector.shape_cast %add3A_247 : vector<16xi32> to vector<1x16xi32>
      tpu.vector_store %arg8[%swap3A_248, %swap3A_249], %swap3A_252 {strides = array<i32>} : memref<192x128xi32, #tpu.memory_space<vmem>>, vector<1x16xi32>,
      %get3A_253 = arith.constant 336 : index
      %get3A_254 = tpu.vector_load %arg7[%get3A_253] {strides = array<i32>} : memref<512xi32, #tpu.memory_space<vmem>>, vector<16xi32>,
      %get3A_255 = vector.shape_cast %get3A_254 : vector<16xi32> to vector<16xi32>
      %add3A_256 = vector.broadcast %mul3A_32 : i32 to vector<16xi32>
      %add3A_257 = arith.addi %get3A_255, %add3A_256 : vector<16xi32>
      %swap3A_258 = arith.index_cast %add3A_202 : i32 to index
      %swap3A_259 = arith.constant 80 : index
      %swap3A_260 = tpu.vector_load %arg8[%swap3A_258, %swap3A_259] {strides = array<i32>} : memref<192x128xi32, #tpu.memory_space<vmem>>, vector<1x16xi32>,
      %swap3A_261 = vector.shape_cast %swap3A_260 : vector<1x16xi32> to vector<16xi32>
      %swap3A_262 = vector.shape_cast %add3A_257 : vector<16xi32> to vector<1x16xi32>
      tpu.vector_store %arg8[%swap3A_258, %swap3A_259], %swap3A_262 {strides = array<i32>} : memref<192x128xi32, #tpu.memory_space<vmem>>, vector<1x16xi32>,
      %get3A_263 = arith.constant 352 : index
      %get3A_264 = tpu.vector_load %arg7[%get3A_263] {strides = array<i32>} : memref<512xi32, #tpu.memory_space<vmem>>, vector<16xi32>,
      %get3A_265 = vector.shape_cast %get3A_264 : vector<16xi32> to vector<16xi32>
      %add3A_266 = vector.broadcast %mul3A_32 : i32 to vector<16xi32>
      %add3A_267 = arith.addi %get3A_265, %add3A_266 : vector<16xi32>
      %swap3A_268 = arith.index_cast %add3A_202 : i32 to index
      %swap3A_269 = arith.constant 96 : index
      %swap3A_270 = tpu.vector_load %arg8[%swap3A_268, %swap3A_269] {strides = array<i32>} : memref<192x128xi32, #tpu.memory_space<vmem>>, vector<1x16xi32>,
      %swap3A_271 = vector.shape_cast %swap3A_270 : vector<1x16xi32> to vector<16xi32>
      %swap3A_272 = vector.shape_cast %add3A_267 : vector<16xi32> to vector<1x16xi32>
      tpu.vector_store %arg8[%swap3A_268, %swap3A_269], %swap3A_272 {strides = array<i32>} : memref<192x128xi32, #tpu.memory_space<vmem>>, vector<1x16xi32>,
      %get3A_273 = arith.constant 368 : index
      %get3A_274 = tpu.vector_load %arg7[%get3A_273] {strides = array<i32>} : memref<512xi32, #tpu.memory_space<vmem>>, vector<16xi32>,
      %get3A_275 = vector.shape_cast %get3A_274 : vector<16xi32> to vector<16xi32>
      %add3A_276 = vector.broadcast %mul3A_32 : i32 to vector<16xi32>
      %add3A_277 = arith.addi %get3A_275, %add3A_276 : vector<16xi32>
      %swap3A_278 = arith.index_cast %add3A_202 : i32 to index
      %swap3A_279 = arith.constant 112 : index
      %swap3A_280 = tpu.vector_load %arg8[%swap3A_278, %swap3A_279] {strides = array<i32>} : memref<192x128xi32, #tpu.memory_space<vmem>>, vector<1x16xi32>,
      %swap3A_281 = vector.shape_cast %swap3A_280 : vector<1x16xi32> to vector<16xi32>
      %swap3A_282 = vector.shape_cast %add3A_277 : vector<16xi32> to vector<1x16xi32>
      tpu.vector_store %arg8[%swap3A_278, %swap3A_279], %swap3A_282 {strides = array<i32>} : memref<192x128xi32, #tpu.memory_space<vmem>>, vector<1x16xi32>,
      %mul3A_283 = arith.constant 4 : i32
      %mul3A_284 = arith.muli %scan3A_27, %mul3A_283 : i32
      %add3A_285 = arith.constant 3 : i32
      %add3A_286 = arith.addi %mul3A_284, %add3A_285 : i32
      %get3A_287 = arith.constant 384 : index
      %get3A_288 = tpu.vector_load %arg7[%get3A_287] {strides = array<i32>} : memref<512xi32, #tpu.memory_space<vmem>>, vector<16xi32>,
      %get3A_289 = vector.shape_cast %get3A_288 : vector<16xi32> to vector<16xi32>
      %add3A_290 = vector.broadcast %mul3A_32 : i32 to vector<16xi32>
      %add3A_291 = arith.addi %get3A_289, %add3A_290 : vector<16xi32>
      %swap3A_292 = arith.index_cast %add3A_286 : i32 to index
      %swap3A_293 = arith.constant 0 : index
      %swap3A_294 = tpu.vector_load %arg8[%swap3A_292, %swap3A_293] {strides = array<i32>} : memref<192x128xi32, #tpu.memory_space<vmem>>, vector<1x16xi32>,
      %swap3A_295 = vector.shape_cast %swap3A_294 : vector<1x16xi32> to vector<16xi32>
      %swap3A_296 = vector.shape_cast %add3A_291 : vector<16xi32> to vector<1x16xi32>
      tpu.vector_store %arg8[%swap3A_292, %swap3A_293], %swap3A_296 {strides = array<i32>} : memref<192x128xi32, #tpu.memory_space<vmem>>, vector<1x16xi32>,
      %get3A_297 = arith.constant 400 : index
      %get3A_298 = tpu.vector_load %arg7[%get3A_297] {strides = array<i32>} : memref<512xi32, #tpu.memory_space<vmem>>, vector<16xi32>,
      %get3A_299 = vector.shape_cast %get3A_298 : vector<16xi32> to vector<16xi32>
      %add3A_300 = vector.broadcast %mul3A_32 : i32 to vector<16xi32>
      %add3A_301 = arith.addi %get3A_299, %add3A_300 : vector<16xi32>
      %swap3A_302 = arith.index_cast %add3A_286 : i32 to index
      %swap3A_303 = arith.constant 16 : index
      %swap3A_304 = tpu.vector_load %arg8[%swap3A_302, %swap3A_303] {strides = array<i32>} : memref<192x128xi32, #tpu.memory_space<vmem>>, vector<1x16xi32>,
      %swap3A_305 = vector.shape_cast %swap3A_304 : vector<1x16xi32> to vector<16xi32>
      %swap3A_306 = vector.shape_cast %add3A_301 : vector<16xi32> to vector<1x16xi32>
      tpu.vector_store %arg8[%swap3A_302, %swap3A_303], %swap3A_306 {strides = array<i32>} : memref<192x128xi32, #tpu.memory_space<vmem>>, vector<1x16xi32>,
      %get3A_307 = arith.constant 416 : index
      %get3A_308 = tpu.vector_load %arg7[%get3A_307] {strides = array<i32>} : memref<512xi32, #tpu.memory_space<vmem>>, vector<16xi32>,
      %get3A_309 = vector.shape_cast %get3A_308 : vector<16xi32> to vector<16xi32>
      %add3A_310 = vector.broadcast %mul3A_32 : i32 to vector<16xi32>
      %add3A_311 = arith.addi %get3A_309, %add3A_310 : vector<16xi32>
      %swap3A_312 = arith.index_cast %add3A_286 : i32 to index
      %swap3A_313 = arith.constant 32 : index
      %swap3A_314 = tpu.vector_load %arg8[%swap3A_312, %swap3A_313] {strides = array<i32>} : memref<192x128xi32, #tpu.memory_space<vmem>>, vector<1x16xi32>,
      %swap3A_315 = vector.shape_cast %swap3A_314 : vector<1x16xi32> to vector<16xi32>
      %swap3A_316 = vector.shape_cast %add3A_311 : vector<16xi32> to vector<1x16xi32>
      tpu.vector_store %arg8[%swap3A_312, %swap3A_313], %swap3A_316 {strides = array<i32>} : memref<192x128xi32, #tpu.memory_space<vmem>>, vector<1x16xi32>,
      %get3A_317 = arith.constant 432 : index
      %get3A_318 = tpu.vector_load %arg7[%get3A_317] {strides = array<i32>} : memref<512xi32, #tpu.memory_space<vmem>>, vector<16xi32>,
      %get3A_319 = vector.shape_cast %get3A_318 : vector<16xi32> to vector<16xi32>
      %add3A_320 = vector.broadcast %mul3A_32 : i32 to vector<16xi32>
      %add3A_321 = arith.addi %get3A_319, %add3A_320 : vector<16xi32>
      %swap3A_322 = arith.index_cast %add3A_286 : i32 to index
      %swap3A_323 = arith.constant 48 : index
      %swap3A_324 = tpu.vector_load %arg8[%swap3A_322, %swap3A_323] {strides = array<i32>} : memref<192x128xi32, #tpu.memory_space<vmem>>, vector<1x16xi32>,
      %swap3A_325 = vector.shape_cast %swap3A_324 : vector<1x16xi32> to vector<16xi32>
      %swap3A_326 = vector.shape_cast %add3A_321 : vector<16xi32> to vector<1x16xi32>
      tpu.vector_store %arg8[%swap3A_322, %swap3A_323], %swap3A_326 {strides = array<i32>} : memref<192x128xi32, #tpu.memory_space<vmem>>, vector<1x16xi32>,
      %get3A_327 = arith.constant 448 : index
      %get3A_328 = tpu.vector_load %arg7[%get3A_327] {strides = array<i32>} : memref<512xi32, #tpu.memory_space<vmem>>, vector<16xi32>,
      %get3A_329 = vector.shape_cast %get3A_328 : vector<16xi32> to vector<16xi32>
      %add3A_330 = vector.broadcast %mul3A_32 : i32 to vector<16xi32>
      %add3A_331 = arith.addi %get3A_329, %add3A_330 : vector<16xi32>
      %swap3A_332 = arith.index_cast %add3A_286 : i32 to index
      %swap3A_333 = arith.constant 64 : index
      %swap3A_334 = tpu.vector_load %arg8[%swap3A_332, %swap3A_333] {strides = array<i32>} : memref<192x128xi32, #tpu.memory_space<vmem>>, vector<1x16xi32>,
      %swap3A_335 = vector.shape_cast %swap3A_334 : vector<1x16xi32> to vector<16xi32>
      %swap3A_336 = vector.shape_cast %add3A_331 : vector<16xi32> to vector<1x16xi32>
      tpu.vector_store %arg8[%swap3A_332, %swap3A_333], %swap3A_336 {strides = array<i32>} : memref<192x128xi32, #tpu.memory_space<vmem>>, vector<1x16xi32>,
      %get3A_337 = arith.constant 464 : index
      %get3A_338 = tpu.vector_load %arg7[%get3A_337] {strides = array<i32>} : memref<512xi32, #tpu.memory_space<vmem>>, vector<16xi32>,
      %get3A_339 = vector.shape_cast %get3A_338 : vector<16xi32> to vector<16xi32>
      %add3A_340 = vector.broadcast %mul3A_32 : i32 to vector<16xi32>
      %add3A_341 = arith.addi %get3A_339, %add3A_340 : vector<16xi32>
      %swap3A_342 = arith.index_cast %add3A_286 : i32 to index
      %swap3A_343 = arith.constant 80 : index
      %swap3A_344 = tpu.vector_load %arg8[%swap3A_342, %swap3A_343] {strides = array<i32>} : memref<192x128xi32, #tpu.memory_space<vmem>>, vector<1x16xi32>,
      %swap3A_345 = vector.shape_cast %swap3A_344 : vector<1x16xi32> to vector<16xi32>
      %swap3A_346 = vector.shape_cast %add3A_341 : vector<16xi32> to vector<1x16xi32>
      tpu.vector_store %arg8[%swap3A_342, %swap3A_343], %swap3A_346 {strides = array<i32>} : memref<192x128xi32, #tpu.memory_space<vmem>>, vector<1x16xi32>,
      %get3A_347 = arith.constant 480 : index
      %get3A_348 = tpu.vector_load %arg7[%get3A_347] {strides = array<i32>} : memref<512xi32, #tpu.memory_space<vmem>>, vector<16xi32>,
      %get3A_349 = vector.shape_cast %get3A_348 : vector<16xi32> to vector<16xi32>
      %add3A_350 = vector.broadcast %mul3A_32 : i32 to vector<16xi32>
      %add3A_351 = arith.addi %get3A_349, %add3A_350 : vector<16xi32>
      %swap3A_352 = arith.index_cast %add3A_286 : i32 to index
      %swap3A_353 = arith.constant 96 : index
      %swap3A_354 = tpu.vector_load %arg8[%swap3A_352, %swap3A_353] {strides = array<i32>} : memref<192x128xi32, #tpu.memory_space<vmem>>, vector<1x16xi32>,
      %swap3A_355 = vector.shape_cast %swap3A_354 : vector<1x16xi32> to vector<16xi32>
      %swap3A_356 = vector.shape_cast %add3A_351 : vector<16xi32> to vector<1x16xi32>
      tpu.vector_store %arg8[%swap3A_352, %swap3A_353], %swap3A_356 {strides = array<i32>} : memref<192x128xi32, #tpu.memory_space<vmem>>, vector<1x16xi32>,
      %get3A_357 = arith.constant 496 : index
      %get3A_358 = tpu.vector_load %arg7[%get3A_357] {strides = array<i32>} : memref<512xi32, #tpu.memory_space<vmem>>, vector<16xi32>,
      %get3A_359 = vector.shape_cast %get3A_358 : vector<16xi32> to vector<16xi32>
      %add3A_360 = vector.broadcast %mul3A_32 : i32 to vector<16xi32>
      %add3A_361 = arith.addi %get3A_359, %add3A_360 : vector<16xi32>
      %swap3A_362 = arith.index_cast %add3A_286 : i32 to index
      %swap3A_363 = arith.constant 112 : index
      %swap3A_364 = tpu.vector_load %arg8[%swap3A_362, %swap3A_363] {strides = array<i32>} : memref<192x128xi32, #tpu.memory_space<vmem>>, vector<1x16xi32>,
      %swap3A_365 = vector.shape_cast %swap3A_364 : vector<1x16xi32> to vector<16xi32>
      %swap3A_366 = vector.shape_cast %add3A_361 : vector<16xi32> to vector<1x16xi32>
      tpu.vector_store %arg8[%swap3A_362, %swap3A_363], %swap3A_366 {strides = array<i32>} : memref<192x128xi32, #tpu.memory_space<vmem>>, vector<1x16xi32>,
      %mul3A_367 = arith.constant 4 : i32
      %mul3A_368 = arith.muli %scan3A_27, %mul3A_367 : i32
      %add3A_369 = arith.constant 0 : i32
      %add3A_370 = arith.addi %mul3A_368, %add3A_369 : i32
      %dma_start3A = arith.constant 0 : i32
      %dma_start3A_371 = tpu.memref_slice %arg9[%add3A_370, %dma_start3A] : memref<192x128xf32, #tpu.memory_space<vmem>> -> memref<1x128xf32, #tpu.memory_space<vmem>>
      %dma_start3A_372 = tpu.memref_squeeze %dma_start3A_371 : memref<1x128xf32, #tpu.memory_space<vmem>> -> memref<128xf32, #tpu.memory_space<vmem>>
      %dma_start3A_373 = arith.constant 0 : i32
      %dma_start3A_374 = tpu.memref_slice %arg8[%add3A_370, %dma_start3A_373] : memref<192x128xi32, #tpu.memory_space<vmem>> -> memref<1x128xi32, #tpu.memory_space<vmem>>
      %dma_start3A_375 = tpu.memref_squeeze %dma_start3A_374 : memref<1x128xi32, #tpu.memory_space<vmem>> -> memref<128xi32, #tpu.memory_space<vmem>>
      %dma_start3A_376 = arith.constant 0 : i32
      %dma_start3A_377 = tpu.memref_slice %arg2[%dma_start3A_376] : memref<12582912xf32, #tpu.memory_space<hbm>> -> memref<12582912xf32, #tpu.memory_space<hbm>>
      tpu.enqueue_indirect_dma source(%dma_start3A_377 : memref<12582912xf32, #tpu.memory_space<hbm>>) target(%dma_start3A_372 : memref<128xf32, #tpu.memory_space<vmem>>) offsets(%dma_start3A_375 : memref<128xi32, #tpu.memory_space<vmem>>) semaphore(%arg11 : memref<!tpu.dma_semaphore, #tpu.memory_space<semaphore_mem>>)
      %dma_start3A_378 = arith.constant 0 : i32
      %dma_start3A_379 = tpu.memref_slice %arg10[%add3A_370, %dma_start3A_378] : memref<192x128xf32, #tpu.memory_space<vmem>> -> memref<1x128xf32, #tpu.memory_space<vmem>>
      %dma_start3A_380 = tpu.memref_squeeze %dma_start3A_379 : memref<1x128xf32, #tpu.memory_space<vmem>> -> memref<128xf32, #tpu.memory_space<vmem>>
      %dma_start3A_381 = arith.constant 0 : i32
      %dma_start3A_382 = tpu.memref_slice %arg8[%add3A_370, %dma_start3A_381] : memref<192x128xi32, #tpu.memory_space<vmem>> -> memref<1x128xi32, #tpu.memory_space<vmem>>
      %dma_start3A_383 = tpu.memref_squeeze %dma_start3A_382 : memref<1x128xi32, #tpu.memory_space<vmem>> -> memref<128xi32, #tpu.memory_space<vmem>>
      %dma_start3A_384 = arith.constant 0 : i32
      %dma_start3A_385 = tpu.memref_slice %arg3[%dma_start3A_384] : memref<12582912xf32, #tpu.memory_space<hbm>> -> memref<12582912xf32, #tpu.memory_space<hbm>>
      tpu.enqueue_indirect_dma source(%dma_start3A_385 : memref<12582912xf32, #tpu.memory_space<hbm>>) target(%dma_start3A_380 : memref<128xf32, #tpu.memory_space<vmem>>) offsets(%dma_start3A_383 : memref<128xi32, #tpu.memory_space<vmem>>) semaphore(%arg12 : memref<!tpu.dma_semaphore, #tpu.memory_space<semaphore_mem>>)
      %mul3A_386 = arith.constant 4 : i32
      %mul3A_387 = arith.muli %scan3A_27, %mul3A_386 : i32
      %add3A_388 = arith.constant 1 : i32
      %add3A_389 = arith.addi %mul3A_387, %add3A_388 : i32
      %dma_start3A_390 = arith.constant 0 : i32
      %dma_start3A_391 = tpu.memref_slice %arg9[%add3A_389, %dma_start3A_390] : memref<192x128xf32, #tpu.memory_space<vmem>> -> memref<1x128xf32, #tpu.memory_space<vmem>>
      %dma_start3A_392 = tpu.memref_squeeze %dma_start3A_391 : memref<1x128xf32, #tpu.memory_space<vmem>> -> memref<128xf32, #tpu.memory_space<vmem>>
      %dma_start3A_393 = arith.constant 0 : i32
      %dma_start3A_394 = tpu.memref_slice %arg8[%add3A_389, %dma_start3A_393] : memref<192x128xi32, #tpu.memory_space<vmem>> -> memref<1x128xi32, #tpu.memory_space<vmem>>
      %dma_start3A_395 = tpu.memref_squeeze %dma_start3A_394 : memref<1x128xi32, #tpu.memory_space<vmem>> -> memref<128xi32, #tpu.memory_space<vmem>>
      %dma_start3A_396 = arith.constant 0 : i32
      %dma_start3A_397 = tpu.memref_slice %arg2[%dma_start3A_396] : memref<12582912xf32, #tpu.memory_space<hbm>> -> memref<12582912xf32, #tpu.memory_space<hbm>>
      tpu.enqueue_indirect_dma source(%dma_start3A_397 : memref<12582912xf32, #tpu.memory_space<hbm>>) target(%dma_start3A_392 : memref<128xf32, #tpu.memory_space<vmem>>) offsets(%dma_start3A_395 : memref<128xi32, #tpu.memory_space<vmem>>) semaphore(%arg11 : memref<!tpu.dma_semaphore, #tpu.memory_space<semaphore_mem>>)
      %dma_start3A_398 = arith.constant 0 : i32
      %dma_start3A_399 = tpu.memref_slice %arg10[%add3A_389, %dma_start3A_398] : memref<192x128xf32, #tpu.memory_space<vmem>> -> memref<1x128xf32, #tpu.memory_space<vmem>>
      %dma_start3A_400 = tpu.memref_squeeze %dma_start3A_399 : memref<1x128xf32, #tpu.memory_space<vmem>> -> memref<128xf32, #tpu.memory_space<vmem>>
      %dma_start3A_401 = arith.constant 0 : i32
      %dma_start3A_402 = tpu.memref_slice %arg8[%add3A_389, %dma_start3A_401] : memref<192x128xi32, #tpu.memory_space<vmem>> -> memref<1x128xi32, #tpu.memory_space<vmem>>
      %dma_start3A_403 = tpu.memref_squeeze %dma_start3A_402 : memref<1x128xi32, #tpu.memory_space<vmem>> -> memref<128xi32, #tpu.memory_space<vmem>>
      %dma_start3A_404 = arith.constant 0 : i32
      %dma_start3A_405 = tpu.memref_slice %arg3[%dma_start3A_404] : memref<12582912xf32, #tpu.memory_space<hbm>> -> memref<12582912xf32, #tpu.memory_space<hbm>>
      tpu.enqueue_indirect_dma source(%dma_start3A_405 : memref<12582912xf32, #tpu.memory_space<hbm>>) target(%dma_start3A_400 : memref<128xf32, #tpu.memory_space<vmem>>) offsets(%dma_start3A_403 : memref<128xi32, #tpu.memory_space<vmem>>) semaphore(%arg12 : memref<!tpu.dma_semaphore, #tpu.memory_space<semaphore_mem>>)
      %mul3A_406 = arith.constant 4 : i32
      %mul3A_407 = arith.muli %scan3A_27, %mul3A_406 : i32
      %add3A_408 = arith.constant 2 : i32
      %add3A_409 = arith.addi %mul3A_407, %add3A_408 : i32
      %dma_start3A_410 = arith.constant 0 : i32
      %dma_start3A_411 = tpu.memref_slice %arg9[%add3A_409, %dma_start3A_410] : memref<192x128xf32, #tpu.memory_space<vmem>> -> memref<1x128xf32, #tpu.memory_space<vmem>>
      %dma_start3A_412 = tpu.memref_squeeze %dma_start3A_411 : memref<1x128xf32, #tpu.memory_space<vmem>> -> memref<128xf32, #tpu.memory_space<vmem>>
      %dma_start3A_413 = arith.constant 0 : i32
      %dma_start3A_414 = tpu.memref_slice %arg8[%add3A_409, %dma_start3A_413] : memref<192x128xi32, #tpu.memory_space<vmem>> -> memref<1x128xi32, #tpu.memory_space<vmem>>
      %dma_start3A_415 = tpu.memref_squeeze %dma_start3A_414 : memref<1x128xi32, #tpu.memory_space<vmem>> -> memref<128xi32, #tpu.memory_space<vmem>>
      %dma_start3A_416 = arith.constant 0 : i32
      %dma_start3A_417 = tpu.memref_slice %arg2[%dma_start3A_416] : memref<12582912xf32, #tpu.memory_space<hbm>> -> memref<12582912xf32, #tpu.memory_space<hbm>>
      tpu.enqueue_indirect_dma source(%dma_start3A_417 : memref<12582912xf32, #tpu.memory_space<hbm>>) target(%dma_start3A_412 : memref<128xf32, #tpu.memory_space<vmem>>) offsets(%dma_start3A_415 : memref<128xi32, #tpu.memory_space<vmem>>) semaphore(%arg11 : memref<!tpu.dma_semaphore, #tpu.memory_space<semaphore_mem>>)
      %dma_start3A_418 = arith.constant 0 : i32
      %dma_start3A_419 = tpu.memref_slice %arg10[%add3A_409, %dma_start3A_418] : memref<192x128xf32, #tpu.memory_space<vmem>> -> memref<1x128xf32, #tpu.memory_space<vmem>>
      %dma_start3A_420 = tpu.memref_squeeze %dma_start3A_419 : memref<1x128xf32, #tpu.memory_space<vmem>> -> memref<128xf32, #tpu.memory_space<vmem>>
      %dma_start3A_421 = arith.constant 0 : i32
      %dma_start3A_422 = tpu.memref_slice %arg8[%add3A_409, %dma_start3A_421] : memref<192x128xi32, #tpu.memory_space<vmem>> -> memref<1x128xi32, #tpu.memory_space<vmem>>
      %dma_start3A_423 = tpu.memref_squeeze %dma_start3A_422 : memref<1x128xi32, #tpu.memory_space<vmem>> -> memref<128xi32, #tpu.memory_space<vmem>>
      %dma_start3A_424 = arith.constant 0 : i32
      %dma_start3A_425 = tpu.memref_slice %arg3[%dma_start3A_424] : memref<12582912xf32, #tpu.memory_space<hbm>> -> memref<12582912xf32, #tpu.memory_space<hbm>>
      tpu.enqueue_indirect_dma source(%dma_start3A_425 : memref<12582912xf32, #tpu.memory_space<hbm>>) target(%dma_start3A_420 : memref<128xf32, #tpu.memory_space<vmem>>) offsets(%dma_start3A_423 : memref<128xi32, #tpu.memory_space<vmem>>) semaphore(%arg12 : memref<!tpu.dma_semaphore, #tpu.memory_space<semaphore_mem>>)
      %mul3A_426 = arith.constant 4 : i32
      %mul3A_427 = arith.muli %scan3A_27, %mul3A_426 : i32
      %add3A_428 = arith.constant 3 : i32
      %add3A_429 = arith.addi %mul3A_427, %add3A_428 : i32
      %dma_start3A_430 = arith.constant 0 : i32
      %dma_start3A_431 = tpu.memref_slice %arg9[%add3A_429, %dma_start3A_430] : memref<192x128xf32, #tpu.memory_space<vmem>> -> memref<1x128xf32, #tpu.memory_space<vmem>>
      %dma_start3A_432 = tpu.memref_squeeze %dma_start3A_431 : memref<1x128xf32, #tpu.memory_space<vmem>> -> memref<128xf32, #tpu.memory_space<vmem>>
      %dma_start3A_433 = arith.constant 0 : i32
      %dma_start3A_434 = tpu.memref_slice %arg8[%add3A_429, %dma_start3A_433] : memref<192x128xi32, #tpu.memory_space<vmem>> -> memref<1x128xi32, #tpu.memory_space<vmem>>
      %dma_start3A_435 = tpu.memref_squeeze %dma_start3A_434 : memref<1x128xi32, #tpu.memory_space<vmem>> -> memref<128xi32, #tpu.memory_space<vmem>>
      %dma_start3A_436 = arith.constant 0 : i32
      %dma_start3A_437 = tpu.memref_slice %arg2[%dma_start3A_436] : memref<12582912xf32, #tpu.memory_space<hbm>> -> memref<12582912xf32, #tpu.memory_space<hbm>>
      tpu.enqueue_indirect_dma source(%dma_start3A_437 : memref<12582912xf32, #tpu.memory_space<hbm>>) target(%dma_start3A_432 : memref<128xf32, #tpu.memory_space<vmem>>) offsets(%dma_start3A_435 : memref<128xi32, #tpu.memory_space<vmem>>) semaphore(%arg11 : memref<!tpu.dma_semaphore, #tpu.memory_space<semaphore_mem>>)
      %dma_start3A_438 = arith.constant 0 : i32
      %dma_start3A_439 = tpu.memref_slice %arg10[%add3A_429, %dma_start3A_438] : memref<192x128xf32, #tpu.memory_space<vmem>> -> memref<1x128xf32, #tpu.memory_space<vmem>>
      %dma_start3A_440 = tpu.memref_squeeze %dma_start3A_439 : memref<1x128xf32, #tpu.memory_space<vmem>> -> memref<128xf32, #tpu.memory_space<vmem>>
      %dma_start3A_441 = arith.constant 0 : i32
      %dma_start3A_442 = tpu.memref_slice %arg8[%add3A_429, %dma_start3A_441] : memref<192x128xi32, #tpu.memory_space<vmem>> -> memref<1x128xi32, #tpu.memory_space<vmem>>
      %dma_start3A_443 = tpu.memref_squeeze %dma_start3A_442 : memref<1x128xi32, #tpu.memory_space<vmem>> -> memref<128xi32, #tpu.memory_space<vmem>>
      %dma_start3A_444 = arith.constant 0 : i32
      %dma_start3A_445 = tpu.memref_slice %arg3[%dma_start3A_444] : memref<12582912xf32, #tpu.memory_space<hbm>> -> memref<12582912xf32, #tpu.memory_space<hbm>>
      tpu.enqueue_indirect_dma source(%dma_start3A_445 : memref<12582912xf32, #tpu.memory_space<hbm>>) target(%dma_start3A_440 : memref<128xf32, #tpu.memory_space<vmem>>) offsets(%dma_start3A_443 : memref<128xi32, #tpu.memory_space<vmem>>) semaphore(%arg12 : memref<!tpu.dma_semaphore, #tpu.memory_space<semaphore_mem>>)
      %dma_wait3A = arith.constant 0 : i32
      %dma_wait3A_446 = tpu.memref_slice %arg9[%add3A_370, %dma_wait3A] : memref<192x128xf32, #tpu.memory_space<vmem>> -> memref<1x128xf32, #tpu.memory_space<vmem>>
      %dma_wait3A_447 = tpu.memref_squeeze %dma_wait3A_446 : memref<1x128xf32, #tpu.memory_space<vmem>> -> memref<128xf32, #tpu.memory_space<vmem>>
      %dma_wait3A_448 = arith.constant 0 : i32
      %dma_wait3A_449 = tpu.memref_slice %arg8[%add3A_370, %dma_wait3A_448] : memref<192x128xi32, #tpu.memory_space<vmem>> -> memref<1x128xi32, #tpu.memory_space<vmem>>
      %dma_wait3A_450 = tpu.memref_squeeze %dma_wait3A_449 : memref<1x128xi32, #tpu.memory_space<vmem>> -> memref<128xi32, #tpu.memory_space<vmem>>
      %dma_wait3A_451 = arith.constant 0 : i32
      %dma_wait3A_452 = tpu.memref_slice %arg2[%dma_wait3A_451] : memref<12582912xf32, #tpu.memory_space<hbm>> -> memref<12582912xf32, #tpu.memory_space<hbm>>
      tpu.wait_indirect_dma semaphore(%arg11 : memref<!tpu.dma_semaphore, #tpu.memory_space<semaphore_mem>>) src(%dma_wait3A_452 : memref<12582912xf32, #tpu.memory_space<hbm>>) dst(%dma_wait3A_447 : memref<128xf32, #tpu.memory_space<vmem>>)
      %dma_wait3A_453 = arith.constant 0 : i32
      %dma_wait3A_454 = tpu.memref_slice %arg10[%add3A_370, %dma_wait3A_453] : memref<192x128xf32, #tpu.memory_space<vmem>> -> memref<1x128xf32, #tpu.memory_space<vmem>>
      %dma_wait3A_455 = tpu.memref_squeeze %dma_wait3A_454 : memref<1x128xf32, #tpu.memory_space<vmem>> -> memref<128xf32, #tpu.memory_space<vmem>>
      %dma_wait3A_456 = arith.constant 0 : i32
      %dma_wait3A_457 = tpu.memref_slice %arg8[%add3A_370, %dma_wait3A_456] : memref<192x128xi32, #tpu.memory_space<vmem>> -> memref<1x128xi32, #tpu.memory_space<vmem>>
      %dma_wait3A_458 = tpu.memref_squeeze %dma_wait3A_457 : memref<1x128xi32, #tpu.memory_space<vmem>> -> memref<128xi32, #tpu.memory_space<vmem>>
      %dma_wait3A_459 = arith.constant 0 : i32
      %dma_wait3A_460 = tpu.memref_slice %arg3[%dma_wait3A_459] : memref<12582912xf32, #tpu.memory_space<hbm>> -> memref<12582912xf32, #tpu.memory_space<hbm>>
      tpu.wait_indirect_dma semaphore(%arg12 : memref<!tpu.dma_semaphore, #tpu.memory_space<semaphore_mem>>) src(%dma_wait3A_460 : memref<12582912xf32, #tpu.memory_space<hbm>>) dst(%dma_wait3A_455 : memref<128xf32, #tpu.memory_space<vmem>>)
      %dma_wait3A_461 = arith.constant 0 : i32
      %dma_wait3A_462 = tpu.memref_slice %arg9[%add3A_389, %dma_wait3A_461] : memref<192x128xf32, #tpu.memory_space<vmem>> -> memref<1x128xf32, #tpu.memory_space<vmem>>
      %dma_wait3A_463 = tpu.memref_squeeze %dma_wait3A_462 : memref<1x128xf32, #tpu.memory_space<vmem>> -> memref<128xf32, #tpu.memory_space<vmem>>
      %dma_wait3A_464 = arith.constant 0 : i32
      %dma_wait3A_465 = tpu.memref_slice %arg8[%add3A_389, %dma_wait3A_464] : memref<192x128xi32, #tpu.memory_space<vmem>> -> memref<1x128xi32, #tpu.memory_space<vmem>>
      %dma_wait3A_466 = tpu.memref_squeeze %dma_wait3A_465 : memref<1x128xi32, #tpu.memory_space<vmem>> -> memref<128xi32, #tpu.memory_space<vmem>>
      %dma_wait3A_467 = arith.constant 0 : i32
      %dma_wait3A_468 = tpu.memref_slice %arg2[%dma_wait3A_467] : memref<12582912xf32, #tpu.memory_space<hbm>> -> memref<12582912xf32, #tpu.memory_space<hbm>>
      tpu.wait_indirect_dma semaphore(%arg11 : memref<!tpu.dma_semaphore, #tpu.memory_space<semaphore_mem>>) src(%dma_wait3A_468 : memref<12582912xf32, #tpu.memory_space<hbm>>) dst(%dma_wait3A_463 : memref<128xf32, #tpu.memory_space<vmem>>)
      %dma_wait3A_469 = arith.constant 0 : i32
      %dma_wait3A_470 = tpu.memref_slice %arg10[%add3A_389, %dma_wait3A_469] : memref<192x128xf32, #tpu.memory_space<vmem>> -> memref<1x128xf32, #tpu.memory_space<vmem>>
      %dma_wait3A_471 = tpu.memref_squeeze %dma_wait3A_470 : memref<1x128xf32, #tpu.memory_space<vmem>> -> memref<128xf32, #tpu.memory_space<vmem>>
      %dma_wait3A_472 = arith.constant 0 : i32
      %dma_wait3A_473 = tpu.memref_slice %arg8[%add3A_389, %dma_wait3A_472] : memref<192x128xi32, #tpu.memory_space<vmem>> -> memref<1x128xi32, #tpu.memory_space<vmem>>
      %dma_wait3A_474 = tpu.memref_squeeze %dma_wait3A_473 : memref<1x128xi32, #tpu.memory_space<vmem>> -> memref<128xi32, #tpu.memory_space<vmem>>
      %dma_wait3A_475 = arith.constant 0 : i32
      %dma_wait3A_476 = tpu.memref_slice %arg3[%dma_wait3A_475] : memref<12582912xf32, #tpu.memory_space<hbm>> -> memref<12582912xf32, #tpu.memory_space<hbm>>
      tpu.wait_indirect_dma semaphore(%arg12 : memref<!tpu.dma_semaphore, #tpu.memory_space<semaphore_mem>>) src(%dma_wait3A_476 : memref<12582912xf32, #tpu.memory_space<hbm>>) dst(%dma_wait3A_471 : memref<128xf32, #tpu.memory_space<vmem>>)
      %dma_wait3A_477 = arith.constant 0 : i32
      %dma_wait3A_478 = tpu.memref_slice %arg9[%add3A_409, %dma_wait3A_477] : memref<192x128xf32, #tpu.memory_space<vmem>> -> memref<1x128xf32, #tpu.memory_space<vmem>>
      %dma_wait3A_479 = tpu.memref_squeeze %dma_wait3A_478 : memref<1x128xf32, #tpu.memory_space<vmem>> -> memref<128xf32, #tpu.memory_space<vmem>>
      %dma_wait3A_480 = arith.constant 0 : i32
      %dma_wait3A_481 = tpu.memref_slice %arg8[%add3A_409, %dma_wait3A_480] : memref<192x128xi32, #tpu.memory_space<vmem>> -> memref<1x128xi32, #tpu.memory_space<vmem>>
      %dma_wait3A_482 = tpu.memref_squeeze %dma_wait3A_481 : memref<1x128xi32, #tpu.memory_space<vmem>> -> memref<128xi32, #tpu.memory_space<vmem>>
      %dma_wait3A_483 = arith.constant 0 : i32
      %dma_wait3A_484 = tpu.memref_slice %arg2[%dma_wait3A_483] : memref<12582912xf32, #tpu.memory_space<hbm>> -> memref<12582912xf32, #tpu.memory_space<hbm>>
      tpu.wait_indirect_dma semaphore(%arg11 : memref<!tpu.dma_semaphore, #tpu.memory_space<semaphore_mem>>) src(%dma_wait3A_484 : memref<12582912xf32, #tpu.memory_space<hbm>>) dst(%dma_wait3A_479 : memref<128xf32, #tpu.memory_space<vmem>>)
      %dma_wait3A_485 = arith.constant 0 : i32
      %dma_wait3A_486 = tpu.memref_slice %arg10[%add3A_409, %dma_wait3A_485] : memref<192x128xf32, #tpu.memory_space<vmem>> -> memref<1x128xf32, #tpu.memory_space<vmem>>
      %dma_wait3A_487 = tpu.memref_squeeze %dma_wait3A_486 : memref<1x128xf32, #tpu.memory_space<vmem>> -> memref<128xf32, #tpu.memory_space<vmem>>
      %dma_wait3A_488 = arith.constant 0 : i32
      %dma_wait3A_489 = tpu.memref_slice %arg8[%add3A_409, %dma_wait3A_488] : memref<192x128xi32, #tpu.memory_space<vmem>> -> memref<1x128xi32, #tpu.memory_space<vmem>>
      %dma_wait3A_490 = tpu.memref_squeeze %dma_wait3A_489 : memref<1x128xi32, #tpu.memory_space<vmem>> -> memref<128xi32, #tpu.memory_space<vmem>>
      %dma_wait3A_491 = arith.constant 0 : i32
      %dma_wait3A_492 = tpu.memref_slice %arg3[%dma_wait3A_491] : memref<12582912xf32, #tpu.memory_space<hbm>> -> memref<12582912xf32, #tpu.memory_space<hbm>>
      tpu.wait_indirect_dma semaphore(%arg12 : memref<!tpu.dma_semaphore, #tpu.memory_space<semaphore_mem>>) src(%dma_wait3A_492 : memref<12582912xf32, #tpu.memory_space<hbm>>) dst(%dma_wait3A_487 : memref<128xf32, #tpu.memory_space<vmem>>)
      %dma_wait3A_493 = arith.constant 0 : i32
      %dma_wait3A_494 = tpu.memref_slice %arg9[%add3A_429, %dma_wait3A_493] : memref<192x128xf32, #tpu.memory_space<vmem>> -> memref<1x128xf32, #tpu.memory_space<vmem>>
      %dma_wait3A_495 = tpu.memref_squeeze %dma_wait3A_494 : memref<1x128xf32, #tpu.memory_space<vmem>> -> memref<128xf32, #tpu.memory_space<vmem>>
      %dma_wait3A_496 = arith.constant 0 : i32
      %dma_wait3A_497 = tpu.memref_slice %arg8[%add3A_429, %dma_wait3A_496] : memref<192x128xi32, #tpu.memory_space<vmem>> -> memref<1x128xi32, #tpu.memory_space<vmem>>
      %dma_wait3A_498 = tpu.memref_squeeze %dma_wait3A_497 : memref<1x128xi32, #tpu.memory_space<vmem>> -> memref<128xi32, #tpu.memory_space<vmem>>
      %dma_wait3A_499 = arith.constant 0 : i32
      %dma_wait3A_500 = tpu.memref_slice %arg2[%dma_wait3A_499] : memref<12582912xf32, #tpu.memory_space<hbm>> -> memref<12582912xf32, #tpu.memory_space<hbm>>
      tpu.wait_indirect_dma semaphore(%arg11 : memref<!tpu.dma_semaphore, #tpu.memory_space<semaphore_mem>>) src(%dma_wait3A_500 : memref<12582912xf32, #tpu.memory_space<hbm>>) dst(%dma_wait3A_495 : memref<128xf32, #tpu.memory_space<vmem>>)
      %dma_wait3A_501 = arith.constant 0 : i32
      %dma_wait3A_502 = tpu.memref_slice %arg10[%add3A_429, %dma_wait3A_501] : memref<192x128xf32, #tpu.memory_space<vmem>> -> memref<1x128xf32, #tpu.memory_space<vmem>>
      %dma_wait3A_503 = tpu.memref_squeeze %dma_wait3A_502 : memref<1x128xf32, #tpu.memory_space<vmem>> -> memref<128xf32, #tpu.memory_space<vmem>>
      %dma_wait3A_504 = arith.constant 0 : i32
      %dma_wait3A_505 = tpu.memref_slice %arg8[%add3A_429, %dma_wait3A_504] : memref<192x128xi32, #tpu.memory_space<vmem>> -> memref<1x128xi32, #tpu.memory_space<vmem>>
      %dma_wait3A_506 = tpu.memref_squeeze %dma_wait3A_505 : memref<1x128xi32, #tpu.memory_space<vmem>> -> memref<128xi32, #tpu.memory_space<vmem>>
      %dma_wait3A_507 = arith.constant 0 : i32
      %dma_wait3A_508 = tpu.memref_slice %arg3[%dma_wait3A_507] : memref<12582912xf32, #tpu.memory_space<hbm>> -> memref<12582912xf32, #tpu.memory_space<hbm>>
      tpu.wait_indirect_dma semaphore(%arg12 : memref<!tpu.dma_semaphore, #tpu.memory_space<semaphore_mem>>) src(%dma_wait3A_508 : memref<12582912xf32, #tpu.memory_space<hbm>>) dst(%dma_wait3A_503 : memref<128xf32, #tpu.memory_space<vmem>>)
    }
    %scan3A_23 = arith.constant 48 : i32
    %mul3A_24 = arith.constant 192 : i32
    %mul3A_25 = arith.muli %add3A, %mul3A_24 : i32
    %multiple_of3A_26 = tpu.assume_multiple %mul3A_25, 8 : i32
    "tpu.region"() ({
      %run_scoped3A = tpu.sem_alloc : memref<!tpu.dma_semaphore, #tpu.memory_space<semaphore_mem>>
      %dma_start3A = arith.constant 0 : i32
      %dma_start3A_27 = tpu.memref_slice %arg5[%multiple_of3A_26, %dma_start3A] : memref<6144x128xf32, #tpu.memory_space<hbm>> -> memref<192x128xf32, #tpu.memory_space<hbm>>
      %dma_start3A_28 = arith.constant 0 : i32
      %dma_start3A_29 = tpu.memref_slice %arg5[%multiple_of3A_26, %dma_start3A_28] : memref<6144x128xf32, #tpu.memory_space<hbm>> -> memref<192x128xf32, #tpu.memory_space<hbm>>
      tpu.enqueue_dma source(%arg9 : memref<192x128xf32, #tpu.memory_space<vmem>>) target(%dma_start3A_29 : memref<192x128xf32, #tpu.memory_space<hbm>>) target_semaphore(%run_scoped3A : memref<!tpu.dma_semaphore, #tpu.memory_space<semaphore_mem>>)
      %dma_wait3A = arith.constant 0 : i32
      %dma_wait3A_30 = tpu.memref_slice %arg5[%multiple_of3A_26, %dma_wait3A] : memref<6144x128xf32, #tpu.memory_space<hbm>> -> memref<192x128xf32, #tpu.memory_space<hbm>>
      %dma_wait3A_31 = arith.constant 0 : i32
      %dma_wait3A_32 = tpu.memref_slice %arg5[%multiple_of3A_26, %dma_wait3A_31] : memref<6144x128xf32, #tpu.memory_space<hbm>> -> memref<192x128xf32, #tpu.memory_space<hbm>>
      tpu.wait_dma2 semaphore(%run_scoped3A : memref<!tpu.dma_semaphore, #tpu.memory_space<semaphore_mem>>) src(%arg9 : memref<192x128xf32, #tpu.memory_space<vmem>>) dst(%dma_wait3A_32 : memref<192x128xf32, #tpu.memory_space<hbm>>)
      tpu.yield
    }) : () -> ()
    "tpu.region"() ({
      %run_scoped3A = tpu.sem_alloc : memref<!tpu.dma_semaphore, #tpu.memory_space<semaphore_mem>>
      %dma_start3A = arith.constant 0 : i32
      %dma_start3A_27 = tpu.memref_slice %arg6[%multiple_of3A_26, %dma_start3A] : memref<6144x128xf32, #tpu.memory_space<hbm>> -> memref<192x128xf32, #tpu.memory_space<hbm>>
      %dma_start3A_28 = arith.constant 0 : i32
      %dma_start3A_29 = tpu.memref_slice %arg6[%multiple_of3A_26, %dma_start3A_28] : memref<6144x128xf32, #tpu.memory_space<hbm>> -> memref<192x128xf32, #tpu.memory_space<hbm>>
      tpu.enqueue_dma source(%arg10 : memref<192x128xf32, #tpu.memory_space<vmem>>) target(%dma_start3A_29 : memref<192x128xf32, #tpu.memory_space<hbm>>) target_semaphore(%run_scoped3A : memref<!tpu.dma_semaphore, #tpu.memory_space<semaphore_mem>>)
      %dma_wait3A = arith.constant 0 : i32
      %dma_wait3A_30 = tpu.memref_slice %arg6[%multiple_of3A_26, %dma_wait3A] : memref<6144x128xf32, #tpu.memory_space<hbm>> -> memref<192x128xf32, #tpu.memory_space<hbm>>
      %dma_wait3A_31 = arith.constant 0 : i32
      %dma_wait3A_32 = tpu.memref_slice %arg6[%multiple_of3A_26, %dma_wait3A_31] : memref<6144x128xf32, #tpu.memory_space<hbm>> -> memref<192x128xf32, #tpu.memory_space<hbm>>
      tpu.wait_dma2 semaphore(%run_scoped3A : memref<!tpu.dma_semaphore, #tpu.memory_space<semaphore_mem>>) src(%arg10 : memref<192x128xf32, #tpu.memory_space<vmem>>) dst(%dma_wait3A_32 : memref<192x128xf32, #tpu.memory_space<hbm>>)
      tpu.yield
    }) : () -> ()
    return
  }
}

module attributes {stable_mosaic.version = 14 : i64} {
  func.func @_means_body(%arg0: i32, %arg1: i32, %arg2: memref<1x128x3x8x512xf32, #tpu.memory_space<vmem>>, %arg3: memref<1x128x3x8x512xf32, #tpu.memory_space<vmem>>, %arg4: memref<1x3x8x512xf32, #tpu.memory_space<vmem>>, %arg5: memref<1x3x8x512xf32, #tpu.memory_space<vmem>>) attributes {dimension_semantics = [#tpu.dimension_semantics<arbitrary>, #tpu.dimension_semantics<arbitrary>], iteration_bounds = array<i64: 4, 2>, scalar_prefetch = 0 : i64, scratch_operands = 0 : i64, tpu.core_type = #tpu.core_type<tc>, window_params = [{transform_indices = @transform_0, window_bounds = array<i64: 1, 128, 3, 8, 512>}, {transform_indices = @transform_1, window_bounds = array<i64: 1, 128, 3, 8, 512>}, {transform_indices = @transform_2, window_bounds = array<i64: 1, 3, 8, 512>}, {transform_indices = @transform_3, window_bounds = array<i64: 1, 3, 8, 512>}]} {
    %get3A = arith.constant 0 : index
    %get3A_0 = arith.constant 0 : index
    %get3A_1 = arith.constant 0 : index
    %get3A_2 = arith.constant 0 : index
    %get3A_3 = arith.constant 0 : index
    %get3A_4 = vector.load %arg2[%get3A, %get3A_0, %get3A_1, %get3A_2, %get3A_3] : memref<1x128x3x8x512xf32, #tpu.memory_space<vmem>>, vector<1x1x3x8x512xf32>
    %get3A_5 = vector.shape_cast %get3A_4 : vector<1x1x3x8x512xf32> to vector<3x8x512xf32>
    %scan3A = arith.constant 1 : i32
    %scan3A_6 = arith.constant 120 : i32
    %scan3A_7 = arith.addi %scan3A, %scan3A_6 : i32
    %scan3A_8 = arith.constant 8 : i32
    %scan3A_9 = scf.for %scan3A_228 = %scan3A to %scan3A_7 step %scan3A_8 iter_args(%scan3A_229 = %get3A_5) -> (vector<3x8x512xf32>)  : i32 {
      %get3A_230 = arith.constant 0 : index
      %get3A_231 = arith.index_cast %scan3A_228 : i32 to index
      %get3A_232 = arith.constant 0 : index
      %get3A_233 = arith.constant 0 : index
      %get3A_234 = arith.constant 0 : index
      %get3A_235 = vector.load %arg2[%get3A_230, %get3A_231, %get3A_232, %get3A_233, %get3A_234] : memref<1x128x3x8x512xf32, #tpu.memory_space<vmem>>, vector<1x1x3x8x512xf32>
      %get3A_236 = vector.shape_cast %get3A_235 : vector<1x1x3x8x512xf32> to vector<3x8x512xf32>
      %add3A_237 = arith.addf %scan3A_229, %get3A_236 : vector<3x8x512xf32>
      %scan3A_238 = arith.constant 1 : i32
      %scan3A_239 = arith.addi %scan3A_228, %scan3A_238 : i32
      %get3A_240 = arith.constant 0 : index
      %get3A_241 = arith.index_cast %scan3A_239 : i32 to index
      %get3A_242 = arith.constant 0 : index
      %get3A_243 = arith.constant 0 : index
      %get3A_244 = arith.constant 0 : index
      %get3A_245 = vector.load %arg2[%get3A_240, %get3A_241, %get3A_242, %get3A_243, %get3A_244] : memref<1x128x3x8x512xf32, #tpu.memory_space<vmem>>, vector<1x1x3x8x512xf32>
      %get3A_246 = vector.shape_cast %get3A_245 : vector<1x1x3x8x512xf32> to vector<3x8x512xf32>
      %add3A_247 = arith.addf %add3A_237, %get3A_246 : vector<3x8x512xf32>
      %scan3A_248 = arith.constant 2 : i32
      %scan3A_249 = arith.addi %scan3A_228, %scan3A_248 : i32
      %get3A_250 = arith.constant 0 : index
      %get3A_251 = arith.index_cast %scan3A_249 : i32 to index
      %get3A_252 = arith.constant 0 : index
      %get3A_253 = arith.constant 0 : index
      %get3A_254 = arith.constant 0 : index
      %get3A_255 = vector.load %arg2[%get3A_250, %get3A_251, %get3A_252, %get3A_253, %get3A_254] : memref<1x128x3x8x512xf32, #tpu.memory_space<vmem>>, vector<1x1x3x8x512xf32>
      %get3A_256 = vector.shape_cast %get3A_255 : vector<1x1x3x8x512xf32> to vector<3x8x512xf32>
      %add3A_257 = arith.addf %add3A_247, %get3A_256 : vector<3x8x512xf32>
      %scan3A_258 = arith.constant 3 : i32
      %scan3A_259 = arith.addi %scan3A_228, %scan3A_258 : i32
      %get3A_260 = arith.constant 0 : index
      %get3A_261 = arith.index_cast %scan3A_259 : i32 to index
      %get3A_262 = arith.constant 0 : index
      %get3A_263 = arith.constant 0 : index
      %get3A_264 = arith.constant 0 : index
      %get3A_265 = vector.load %arg2[%get3A_260, %get3A_261, %get3A_262, %get3A_263, %get3A_264] : memref<1x128x3x8x512xf32, #tpu.memory_space<vmem>>, vector<1x1x3x8x512xf32>
      %get3A_266 = vector.shape_cast %get3A_265 : vector<1x1x3x8x512xf32> to vector<3x8x512xf32>
      %add3A_267 = arith.addf %add3A_257, %get3A_266 : vector<3x8x512xf32>
      %scan3A_268 = arith.constant 4 : i32
      %scan3A_269 = arith.addi %scan3A_228, %scan3A_268 : i32
      %get3A_270 = arith.constant 0 : index
      %get3A_271 = arith.index_cast %scan3A_269 : i32 to index
      %get3A_272 = arith.constant 0 : index
      %get3A_273 = arith.constant 0 : index
      %get3A_274 = arith.constant 0 : index
      %get3A_275 = vector.load %arg2[%get3A_270, %get3A_271, %get3A_272, %get3A_273, %get3A_274] : memref<1x128x3x8x512xf32, #tpu.memory_space<vmem>>, vector<1x1x3x8x512xf32>
      %get3A_276 = vector.shape_cast %get3A_275 : vector<1x1x3x8x512xf32> to vector<3x8x512xf32>
      %add3A_277 = arith.addf %add3A_267, %get3A_276 : vector<3x8x512xf32>
      %scan3A_278 = arith.constant 5 : i32
      %scan3A_279 = arith.addi %scan3A_228, %scan3A_278 : i32
      %get3A_280 = arith.constant 0 : index
      %get3A_281 = arith.index_cast %scan3A_279 : i32 to index
      %get3A_282 = arith.constant 0 : index
      %get3A_283 = arith.constant 0 : index
      %get3A_284 = arith.constant 0 : index
      %get3A_285 = vector.load %arg2[%get3A_280, %get3A_281, %get3A_282, %get3A_283, %get3A_284] : memref<1x128x3x8x512xf32, #tpu.memory_space<vmem>>, vector<1x1x3x8x512xf32>
      %get3A_286 = vector.shape_cast %get3A_285 : vector<1x1x3x8x512xf32> to vector<3x8x512xf32>
      %add3A_287 = arith.addf %add3A_277, %get3A_286 : vector<3x8x512xf32>
      %scan3A_288 = arith.constant 6 : i32
      %scan3A_289 = arith.addi %scan3A_228, %scan3A_288 : i32
      %get3A_290 = arith.constant 0 : index
      %get3A_291 = arith.index_cast %scan3A_289 : i32 to index
      %get3A_292 = arith.constant 0 : index
      %get3A_293 = arith.constant 0 : index
      %get3A_294 = arith.constant 0 : index
      %get3A_295 = vector.load %arg2[%get3A_290, %get3A_291, %get3A_292, %get3A_293, %get3A_294] : memref<1x128x3x8x512xf32, #tpu.memory_space<vmem>>, vector<1x1x3x8x512xf32>
      %get3A_296 = vector.shape_cast %get3A_295 : vector<1x1x3x8x512xf32> to vector<3x8x512xf32>
      %add3A_297 = arith.addf %add3A_287, %get3A_296 : vector<3x8x512xf32>
      %scan3A_298 = arith.constant 7 : i32
      %scan3A_299 = arith.addi %scan3A_228, %scan3A_298 : i32
      %get3A_300 = arith.constant 0 : index
      %get3A_301 = arith.index_cast %scan3A_299 : i32 to index
      %get3A_302 = arith.constant 0 : index
      %get3A_303 = arith.constant 0 : index
      %get3A_304 = arith.constant 0 : index
      %get3A_305 = vector.load %arg2[%get3A_300, %get3A_301, %get3A_302, %get3A_303, %get3A_304] : memref<1x128x3x8x512xf32, #tpu.memory_space<vmem>>, vector<1x1x3x8x512xf32>
      %get3A_306 = vector.shape_cast %get3A_305 : vector<1x1x3x8x512xf32> to vector<3x8x512xf32>
      %add3A_307 = arith.addf %add3A_297, %get3A_306 : vector<3x8x512xf32>
      scf.yield %add3A_307 : vector<3x8x512xf32>
    }
    %scan3A_10 = arith.constant 120 : i32
    %scan3A_11 = arith.addi %scan3A, %scan3A_10 : i32
    %get3A_12 = arith.constant 0 : index
    %get3A_13 = arith.index_cast %scan3A_11 : i32 to index
    %get3A_14 = arith.constant 0 : index
    %get3A_15 = arith.constant 0 : index
    %get3A_16 = arith.constant 0 : index
    %get3A_17 = vector.load %arg2[%get3A_12, %get3A_13, %get3A_14, %get3A_15, %get3A_16] : memref<1x128x3x8x512xf32, #tpu.memory_space<vmem>>, vector<1x1x3x8x512xf32>
    %get3A_18 = vector.shape_cast %get3A_17 : vector<1x1x3x8x512xf32> to vector<3x8x512xf32>
    %add3A = arith.addf %scan3A_9, %get3A_18 : vector<3x8x512xf32>
    %scan3A_19 = arith.constant 121 : i32
    %scan3A_20 = arith.addi %scan3A, %scan3A_19 : i32
    %get3A_21 = arith.constant 0 : index
    %get3A_22 = arith.index_cast %scan3A_20 : i32 to index
    %get3A_23 = arith.constant 0 : index
    %get3A_24 = arith.constant 0 : index
    %get3A_25 = arith.constant 0 : index
    %get3A_26 = vector.load %arg2[%get3A_21, %get3A_22, %get3A_23, %get3A_24, %get3A_25] : memref<1x128x3x8x512xf32, #tpu.memory_space<vmem>>, vector<1x1x3x8x512xf32>
    %get3A_27 = vector.shape_cast %get3A_26 : vector<1x1x3x8x512xf32> to vector<3x8x512xf32>
    %add3A_28 = arith.addf %add3A, %get3A_27 : vector<3x8x512xf32>
    %scan3A_29 = arith.constant 122 : i32
    %scan3A_30 = arith.addi %scan3A, %scan3A_29 : i32
    %get3A_31 = arith.constant 0 : index
    %get3A_32 = arith.index_cast %scan3A_30 : i32 to index
    %get3A_33 = arith.constant 0 : index
    %get3A_34 = arith.constant 0 : index
    %get3A_35 = arith.constant 0 : index
    %get3A_36 = vector.load %arg2[%get3A_31, %get3A_32, %get3A_33, %get3A_34, %get3A_35] : memref<1x128x3x8x512xf32, #tpu.memory_space<vmem>>, vector<1x1x3x8x512xf32>
    %get3A_37 = vector.shape_cast %get3A_36 : vector<1x1x3x8x512xf32> to vector<3x8x512xf32>
    %add3A_38 = arith.addf %add3A_28, %get3A_37 : vector<3x8x512xf32>
    %scan3A_39 = arith.constant 123 : i32
    %scan3A_40 = arith.addi %scan3A, %scan3A_39 : i32
    %get3A_41 = arith.constant 0 : index
    %get3A_42 = arith.index_cast %scan3A_40 : i32 to index
    %get3A_43 = arith.constant 0 : index
    %get3A_44 = arith.constant 0 : index
    %get3A_45 = arith.constant 0 : index
    %get3A_46 = vector.load %arg2[%get3A_41, %get3A_42, %get3A_43, %get3A_44, %get3A_45] : memref<1x128x3x8x512xf32, #tpu.memory_space<vmem>>, vector<1x1x3x8x512xf32>
    %get3A_47 = vector.shape_cast %get3A_46 : vector<1x1x3x8x512xf32> to vector<3x8x512xf32>
    %add3A_48 = arith.addf %add3A_38, %get3A_47 : vector<3x8x512xf32>
    %scan3A_49 = arith.constant 124 : i32
    %scan3A_50 = arith.addi %scan3A, %scan3A_49 : i32
    %get3A_51 = arith.constant 0 : index
    %get3A_52 = arith.index_cast %scan3A_50 : i32 to index
    %get3A_53 = arith.constant 0 : index
    %get3A_54 = arith.constant 0 : index
    %get3A_55 = arith.constant 0 : index
    %get3A_56 = vector.load %arg2[%get3A_51, %get3A_52, %get3A_53, %get3A_54, %get3A_55] : memref<1x128x3x8x512xf32, #tpu.memory_space<vmem>>, vector<1x1x3x8x512xf32>
    %get3A_57 = vector.shape_cast %get3A_56 : vector<1x1x3x8x512xf32> to vector<3x8x512xf32>
    %add3A_58 = arith.addf %add3A_48, %get3A_57 : vector<3x8x512xf32>
    %scan3A_59 = arith.constant 125 : i32
    %scan3A_60 = arith.addi %scan3A, %scan3A_59 : i32
    %get3A_61 = arith.constant 0 : index
    %get3A_62 = arith.index_cast %scan3A_60 : i32 to index
    %get3A_63 = arith.constant 0 : index
    %get3A_64 = arith.constant 0 : index
    %get3A_65 = arith.constant 0 : index
    %get3A_66 = vector.load %arg2[%get3A_61, %get3A_62, %get3A_63, %get3A_64, %get3A_65] : memref<1x128x3x8x512xf32, #tpu.memory_space<vmem>>, vector<1x1x3x8x512xf32>
    %get3A_67 = vector.shape_cast %get3A_66 : vector<1x1x3x8x512xf32> to vector<3x8x512xf32>
    %add3A_68 = arith.addf %add3A_58, %get3A_67 : vector<3x8x512xf32>
    %scan3A_69 = arith.constant 126 : i32
    %scan3A_70 = arith.addi %scan3A, %scan3A_69 : i32
    %get3A_71 = arith.constant 0 : index
    %get3A_72 = arith.index_cast %scan3A_70 : i32 to index
    %get3A_73 = arith.constant 0 : index
    %get3A_74 = arith.constant 0 : index
    %get3A_75 = arith.constant 0 : index
    %get3A_76 = vector.load %arg2[%get3A_71, %get3A_72, %get3A_73, %get3A_74, %get3A_75] : memref<1x128x3x8x512xf32, #tpu.memory_space<vmem>>, vector<1x1x3x8x512xf32>
    %get3A_77 = vector.shape_cast %get3A_76 : vector<1x1x3x8x512xf32> to vector<3x8x512xf32>
    %add3A_78 = arith.addf %add3A_68, %get3A_77 : vector<3x8x512xf32>
    %scan3A_79 = arith.constant 127 : i32
    %mul3A = arith.constant 7.812500e-03 : f32
    %mul3A_80 = vector.broadcast %mul3A : f32 to vector<3x8x512xf32>
    %mul3A_81 = arith.mulf %add3A_78, %mul3A_80 : vector<3x8x512xf32>
    %slice3A = vector.extract_strided_slice %mul3A_81 {offsets = [1, 0, 0], sizes = [1, 8, 512], strides = [1, 1, 1]} : vector<3x8x512xf32> to vector<1x8x512xf32>
    %squeeze3A = vector.shape_cast %slice3A : vector<1x8x512xf32> to vector<8x512xf32>
    %slice3A_82 = vector.extract_strided_slice %mul3A_81 {offsets = [1, 0, 0], sizes = [1, 8, 512], strides = [1, 1, 1]} : vector<3x8x512xf32> to vector<1x8x512xf32>
    %squeeze3A_83 = vector.shape_cast %slice3A_82 : vector<1x8x512xf32> to vector<8x512xf32>
    %mul3A_84 = arith.mulf %squeeze3A, %squeeze3A_83 : vector<8x512xf32>
    %slice3A_85 = vector.extract_strided_slice %mul3A_81 {offsets = [2, 0, 0], sizes = [1, 8, 512], strides = [1, 1, 1]} : vector<3x8x512xf32> to vector<1x8x512xf32>
    %squeeze3A_86 = vector.shape_cast %slice3A_85 : vector<1x8x512xf32> to vector<8x512xf32>
    %slice3A_87 = vector.extract_strided_slice %mul3A_81 {offsets = [2, 0, 0], sizes = [1, 8, 512], strides = [1, 1, 1]} : vector<3x8x512xf32> to vector<1x8x512xf32>
    %squeeze3A_88 = vector.shape_cast %slice3A_87 : vector<1x8x512xf32> to vector<8x512xf32>
    %mul3A_89 = arith.mulf %squeeze3A_86, %squeeze3A_88 : vector<8x512xf32>
    %slice3A_90 = vector.extract_strided_slice %mul3A_81 {offsets = [0, 0, 0], sizes = [1, 8, 512], strides = [1, 1, 1]} : vector<3x8x512xf32> to vector<1x8x512xf32>
    %squeeze3A_91 = vector.shape_cast %slice3A_90 : vector<1x8x512xf32> to vector<8x512xf32>
    %slice3A_92 = vector.extract_strided_slice %mul3A_81 {offsets = [0, 0, 0], sizes = [1, 8, 512], strides = [1, 1, 1]} : vector<3x8x512xf32> to vector<1x8x512xf32>
    %squeeze3A_93 = vector.shape_cast %slice3A_92 : vector<1x8x512xf32> to vector<8x512xf32>
    %mul3A_94 = arith.mulf %squeeze3A_91, %squeeze3A_93 : vector<8x512xf32>
    %add3A_95 = arith.addf %mul3A_89, %mul3A_94 : vector<8x512xf32>
    %add3A_96 = arith.addf %mul3A_84, %add3A_95 : vector<8x512xf32>
    %rsqrt3A = math.rsqrt %add3A_96 : vector<8x512xf32>
    %mul3A_97 = arith.mulf %add3A_96, %rsqrt3A : vector<8x512xf32>
    %add3A_98 = arith.constant 9.99999997E-7 : f32
    %add3A_99 = vector.broadcast %add3A_98 : f32 to vector<8x512xf32>
    %add3A_100 = arith.addf %mul3A_97, %add3A_99 : vector<8x512xf32>
    %reciprocal3A = tpu.reciprocal %add3A_100 {approx = true} : vector<8x512xf32> -> vector<8x512xf32>
    %broadcast_in_dim3A = vector.shape_cast %reciprocal3A : vector<8x512xf32> to vector<1x8x512xf32>
    %mul3A_101 = vector.broadcast %broadcast_in_dim3A : vector<1x8x512xf32> to vector<3x8x512xf32>
    %mul3A_102 = arith.mulf %mul3A_81, %mul3A_101 : vector<3x8x512xf32>
    %swap3A = arith.constant 0 : index
    %swap3A_103 = arith.constant 0 : index
    %swap3A_104 = arith.constant 0 : index
    %swap3A_105 = arith.constant 0 : index
    %swap3A_106 = vector.load %arg4[%swap3A, %swap3A_103, %swap3A_104, %swap3A_105] : memref<1x3x8x512xf32, #tpu.memory_space<vmem>>, vector<1x3x8x512xf32>
    %swap3A_107 = vector.shape_cast %swap3A_106 : vector<1x3x8x512xf32> to vector<3x8x512xf32>
    %swap3A_108 = vector.shape_cast %mul3A_102 : vector<3x8x512xf32> to vector<1x3x8x512xf32>
    tpu.vector_store %arg4[%swap3A, %swap3A_103, %swap3A_104, %swap3A_105], %swap3A_108 {strides = array<i32>} : memref<1x3x8x512xf32, #tpu.memory_space<vmem>>, vector<1x3x8x512xf32>,
    %get3A_109 = arith.constant 0 : index
    %get3A_110 = arith.constant 0 : index
    %get3A_111 = arith.constant 0 : index
    %get3A_112 = arith.constant 0 : index
    %get3A_113 = arith.constant 0 : index
    %get3A_114 = vector.load %arg3[%get3A_109, %get3A_110, %get3A_111, %get3A_112, %get3A_113] : memref<1x128x3x8x512xf32, #tpu.memory_space<vmem>>, vector<1x1x3x8x512xf32>
    %get3A_115 = vector.shape_cast %get3A_114 : vector<1x1x3x8x512xf32> to vector<3x8x512xf32>
    %scan3A_116 = arith.constant 1 : i32
    %scan3A_117 = arith.constant 120 : i32
    %scan3A_118 = arith.addi %scan3A_116, %scan3A_117 : i32
    %scan3A_119 = arith.constant 8 : i32
    %scan3A_120 = scf.for %scan3A_228 = %scan3A_116 to %scan3A_118 step %scan3A_119 iter_args(%scan3A_229 = %get3A_115) -> (vector<3x8x512xf32>)  : i32 {
      %get3A_230 = arith.constant 0 : index
      %get3A_231 = arith.index_cast %scan3A_228 : i32 to index
      %get3A_232 = arith.constant 0 : index
      %get3A_233 = arith.constant 0 : index
      %get3A_234 = arith.constant 0 : index
      %get3A_235 = vector.load %arg3[%get3A_230, %get3A_231, %get3A_232, %get3A_233, %get3A_234] : memref<1x128x3x8x512xf32, #tpu.memory_space<vmem>>, vector<1x1x3x8x512xf32>
      %get3A_236 = vector.shape_cast %get3A_235 : vector<1x1x3x8x512xf32> to vector<3x8x512xf32>
      %add3A_237 = arith.addf %scan3A_229, %get3A_236 : vector<3x8x512xf32>
      %scan3A_238 = arith.constant 1 : i32
      %scan3A_239 = arith.addi %scan3A_228, %scan3A_238 : i32
      %get3A_240 = arith.constant 0 : index
      %get3A_241 = arith.index_cast %scan3A_239 : i32 to index
      %get3A_242 = arith.constant 0 : index
      %get3A_243 = arith.constant 0 : index
      %get3A_244 = arith.constant 0 : index
      %get3A_245 = vector.load %arg3[%get3A_240, %get3A_241, %get3A_242, %get3A_243, %get3A_244] : memref<1x128x3x8x512xf32, #tpu.memory_space<vmem>>, vector<1x1x3x8x512xf32>
      %get3A_246 = vector.shape_cast %get3A_245 : vector<1x1x3x8x512xf32> to vector<3x8x512xf32>
      %add3A_247 = arith.addf %add3A_237, %get3A_246 : vector<3x8x512xf32>
      %scan3A_248 = arith.constant 2 : i32
      %scan3A_249 = arith.addi %scan3A_228, %scan3A_248 : i32
      %get3A_250 = arith.constant 0 : index
      %get3A_251 = arith.index_cast %scan3A_249 : i32 to index
      %get3A_252 = arith.constant 0 : index
      %get3A_253 = arith.constant 0 : index
      %get3A_254 = arith.constant 0 : index
      %get3A_255 = vector.load %arg3[%get3A_250, %get3A_251, %get3A_252, %get3A_253, %get3A_254] : memref<1x128x3x8x512xf32, #tpu.memory_space<vmem>>, vector<1x1x3x8x512xf32>
      %get3A_256 = vector.shape_cast %get3A_255 : vector<1x1x3x8x512xf32> to vector<3x8x512xf32>
      %add3A_257 = arith.addf %add3A_247, %get3A_256 : vector<3x8x512xf32>
      %scan3A_258 = arith.constant 3 : i32
      %scan3A_259 = arith.addi %scan3A_228, %scan3A_258 : i32
      %get3A_260 = arith.constant 0 : index
      %get3A_261 = arith.index_cast %scan3A_259 : i32 to index
      %get3A_262 = arith.constant 0 : index
      %get3A_263 = arith.constant 0 : index
      %get3A_264 = arith.constant 0 : index
      %get3A_265 = vector.load %arg3[%get3A_260, %get3A_261, %get3A_262, %get3A_263, %get3A_264] : memref<1x128x3x8x512xf32, #tpu.memory_space<vmem>>, vector<1x1x3x8x512xf32>
      %get3A_266 = vector.shape_cast %get3A_265 : vector<1x1x3x8x512xf32> to vector<3x8x512xf32>
      %add3A_267 = arith.addf %add3A_257, %get3A_266 : vector<3x8x512xf32>
      %scan3A_268 = arith.constant 4 : i32
      %scan3A_269 = arith.addi %scan3A_228, %scan3A_268 : i32
      %get3A_270 = arith.constant 0 : index
      %get3A_271 = arith.index_cast %scan3A_269 : i32 to index
      %get3A_272 = arith.constant 0 : index
      %get3A_273 = arith.constant 0 : index
      %get3A_274 = arith.constant 0 : index
      %get3A_275 = vector.load %arg3[%get3A_270, %get3A_271, %get3A_272, %get3A_273, %get3A_274] : memref<1x128x3x8x512xf32, #tpu.memory_space<vmem>>, vector<1x1x3x8x512xf32>
      %get3A_276 = vector.shape_cast %get3A_275 : vector<1x1x3x8x512xf32> to vector<3x8x512xf32>
      %add3A_277 = arith.addf %add3A_267, %get3A_276 : vector<3x8x512xf32>
      %scan3A_278 = arith.constant 5 : i32
      %scan3A_279 = arith.addi %scan3A_228, %scan3A_278 : i32
      %get3A_280 = arith.constant 0 : index
      %get3A_281 = arith.index_cast %scan3A_279 : i32 to index
      %get3A_282 = arith.constant 0 : index
      %get3A_283 = arith.constant 0 : index
      %get3A_284 = arith.constant 0 : index
      %get3A_285 = vector.load %arg3[%get3A_280, %get3A_281, %get3A_282, %get3A_283, %get3A_284] : memref<1x128x3x8x512xf32, #tpu.memory_space<vmem>>, vector<1x1x3x8x512xf32>
      %get3A_286 = vector.shape_cast %get3A_285 : vector<1x1x3x8x512xf32> to vector<3x8x512xf32>
      %add3A_287 = arith.addf %add3A_277, %get3A_286 : vector<3x8x512xf32>
      %scan3A_288 = arith.constant 6 : i32
      %scan3A_289 = arith.addi %scan3A_228, %scan3A_288 : i32
      %get3A_290 = arith.constant 0 : index
      %get3A_291 = arith.index_cast %scan3A_289 : i32 to index
      %get3A_292 = arith.constant 0 : index
      %get3A_293 = arith.constant 0 : index
      %get3A_294 = arith.constant 0 : index
      %get3A_295 = vector.load %arg3[%get3A_290, %get3A_291, %get3A_292, %get3A_293, %get3A_294] : memref<1x128x3x8x512xf32, #tpu.memory_space<vmem>>, vector<1x1x3x8x512xf32>
      %get3A_296 = vector.shape_cast %get3A_295 : vector<1x1x3x8x512xf32> to vector<3x8x512xf32>
      %add3A_297 = arith.addf %add3A_287, %get3A_296 : vector<3x8x512xf32>
      %scan3A_298 = arith.constant 7 : i32
      %scan3A_299 = arith.addi %scan3A_228, %scan3A_298 : i32
      %get3A_300 = arith.constant 0 : index
      %get3A_301 = arith.index_cast %scan3A_299 : i32 to index
      %get3A_302 = arith.constant 0 : index
      %get3A_303 = arith.constant 0 : index
      %get3A_304 = arith.constant 0 : index
      %get3A_305 = vector.load %arg3[%get3A_300, %get3A_301, %get3A_302, %get3A_303, %get3A_304] : memref<1x128x3x8x512xf32, #tpu.memory_space<vmem>>, vector<1x1x3x8x512xf32>
      %get3A_306 = vector.shape_cast %get3A_305 : vector<1x1x3x8x512xf32> to vector<3x8x512xf32>
      %add3A_307 = arith.addf %add3A_297, %get3A_306 : vector<3x8x512xf32>
      scf.yield %add3A_307 : vector<3x8x512xf32>
    }
    %scan3A_121 = arith.constant 120 : i32
    %scan3A_122 = arith.addi %scan3A_116, %scan3A_121 : i32
    %get3A_123 = arith.constant 0 : index
    %get3A_124 = arith.index_cast %scan3A_122 : i32 to index
    %get3A_125 = arith.constant 0 : index
    %get3A_126 = arith.constant 0 : index
    %get3A_127 = arith.constant 0 : index
    %get3A_128 = vector.load %arg3[%get3A_123, %get3A_124, %get3A_125, %get3A_126, %get3A_127] : memref<1x128x3x8x512xf32, #tpu.memory_space<vmem>>, vector<1x1x3x8x512xf32>
    %get3A_129 = vector.shape_cast %get3A_128 : vector<1x1x3x8x512xf32> to vector<3x8x512xf32>
    %add3A_130 = arith.addf %scan3A_120, %get3A_129 : vector<3x8x512xf32>
    %scan3A_131 = arith.constant 121 : i32
    %scan3A_132 = arith.addi %scan3A_116, %scan3A_131 : i32
    %get3A_133 = arith.constant 0 : index
    %get3A_134 = arith.index_cast %scan3A_132 : i32 to index
    %get3A_135 = arith.constant 0 : index
    %get3A_136 = arith.constant 0 : index
    %get3A_137 = arith.constant 0 : index
    %get3A_138 = vector.load %arg3[%get3A_133, %get3A_134, %get3A_135, %get3A_136, %get3A_137] : memref<1x128x3x8x512xf32, #tpu.memory_space<vmem>>, vector<1x1x3x8x512xf32>
    %get3A_139 = vector.shape_cast %get3A_138 : vector<1x1x3x8x512xf32> to vector<3x8x512xf32>
    %add3A_140 = arith.addf %add3A_130, %get3A_139 : vector<3x8x512xf32>
    %scan3A_141 = arith.constant 122 : i32
    %scan3A_142 = arith.addi %scan3A_116, %scan3A_141 : i32
    %get3A_143 = arith.constant 0 : index
    %get3A_144 = arith.index_cast %scan3A_142 : i32 to index
    %get3A_145 = arith.constant 0 : index
    %get3A_146 = arith.constant 0 : index
    %get3A_147 = arith.constant 0 : index
    %get3A_148 = vector.load %arg3[%get3A_143, %get3A_144, %get3A_145, %get3A_146, %get3A_147] : memref<1x128x3x8x512xf32, #tpu.memory_space<vmem>>, vector<1x1x3x8x512xf32>
    %get3A_149 = vector.shape_cast %get3A_148 : vector<1x1x3x8x512xf32> to vector<3x8x512xf32>
    %add3A_150 = arith.addf %add3A_140, %get3A_149 : vector<3x8x512xf32>
    %scan3A_151 = arith.constant 123 : i32
    %scan3A_152 = arith.addi %scan3A_116, %scan3A_151 : i32
    %get3A_153 = arith.constant 0 : index
    %get3A_154 = arith.index_cast %scan3A_152 : i32 to index
    %get3A_155 = arith.constant 0 : index
    %get3A_156 = arith.constant 0 : index
    %get3A_157 = arith.constant 0 : index
    %get3A_158 = vector.load %arg3[%get3A_153, %get3A_154, %get3A_155, %get3A_156, %get3A_157] : memref<1x128x3x8x512xf32, #tpu.memory_space<vmem>>, vector<1x1x3x8x512xf32>
    %get3A_159 = vector.shape_cast %get3A_158 : vector<1x1x3x8x512xf32> to vector<3x8x512xf32>
    %add3A_160 = arith.addf %add3A_150, %get3A_159 : vector<3x8x512xf32>
    %scan3A_161 = arith.constant 124 : i32
    %scan3A_162 = arith.addi %scan3A_116, %scan3A_161 : i32
    %get3A_163 = arith.constant 0 : index
    %get3A_164 = arith.index_cast %scan3A_162 : i32 to index
    %get3A_165 = arith.constant 0 : index
    %get3A_166 = arith.constant 0 : index
    %get3A_167 = arith.constant 0 : index
    %get3A_168 = vector.load %arg3[%get3A_163, %get3A_164, %get3A_165, %get3A_166, %get3A_167] : memref<1x128x3x8x512xf32, #tpu.memory_space<vmem>>, vector<1x1x3x8x512xf32>
    %get3A_169 = vector.shape_cast %get3A_168 : vector<1x1x3x8x512xf32> to vector<3x8x512xf32>
    %add3A_170 = arith.addf %add3A_160, %get3A_169 : vector<3x8x512xf32>
    %scan3A_171 = arith.constant 125 : i32
    %scan3A_172 = arith.addi %scan3A_116, %scan3A_171 : i32
    %get3A_173 = arith.constant 0 : index
    %get3A_174 = arith.index_cast %scan3A_172 : i32 to index
    %get3A_175 = arith.constant 0 : index
    %get3A_176 = arith.constant 0 : index
    %get3A_177 = arith.constant 0 : index
    %get3A_178 = vector.load %arg3[%get3A_173, %get3A_174, %get3A_175, %get3A_176, %get3A_177] : memref<1x128x3x8x512xf32, #tpu.memory_space<vmem>>, vector<1x1x3x8x512xf32>
    %get3A_179 = vector.shape_cast %get3A_178 : vector<1x1x3x8x512xf32> to vector<3x8x512xf32>
    %add3A_180 = arith.addf %add3A_170, %get3A_179 : vector<3x8x512xf32>
    %scan3A_181 = arith.constant 126 : i32
    %scan3A_182 = arith.addi %scan3A_116, %scan3A_181 : i32
    %get3A_183 = arith.constant 0 : index
    %get3A_184 = arith.index_cast %scan3A_182 : i32 to index
    %get3A_185 = arith.constant 0 : index
    %get3A_186 = arith.constant 0 : index
    %get3A_187 = arith.constant 0 : index
    %get3A_188 = vector.load %arg3[%get3A_183, %get3A_184, %get3A_185, %get3A_186, %get3A_187] : memref<1x128x3x8x512xf32, #tpu.memory_space<vmem>>, vector<1x1x3x8x512xf32>
    %get3A_189 = vector.shape_cast %get3A_188 : vector<1x1x3x8x512xf32> to vector<3x8x512xf32>
    %add3A_190 = arith.addf %add3A_180, %get3A_189 : vector<3x8x512xf32>
    %scan3A_191 = arith.constant 127 : i32
    %mul3A_192 = arith.constant 7.812500e-03 : f32
    %mul3A_193 = vector.broadcast %mul3A_192 : f32 to vector<3x8x512xf32>
    %mul3A_194 = arith.mulf %add3A_190, %mul3A_193 : vector<3x8x512xf32>
    %slice3A_195 = vector.extract_strided_slice %mul3A_194 {offsets = [1, 0, 0], sizes = [1, 8, 512], strides = [1, 1, 1]} : vector<3x8x512xf32> to vector<1x8x512xf32>
    %squeeze3A_196 = vector.shape_cast %slice3A_195 : vector<1x8x512xf32> to vector<8x512xf32>
    %slice3A_197 = vector.extract_strided_slice %mul3A_194 {offsets = [1, 0, 0], sizes = [1, 8, 512], strides = [1, 1, 1]} : vector<3x8x512xf32> to vector<1x8x512xf32>
    %squeeze3A_198 = vector.shape_cast %slice3A_197 : vector<1x8x512xf32> to vector<8x512xf32>
    %mul3A_199 = arith.mulf %squeeze3A_196, %squeeze3A_198 : vector<8x512xf32>
    %slice3A_200 = vector.extract_strided_slice %mul3A_194 {offsets = [2, 0, 0], sizes = [1, 8, 512], strides = [1, 1, 1]} : vector<3x8x512xf32> to vector<1x8x512xf32>
    %squeeze3A_201 = vector.shape_cast %slice3A_200 : vector<1x8x512xf32> to vector<8x512xf32>
    %slice3A_202 = vector.extract_strided_slice %mul3A_194 {offsets = [2, 0, 0], sizes = [1, 8, 512], strides = [1, 1, 1]} : vector<3x8x512xf32> to vector<1x8x512xf32>
    %squeeze3A_203 = vector.shape_cast %slice3A_202 : vector<1x8x512xf32> to vector<8x512xf32>
    %mul3A_204 = arith.mulf %squeeze3A_201, %squeeze3A_203 : vector<8x512xf32>
    %slice3A_205 = vector.extract_strided_slice %mul3A_194 {offsets = [0, 0, 0], sizes = [1, 8, 512], strides = [1, 1, 1]} : vector<3x8x512xf32> to vector<1x8x512xf32>
    %squeeze3A_206 = vector.shape_cast %slice3A_205 : vector<1x8x512xf32> to vector<8x512xf32>
    %slice3A_207 = vector.extract_strided_slice %mul3A_194 {offsets = [0, 0, 0], sizes = [1, 8, 512], strides = [1, 1, 1]} : vector<3x8x512xf32> to vector<1x8x512xf32>
    %squeeze3A_208 = vector.shape_cast %slice3A_207 : vector<1x8x512xf32> to vector<8x512xf32>
    %mul3A_209 = arith.mulf %squeeze3A_206, %squeeze3A_208 : vector<8x512xf32>
    %add3A_210 = arith.addf %mul3A_204, %mul3A_209 : vector<8x512xf32>
    %add3A_211 = arith.addf %mul3A_199, %add3A_210 : vector<8x512xf32>
    %rsqrt3A_212 = math.rsqrt %add3A_211 : vector<8x512xf32>
    %mul3A_213 = arith.mulf %add3A_211, %rsqrt3A_212 : vector<8x512xf32>
    %add3A_214 = arith.constant 9.99999997E-7 : f32
    %add3A_215 = vector.broadcast %add3A_214 : f32 to vector<8x512xf32>
    %add3A_216 = arith.addf %mul3A_213, %add3A_215 : vector<8x512xf32>
    %reciprocal3A_217 = tpu.reciprocal %add3A_216 {approx = true} : vector<8x512xf32> -> vector<8x512xf32>
    %broadcast_in_dim3A_218 = vector.shape_cast %reciprocal3A_217 : vector<8x512xf32> to vector<1x8x512xf32>
    %mul3A_219 = vector.broadcast %broadcast_in_dim3A_218 : vector<1x8x512xf32> to vector<3x8x512xf32>
    %mul3A_220 = arith.mulf %mul3A_194, %mul3A_219 : vector<3x8x512xf32>
    %swap3A_221 = arith.constant 0 : index
    %swap3A_222 = arith.constant 0 : index
    %swap3A_223 = arith.constant 0 : index
    %swap3A_224 = arith.constant 0 : index
    %swap3A_225 = vector.load %arg5[%swap3A_221, %swap3A_222, %swap3A_223, %swap3A_224] : memref<1x3x8x512xf32, #tpu.memory_space<vmem>>, vector<1x3x8x512xf32>
    %swap3A_226 = vector.shape_cast %swap3A_225 : vector<1x3x8x512xf32> to vector<3x8x512xf32>
    %swap3A_227 = vector.shape_cast %mul3A_220 : vector<3x8x512xf32> to vector<1x3x8x512xf32>
    tpu.vector_store %arg5[%swap3A_221, %swap3A_222, %swap3A_223, %swap3A_224], %swap3A_227 {strides = array<i32>} : memref<1x3x8x512xf32, #tpu.memory_space<vmem>>, vector<1x3x8x512xf32>,
    return
  }
  func.func @transform_0(%arg0: i32, %arg1: i32) -> (i32, i32, i32, i32, i32) {
    %c0_i32 = arith.constant 0 : i32
    %c0_i32_0 = arith.constant 0 : i32
    %c0_i32_1 = arith.constant 0 : i32
    %c0_i32_2 = arith.constant 0 : i32
    return %arg0, %c0_i32, %c0_i32_0, %c0_i32_1, %arg1 : i32, i32, i32, i32, i32
  }
  func.func @transform_1(%arg0: i32, %arg1: i32) -> (i32, i32, i32, i32, i32) {
    %c0_i32 = arith.constant 0 : i32
    %c0_i32_0 = arith.constant 0 : i32
    %c0_i32_1 = arith.constant 0 : i32
    %c0_i32_2 = arith.constant 0 : i32
    return %arg0, %c0_i32, %c0_i32_0, %c0_i32_1, %arg1 : i32, i32, i32, i32, i32
  }
  func.func @transform_2(%arg0: i32, %arg1: i32) -> (i32, i32, i32, i32) {
    %c0_i32 = arith.constant 0 : i32
    %c0_i32_0 = arith.constant 0 : i32
    %c0_i32_1 = arith.constant 0 : i32
    return %arg0, %c0_i32, %c0_i32_0, %arg1 : i32, i32, i32, i32
  }
  func.func @transform_3(%arg0: i32, %arg1: i32) -> (i32, i32, i32, i32) {
    %c0_i32 = arith.constant 0 : i32
    %c0_i32_0 = arith.constant 0 : i32
    %c0_i32_1 = arith.constant 0 : i32
    return %arg0, %c0_i32, %c0_i32_0, %arg1 : i32, i32, i32, i32
  }
}

module attributes {stable_mosaic.version = 14 : i64} {
  func.func @_score_body(%arg0: i32, %arg1: i32, %arg2: memref<1x128x3x8x512xf32, #tpu.memory_space<vmem>>, %arg3: memref<1x128x3x8x512xf32, #tpu.memory_space<vmem>>, %arg4: memref<1x3x8x512xf32, #tpu.memory_space<vmem>>, %arg5: memref<1x3x8x512xf32, #tpu.memory_space<vmem>>, %arg6: memref<1x8x512xf32, #tpu.memory_space<vmem>>) attributes {dimension_semantics = [#tpu.dimension_semantics<arbitrary>, #tpu.dimension_semantics<arbitrary>], iteration_bounds = array<i64: 4, 2>, scalar_prefetch = 0 : i64, scratch_operands = 0 : i64, tpu.core_type = #tpu.core_type<tc>, window_params = [{transform_indices = @transform_0, window_bounds = array<i64: 1, 128, 3, 8, 512>}, {transform_indices = @transform_1, window_bounds = array<i64: 1, 128, 3, 8, 512>}, {transform_indices = @transform_2, window_bounds = array<i64: 1, 3, 8, 512>}, {transform_indices = @transform_3, window_bounds = array<i64: 1, 3, 8, 512>}, {transform_indices = @transform_4, window_bounds = array<i64: 1, 8, 512>}]} {
    %get3A = arith.constant 0 : index
    %get3A_0 = arith.constant 0 : index
    %get3A_1 = arith.constant 0 : index
    %get3A_2 = arith.constant 0 : index
    %get3A_3 = vector.load %arg4[%get3A, %get3A_0, %get3A_1, %get3A_2] : memref<1x3x8x512xf32, #tpu.memory_space<vmem>>, vector<1x3x8x512xf32>
    %get3A_4 = vector.shape_cast %get3A_3 : vector<1x3x8x512xf32> to vector<3x8x512xf32>
    %get3A_5 = arith.constant 0 : index
    %get3A_6 = arith.constant 0 : index
    %get3A_7 = arith.constant 0 : index
    %get3A_8 = arith.constant 0 : index
    %get3A_9 = vector.load %arg5[%get3A_5, %get3A_6, %get3A_7, %get3A_8] : memref<1x3x8x512xf32, #tpu.memory_space<vmem>>, vector<1x3x8x512xf32>
    %get3A_10 = vector.shape_cast %get3A_9 : vector<1x3x8x512xf32> to vector<3x8x512xf32>
    %broadcast_in_dim3A = arith.constant 0.000000e+00 : f32
    %broadcast_in_dim3A_11 = vector.broadcast %broadcast_in_dim3A : f32 to vector<8x512xf32>
    %broadcast_in_dim3A_12 = arith.constant 0.000000e+00 : f32
    %broadcast_in_dim3A_13 = vector.broadcast %broadcast_in_dim3A_12 : f32 to vector<8x512xf32>
    %broadcast_in_dim3A_14 = arith.constant 0.000000e+00 : f32
    %broadcast_in_dim3A_15 = vector.broadcast %broadcast_in_dim3A_14 : f32 to vector<8x512xf32>
    %broadcast_in_dim3A_16 = arith.constant 0.000000e+00 : f32
    %broadcast_in_dim3A_17 = vector.broadcast %broadcast_in_dim3A_16 : f32 to vector<8x512xf32>
    %broadcast_in_dim3A_18 = arith.constant 0.000000e+00 : f32
    %broadcast_in_dim3A_19 = vector.broadcast %broadcast_in_dim3A_18 : f32 to vector<8x512xf32>
    %broadcast_in_dim3A_20 = arith.constant 0.000000e+00 : f32
    %broadcast_in_dim3A_21 = vector.broadcast %broadcast_in_dim3A_20 : f32 to vector<8x512xf32>
    %broadcast_in_dim3A_22 = arith.constant 0.000000e+00 : f32
    %broadcast_in_dim3A_23 = vector.broadcast %broadcast_in_dim3A_22 : f32 to vector<8x512xf32>
    %broadcast_in_dim3A_24 = arith.constant 0.000000e+00 : f32
    %broadcast_in_dim3A_25 = vector.broadcast %broadcast_in_dim3A_24 : f32 to vector<8x512xf32>
    %scan3A = arith.constant 0 : i32
    %scan3A_26 = arith.constant 16 : i32
    %scan3A_27 = arith.addi %scan3A, %scan3A_26 : i32
    %scan3A_28 = arith.constant 1 : i32
    %scan3A_29:8 = scf.for %scan3A_42 = %scan3A to %scan3A_27 step %scan3A_28 iter_args(%scan3A_43 = %broadcast_in_dim3A_11, %scan3A_44 = %broadcast_in_dim3A_13, %scan3A_45 = %broadcast_in_dim3A_15, %scan3A_46 = %broadcast_in_dim3A_17, %scan3A_47 = %broadcast_in_dim3A_19, %scan3A_48 = %broadcast_in_dim3A_21, %scan3A_49 = %broadcast_in_dim3A_23, %scan3A_50 = %broadcast_in_dim3A_25) -> (vector<8x512xf32>, vector<8x512xf32>, vector<8x512xf32>, vector<8x512xf32>, vector<8x512xf32>, vector<8x512xf32>, vector<8x512xf32>, vector<8x512xf32>)  : i32 {
      %mul3A = arith.constant 8 : i32
      %mul3A_51 = arith.muli %mul3A, %scan3A_42 : i32
      %add3A_52 = arith.constant 0 : i32
      %add3A_53 = arith.addi %mul3A_51, %add3A_52 : i32
      %get3A_54 = arith.constant 0 : index
      %get3A_55 = arith.index_cast %add3A_53 : i32 to index
      %get3A_56 = arith.constant 0 : index
      %get3A_57 = arith.constant 0 : index
      %get3A_58 = arith.constant 0 : index
      %get3A_59 = vector.load %arg2[%get3A_54, %get3A_55, %get3A_56, %get3A_57, %get3A_58] : memref<1x128x3x8x512xf32, #tpu.memory_space<vmem>>, vector<1x1x3x8x512xf32>
      %get3A_60 = vector.shape_cast %get3A_59 : vector<1x1x3x8x512xf32> to vector<3x8x512xf32>
      %get3A_61 = arith.constant 0 : index
      %get3A_62 = arith.index_cast %add3A_53 : i32 to index
      %get3A_63 = arith.constant 0 : index
      %get3A_64 = arith.constant 0 : index
      %get3A_65 = arith.constant 0 : index
      %get3A_66 = vector.load %arg3[%get3A_61, %get3A_62, %get3A_63, %get3A_64, %get3A_65] : memref<1x128x3x8x512xf32, #tpu.memory_space<vmem>>, vector<1x1x3x8x512xf32>
      %get3A_67 = vector.shape_cast %get3A_66 : vector<1x1x3x8x512xf32> to vector<3x8x512xf32>
      %slice3A = vector.extract_strided_slice %get3A_60 {offsets = [0, 0, 0], sizes = [1, 8, 512], strides = [1, 1, 1]} : vector<3x8x512xf32> to vector<1x8x512xf32>
      %squeeze3A = vector.shape_cast %slice3A : vector<1x8x512xf32> to vector<8x512xf32>
      %slice3A_68 = vector.extract_strided_slice %get3A_4 {offsets = [0, 0, 0], sizes = [1, 8, 512], strides = [1, 1, 1]} : vector<3x8x512xf32> to vector<1x8x512xf32>
      %squeeze3A_69 = vector.shape_cast %slice3A_68 : vector<1x8x512xf32> to vector<8x512xf32>
      %mul3A_70 = arith.mulf %squeeze3A, %squeeze3A_69 : vector<8x512xf32>
      %slice3A_71 = vector.extract_strided_slice %get3A_60 {offsets = [1, 0, 0], sizes = [1, 8, 512], strides = [1, 1, 1]} : vector<3x8x512xf32> to vector<1x8x512xf32>
      %squeeze3A_72 = vector.shape_cast %slice3A_71 : vector<1x8x512xf32> to vector<8x512xf32>
      %slice3A_73 = vector.extract_strided_slice %get3A_4 {offsets = [1, 0, 0], sizes = [1, 8, 512], strides = [1, 1, 1]} : vector<3x8x512xf32> to vector<1x8x512xf32>
      %squeeze3A_74 = vector.shape_cast %slice3A_73 : vector<1x8x512xf32> to vector<8x512xf32>
      %mul3A_75 = arith.mulf %squeeze3A_72, %squeeze3A_74 : vector<8x512xf32>
      %add3A_76 = arith.addf %mul3A_70, %mul3A_75 : vector<8x512xf32>
      %slice3A_77 = vector.extract_strided_slice %get3A_60 {offsets = [2, 0, 0], sizes = [1, 8, 512], strides = [1, 1, 1]} : vector<3x8x512xf32> to vector<1x8x512xf32>
      %squeeze3A_78 = vector.shape_cast %slice3A_77 : vector<1x8x512xf32> to vector<8x512xf32>
      %slice3A_79 = vector.extract_strided_slice %get3A_4 {offsets = [2, 0, 0], sizes = [1, 8, 512], strides = [1, 1, 1]} : vector<3x8x512xf32> to vector<1x8x512xf32>
      %squeeze3A_80 = vector.shape_cast %slice3A_79 : vector<1x8x512xf32> to vector<8x512xf32>
      %mul3A_81 = arith.mulf %squeeze3A_78, %squeeze3A_80 : vector<8x512xf32>
      %add3A_82 = arith.addf %add3A_76, %mul3A_81 : vector<8x512xf32>
      %slice3A_83 = vector.extract_strided_slice %get3A_67 {offsets = [0, 0, 0], sizes = [1, 8, 512], strides = [1, 1, 1]} : vector<3x8x512xf32> to vector<1x8x512xf32>
      %squeeze3A_84 = vector.shape_cast %slice3A_83 : vector<1x8x512xf32> to vector<8x512xf32>
      %slice3A_85 = vector.extract_strided_slice %get3A_10 {offsets = [0, 0, 0], sizes = [1, 8, 512], strides = [1, 1, 1]} : vector<3x8x512xf32> to vector<1x8x512xf32>
      %squeeze3A_86 = vector.shape_cast %slice3A_85 : vector<1x8x512xf32> to vector<8x512xf32>
      %mul3A_87 = arith.mulf %squeeze3A_84, %squeeze3A_86 : vector<8x512xf32>
      %slice3A_88 = vector.extract_strided_slice %get3A_67 {offsets = [1, 0, 0], sizes = [1, 8, 512], strides = [1, 1, 1]} : vector<3x8x512xf32> to vector<1x8x512xf32>
      %squeeze3A_89 = vector.shape_cast %slice3A_88 : vector<1x8x512xf32> to vector<8x512xf32>
      %slice3A_90 = vector.extract_strided_slice %get3A_10 {offsets = [1, 0, 0], sizes = [1, 8, 512], strides = [1, 1, 1]} : vector<3x8x512xf32> to vector<1x8x512xf32>
      %squeeze3A_91 = vector.shape_cast %slice3A_90 : vector<1x8x512xf32> to vector<8x512xf32>
      %mul3A_92 = arith.mulf %squeeze3A_89, %squeeze3A_91 : vector<8x512xf32>
      %add3A_93 = arith.addf %mul3A_87, %mul3A_92 : vector<8x512xf32>
      %slice3A_94 = vector.extract_strided_slice %get3A_67 {offsets = [2, 0, 0], sizes = [1, 8, 512], strides = [1, 1, 1]} : vector<3x8x512xf32> to vector<1x8x512xf32>
      %squeeze3A_95 = vector.shape_cast %slice3A_94 : vector<1x8x512xf32> to vector<8x512xf32>
      %slice3A_96 = vector.extract_strided_slice %get3A_10 {offsets = [2, 0, 0], sizes = [1, 8, 512], strides = [1, 1, 1]} : vector<3x8x512xf32> to vector<1x8x512xf32>
      %squeeze3A_97 = vector.shape_cast %slice3A_96 : vector<1x8x512xf32> to vector<8x512xf32>
      %mul3A_98 = arith.mulf %squeeze3A_95, %squeeze3A_97 : vector<8x512xf32>
      %add3A_99 = arith.addf %add3A_93, %mul3A_98 : vector<8x512xf32>
      %mul3A_100 = arith.mulf %add3A_82, %add3A_99 : vector<8x512xf32>
      %add3A_101 = arith.addf %scan3A_43, %mul3A_100 : vector<8x512xf32>
      %mul3A_102 = arith.constant 8 : i32
      %mul3A_103 = arith.muli %mul3A_102, %scan3A_42 : i32
      %add3A_104 = arith.constant 1 : i32
      %add3A_105 = arith.addi %mul3A_103, %add3A_104 : i32
      %get3A_106 = arith.constant 0 : index
      %get3A_107 = arith.index_cast %add3A_105 : i32 to index
      %get3A_108 = arith.constant 0 : index
      %get3A_109 = arith.constant 0 : index
      %get3A_110 = arith.constant 0 : index
      %get3A_111 = vector.load %arg2[%get3A_106, %get3A_107, %get3A_108, %get3A_109, %get3A_110] : memref<1x128x3x8x512xf32, #tpu.memory_space<vmem>>, vector<1x1x3x8x512xf32>
      %get3A_112 = vector.shape_cast %get3A_111 : vector<1x1x3x8x512xf32> to vector<3x8x512xf32>
      %get3A_113 = arith.constant 0 : index
      %get3A_114 = arith.index_cast %add3A_105 : i32 to index
      %get3A_115 = arith.constant 0 : index
      %get3A_116 = arith.constant 0 : index
      %get3A_117 = arith.constant 0 : index
      %get3A_118 = vector.load %arg3[%get3A_113, %get3A_114, %get3A_115, %get3A_116, %get3A_117] : memref<1x128x3x8x512xf32, #tpu.memory_space<vmem>>, vector<1x1x3x8x512xf32>
      %get3A_119 = vector.shape_cast %get3A_118 : vector<1x1x3x8x512xf32> to vector<3x8x512xf32>
      %slice3A_120 = vector.extract_strided_slice %get3A_112 {offsets = [0, 0, 0], sizes = [1, 8, 512], strides = [1, 1, 1]} : vector<3x8x512xf32> to vector<1x8x512xf32>
      %squeeze3A_121 = vector.shape_cast %slice3A_120 : vector<1x8x512xf32> to vector<8x512xf32>
      %slice3A_122 = vector.extract_strided_slice %get3A_4 {offsets = [0, 0, 0], sizes = [1, 8, 512], strides = [1, 1, 1]} : vector<3x8x512xf32> to vector<1x8x512xf32>
      %squeeze3A_123 = vector.shape_cast %slice3A_122 : vector<1x8x512xf32> to vector<8x512xf32>
      %mul3A_124 = arith.mulf %squeeze3A_121, %squeeze3A_123 : vector<8x512xf32>
      %slice3A_125 = vector.extract_strided_slice %get3A_112 {offsets = [1, 0, 0], sizes = [1, 8, 512], strides = [1, 1, 1]} : vector<3x8x512xf32> to vector<1x8x512xf32>
      %squeeze3A_126 = vector.shape_cast %slice3A_125 : vector<1x8x512xf32> to vector<8x512xf32>
      %slice3A_127 = vector.extract_strided_slice %get3A_4 {offsets = [1, 0, 0], sizes = [1, 8, 512], strides = [1, 1, 1]} : vector<3x8x512xf32> to vector<1x8x512xf32>
      %squeeze3A_128 = vector.shape_cast %slice3A_127 : vector<1x8x512xf32> to vector<8x512xf32>
      %mul3A_129 = arith.mulf %squeeze3A_126, %squeeze3A_128 : vector<8x512xf32>
      %add3A_130 = arith.addf %mul3A_124, %mul3A_129 : vector<8x512xf32>
      %slice3A_131 = vector.extract_strided_slice %get3A_112 {offsets = [2, 0, 0], sizes = [1, 8, 512], strides = [1, 1, 1]} : vector<3x8x512xf32> to vector<1x8x512xf32>
      %squeeze3A_132 = vector.shape_cast %slice3A_131 : vector<1x8x512xf32> to vector<8x512xf32>
      %slice3A_133 = vector.extract_strided_slice %get3A_4 {offsets = [2, 0, 0], sizes = [1, 8, 512], strides = [1, 1, 1]} : vector<3x8x512xf32> to vector<1x8x512xf32>
      %squeeze3A_134 = vector.shape_cast %slice3A_133 : vector<1x8x512xf32> to vector<8x512xf32>
      %mul3A_135 = arith.mulf %squeeze3A_132, %squeeze3A_134 : vector<8x512xf32>
      %add3A_136 = arith.addf %add3A_130, %mul3A_135 : vector<8x512xf32>
      %slice3A_137 = vector.extract_strided_slice %get3A_119 {offsets = [0, 0, 0], sizes = [1, 8, 512], strides = [1, 1, 1]} : vector<3x8x512xf32> to vector<1x8x512xf32>
      %squeeze3A_138 = vector.shape_cast %slice3A_137 : vector<1x8x512xf32> to vector<8x512xf32>
      %slice3A_139 = vector.extract_strided_slice %get3A_10 {offsets = [0, 0, 0], sizes = [1, 8, 512], strides = [1, 1, 1]} : vector<3x8x512xf32> to vector<1x8x512xf32>
      %squeeze3A_140 = vector.shape_cast %slice3A_139 : vector<1x8x512xf32> to vector<8x512xf32>
      %mul3A_141 = arith.mulf %squeeze3A_138, %squeeze3A_140 : vector<8x512xf32>
      %slice3A_142 = vector.extract_strided_slice %get3A_119 {offsets = [1, 0, 0], sizes = [1, 8, 512], strides = [1, 1, 1]} : vector<3x8x512xf32> to vector<1x8x512xf32>
      %squeeze3A_143 = vector.shape_cast %slice3A_142 : vector<1x8x512xf32> to vector<8x512xf32>
      %slice3A_144 = vector.extract_strided_slice %get3A_10 {offsets = [1, 0, 0], sizes = [1, 8, 512], strides = [1, 1, 1]} : vector<3x8x512xf32> to vector<1x8x512xf32>
      %squeeze3A_145 = vector.shape_cast %slice3A_144 : vector<1x8x512xf32> to vector<8x512xf32>
      %mul3A_146 = arith.mulf %squeeze3A_143, %squeeze3A_145 : vector<8x512xf32>
      %add3A_147 = arith.addf %mul3A_141, %mul3A_146 : vector<8x512xf32>
      %slice3A_148 = vector.extract_strided_slice %get3A_119 {offsets = [2, 0, 0], sizes = [1, 8, 512], strides = [1, 1, 1]} : vector<3x8x512xf32> to vector<1x8x512xf32>
      %squeeze3A_149 = vector.shape_cast %slice3A_148 : vector<1x8x512xf32> to vector<8x512xf32>
      %slice3A_150 = vector.extract_strided_slice %get3A_10 {offsets = [2, 0, 0], sizes = [1, 8, 512], strides = [1, 1, 1]} : vector<3x8x512xf32> to vector<1x8x512xf32>
      %squeeze3A_151 = vector.shape_cast %slice3A_150 : vector<1x8x512xf32> to vector<8x512xf32>
      %mul3A_152 = arith.mulf %squeeze3A_149, %squeeze3A_151 : vector<8x512xf32>
      %add3A_153 = arith.addf %add3A_147, %mul3A_152 : vector<8x512xf32>
      %mul3A_154 = arith.mulf %add3A_136, %add3A_153 : vector<8x512xf32>
      %add3A_155 = arith.addf %scan3A_44, %mul3A_154 : vector<8x512xf32>
      %mul3A_156 = arith.constant 8 : i32
      %mul3A_157 = arith.muli %mul3A_156, %scan3A_42 : i32
      %add3A_158 = arith.constant 2 : i32
      %add3A_159 = arith.addi %mul3A_157, %add3A_158 : i32
      %get3A_160 = arith.constant 0 : index
      %get3A_161 = arith.index_cast %add3A_159 : i32 to index
      %get3A_162 = arith.constant 0 : index
      %get3A_163 = arith.constant 0 : index
      %get3A_164 = arith.constant 0 : index
      %get3A_165 = vector.load %arg2[%get3A_160, %get3A_161, %get3A_162, %get3A_163, %get3A_164] : memref<1x128x3x8x512xf32, #tpu.memory_space<vmem>>, vector<1x1x3x8x512xf32>
      %get3A_166 = vector.shape_cast %get3A_165 : vector<1x1x3x8x512xf32> to vector<3x8x512xf32>
      %get3A_167 = arith.constant 0 : index
      %get3A_168 = arith.index_cast %add3A_159 : i32 to index
      %get3A_169 = arith.constant 0 : index
      %get3A_170 = arith.constant 0 : index
      %get3A_171 = arith.constant 0 : index
      %get3A_172 = vector.load %arg3[%get3A_167, %get3A_168, %get3A_169, %get3A_170, %get3A_171] : memref<1x128x3x8x512xf32, #tpu.memory_space<vmem>>, vector<1x1x3x8x512xf32>
      %get3A_173 = vector.shape_cast %get3A_172 : vector<1x1x3x8x512xf32> to vector<3x8x512xf32>
      %slice3A_174 = vector.extract_strided_slice %get3A_166 {offsets = [0, 0, 0], sizes = [1, 8, 512], strides = [1, 1, 1]} : vector<3x8x512xf32> to vector<1x8x512xf32>
      %squeeze3A_175 = vector.shape_cast %slice3A_174 : vector<1x8x512xf32> to vector<8x512xf32>
      %slice3A_176 = vector.extract_strided_slice %get3A_4 {offsets = [0, 0, 0], sizes = [1, 8, 512], strides = [1, 1, 1]} : vector<3x8x512xf32> to vector<1x8x512xf32>
      %squeeze3A_177 = vector.shape_cast %slice3A_176 : vector<1x8x512xf32> to vector<8x512xf32>
      %mul3A_178 = arith.mulf %squeeze3A_175, %squeeze3A_177 : vector<8x512xf32>
      %slice3A_179 = vector.extract_strided_slice %get3A_166 {offsets = [1, 0, 0], sizes = [1, 8, 512], strides = [1, 1, 1]} : vector<3x8x512xf32> to vector<1x8x512xf32>
      %squeeze3A_180 = vector.shape_cast %slice3A_179 : vector<1x8x512xf32> to vector<8x512xf32>
      %slice3A_181 = vector.extract_strided_slice %get3A_4 {offsets = [1, 0, 0], sizes = [1, 8, 512], strides = [1, 1, 1]} : vector<3x8x512xf32> to vector<1x8x512xf32>
      %squeeze3A_182 = vector.shape_cast %slice3A_181 : vector<1x8x512xf32> to vector<8x512xf32>
      %mul3A_183 = arith.mulf %squeeze3A_180, %squeeze3A_182 : vector<8x512xf32>
      %add3A_184 = arith.addf %mul3A_178, %mul3A_183 : vector<8x512xf32>
      %slice3A_185 = vector.extract_strided_slice %get3A_166 {offsets = [2, 0, 0], sizes = [1, 8, 512], strides = [1, 1, 1]} : vector<3x8x512xf32> to vector<1x8x512xf32>
      %squeeze3A_186 = vector.shape_cast %slice3A_185 : vector<1x8x512xf32> to vector<8x512xf32>
      %slice3A_187 = vector.extract_strided_slice %get3A_4 {offsets = [2, 0, 0], sizes = [1, 8, 512], strides = [1, 1, 1]} : vector<3x8x512xf32> to vector<1x8x512xf32>
      %squeeze3A_188 = vector.shape_cast %slice3A_187 : vector<1x8x512xf32> to vector<8x512xf32>
      %mul3A_189 = arith.mulf %squeeze3A_186, %squeeze3A_188 : vector<8x512xf32>
      %add3A_190 = arith.addf %add3A_184, %mul3A_189 : vector<8x512xf32>
      %slice3A_191 = vector.extract_strided_slice %get3A_173 {offsets = [0, 0, 0], sizes = [1, 8, 512], strides = [1, 1, 1]} : vector<3x8x512xf32> to vector<1x8x512xf32>
      %squeeze3A_192 = vector.shape_cast %slice3A_191 : vector<1x8x512xf32> to vector<8x512xf32>
      %slice3A_193 = vector.extract_strided_slice %get3A_10 {offsets = [0, 0, 0], sizes = [1, 8, 512], strides = [1, 1, 1]} : vector<3x8x512xf32> to vector<1x8x512xf32>
      %squeeze3A_194 = vector.shape_cast %slice3A_193 : vector<1x8x512xf32> to vector<8x512xf32>
      %mul3A_195 = arith.mulf %squeeze3A_192, %squeeze3A_194 : vector<8x512xf32>
      %slice3A_196 = vector.extract_strided_slice %get3A_173 {offsets = [1, 0, 0], sizes = [1, 8, 512], strides = [1, 1, 1]} : vector<3x8x512xf32> to vector<1x8x512xf32>
      %squeeze3A_197 = vector.shape_cast %slice3A_196 : vector<1x8x512xf32> to vector<8x512xf32>
      %slice3A_198 = vector.extract_strided_slice %get3A_10 {offsets = [1, 0, 0], sizes = [1, 8, 512], strides = [1, 1, 1]} : vector<3x8x512xf32> to vector<1x8x512xf32>
      %squeeze3A_199 = vector.shape_cast %slice3A_198 : vector<1x8x512xf32> to vector<8x512xf32>
      %mul3A_200 = arith.mulf %squeeze3A_197, %squeeze3A_199 : vector<8x512xf32>
      %add3A_201 = arith.addf %mul3A_195, %mul3A_200 : vector<8x512xf32>
      %slice3A_202 = vector.extract_strided_slice %get3A_173 {offsets = [2, 0, 0], sizes = [1, 8, 512], strides = [1, 1, 1]} : vector<3x8x512xf32> to vector<1x8x512xf32>
      %squeeze3A_203 = vector.shape_cast %slice3A_202 : vector<1x8x512xf32> to vector<8x512xf32>
      %slice3A_204 = vector.extract_strided_slice %get3A_10 {offsets = [2, 0, 0], sizes = [1, 8, 512], strides = [1, 1, 1]} : vector<3x8x512xf32> to vector<1x8x512xf32>
      %squeeze3A_205 = vector.shape_cast %slice3A_204 : vector<1x8x512xf32> to vector<8x512xf32>
      %mul3A_206 = arith.mulf %squeeze3A_203, %squeeze3A_205 : vector<8x512xf32>
      %add3A_207 = arith.addf %add3A_201, %mul3A_206 : vector<8x512xf32>
      %mul3A_208 = arith.mulf %add3A_190, %add3A_207 : vector<8x512xf32>
      %add3A_209 = arith.addf %scan3A_45, %mul3A_208 : vector<8x512xf32>
      %mul3A_210 = arith.constant 8 : i32
      %mul3A_211 = arith.muli %mul3A_210, %scan3A_42 : i32
      %add3A_212 = arith.constant 3 : i32
      %add3A_213 = arith.addi %mul3A_211, %add3A_212 : i32
      %get3A_214 = arith.constant 0 : index
      %get3A_215 = arith.index_cast %add3A_213 : i32 to index
      %get3A_216 = arith.constant 0 : index
      %get3A_217 = arith.constant 0 : index
      %get3A_218 = arith.constant 0 : index
      %get3A_219 = vector.load %arg2[%get3A_214, %get3A_215, %get3A_216, %get3A_217, %get3A_218] : memref<1x128x3x8x512xf32, #tpu.memory_space<vmem>>, vector<1x1x3x8x512xf32>
      %get3A_220 = vector.shape_cast %get3A_219 : vector<1x1x3x8x512xf32> to vector<3x8x512xf32>
      %get3A_221 = arith.constant 0 : index
      %get3A_222 = arith.index_cast %add3A_213 : i32 to index
      %get3A_223 = arith.constant 0 : index
      %get3A_224 = arith.constant 0 : index
      %get3A_225 = arith.constant 0 : index
      %get3A_226 = vector.load %arg3[%get3A_221, %get3A_222, %get3A_223, %get3A_224, %get3A_225] : memref<1x128x3x8x512xf32, #tpu.memory_space<vmem>>, vector<1x1x3x8x512xf32>
      %get3A_227 = vector.shape_cast %get3A_226 : vector<1x1x3x8x512xf32> to vector<3x8x512xf32>
      %slice3A_228 = vector.extract_strided_slice %get3A_220 {offsets = [0, 0, 0], sizes = [1, 8, 512], strides = [1, 1, 1]} : vector<3x8x512xf32> to vector<1x8x512xf32>
      %squeeze3A_229 = vector.shape_cast %slice3A_228 : vector<1x8x512xf32> to vector<8x512xf32>
      %slice3A_230 = vector.extract_strided_slice %get3A_4 {offsets = [0, 0, 0], sizes = [1, 8, 512], strides = [1, 1, 1]} : vector<3x8x512xf32> to vector<1x8x512xf32>
      %squeeze3A_231 = vector.shape_cast %slice3A_230 : vector<1x8x512xf32> to vector<8x512xf32>
      %mul3A_232 = arith.mulf %squeeze3A_229, %squeeze3A_231 : vector<8x512xf32>
      %slice3A_233 = vector.extract_strided_slice %get3A_220 {offsets = [1, 0, 0], sizes = [1, 8, 512], strides = [1, 1, 1]} : vector<3x8x512xf32> to vector<1x8x512xf32>
      %squeeze3A_234 = vector.shape_cast %slice3A_233 : vector<1x8x512xf32> to vector<8x512xf32>
      %slice3A_235 = vector.extract_strided_slice %get3A_4 {offsets = [1, 0, 0], sizes = [1, 8, 512], strides = [1, 1, 1]} : vector<3x8x512xf32> to vector<1x8x512xf32>
      %squeeze3A_236 = vector.shape_cast %slice3A_235 : vector<1x8x512xf32> to vector<8x512xf32>
      %mul3A_237 = arith.mulf %squeeze3A_234, %squeeze3A_236 : vector<8x512xf32>
      %add3A_238 = arith.addf %mul3A_232, %mul3A_237 : vector<8x512xf32>
      %slice3A_239 = vector.extract_strided_slice %get3A_220 {offsets = [2, 0, 0], sizes = [1, 8, 512], strides = [1, 1, 1]} : vector<3x8x512xf32> to vector<1x8x512xf32>
      %squeeze3A_240 = vector.shape_cast %slice3A_239 : vector<1x8x512xf32> to vector<8x512xf32>
      %slice3A_241 = vector.extract_strided_slice %get3A_4 {offsets = [2, 0, 0], sizes = [1, 8, 512], strides = [1, 1, 1]} : vector<3x8x512xf32> to vector<1x8x512xf32>
      %squeeze3A_242 = vector.shape_cast %slice3A_241 : vector<1x8x512xf32> to vector<8x512xf32>
      %mul3A_243 = arith.mulf %squeeze3A_240, %squeeze3A_242 : vector<8x512xf32>
      %add3A_244 = arith.addf %add3A_238, %mul3A_243 : vector<8x512xf32>
      %slice3A_245 = vector.extract_strided_slice %get3A_227 {offsets = [0, 0, 0], sizes = [1, 8, 512], strides = [1, 1, 1]} : vector<3x8x512xf32> to vector<1x8x512xf32>
      %squeeze3A_246 = vector.shape_cast %slice3A_245 : vector<1x8x512xf32> to vector<8x512xf32>
      %slice3A_247 = vector.extract_strided_slice %get3A_10 {offsets = [0, 0, 0], sizes = [1, 8, 512], strides = [1, 1, 1]} : vector<3x8x512xf32> to vector<1x8x512xf32>
      %squeeze3A_248 = vector.shape_cast %slice3A_247 : vector<1x8x512xf32> to vector<8x512xf32>
      %mul3A_249 = arith.mulf %squeeze3A_246, %squeeze3A_248 : vector<8x512xf32>
      %slice3A_250 = vector.extract_strided_slice %get3A_227 {offsets = [1, 0, 0], sizes = [1, 8, 512], strides = [1, 1, 1]} : vector<3x8x512xf32> to vector<1x8x512xf32>
      %squeeze3A_251 = vector.shape_cast %slice3A_250 : vector<1x8x512xf32> to vector<8x512xf32>
      %slice3A_252 = vector.extract_strided_slice %get3A_10 {offsets = [1, 0, 0], sizes = [1, 8, 512], strides = [1, 1, 1]} : vector<3x8x512xf32> to vector<1x8x512xf32>
      %squeeze3A_253 = vector.shape_cast %slice3A_252 : vector<1x8x512xf32> to vector<8x512xf32>
      %mul3A_254 = arith.mulf %squeeze3A_251, %squeeze3A_253 : vector<8x512xf32>
      %add3A_255 = arith.addf %mul3A_249, %mul3A_254 : vector<8x512xf32>
      %slice3A_256 = vector.extract_strided_slice %get3A_227 {offsets = [2, 0, 0], sizes = [1, 8, 512], strides = [1, 1, 1]} : vector<3x8x512xf32> to vector<1x8x512xf32>
      %squeeze3A_257 = vector.shape_cast %slice3A_256 : vector<1x8x512xf32> to vector<8x512xf32>
      %slice3A_258 = vector.extract_strided_slice %get3A_10 {offsets = [2, 0, 0], sizes = [1, 8, 512], strides = [1, 1, 1]} : vector<3x8x512xf32> to vector<1x8x512xf32>
      %squeeze3A_259 = vector.shape_cast %slice3A_258 : vector<1x8x512xf32> to vector<8x512xf32>
      %mul3A_260 = arith.mulf %squeeze3A_257, %squeeze3A_259 : vector<8x512xf32>
      %add3A_261 = arith.addf %add3A_255, %mul3A_260 : vector<8x512xf32>
      %mul3A_262 = arith.mulf %add3A_244, %add3A_261 : vector<8x512xf32>
      %add3A_263 = arith.addf %scan3A_46, %mul3A_262 : vector<8x512xf32>
      %mul3A_264 = arith.constant 8 : i32
      %mul3A_265 = arith.muli %mul3A_264, %scan3A_42 : i32
      %add3A_266 = arith.constant 4 : i32
      %add3A_267 = arith.addi %mul3A_265, %add3A_266 : i32
      %get3A_268 = arith.constant 0 : index
      %get3A_269 = arith.index_cast %add3A_267 : i32 to index
      %get3A_270 = arith.constant 0 : index
      %get3A_271 = arith.constant 0 : index
      %get3A_272 = arith.constant 0 : index
      %get3A_273 = vector.load %arg2[%get3A_268, %get3A_269, %get3A_270, %get3A_271, %get3A_272] : memref<1x128x3x8x512xf32, #tpu.memory_space<vmem>>, vector<1x1x3x8x512xf32>
      %get3A_274 = vector.shape_cast %get3A_273 : vector<1x1x3x8x512xf32> to vector<3x8x512xf32>
      %get3A_275 = arith.constant 0 : index
      %get3A_276 = arith.index_cast %add3A_267 : i32 to index
      %get3A_277 = arith.constant 0 : index
      %get3A_278 = arith.constant 0 : index
      %get3A_279 = arith.constant 0 : index
      %get3A_280 = vector.load %arg3[%get3A_275, %get3A_276, %get3A_277, %get3A_278, %get3A_279] : memref<1x128x3x8x512xf32, #tpu.memory_space<vmem>>, vector<1x1x3x8x512xf32>
      %get3A_281 = vector.shape_cast %get3A_280 : vector<1x1x3x8x512xf32> to vector<3x8x512xf32>
      %slice3A_282 = vector.extract_strided_slice %get3A_274 {offsets = [0, 0, 0], sizes = [1, 8, 512], strides = [1, 1, 1]} : vector<3x8x512xf32> to vector<1x8x512xf32>
      %squeeze3A_283 = vector.shape_cast %slice3A_282 : vector<1x8x512xf32> to vector<8x512xf32>
      %slice3A_284 = vector.extract_strided_slice %get3A_4 {offsets = [0, 0, 0], sizes = [1, 8, 512], strides = [1, 1, 1]} : vector<3x8x512xf32> to vector<1x8x512xf32>
      %squeeze3A_285 = vector.shape_cast %slice3A_284 : vector<1x8x512xf32> to vector<8x512xf32>
      %mul3A_286 = arith.mulf %squeeze3A_283, %squeeze3A_285 : vector<8x512xf32>
      %slice3A_287 = vector.extract_strided_slice %get3A_274 {offsets = [1, 0, 0], sizes = [1, 8, 512], strides = [1, 1, 1]} : vector<3x8x512xf32> to vector<1x8x512xf32>
      %squeeze3A_288 = vector.shape_cast %slice3A_287 : vector<1x8x512xf32> to vector<8x512xf32>
      %slice3A_289 = vector.extract_strided_slice %get3A_4 {offsets = [1, 0, 0], sizes = [1, 8, 512], strides = [1, 1, 1]} : vector<3x8x512xf32> to vector<1x8x512xf32>
      %squeeze3A_290 = vector.shape_cast %slice3A_289 : vector<1x8x512xf32> to vector<8x512xf32>
      %mul3A_291 = arith.mulf %squeeze3A_288, %squeeze3A_290 : vector<8x512xf32>
      %add3A_292 = arith.addf %mul3A_286, %mul3A_291 : vector<8x512xf32>
      %slice3A_293 = vector.extract_strided_slice %get3A_274 {offsets = [2, 0, 0], sizes = [1, 8, 512], strides = [1, 1, 1]} : vector<3x8x512xf32> to vector<1x8x512xf32>
      %squeeze3A_294 = vector.shape_cast %slice3A_293 : vector<1x8x512xf32> to vector<8x512xf32>
      %slice3A_295 = vector.extract_strided_slice %get3A_4 {offsets = [2, 0, 0], sizes = [1, 8, 512], strides = [1, 1, 1]} : vector<3x8x512xf32> to vector<1x8x512xf32>
      %squeeze3A_296 = vector.shape_cast %slice3A_295 : vector<1x8x512xf32> to vector<8x512xf32>
      %mul3A_297 = arith.mulf %squeeze3A_294, %squeeze3A_296 : vector<8x512xf32>
      %add3A_298 = arith.addf %add3A_292, %mul3A_297 : vector<8x512xf32>
      %slice3A_299 = vector.extract_strided_slice %get3A_281 {offsets = [0, 0, 0], sizes = [1, 8, 512], strides = [1, 1, 1]} : vector<3x8x512xf32> to vector<1x8x512xf32>
      %squeeze3A_300 = vector.shape_cast %slice3A_299 : vector<1x8x512xf32> to vector<8x512xf32>
      %slice3A_301 = vector.extract_strided_slice %get3A_10 {offsets = [0, 0, 0], sizes = [1, 8, 512], strides = [1, 1, 1]} : vector<3x8x512xf32> to vector<1x8x512xf32>
      %squeeze3A_302 = vector.shape_cast %slice3A_301 : vector<1x8x512xf32> to vector<8x512xf32>
      %mul3A_303 = arith.mulf %squeeze3A_300, %squeeze3A_302 : vector<8x512xf32>
      %slice3A_304 = vector.extract_strided_slice %get3A_281 {offsets = [1, 0, 0], sizes = [1, 8, 512], strides = [1, 1, 1]} : vector<3x8x512xf32> to vector<1x8x512xf32>
      %squeeze3A_305 = vector.shape_cast %slice3A_304 : vector<1x8x512xf32> to vector<8x512xf32>
      %slice3A_306 = vector.extract_strided_slice %get3A_10 {offsets = [1, 0, 0], sizes = [1, 8, 512], strides = [1, 1, 1]} : vector<3x8x512xf32> to vector<1x8x512xf32>
      %squeeze3A_307 = vector.shape_cast %slice3A_306 : vector<1x8x512xf32> to vector<8x512xf32>
      %mul3A_308 = arith.mulf %squeeze3A_305, %squeeze3A_307 : vector<8x512xf32>
      %add3A_309 = arith.addf %mul3A_303, %mul3A_308 : vector<8x512xf32>
      %slice3A_310 = vector.extract_strided_slice %get3A_281 {offsets = [2, 0, 0], sizes = [1, 8, 512], strides = [1, 1, 1]} : vector<3x8x512xf32> to vector<1x8x512xf32>
      %squeeze3A_311 = vector.shape_cast %slice3A_310 : vector<1x8x512xf32> to vector<8x512xf32>
      %slice3A_312 = vector.extract_strided_slice %get3A_10 {offsets = [2, 0, 0], sizes = [1, 8, 512], strides = [1, 1, 1]} : vector<3x8x512xf32> to vector<1x8x512xf32>
      %squeeze3A_313 = vector.shape_cast %slice3A_312 : vector<1x8x512xf32> to vector<8x512xf32>
      %mul3A_314 = arith.mulf %squeeze3A_311, %squeeze3A_313 : vector<8x512xf32>
      %add3A_315 = arith.addf %add3A_309, %mul3A_314 : vector<8x512xf32>
      %mul3A_316 = arith.mulf %add3A_298, %add3A_315 : vector<8x512xf32>
      %add3A_317 = arith.addf %scan3A_47, %mul3A_316 : vector<8x512xf32>
      %mul3A_318 = arith.constant 8 : i32
      %mul3A_319 = arith.muli %mul3A_318, %scan3A_42 : i32
      %add3A_320 = arith.constant 5 : i32
      %add3A_321 = arith.addi %mul3A_319, %add3A_320 : i32
      %get3A_322 = arith.constant 0 : index
      %get3A_323 = arith.index_cast %add3A_321 : i32 to index
      %get3A_324 = arith.constant 0 : index
      %get3A_325 = arith.constant 0 : index
      %get3A_326 = arith.constant 0 : index
      %get3A_327 = vector.load %arg2[%get3A_322, %get3A_323, %get3A_324, %get3A_325, %get3A_326] : memref<1x128x3x8x512xf32, #tpu.memory_space<vmem>>, vector<1x1x3x8x512xf32>
      %get3A_328 = vector.shape_cast %get3A_327 : vector<1x1x3x8x512xf32> to vector<3x8x512xf32>
      %get3A_329 = arith.constant 0 : index
      %get3A_330 = arith.index_cast %add3A_321 : i32 to index
      %get3A_331 = arith.constant 0 : index
      %get3A_332 = arith.constant 0 : index
      %get3A_333 = arith.constant 0 : index
      %get3A_334 = vector.load %arg3[%get3A_329, %get3A_330, %get3A_331, %get3A_332, %get3A_333] : memref<1x128x3x8x512xf32, #tpu.memory_space<vmem>>, vector<1x1x3x8x512xf32>
      %get3A_335 = vector.shape_cast %get3A_334 : vector<1x1x3x8x512xf32> to vector<3x8x512xf32>
      %slice3A_336 = vector.extract_strided_slice %get3A_328 {offsets = [0, 0, 0], sizes = [1, 8, 512], strides = [1, 1, 1]} : vector<3x8x512xf32> to vector<1x8x512xf32>
      %squeeze3A_337 = vector.shape_cast %slice3A_336 : vector<1x8x512xf32> to vector<8x512xf32>
      %slice3A_338 = vector.extract_strided_slice %get3A_4 {offsets = [0, 0, 0], sizes = [1, 8, 512], strides = [1, 1, 1]} : vector<3x8x512xf32> to vector<1x8x512xf32>
      %squeeze3A_339 = vector.shape_cast %slice3A_338 : vector<1x8x512xf32> to vector<8x512xf32>
      %mul3A_340 = arith.mulf %squeeze3A_337, %squeeze3A_339 : vector<8x512xf32>
      %slice3A_341 = vector.extract_strided_slice %get3A_328 {offsets = [1, 0, 0], sizes = [1, 8, 512], strides = [1, 1, 1]} : vector<3x8x512xf32> to vector<1x8x512xf32>
      %squeeze3A_342 = vector.shape_cast %slice3A_341 : vector<1x8x512xf32> to vector<8x512xf32>
      %slice3A_343 = vector.extract_strided_slice %get3A_4 {offsets = [1, 0, 0], sizes = [1, 8, 512], strides = [1, 1, 1]} : vector<3x8x512xf32> to vector<1x8x512xf32>
      %squeeze3A_344 = vector.shape_cast %slice3A_343 : vector<1x8x512xf32> to vector<8x512xf32>
      %mul3A_345 = arith.mulf %squeeze3A_342, %squeeze3A_344 : vector<8x512xf32>
      %add3A_346 = arith.addf %mul3A_340, %mul3A_345 : vector<8x512xf32>
      %slice3A_347 = vector.extract_strided_slice %get3A_328 {offsets = [2, 0, 0], sizes = [1, 8, 512], strides = [1, 1, 1]} : vector<3x8x512xf32> to vector<1x8x512xf32>
      %squeeze3A_348 = vector.shape_cast %slice3A_347 : vector<1x8x512xf32> to vector<8x512xf32>
      %slice3A_349 = vector.extract_strided_slice %get3A_4 {offsets = [2, 0, 0], sizes = [1, 8, 512], strides = [1, 1, 1]} : vector<3x8x512xf32> to vector<1x8x512xf32>
      %squeeze3A_350 = vector.shape_cast %slice3A_349 : vector<1x8x512xf32> to vector<8x512xf32>
      %mul3A_351 = arith.mulf %squeeze3A_348, %squeeze3A_350 : vector<8x512xf32>
      %add3A_352 = arith.addf %add3A_346, %mul3A_351 : vector<8x512xf32>
      %slice3A_353 = vector.extract_strided_slice %get3A_335 {offsets = [0, 0, 0], sizes = [1, 8, 512], strides = [1, 1, 1]} : vector<3x8x512xf32> to vector<1x8x512xf32>
      %squeeze3A_354 = vector.shape_cast %slice3A_353 : vector<1x8x512xf32> to vector<8x512xf32>
      %slice3A_355 = vector.extract_strided_slice %get3A_10 {offsets = [0, 0, 0], sizes = [1, 8, 512], strides = [1, 1, 1]} : vector<3x8x512xf32> to vector<1x8x512xf32>
      %squeeze3A_356 = vector.shape_cast %slice3A_355 : vector<1x8x512xf32> to vector<8x512xf32>
      %mul3A_357 = arith.mulf %squeeze3A_354, %squeeze3A_356 : vector<8x512xf32>
      %slice3A_358 = vector.extract_strided_slice %get3A_335 {offsets = [1, 0, 0], sizes = [1, 8, 512], strides = [1, 1, 1]} : vector<3x8x512xf32> to vector<1x8x512xf32>
      %squeeze3A_359 = vector.shape_cast %slice3A_358 : vector<1x8x512xf32> to vector<8x512xf32>
      %slice3A_360 = vector.extract_strided_slice %get3A_10 {offsets = [1, 0, 0], sizes = [1, 8, 512], strides = [1, 1, 1]} : vector<3x8x512xf32> to vector<1x8x512xf32>
      %squeeze3A_361 = vector.shape_cast %slice3A_360 : vector<1x8x512xf32> to vector<8x512xf32>
      %mul3A_362 = arith.mulf %squeeze3A_359, %squeeze3A_361 : vector<8x512xf32>
      %add3A_363 = arith.addf %mul3A_357, %mul3A_362 : vector<8x512xf32>
      %slice3A_364 = vector.extract_strided_slice %get3A_335 {offsets = [2, 0, 0], sizes = [1, 8, 512], strides = [1, 1, 1]} : vector<3x8x512xf32> to vector<1x8x512xf32>
      %squeeze3A_365 = vector.shape_cast %slice3A_364 : vector<1x8x512xf32> to vector<8x512xf32>
      %slice3A_366 = vector.extract_strided_slice %get3A_10 {offsets = [2, 0, 0], sizes = [1, 8, 512], strides = [1, 1, 1]} : vector<3x8x512xf32> to vector<1x8x512xf32>
      %squeeze3A_367 = vector.shape_cast %slice3A_366 : vector<1x8x512xf32> to vector<8x512xf32>
      %mul3A_368 = arith.mulf %squeeze3A_365, %squeeze3A_367 : vector<8x512xf32>
      %add3A_369 = arith.addf %add3A_363, %mul3A_368 : vector<8x512xf32>
      %mul3A_370 = arith.mulf %add3A_352, %add3A_369 : vector<8x512xf32>
      %add3A_371 = arith.addf %scan3A_48, %mul3A_370 : vector<8x512xf32>
      %mul3A_372 = arith.constant 8 : i32
      %mul3A_373 = arith.muli %mul3A_372, %scan3A_42 : i32
      %add3A_374 = arith.constant 6 : i32
      %add3A_375 = arith.addi %mul3A_373, %add3A_374 : i32
      %get3A_376 = arith.constant 0 : index
      %get3A_377 = arith.index_cast %add3A_375 : i32 to index
      %get3A_378 = arith.constant 0 : index
      %get3A_379 = arith.constant 0 : index
      %get3A_380 = arith.constant 0 : index
      %get3A_381 = vector.load %arg2[%get3A_376, %get3A_377, %get3A_378, %get3A_379, %get3A_380] : memref<1x128x3x8x512xf32, #tpu.memory_space<vmem>>, vector<1x1x3x8x512xf32>
      %get3A_382 = vector.shape_cast %get3A_381 : vector<1x1x3x8x512xf32> to vector<3x8x512xf32>
      %get3A_383 = arith.constant 0 : index
      %get3A_384 = arith.index_cast %add3A_375 : i32 to index
      %get3A_385 = arith.constant 0 : index
      %get3A_386 = arith.constant 0 : index
      %get3A_387 = arith.constant 0 : index
      %get3A_388 = vector.load %arg3[%get3A_383, %get3A_384, %get3A_385, %get3A_386, %get3A_387] : memref<1x128x3x8x512xf32, #tpu.memory_space<vmem>>, vector<1x1x3x8x512xf32>
      %get3A_389 = vector.shape_cast %get3A_388 : vector<1x1x3x8x512xf32> to vector<3x8x512xf32>
      %slice3A_390 = vector.extract_strided_slice %get3A_382 {offsets = [0, 0, 0], sizes = [1, 8, 512], strides = [1, 1, 1]} : vector<3x8x512xf32> to vector<1x8x512xf32>
      %squeeze3A_391 = vector.shape_cast %slice3A_390 : vector<1x8x512xf32> to vector<8x512xf32>
      %slice3A_392 = vector.extract_strided_slice %get3A_4 {offsets = [0, 0, 0], sizes = [1, 8, 512], strides = [1, 1, 1]} : vector<3x8x512xf32> to vector<1x8x512xf32>
      %squeeze3A_393 = vector.shape_cast %slice3A_392 : vector<1x8x512xf32> to vector<8x512xf32>
      %mul3A_394 = arith.mulf %squeeze3A_391, %squeeze3A_393 : vector<8x512xf32>
      %slice3A_395 = vector.extract_strided_slice %get3A_382 {offsets = [1, 0, 0], sizes = [1, 8, 512], strides = [1, 1, 1]} : vector<3x8x512xf32> to vector<1x8x512xf32>
      %squeeze3A_396 = vector.shape_cast %slice3A_395 : vector<1x8x512xf32> to vector<8x512xf32>
      %slice3A_397 = vector.extract_strided_slice %get3A_4 {offsets = [1, 0, 0], sizes = [1, 8, 512], strides = [1, 1, 1]} : vector<3x8x512xf32> to vector<1x8x512xf32>
      %squeeze3A_398 = vector.shape_cast %slice3A_397 : vector<1x8x512xf32> to vector<8x512xf32>
      %mul3A_399 = arith.mulf %squeeze3A_396, %squeeze3A_398 : vector<8x512xf32>
      %add3A_400 = arith.addf %mul3A_394, %mul3A_399 : vector<8x512xf32>
      %slice3A_401 = vector.extract_strided_slice %get3A_382 {offsets = [2, 0, 0], sizes = [1, 8, 512], strides = [1, 1, 1]} : vector<3x8x512xf32> to vector<1x8x512xf32>
      %squeeze3A_402 = vector.shape_cast %slice3A_401 : vector<1x8x512xf32> to vector<8x512xf32>
      %slice3A_403 = vector.extract_strided_slice %get3A_4 {offsets = [2, 0, 0], sizes = [1, 8, 512], strides = [1, 1, 1]} : vector<3x8x512xf32> to vector<1x8x512xf32>
      %squeeze3A_404 = vector.shape_cast %slice3A_403 : vector<1x8x512xf32> to vector<8x512xf32>
      %mul3A_405 = arith.mulf %squeeze3A_402, %squeeze3A_404 : vector<8x512xf32>
      %add3A_406 = arith.addf %add3A_400, %mul3A_405 : vector<8x512xf32>
      %slice3A_407 = vector.extract_strided_slice %get3A_389 {offsets = [0, 0, 0], sizes = [1, 8, 512], strides = [1, 1, 1]} : vector<3x8x512xf32> to vector<1x8x512xf32>
      %squeeze3A_408 = vector.shape_cast %slice3A_407 : vector<1x8x512xf32> to vector<8x512xf32>
      %slice3A_409 = vector.extract_strided_slice %get3A_10 {offsets = [0, 0, 0], sizes = [1, 8, 512], strides = [1, 1, 1]} : vector<3x8x512xf32> to vector<1x8x512xf32>
      %squeeze3A_410 = vector.shape_cast %slice3A_409 : vector<1x8x512xf32> to vector<8x512xf32>
      %mul3A_411 = arith.mulf %squeeze3A_408, %squeeze3A_410 : vector<8x512xf32>
      %slice3A_412 = vector.extract_strided_slice %get3A_389 {offsets = [1, 0, 0], sizes = [1, 8, 512], strides = [1, 1, 1]} : vector<3x8x512xf32> to vector<1x8x512xf32>
      %squeeze3A_413 = vector.shape_cast %slice3A_412 : vector<1x8x512xf32> to vector<8x512xf32>
      %slice3A_414 = vector.extract_strided_slice %get3A_10 {offsets = [1, 0, 0], sizes = [1, 8, 512], strides = [1, 1, 1]} : vector<3x8x512xf32> to vector<1x8x512xf32>
      %squeeze3A_415 = vector.shape_cast %slice3A_414 : vector<1x8x512xf32> to vector<8x512xf32>
      %mul3A_416 = arith.mulf %squeeze3A_413, %squeeze3A_415 : vector<8x512xf32>
      %add3A_417 = arith.addf %mul3A_411, %mul3A_416 : vector<8x512xf32>
      %slice3A_418 = vector.extract_strided_slice %get3A_389 {offsets = [2, 0, 0], sizes = [1, 8, 512], strides = [1, 1, 1]} : vector<3x8x512xf32> to vector<1x8x512xf32>
      %squeeze3A_419 = vector.shape_cast %slice3A_418 : vector<1x8x512xf32> to vector<8x512xf32>
      %slice3A_420 = vector.extract_strided_slice %get3A_10 {offsets = [2, 0, 0], sizes = [1, 8, 512], strides = [1, 1, 1]} : vector<3x8x512xf32> to vector<1x8x512xf32>
      %squeeze3A_421 = vector.shape_cast %slice3A_420 : vector<1x8x512xf32> to vector<8x512xf32>
      %mul3A_422 = arith.mulf %squeeze3A_419, %squeeze3A_421 : vector<8x512xf32>
      %add3A_423 = arith.addf %add3A_417, %mul3A_422 : vector<8x512xf32>
      %mul3A_424 = arith.mulf %add3A_406, %add3A_423 : vector<8x512xf32>
      %add3A_425 = arith.addf %scan3A_49, %mul3A_424 : vector<8x512xf32>
      %mul3A_426 = arith.constant 8 : i32
      %mul3A_427 = arith.muli %mul3A_426, %scan3A_42 : i32
      %add3A_428 = arith.constant 7 : i32
      %add3A_429 = arith.addi %mul3A_427, %add3A_428 : i32
      %get3A_430 = arith.constant 0 : index
      %get3A_431 = arith.index_cast %add3A_429 : i32 to index
      %get3A_432 = arith.constant 0 : index
      %get3A_433 = arith.constant 0 : index
      %get3A_434 = arith.constant 0 : index
      %get3A_435 = vector.load %arg2[%get3A_430, %get3A_431, %get3A_432, %get3A_433, %get3A_434] : memref<1x128x3x8x512xf32, #tpu.memory_space<vmem>>, vector<1x1x3x8x512xf32>
      %get3A_436 = vector.shape_cast %get3A_435 : vector<1x1x3x8x512xf32> to vector<3x8x512xf32>
      %get3A_437 = arith.constant 0 : index
      %get3A_438 = arith.index_cast %add3A_429 : i32 to index
      %get3A_439 = arith.constant 0 : index
      %get3A_440 = arith.constant 0 : index
      %get3A_441 = arith.constant 0 : index
      %get3A_442 = vector.load %arg3[%get3A_437, %get3A_438, %get3A_439, %get3A_440, %get3A_441] : memref<1x128x3x8x512xf32, #tpu.memory_space<vmem>>, vector<1x1x3x8x512xf32>
      %get3A_443 = vector.shape_cast %get3A_442 : vector<1x1x3x8x512xf32> to vector<3x8x512xf32>
      %slice3A_444 = vector.extract_strided_slice %get3A_436 {offsets = [0, 0, 0], sizes = [1, 8, 512], strides = [1, 1, 1]} : vector<3x8x512xf32> to vector<1x8x512xf32>
      %squeeze3A_445 = vector.shape_cast %slice3A_444 : vector<1x8x512xf32> to vector<8x512xf32>
      %slice3A_446 = vector.extract_strided_slice %get3A_4 {offsets = [0, 0, 0], sizes = [1, 8, 512], strides = [1, 1, 1]} : vector<3x8x512xf32> to vector<1x8x512xf32>
      %squeeze3A_447 = vector.shape_cast %slice3A_446 : vector<1x8x512xf32> to vector<8x512xf32>
      %mul3A_448 = arith.mulf %squeeze3A_445, %squeeze3A_447 : vector<8x512xf32>
      %slice3A_449 = vector.extract_strided_slice %get3A_436 {offsets = [1, 0, 0], sizes = [1, 8, 512], strides = [1, 1, 1]} : vector<3x8x512xf32> to vector<1x8x512xf32>
      %squeeze3A_450 = vector.shape_cast %slice3A_449 : vector<1x8x512xf32> to vector<8x512xf32>
      %slice3A_451 = vector.extract_strided_slice %get3A_4 {offsets = [1, 0, 0], sizes = [1, 8, 512], strides = [1, 1, 1]} : vector<3x8x512xf32> to vector<1x8x512xf32>
      %squeeze3A_452 = vector.shape_cast %slice3A_451 : vector<1x8x512xf32> to vector<8x512xf32>
      %mul3A_453 = arith.mulf %squeeze3A_450, %squeeze3A_452 : vector<8x512xf32>
      %add3A_454 = arith.addf %mul3A_448, %mul3A_453 : vector<8x512xf32>
      %slice3A_455 = vector.extract_strided_slice %get3A_436 {offsets = [2, 0, 0], sizes = [1, 8, 512], strides = [1, 1, 1]} : vector<3x8x512xf32> to vector<1x8x512xf32>
      %squeeze3A_456 = vector.shape_cast %slice3A_455 : vector<1x8x512xf32> to vector<8x512xf32>
      %slice3A_457 = vector.extract_strided_slice %get3A_4 {offsets = [2, 0, 0], sizes = [1, 8, 512], strides = [1, 1, 1]} : vector<3x8x512xf32> to vector<1x8x512xf32>
      %squeeze3A_458 = vector.shape_cast %slice3A_457 : vector<1x8x512xf32> to vector<8x512xf32>
      %mul3A_459 = arith.mulf %squeeze3A_456, %squeeze3A_458 : vector<8x512xf32>
      %add3A_460 = arith.addf %add3A_454, %mul3A_459 : vector<8x512xf32>
      %slice3A_461 = vector.extract_strided_slice %get3A_443 {offsets = [0, 0, 0], sizes = [1, 8, 512], strides = [1, 1, 1]} : vector<3x8x512xf32> to vector<1x8x512xf32>
      %squeeze3A_462 = vector.shape_cast %slice3A_461 : vector<1x8x512xf32> to vector<8x512xf32>
      %slice3A_463 = vector.extract_strided_slice %get3A_10 {offsets = [0, 0, 0], sizes = [1, 8, 512], strides = [1, 1, 1]} : vector<3x8x512xf32> to vector<1x8x512xf32>
      %squeeze3A_464 = vector.shape_cast %slice3A_463 : vector<1x8x512xf32> to vector<8x512xf32>
      %mul3A_465 = arith.mulf %squeeze3A_462, %squeeze3A_464 : vector<8x512xf32>
      %slice3A_466 = vector.extract_strided_slice %get3A_443 {offsets = [1, 0, 0], sizes = [1, 8, 512], strides = [1, 1, 1]} : vector<3x8x512xf32> to vector<1x8x512xf32>
      %squeeze3A_467 = vector.shape_cast %slice3A_466 : vector<1x8x512xf32> to vector<8x512xf32>
      %slice3A_468 = vector.extract_strided_slice %get3A_10 {offsets = [1, 0, 0], sizes = [1, 8, 512], strides = [1, 1, 1]} : vector<3x8x512xf32> to vector<1x8x512xf32>
      %squeeze3A_469 = vector.shape_cast %slice3A_468 : vector<1x8x512xf32> to vector<8x512xf32>
      %mul3A_470 = arith.mulf %squeeze3A_467, %squeeze3A_469 : vector<8x512xf32>
      %add3A_471 = arith.addf %mul3A_465, %mul3A_470 : vector<8x512xf32>
      %slice3A_472 = vector.extract_strided_slice %get3A_443 {offsets = [2, 0, 0], sizes = [1, 8, 512], strides = [1, 1, 1]} : vector<3x8x512xf32> to vector<1x8x512xf32>
      %squeeze3A_473 = vector.shape_cast %slice3A_472 : vector<1x8x512xf32> to vector<8x512xf32>
      %slice3A_474 = vector.extract_strided_slice %get3A_10 {offsets = [2, 0, 0], sizes = [1, 8, 512], strides = [1, 1, 1]} : vector<3x8x512xf32> to vector<1x8x512xf32>
      %squeeze3A_475 = vector.shape_cast %slice3A_474 : vector<1x8x512xf32> to vector<8x512xf32>
      %mul3A_476 = arith.mulf %squeeze3A_473, %squeeze3A_475 : vector<8x512xf32>
      %add3A_477 = arith.addf %add3A_471, %mul3A_476 : vector<8x512xf32>
      %mul3A_478 = arith.mulf %add3A_460, %add3A_477 : vector<8x512xf32>
      %add3A_479 = arith.addf %scan3A_50, %mul3A_478 : vector<8x512xf32>
      scf.yield %add3A_101, %add3A_155, %add3A_209, %add3A_263, %add3A_317, %add3A_371, %add3A_425, %add3A_479 : vector<8x512xf32>, vector<8x512xf32>, vector<8x512xf32>, vector<8x512xf32>, vector<8x512xf32>, vector<8x512xf32>, vector<8x512xf32>, vector<8x512xf32>
    }
    %scan3A_30 = arith.constant 16 : i32
    %add3A = arith.addf %scan3A_29#7, %scan3A_29#3 : vector<8x512xf32>
    %add3A_31 = arith.addf %scan3A_29#5, %scan3A_29#1 : vector<8x512xf32>
    %add3A_32 = arith.addf %add3A, %add3A_31 : vector<8x512xf32>
    %add3A_33 = arith.addf %scan3A_29#6, %scan3A_29#2 : vector<8x512xf32>
    %add3A_34 = arith.addf %scan3A_29#4, %scan3A_29#0 : vector<8x512xf32>
    %add3A_35 = arith.addf %add3A_33, %add3A_34 : vector<8x512xf32>
    %add3A_36 = arith.addf %add3A_32, %add3A_35 : vector<8x512xf32>
    %swap3A = arith.constant 0 : index
    %swap3A_37 = arith.constant 0 : index
    %swap3A_38 = arith.constant 0 : index
    %swap3A_39 = vector.load %arg6[%swap3A, %swap3A_37, %swap3A_38] : memref<1x8x512xf32, #tpu.memory_space<vmem>>, vector<1x8x512xf32>
    %swap3A_40 = vector.shape_cast %swap3A_39 : vector<1x8x512xf32> to vector<8x512xf32>
    %swap3A_41 = vector.shape_cast %add3A_36 : vector<8x512xf32> to vector<1x8x512xf32>
    tpu.vector_store %arg6[%swap3A, %swap3A_37, %swap3A_38], %swap3A_41 {strides = array<i32>} : memref<1x8x512xf32, #tpu.memory_space<vmem>>, vector<1x8x512xf32>,
    return
  }
  func.func @transform_0(%arg0: i32, %arg1: i32) -> (i32, i32, i32, i32, i32) {
    %c0_i32 = arith.constant 0 : i32
    %c0_i32_0 = arith.constant 0 : i32
    %c0_i32_1 = arith.constant 0 : i32
    %c0_i32_2 = arith.constant 0 : i32
    return %arg0, %c0_i32, %c0_i32_0, %c0_i32_1, %arg1 : i32, i32, i32, i32, i32
  }
  func.func @transform_1(%arg0: i32, %arg1: i32) -> (i32, i32, i32, i32, i32) {
    %c0_i32 = arith.constant 0 : i32
    %c0_i32_0 = arith.constant 0 : i32
    %c0_i32_1 = arith.constant 0 : i32
    %c0_i32_2 = arith.constant 0 : i32
    return %arg0, %c0_i32, %c0_i32_0, %c0_i32_1, %arg1 : i32, i32, i32, i32, i32
  }
  func.func @transform_2(%arg0: i32, %arg1: i32) -> (i32, i32, i32, i32) {
    %c0_i32 = arith.constant 0 : i32
    %c0_i32_0 = arith.constant 0 : i32
    %c0_i32_1 = arith.constant 0 : i32
    return %arg0, %c0_i32, %c0_i32_0, %arg1 : i32, i32, i32, i32
  }
  func.func @transform_3(%arg0: i32, %arg1: i32) -> (i32, i32, i32, i32) {
    %c0_i32 = arith.constant 0 : i32
    %c0_i32_0 = arith.constant 0 : i32
    %c0_i32_1 = arith.constant 0 : i32
    return %arg0, %c0_i32, %c0_i32_0, %arg1 : i32, i32, i32, i32
  }
  func.func @transform_4(%arg0: i32, %arg1: i32) -> (i32, i32, i32) {
    %c0_i32 = arith.constant 0 : i32
    %c0_i32_0 = arith.constant 0 : i32
    return %arg0, %c0_i32, %arg1 : i32, i32, i32
  }
}

module attributes {stable_mosaic.version = 14 : i64} {
  func.func @_topk_body(%arg0: memref<4x8192xf32, #tpu.memory_space<vmem>>, %arg1: memref<512x4xi32, #tpu.memory_space<vmem>>, %arg2: memref<4x8192xf32, #tpu.memory_space<vmem>>, %arg3: memref<4x64xf32, #tpu.memory_space<vmem>>, %arg4: memref<4x64xi32, #tpu.memory_space<vmem>>, %arg5: memref<4x128xi32, #tpu.memory_space<vmem>>) attributes {dimension_semantics = [], scalar_prefetch = 0 : i64, scratch_operands = 4 : i64, tpu.core_type = #tpu.core_type<tc>} {
    %get3A = arith.constant 0 : index
    %get3A_0 = arith.constant 0 : index
    %get3A_1 = vector.load %arg0[%get3A, %get3A_0] : memref<4x8192xf32, #tpu.memory_space<vmem>>, vector<4x8192xf32>
    %swap3A = arith.constant 0 : index
    %swap3A_2 = arith.constant 0 : index
    %swap3A_3 = vector.load %arg2[%swap3A, %swap3A_2] : memref<4x8192xf32, #tpu.memory_space<vmem>>, vector<4x8192xf32>
    tpu.vector_store %arg2[%swap3A, %swap3A_2], %get3A_1 {strides = array<i32>} : memref<4x8192xf32, #tpu.memory_space<vmem>>, vector<4x8192xf32>,
    %iota3A = tpu.iota {dimensions = array<i32: 1>} : vector<4x128xi32>
    %slice3A = vector.extract_strided_slice %iota3A {offsets = [0, 0], sizes = [1, 128], strides = [1, 1]} : vector<4x128xi32> to vector<1x128xi32>
    %iota3A_4 = tpu.iota {dimensions = array<i32: 1>} : vector<4x64xi32>
    %slice3A_5 = vector.extract_strided_slice %iota3A_4 {offsets = [0, 0], sizes = [1, 64], strides = [1, 1]} : vector<4x64xi32> to vector<1x64xi32>
    %get3A_6 = arith.constant 0 : index
    %get3A_7 = arith.constant 0 : index
    %get3A_8 = vector.load %arg2[%get3A_6, %get3A_7] : memref<4x8192xf32, #tpu.memory_space<vmem>>, vector<4x128xf32>
    %reduce_max3A = arith.constant dense<0xFF800000> : vector<4xf32>
    %reduce_max3A_9 = vector.multi_reduction <maximumf>, %get3A_8, %reduce_max3A [1] : vector<4x128xf32> to vector<4xf32>
    %broadcast_in_dim3A = vector.shape_cast %reduce_max3A_9 : vector<4xf32> to vector<4x1xf32>
    %eq3A = vector.broadcast %broadcast_in_dim3A : vector<4x1xf32> to vector<4x128xf32>
    %eq3A_10 = arith.cmpf oeq, %get3A_8, %eq3A : vector<4x128xf32>
    %jit3A = arith.constant 1048576 : i32
    %broadcast_in_dim3A_11 = vector.broadcast %jit3A : i32 to vector<4x128xi32>
    %select_n3A = arith.select %eq3A_10, %iota3A, %broadcast_in_dim3A_11 : vector<4x128xi1>, vector<4x128xi32>
    %reduce_min3A = arith.constant dense<2147483647> : vector<4xi32>
    %reduce_min3A_12 = vector.multi_reduction <minsi>, %select_n3A, %reduce_min3A [1] : vector<4x128xi32> to vector<4xi32>
    %broadcast_in_dim3A_13 = vector.shape_cast %reduce_min3A_12 : vector<4xi32> to vector<4x1xi32>
    %swap3A_14 = arith.constant 0 : index
    %swap3A_15 = arith.constant 0 : index
    %swap3A_16 = vector.load %arg3[%swap3A_14, %swap3A_15] : memref<4x64xf32, #tpu.memory_space<vmem>>, vector<4x1xf32>
    tpu.vector_store %arg3[%swap3A_14, %swap3A_15], %broadcast_in_dim3A {strides = array<i32>} : memref<4x64xf32, #tpu.memory_space<vmem>>, vector<4x1xf32>,
    %add3A = arith.constant 0 : i32
    %add3A_17 = vector.broadcast %add3A : i32 to vector<4x1xi32>
    %add3A_18 = arith.addi %broadcast_in_dim3A_13, %add3A_17 : vector<4x1xi32>
    %swap3A_19 = arith.constant 0 : index
    %swap3A_20 = arith.constant 0 : index
    %swap3A_21 = vector.load %arg4[%swap3A_19, %swap3A_20] : memref<4x64xi32, #tpu.memory_space<vmem>>, vector<4x1xi32>
    tpu.vector_store %arg4[%swap3A_19, %swap3A_20], %add3A_18 {strides = array<i32>} : memref<4x64xi32, #tpu.memory_space<vmem>>, vector<4x1xi32>,
    %get3A_22 = arith.constant 0 : index
    %get3A_23 = arith.constant 128 : index
    %get3A_24 = vector.load %arg2[%get3A_22, %get3A_23] : memref<4x8192xf32, #tpu.memory_space<vmem>>, vector<4x128xf32>
    %reduce_max3A_25 = arith.constant dense<0xFF800000> : vector<4xf32>
    %reduce_max3A_26 = vector.multi_reduction <maximumf>, %get3A_24, %reduce_max3A_25 [1] : vector<4x128xf32> to vector<4xf32>
    %broadcast_in_dim3A_27 = vector.shape_cast %reduce_max3A_26 : vector<4xf32> to vector<4x1xf32>
    %eq3A_28 = vector.broadcast %broadcast_in_dim3A_27 : vector<4x1xf32> to vector<4x128xf32>
    %eq3A_29 = arith.cmpf oeq, %get3A_24, %eq3A_28 : vector<4x128xf32>
    %jit3A_30 = arith.constant 1048576 : i32
    %broadcast_in_dim3A_31 = vector.broadcast %jit3A_30 : i32 to vector<4x128xi32>
    %select_n3A_32 = arith.select %eq3A_29, %iota3A, %broadcast_in_dim3A_31 : vector<4x128xi1>, vector<4x128xi32>
    %reduce_min3A_33 = arith.constant dense<2147483647> : vector<4xi32>
    %reduce_min3A_34 = vector.multi_reduction <minsi>, %select_n3A_32, %reduce_min3A_33 [1] : vector<4x128xi32> to vector<4xi32>
    %broadcast_in_dim3A_35 = vector.shape_cast %reduce_min3A_34 : vector<4xi32> to vector<4x1xi32>
    %swap3A_36 = arith.constant 0 : index
    %swap3A_37 = arith.constant 1 : index
    %swap3A_38 = vector.load %arg3[%swap3A_36, %swap3A_37] : memref<4x64xf32, #tpu.memory_space<vmem>>, vector<4x1xf32>
    tpu.vector_store %arg3[%swap3A_36, %swap3A_37], %broadcast_in_dim3A_27 {strides = array<i32>} : memref<4x64xf32, #tpu.memory_space<vmem>>, vector<4x1xf32>,
    %add3A_39 = arith.constant 128 : i32
    %add3A_40 = vector.broadcast %add3A_39 : i32 to vector<4x1xi32>
    %add3A_41 = arith.addi %broadcast_in_dim3A_35, %add3A_40 : vector<4x1xi32>
    %swap3A_42 = arith.constant 0 : index
    %swap3A_43 = arith.constant 1 : index
    %swap3A_44 = vector.load %arg4[%swap3A_42, %swap3A_43] : memref<4x64xi32, #tpu.memory_space<vmem>>, vector<4x1xi32>
    tpu.vector_store %arg4[%swap3A_42, %swap3A_43], %add3A_41 {strides = array<i32>} : memref<4x64xi32, #tpu.memory_space<vmem>>, vector<4x1xi32>,
    %get3A_45 = arith.constant 0 : index
    %get3A_46 = arith.constant 256 : index
    %get3A_47 = vector.load %arg2[%get3A_45, %get3A_46] : memref<4x8192xf32, #tpu.memory_space<vmem>>, vector<4x128xf32>
    %reduce_max3A_48 = arith.constant dense<0xFF800000> : vector<4xf32>
    %reduce_max3A_49 = vector.multi_reduction <maximumf>, %get3A_47, %reduce_max3A_48 [1] : vector<4x128xf32> to vector<4xf32>
    %broadcast_in_dim3A_50 = vector.shape_cast %reduce_max3A_49 : vector<4xf32> to vector<4x1xf32>
    %eq3A_51 = vector.broadcast %broadcast_in_dim3A_50 : vector<4x1xf32> to vector<4x128xf32>
    %eq3A_52 = arith.cmpf oeq, %get3A_47, %eq3A_51 : vector<4x128xf32>
    %jit3A_53 = arith.constant 1048576 : i32
    %broadcast_in_dim3A_54 = vector.broadcast %jit3A_53 : i32 to vector<4x128xi32>
    %select_n3A_55 = arith.select %eq3A_52, %iota3A, %broadcast_in_dim3A_54 : vector<4x128xi1>, vector<4x128xi32>
    %reduce_min3A_56 = arith.constant dense<2147483647> : vector<4xi32>
    %reduce_min3A_57 = vector.multi_reduction <minsi>, %select_n3A_55, %reduce_min3A_56 [1] : vector<4x128xi32> to vector<4xi32>
    %broadcast_in_dim3A_58 = vector.shape_cast %reduce_min3A_57 : vector<4xi32> to vector<4x1xi32>
    %swap3A_59 = arith.constant 0 : index
    %swap3A_60 = arith.constant 2 : index
    %swap3A_61 = vector.load %arg3[%swap3A_59, %swap3A_60] : memref<4x64xf32, #tpu.memory_space<vmem>>, vector<4x1xf32>
    tpu.vector_store %arg3[%swap3A_59, %swap3A_60], %broadcast_in_dim3A_50 {strides = array<i32>} : memref<4x64xf32, #tpu.memory_space<vmem>>, vector<4x1xf32>,
    %add3A_62 = arith.constant 256 : i32
    %add3A_63 = vector.broadcast %add3A_62 : i32 to vector<4x1xi32>
    %add3A_64 = arith.addi %broadcast_in_dim3A_58, %add3A_63 : vector<4x1xi32>
    %swap3A_65 = arith.constant 0 : index
    %swap3A_66 = arith.constant 2 : index
    %swap3A_67 = vector.load %arg4[%swap3A_65, %swap3A_66] : memref<4x64xi32, #tpu.memory_space<vmem>>, vector<4x1xi32>
    tpu.vector_store %arg4[%swap3A_65, %swap3A_66], %add3A_64 {strides = array<i32>} : memref<4x64xi32, #tpu.memory_space<vmem>>, vector<4x1xi32>,
    %get3A_68 = arith.constant 0 : index
    %get3A_69 = arith.constant 384 : index
    %get3A_70 = vector.load %arg2[%get3A_68, %get3A_69] : memref<4x8192xf32, #tpu.memory_space<vmem>>, vector<4x128xf32>
    %reduce_max3A_71 = arith.constant dense<0xFF800000> : vector<4xf32>
    %reduce_max3A_72 = vector.multi_reduction <maximumf>, %get3A_70, %reduce_max3A_71 [1] : vector<4x128xf32> to vector<4xf32>
    %broadcast_in_dim3A_73 = vector.shape_cast %reduce_max3A_72 : vector<4xf32> to vector<4x1xf32>
    %eq3A_74 = vector.broadcast %broadcast_in_dim3A_73 : vector<4x1xf32> to vector<4x128xf32>
    %eq3A_75 = arith.cmpf oeq, %get3A_70, %eq3A_74 : vector<4x128xf32>
    %jit3A_76 = arith.constant 1048576 : i32
    %broadcast_in_dim3A_77 = vector.broadcast %jit3A_76 : i32 to vector<4x128xi32>
    %select_n3A_78 = arith.select %eq3A_75, %iota3A, %broadcast_in_dim3A_77 : vector<4x128xi1>, vector<4x128xi32>
    %reduce_min3A_79 = arith.constant dense<2147483647> : vector<4xi32>
    %reduce_min3A_80 = vector.multi_reduction <minsi>, %select_n3A_78, %reduce_min3A_79 [1] : vector<4x128xi32> to vector<4xi32>
    %broadcast_in_dim3A_81 = vector.shape_cast %reduce_min3A_80 : vector<4xi32> to vector<4x1xi32>
    %swap3A_82 = arith.constant 0 : index
    %swap3A_83 = arith.constant 3 : index
    %swap3A_84 = vector.load %arg3[%swap3A_82, %swap3A_83] : memref<4x64xf32, #tpu.memory_space<vmem>>, vector<4x1xf32>
    tpu.vector_store %arg3[%swap3A_82, %swap3A_83], %broadcast_in_dim3A_73 {strides = array<i32>} : memref<4x64xf32, #tpu.memory_space<vmem>>, vector<4x1xf32>,
    %add3A_85 = arith.constant 384 : i32
    %add3A_86 = vector.broadcast %add3A_85 : i32 to vector<4x1xi32>
    %add3A_87 = arith.addi %broadcast_in_dim3A_81, %add3A_86 : vector<4x1xi32>
    %swap3A_88 = arith.constant 0 : index
    %swap3A_89 = arith.constant 3 : index
    %swap3A_90 = vector.load %arg4[%swap3A_88, %swap3A_89] : memref<4x64xi32, #tpu.memory_space<vmem>>, vector<4x1xi32>
    tpu.vector_store %arg4[%swap3A_88, %swap3A_89], %add3A_87 {strides = array<i32>} : memref<4x64xi32, #tpu.memory_space<vmem>>, vector<4x1xi32>,
    %get3A_91 = arith.constant 0 : index
    %get3A_92 = arith.constant 512 : index
    %get3A_93 = vector.load %arg2[%get3A_91, %get3A_92] : memref<4x8192xf32, #tpu.memory_space<vmem>>, vector<4x128xf32>
    %reduce_max3A_94 = arith.constant dense<0xFF800000> : vector<4xf32>
    %reduce_max3A_95 = vector.multi_reduction <maximumf>, %get3A_93, %reduce_max3A_94 [1] : vector<4x128xf32> to vector<4xf32>
    %broadcast_in_dim3A_96 = vector.shape_cast %reduce_max3A_95 : vector<4xf32> to vector<4x1xf32>
    %eq3A_97 = vector.broadcast %broadcast_in_dim3A_96 : vector<4x1xf32> to vector<4x128xf32>
    %eq3A_98 = arith.cmpf oeq, %get3A_93, %eq3A_97 : vector<4x128xf32>
    %jit3A_99 = arith.constant 1048576 : i32
    %broadcast_in_dim3A_100 = vector.broadcast %jit3A_99 : i32 to vector<4x128xi32>
    %select_n3A_101 = arith.select %eq3A_98, %iota3A, %broadcast_in_dim3A_100 : vector<4x128xi1>, vector<4x128xi32>
    %reduce_min3A_102 = arith.constant dense<2147483647> : vector<4xi32>
    %reduce_min3A_103 = vector.multi_reduction <minsi>, %select_n3A_101, %reduce_min3A_102 [1] : vector<4x128xi32> to vector<4xi32>
    %broadcast_in_dim3A_104 = vector.shape_cast %reduce_min3A_103 : vector<4xi32> to vector<4x1xi32>
    %swap3A_105 = arith.constant 0 : index
    %swap3A_106 = arith.constant 4 : index
    %swap3A_107 = vector.load %arg3[%swap3A_105, %swap3A_106] : memref<4x64xf32, #tpu.memory_space<vmem>>, vector<4x1xf32>
    tpu.vector_store %arg3[%swap3A_105, %swap3A_106], %broadcast_in_dim3A_96 {strides = array<i32>} : memref<4x64xf32, #tpu.memory_space<vmem>>, vector<4x1xf32>,
    %add3A_108 = arith.constant 512 : i32
    %add3A_109 = vector.broadcast %add3A_108 : i32 to vector<4x1xi32>
    %add3A_110 = arith.addi %broadcast_in_dim3A_104, %add3A_109 : vector<4x1xi32>
    %swap3A_111 = arith.constant 0 : index
    %swap3A_112 = arith.constant 4 : index
    %swap3A_113 = vector.load %arg4[%swap3A_111, %swap3A_112] : memref<4x64xi32, #tpu.memory_space<vmem>>, vector<4x1xi32>
    tpu.vector_store %arg4[%swap3A_111, %swap3A_112], %add3A_110 {strides = array<i32>} : memref<4x64xi32, #tpu.memory_space<vmem>>, vector<4x1xi32>,
    %get3A_114 = arith.constant 0 : index
    %get3A_115 = arith.constant 640 : index
    %get3A_116 = vector.load %arg2[%get3A_114, %get3A_115] : memref<4x8192xf32, #tpu.memory_space<vmem>>, vector<4x128xf32>
    %reduce_max3A_117 = arith.constant dense<0xFF800000> : vector<4xf32>
    %reduce_max3A_118 = vector.multi_reduction <maximumf>, %get3A_116, %reduce_max3A_117 [1] : vector<4x128xf32> to vector<4xf32>
    %broadcast_in_dim3A_119 = vector.shape_cast %reduce_max3A_118 : vector<4xf32> to vector<4x1xf32>
    %eq3A_120 = vector.broadcast %broadcast_in_dim3A_119 : vector<4x1xf32> to vector<4x128xf32>
    %eq3A_121 = arith.cmpf oeq, %get3A_116, %eq3A_120 : vector<4x128xf32>
    %jit3A_122 = arith.constant 1048576 : i32
    %broadcast_in_dim3A_123 = vector.broadcast %jit3A_122 : i32 to vector<4x128xi32>
    %select_n3A_124 = arith.select %eq3A_121, %iota3A, %broadcast_in_dim3A_123 : vector<4x128xi1>, vector<4x128xi32>
    %reduce_min3A_125 = arith.constant dense<2147483647> : vector<4xi32>
    %reduce_min3A_126 = vector.multi_reduction <minsi>, %select_n3A_124, %reduce_min3A_125 [1] : vector<4x128xi32> to vector<4xi32>
    %broadcast_in_dim3A_127 = vector.shape_cast %reduce_min3A_126 : vector<4xi32> to vector<4x1xi32>
    %swap3A_128 = arith.constant 0 : index
    %swap3A_129 = arith.constant 5 : index
    %swap3A_130 = vector.load %arg3[%swap3A_128, %swap3A_129] : memref<4x64xf32, #tpu.memory_space<vmem>>, vector<4x1xf32>
    tpu.vector_store %arg3[%swap3A_128, %swap3A_129], %broadcast_in_dim3A_119 {strides = array<i32>} : memref<4x64xf32, #tpu.memory_space<vmem>>, vector<4x1xf32>,
    %add3A_131 = arith.constant 640 : i32
    %add3A_132 = vector.broadcast %add3A_131 : i32 to vector<4x1xi32>
    %add3A_133 = arith.addi %broadcast_in_dim3A_127, %add3A_132 : vector<4x1xi32>
    %swap3A_134 = arith.constant 0 : index
    %swap3A_135 = arith.constant 5 : index
    %swap3A_136 = vector.load %arg4[%swap3A_134, %swap3A_135] : memref<4x64xi32, #tpu.memory_space<vmem>>, vector<4x1xi32>
    tpu.vector_store %arg4[%swap3A_134, %swap3A_135], %add3A_133 {strides = array<i32>} : memref<4x64xi32, #tpu.memory_space<vmem>>, vector<4x1xi32>,
    %get3A_137 = arith.constant 0 : index
    %get3A_138 = arith.constant 768 : index
    %get3A_139 = vector.load %arg2[%get3A_137, %get3A_138] : memref<4x8192xf32, #tpu.memory_space<vmem>>, vector<4x128xf32>
    %reduce_max3A_140 = arith.constant dense<0xFF800000> : vector<4xf32>
    %reduce_max3A_141 = vector.multi_reduction <maximumf>, %get3A_139, %reduce_max3A_140 [1] : vector<4x128xf32> to vector<4xf32>
    %broadcast_in_dim3A_142 = vector.shape_cast %reduce_max3A_141 : vector<4xf32> to vector<4x1xf32>
    %eq3A_143 = vector.broadcast %broadcast_in_dim3A_142 : vector<4x1xf32> to vector<4x128xf32>
    %eq3A_144 = arith.cmpf oeq, %get3A_139, %eq3A_143 : vector<4x128xf32>
    %jit3A_145 = arith.constant 1048576 : i32
    %broadcast_in_dim3A_146 = vector.broadcast %jit3A_145 : i32 to vector<4x128xi32>
    %select_n3A_147 = arith.select %eq3A_144, %iota3A, %broadcast_in_dim3A_146 : vector<4x128xi1>, vector<4x128xi32>
    %reduce_min3A_148 = arith.constant dense<2147483647> : vector<4xi32>
    %reduce_min3A_149 = vector.multi_reduction <minsi>, %select_n3A_147, %reduce_min3A_148 [1] : vector<4x128xi32> to vector<4xi32>
    %broadcast_in_dim3A_150 = vector.shape_cast %reduce_min3A_149 : vector<4xi32> to vector<4x1xi32>
    %swap3A_151 = arith.constant 0 : index
    %swap3A_152 = arith.constant 6 : index
    %swap3A_153 = vector.load %arg3[%swap3A_151, %swap3A_152] : memref<4x64xf32, #tpu.memory_space<vmem>>, vector<4x1xf32>
    tpu.vector_store %arg3[%swap3A_151, %swap3A_152], %broadcast_in_dim3A_142 {strides = array<i32>} : memref<4x64xf32, #tpu.memory_space<vmem>>, vector<4x1xf32>,
    %add3A_154 = arith.constant 768 : i32
    %add3A_155 = vector.broadcast %add3A_154 : i32 to vector<4x1xi32>
    %add3A_156 = arith.addi %broadcast_in_dim3A_150, %add3A_155 : vector<4x1xi32>
    %swap3A_157 = arith.constant 0 : index
    %swap3A_158 = arith.constant 6 : index
    %swap3A_159 = vector.load %arg4[%swap3A_157, %swap3A_158] : memref<4x64xi32, #tpu.memory_space<vmem>>, vector<4x1xi32>
    tpu.vector_store %arg4[%swap3A_157, %swap3A_158], %add3A_156 {strides = array<i32>} : memref<4x64xi32, #tpu.memory_space<vmem>>, vector<4x1xi32>,
    %get3A_160 = arith.constant 0 : index
    %get3A_161 = arith.constant 896 : index
    %get3A_162 = vector.load %arg2[%get3A_160, %get3A_161] : memref<4x8192xf32, #tpu.memory_space<vmem>>, vector<4x128xf32>
    %reduce_max3A_163 = arith.constant dense<0xFF800000> : vector<4xf32>
    %reduce_max3A_164 = vector.multi_reduction <maximumf>, %get3A_162, %reduce_max3A_163 [1] : vector<4x128xf32> to vector<4xf32>
    %broadcast_in_dim3A_165 = vector.shape_cast %reduce_max3A_164 : vector<4xf32> to vector<4x1xf32>
    %eq3A_166 = vector.broadcast %broadcast_in_dim3A_165 : vector<4x1xf32> to vector<4x128xf32>
    %eq3A_167 = arith.cmpf oeq, %get3A_162, %eq3A_166 : vector<4x128xf32>
    %jit3A_168 = arith.constant 1048576 : i32
    %broadcast_in_dim3A_169 = vector.broadcast %jit3A_168 : i32 to vector<4x128xi32>
    %select_n3A_170 = arith.select %eq3A_167, %iota3A, %broadcast_in_dim3A_169 : vector<4x128xi1>, vector<4x128xi32>
    %reduce_min3A_171 = arith.constant dense<2147483647> : vector<4xi32>
    %reduce_min3A_172 = vector.multi_reduction <minsi>, %select_n3A_170, %reduce_min3A_171 [1] : vector<4x128xi32> to vector<4xi32>
    %broadcast_in_dim3A_173 = vector.shape_cast %reduce_min3A_172 : vector<4xi32> to vector<4x1xi32>
    %swap3A_174 = arith.constant 0 : index
    %swap3A_175 = arith.constant 7 : index
    %swap3A_176 = vector.load %arg3[%swap3A_174, %swap3A_175] : memref<4x64xf32, #tpu.memory_space<vmem>>, vector<4x1xf32>
    tpu.vector_store %arg3[%swap3A_174, %swap3A_175], %broadcast_in_dim3A_165 {strides = array<i32>} : memref<4x64xf32, #tpu.memory_space<vmem>>, vector<4x1xf32>,
    %add3A_177 = arith.constant 896 : i32
    %add3A_178 = vector.broadcast %add3A_177 : i32 to vector<4x1xi32>
    %add3A_179 = arith.addi %broadcast_in_dim3A_173, %add3A_178 : vector<4x1xi32>
    %swap3A_180 = arith.constant 0 : index
    %swap3A_181 = arith.constant 7 : index
    %swap3A_182 = vector.load %arg4[%swap3A_180, %swap3A_181] : memref<4x64xi32, #tpu.memory_space<vmem>>, vector<4x1xi32>
    tpu.vector_store %arg4[%swap3A_180, %swap3A_181], %add3A_179 {strides = array<i32>} : memref<4x64xi32, #tpu.memory_space<vmem>>, vector<4x1xi32>,
    %get3A_183 = arith.constant 0 : index
    %get3A_184 = arith.constant 1024 : index
    %get3A_185 = vector.load %arg2[%get3A_183, %get3A_184] : memref<4x8192xf32, #tpu.memory_space<vmem>>, vector<4x128xf32>
    %reduce_max3A_186 = arith.constant dense<0xFF800000> : vector<4xf32>
    %reduce_max3A_187 = vector.multi_reduction <maximumf>, %get3A_185, %reduce_max3A_186 [1] : vector<4x128xf32> to vector<4xf32>
    %broadcast_in_dim3A_188 = vector.shape_cast %reduce_max3A_187 : vector<4xf32> to vector<4x1xf32>
    %eq3A_189 = vector.broadcast %broadcast_in_dim3A_188 : vector<4x1xf32> to vector<4x128xf32>
    %eq3A_190 = arith.cmpf oeq, %get3A_185, %eq3A_189 : vector<4x128xf32>
    %jit3A_191 = arith.constant 1048576 : i32
    %broadcast_in_dim3A_192 = vector.broadcast %jit3A_191 : i32 to vector<4x128xi32>
    %select_n3A_193 = arith.select %eq3A_190, %iota3A, %broadcast_in_dim3A_192 : vector<4x128xi1>, vector<4x128xi32>
    %reduce_min3A_194 = arith.constant dense<2147483647> : vector<4xi32>
    %reduce_min3A_195 = vector.multi_reduction <minsi>, %select_n3A_193, %reduce_min3A_194 [1] : vector<4x128xi32> to vector<4xi32>
    %broadcast_in_dim3A_196 = vector.shape_cast %reduce_min3A_195 : vector<4xi32> to vector<4x1xi32>
    %swap3A_197 = arith.constant 0 : index
    %swap3A_198 = arith.constant 8 : index
    %swap3A_199 = vector.load %arg3[%swap3A_197, %swap3A_198] : memref<4x64xf32, #tpu.memory_space<vmem>>, vector<4x1xf32>
    tpu.vector_store %arg3[%swap3A_197, %swap3A_198], %broadcast_in_dim3A_188 {strides = array<i32>} : memref<4x64xf32, #tpu.memory_space<vmem>>, vector<4x1xf32>,
    %add3A_200 = arith.constant 1024 : i32
    %add3A_201 = vector.broadcast %add3A_200 : i32 to vector<4x1xi32>
    %add3A_202 = arith.addi %broadcast_in_dim3A_196, %add3A_201 : vector<4x1xi32>
    %swap3A_203 = arith.constant 0 : index
    %swap3A_204 = arith.constant 8 : index
    %swap3A_205 = vector.load %arg4[%swap3A_203, %swap3A_204] : memref<4x64xi32, #tpu.memory_space<vmem>>, vector<4x1xi32>
    tpu.vector_store %arg4[%swap3A_203, %swap3A_204], %add3A_202 {strides = array<i32>} : memref<4x64xi32, #tpu.memory_space<vmem>>, vector<4x1xi32>,
    %get3A_206 = arith.constant 0 : index
    %get3A_207 = arith.constant 1152 : index
    %get3A_208 = vector.load %arg2[%get3A_206, %get3A_207] : memref<4x8192xf32, #tpu.memory_space<vmem>>, vector<4x128xf32>
    %reduce_max3A_209 = arith.constant dense<0xFF800000> : vector<4xf32>
    %reduce_max3A_210 = vector.multi_reduction <maximumf>, %get3A_208, %reduce_max3A_209 [1] : vector<4x128xf32> to vector<4xf32>
    %broadcast_in_dim3A_211 = vector.shape_cast %reduce_max3A_210 : vector<4xf32> to vector<4x1xf32>
    %eq3A_212 = vector.broadcast %broadcast_in_dim3A_211 : vector<4x1xf32> to vector<4x128xf32>
    %eq3A_213 = arith.cmpf oeq, %get3A_208, %eq3A_212 : vector<4x128xf32>
    %jit3A_214 = arith.constant 1048576 : i32
    %broadcast_in_dim3A_215 = vector.broadcast %jit3A_214 : i32 to vector<4x128xi32>
    %select_n3A_216 = arith.select %eq3A_213, %iota3A, %broadcast_in_dim3A_215 : vector<4x128xi1>, vector<4x128xi32>
    %reduce_min3A_217 = arith.constant dense<2147483647> : vector<4xi32>
    %reduce_min3A_218 = vector.multi_reduction <minsi>, %select_n3A_216, %reduce_min3A_217 [1] : vector<4x128xi32> to vector<4xi32>
    %broadcast_in_dim3A_219 = vector.shape_cast %reduce_min3A_218 : vector<4xi32> to vector<4x1xi32>
    %swap3A_220 = arith.constant 0 : index
    %swap3A_221 = arith.constant 9 : index
    %swap3A_222 = vector.load %arg3[%swap3A_220, %swap3A_221] : memref<4x64xf32, #tpu.memory_space<vmem>>, vector<4x1xf32>
    tpu.vector_store %arg3[%swap3A_220, %swap3A_221], %broadcast_in_dim3A_211 {strides = array<i32>} : memref<4x64xf32, #tpu.memory_space<vmem>>, vector<4x1xf32>,
    %add3A_223 = arith.constant 1152 : i32
    %add3A_224 = vector.broadcast %add3A_223 : i32 to vector<4x1xi32>
    %add3A_225 = arith.addi %broadcast_in_dim3A_219, %add3A_224 : vector<4x1xi32>
    %swap3A_226 = arith.constant 0 : index
    %swap3A_227 = arith.constant 9 : index
    %swap3A_228 = vector.load %arg4[%swap3A_226, %swap3A_227] : memref<4x64xi32, #tpu.memory_space<vmem>>, vector<4x1xi32>
    tpu.vector_store %arg4[%swap3A_226, %swap3A_227], %add3A_225 {strides = array<i32>} : memref<4x64xi32, #tpu.memory_space<vmem>>, vector<4x1xi32>,
    %get3A_229 = arith.constant 0 : index
    %get3A_230 = arith.constant 1280 : index
    %get3A_231 = vector.load %arg2[%get3A_229, %get3A_230] : memref<4x8192xf32, #tpu.memory_space<vmem>>, vector<4x128xf32>
    %reduce_max3A_232 = arith.constant dense<0xFF800000> : vector<4xf32>
    %reduce_max3A_233 = vector.multi_reduction <maximumf>, %get3A_231, %reduce_max3A_232 [1] : vector<4x128xf32> to vector<4xf32>
    %broadcast_in_dim3A_234 = vector.shape_cast %reduce_max3A_233 : vector<4xf32> to vector<4x1xf32>
    %eq3A_235 = vector.broadcast %broadcast_in_dim3A_234 : vector<4x1xf32> to vector<4x128xf32>
    %eq3A_236 = arith.cmpf oeq, %get3A_231, %eq3A_235 : vector<4x128xf32>
    %jit3A_237 = arith.constant 1048576 : i32
    %broadcast_in_dim3A_238 = vector.broadcast %jit3A_237 : i32 to vector<4x128xi32>
    %select_n3A_239 = arith.select %eq3A_236, %iota3A, %broadcast_in_dim3A_238 : vector<4x128xi1>, vector<4x128xi32>
    %reduce_min3A_240 = arith.constant dense<2147483647> : vector<4xi32>
    %reduce_min3A_241 = vector.multi_reduction <minsi>, %select_n3A_239, %reduce_min3A_240 [1] : vector<4x128xi32> to vector<4xi32>
    %broadcast_in_dim3A_242 = vector.shape_cast %reduce_min3A_241 : vector<4xi32> to vector<4x1xi32>
    %swap3A_243 = arith.constant 0 : index
    %swap3A_244 = arith.constant 10 : index
    %swap3A_245 = vector.load %arg3[%swap3A_243, %swap3A_244] : memref<4x64xf32, #tpu.memory_space<vmem>>, vector<4x1xf32>
    tpu.vector_store %arg3[%swap3A_243, %swap3A_244], %broadcast_in_dim3A_234 {strides = array<i32>} : memref<4x64xf32, #tpu.memory_space<vmem>>, vector<4x1xf32>,
    %add3A_246 = arith.constant 1280 : i32
    %add3A_247 = vector.broadcast %add3A_246 : i32 to vector<4x1xi32>
    %add3A_248 = arith.addi %broadcast_in_dim3A_242, %add3A_247 : vector<4x1xi32>
    %swap3A_249 = arith.constant 0 : index
    %swap3A_250 = arith.constant 10 : index
    %swap3A_251 = vector.load %arg4[%swap3A_249, %swap3A_250] : memref<4x64xi32, #tpu.memory_space<vmem>>, vector<4x1xi32>
    tpu.vector_store %arg4[%swap3A_249, %swap3A_250], %add3A_248 {strides = array<i32>} : memref<4x64xi32, #tpu.memory_space<vmem>>, vector<4x1xi32>,
    %get3A_252 = arith.constant 0 : index
    %get3A_253 = arith.constant 1408 : index
    %get3A_254 = vector.load %arg2[%get3A_252, %get3A_253] : memref<4x8192xf32, #tpu.memory_space<vmem>>, vector<4x128xf32>
    %reduce_max3A_255 = arith.constant dense<0xFF800000> : vector<4xf32>
    %reduce_max3A_256 = vector.multi_reduction <maximumf>, %get3A_254, %reduce_max3A_255 [1] : vector<4x128xf32> to vector<4xf32>
    %broadcast_in_dim3A_257 = vector.shape_cast %reduce_max3A_256 : vector<4xf32> to vector<4x1xf32>
    %eq3A_258 = vector.broadcast %broadcast_in_dim3A_257 : vector<4x1xf32> to vector<4x128xf32>
    %eq3A_259 = arith.cmpf oeq, %get3A_254, %eq3A_258 : vector<4x128xf32>
    %jit3A_260 = arith.constant 1048576 : i32
    %broadcast_in_dim3A_261 = vector.broadcast %jit3A_260 : i32 to vector<4x128xi32>
    %select_n3A_262 = arith.select %eq3A_259, %iota3A, %broadcast_in_dim3A_261 : vector<4x128xi1>, vector<4x128xi32>
    %reduce_min3A_263 = arith.constant dense<2147483647> : vector<4xi32>
    %reduce_min3A_264 = vector.multi_reduction <minsi>, %select_n3A_262, %reduce_min3A_263 [1] : vector<4x128xi32> to vector<4xi32>
    %broadcast_in_dim3A_265 = vector.shape_cast %reduce_min3A_264 : vector<4xi32> to vector<4x1xi32>
    %swap3A_266 = arith.constant 0 : index
    %swap3A_267 = arith.constant 11 : index
    %swap3A_268 = vector.load %arg3[%swap3A_266, %swap3A_267] : memref<4x64xf32, #tpu.memory_space<vmem>>, vector<4x1xf32>
    tpu.vector_store %arg3[%swap3A_266, %swap3A_267], %broadcast_in_dim3A_257 {strides = array<i32>} : memref<4x64xf32, #tpu.memory_space<vmem>>, vector<4x1xf32>,
    %add3A_269 = arith.constant 1408 : i32
    %add3A_270 = vector.broadcast %add3A_269 : i32 to vector<4x1xi32>
    %add3A_271 = arith.addi %broadcast_in_dim3A_265, %add3A_270 : vector<4x1xi32>
    %swap3A_272 = arith.constant 0 : index
    %swap3A_273 = arith.constant 11 : index
    %swap3A_274 = vector.load %arg4[%swap3A_272, %swap3A_273] : memref<4x64xi32, #tpu.memory_space<vmem>>, vector<4x1xi32>
    tpu.vector_store %arg4[%swap3A_272, %swap3A_273], %add3A_271 {strides = array<i32>} : memref<4x64xi32, #tpu.memory_space<vmem>>, vector<4x1xi32>,
    %get3A_275 = arith.constant 0 : index
    %get3A_276 = arith.constant 1536 : index
    %get3A_277 = vector.load %arg2[%get3A_275, %get3A_276] : memref<4x8192xf32, #tpu.memory_space<vmem>>, vector<4x128xf32>
    %reduce_max3A_278 = arith.constant dense<0xFF800000> : vector<4xf32>
    %reduce_max3A_279 = vector.multi_reduction <maximumf>, %get3A_277, %reduce_max3A_278 [1] : vector<4x128xf32> to vector<4xf32>
    %broadcast_in_dim3A_280 = vector.shape_cast %reduce_max3A_279 : vector<4xf32> to vector<4x1xf32>
    %eq3A_281 = vector.broadcast %broadcast_in_dim3A_280 : vector<4x1xf32> to vector<4x128xf32>
    %eq3A_282 = arith.cmpf oeq, %get3A_277, %eq3A_281 : vector<4x128xf32>
    %jit3A_283 = arith.constant 1048576 : i32
    %broadcast_in_dim3A_284 = vector.broadcast %jit3A_283 : i32 to vector<4x128xi32>
    %select_n3A_285 = arith.select %eq3A_282, %iota3A, %broadcast_in_dim3A_284 : vector<4x128xi1>, vector<4x128xi32>
    %reduce_min3A_286 = arith.constant dense<2147483647> : vector<4xi32>
    %reduce_min3A_287 = vector.multi_reduction <minsi>, %select_n3A_285, %reduce_min3A_286 [1] : vector<4x128xi32> to vector<4xi32>
    %broadcast_in_dim3A_288 = vector.shape_cast %reduce_min3A_287 : vector<4xi32> to vector<4x1xi32>
    %swap3A_289 = arith.constant 0 : index
    %swap3A_290 = arith.constant 12 : index
    %swap3A_291 = vector.load %arg3[%swap3A_289, %swap3A_290] : memref<4x64xf32, #tpu.memory_space<vmem>>, vector<4x1xf32>
    tpu.vector_store %arg3[%swap3A_289, %swap3A_290], %broadcast_in_dim3A_280 {strides = array<i32>} : memref<4x64xf32, #tpu.memory_space<vmem>>, vector<4x1xf32>,
    %add3A_292 = arith.constant 1536 : i32
    %add3A_293 = vector.broadcast %add3A_292 : i32 to vector<4x1xi32>
    %add3A_294 = arith.addi %broadcast_in_dim3A_288, %add3A_293 : vector<4x1xi32>
    %swap3A_295 = arith.constant 0 : index
    %swap3A_296 = arith.constant 12 : index
    %swap3A_297 = vector.load %arg4[%swap3A_295, %swap3A_296] : memref<4x64xi32, #tpu.memory_space<vmem>>, vector<4x1xi32>
    tpu.vector_store %arg4[%swap3A_295, %swap3A_296], %add3A_294 {strides = array<i32>} : memref<4x64xi32, #tpu.memory_space<vmem>>, vector<4x1xi32>,
    %get3A_298 = arith.constant 0 : index
    %get3A_299 = arith.constant 1664 : index
    %get3A_300 = vector.load %arg2[%get3A_298, %get3A_299] : memref<4x8192xf32, #tpu.memory_space<vmem>>, vector<4x128xf32>
    %reduce_max3A_301 = arith.constant dense<0xFF800000> : vector<4xf32>
    %reduce_max3A_302 = vector.multi_reduction <maximumf>, %get3A_300, %reduce_max3A_301 [1] : vector<4x128xf32> to vector<4xf32>
    %broadcast_in_dim3A_303 = vector.shape_cast %reduce_max3A_302 : vector<4xf32> to vector<4x1xf32>
    %eq3A_304 = vector.broadcast %broadcast_in_dim3A_303 : vector<4x1xf32> to vector<4x128xf32>
    %eq3A_305 = arith.cmpf oeq, %get3A_300, %eq3A_304 : vector<4x128xf32>
    %jit3A_306 = arith.constant 1048576 : i32
    %broadcast_in_dim3A_307 = vector.broadcast %jit3A_306 : i32 to vector<4x128xi32>
    %select_n3A_308 = arith.select %eq3A_305, %iota3A, %broadcast_in_dim3A_307 : vector<4x128xi1>, vector<4x128xi32>
    %reduce_min3A_309 = arith.constant dense<2147483647> : vector<4xi32>
    %reduce_min3A_310 = vector.multi_reduction <minsi>, %select_n3A_308, %reduce_min3A_309 [1] : vector<4x128xi32> to vector<4xi32>
    %broadcast_in_dim3A_311 = vector.shape_cast %reduce_min3A_310 : vector<4xi32> to vector<4x1xi32>
    %swap3A_312 = arith.constant 0 : index
    %swap3A_313 = arith.constant 13 : index
    %swap3A_314 = vector.load %arg3[%swap3A_312, %swap3A_313] : memref<4x64xf32, #tpu.memory_space<vmem>>, vector<4x1xf32>
    tpu.vector_store %arg3[%swap3A_312, %swap3A_313], %broadcast_in_dim3A_303 {strides = array<i32>} : memref<4x64xf32, #tpu.memory_space<vmem>>, vector<4x1xf32>,
    %add3A_315 = arith.constant 1664 : i32
    %add3A_316 = vector.broadcast %add3A_315 : i32 to vector<4x1xi32>
    %add3A_317 = arith.addi %broadcast_in_dim3A_311, %add3A_316 : vector<4x1xi32>
    %swap3A_318 = arith.constant 0 : index
    %swap3A_319 = arith.constant 13 : index
    %swap3A_320 = vector.load %arg4[%swap3A_318, %swap3A_319] : memref<4x64xi32, #tpu.memory_space<vmem>>, vector<4x1xi32>
    tpu.vector_store %arg4[%swap3A_318, %swap3A_319], %add3A_317 {strides = array<i32>} : memref<4x64xi32, #tpu.memory_space<vmem>>, vector<4x1xi32>,
    %get3A_321 = arith.constant 0 : index
    %get3A_322 = arith.constant 1792 : index
    %get3A_323 = vector.load %arg2[%get3A_321, %get3A_322] : memref<4x8192xf32, #tpu.memory_space<vmem>>, vector<4x128xf32>
    %reduce_max3A_324 = arith.constant dense<0xFF800000> : vector<4xf32>
    %reduce_max3A_325 = vector.multi_reduction <maximumf>, %get3A_323, %reduce_max3A_324 [1] : vector<4x128xf32> to vector<4xf32>
    %broadcast_in_dim3A_326 = vector.shape_cast %reduce_max3A_325 : vector<4xf32> to vector<4x1xf32>
    %eq3A_327 = vector.broadcast %broadcast_in_dim3A_326 : vector<4x1xf32> to vector<4x128xf32>
    %eq3A_328 = arith.cmpf oeq, %get3A_323, %eq3A_327 : vector<4x128xf32>
    %jit3A_329 = arith.constant 1048576 : i32
    %broadcast_in_dim3A_330 = vector.broadcast %jit3A_329 : i32 to vector<4x128xi32>
    %select_n3A_331 = arith.select %eq3A_328, %iota3A, %broadcast_in_dim3A_330 : vector<4x128xi1>, vector<4x128xi32>
    %reduce_min3A_332 = arith.constant dense<2147483647> : vector<4xi32>
    %reduce_min3A_333 = vector.multi_reduction <minsi>, %select_n3A_331, %reduce_min3A_332 [1] : vector<4x128xi32> to vector<4xi32>
    %broadcast_in_dim3A_334 = vector.shape_cast %reduce_min3A_333 : vector<4xi32> to vector<4x1xi32>
    %swap3A_335 = arith.constant 0 : index
    %swap3A_336 = arith.constant 14 : index
    %swap3A_337 = vector.load %arg3[%swap3A_335, %swap3A_336] : memref<4x64xf32, #tpu.memory_space<vmem>>, vector<4x1xf32>
    tpu.vector_store %arg3[%swap3A_335, %swap3A_336], %broadcast_in_dim3A_326 {strides = array<i32>} : memref<4x64xf32, #tpu.memory_space<vmem>>, vector<4x1xf32>,
    %add3A_338 = arith.constant 1792 : i32
    %add3A_339 = vector.broadcast %add3A_338 : i32 to vector<4x1xi32>
    %add3A_340 = arith.addi %broadcast_in_dim3A_334, %add3A_339 : vector<4x1xi32>
    %swap3A_341 = arith.constant 0 : index
    %swap3A_342 = arith.constant 14 : index
    %swap3A_343 = vector.load %arg4[%swap3A_341, %swap3A_342] : memref<4x64xi32, #tpu.memory_space<vmem>>, vector<4x1xi32>
    tpu.vector_store %arg4[%swap3A_341, %swap3A_342], %add3A_340 {strides = array<i32>} : memref<4x64xi32, #tpu.memory_space<vmem>>, vector<4x1xi32>,
    %get3A_344 = arith.constant 0 : index
    %get3A_345 = arith.constant 1920 : index
    %get3A_346 = vector.load %arg2[%get3A_344, %get3A_345] : memref<4x8192xf32, #tpu.memory_space<vmem>>, vector<4x128xf32>
    %reduce_max3A_347 = arith.constant dense<0xFF800000> : vector<4xf32>
    %reduce_max3A_348 = vector.multi_reduction <maximumf>, %get3A_346, %reduce_max3A_347 [1] : vector<4x128xf32> to vector<4xf32>
    %broadcast_in_dim3A_349 = vector.shape_cast %reduce_max3A_348 : vector<4xf32> to vector<4x1xf32>
    %eq3A_350 = vector.broadcast %broadcast_in_dim3A_349 : vector<4x1xf32> to vector<4x128xf32>
    %eq3A_351 = arith.cmpf oeq, %get3A_346, %eq3A_350 : vector<4x128xf32>
    %jit3A_352 = arith.constant 1048576 : i32
    %broadcast_in_dim3A_353 = vector.broadcast %jit3A_352 : i32 to vector<4x128xi32>
    %select_n3A_354 = arith.select %eq3A_351, %iota3A, %broadcast_in_dim3A_353 : vector<4x128xi1>, vector<4x128xi32>
    %reduce_min3A_355 = arith.constant dense<2147483647> : vector<4xi32>
    %reduce_min3A_356 = vector.multi_reduction <minsi>, %select_n3A_354, %reduce_min3A_355 [1] : vector<4x128xi32> to vector<4xi32>
    %broadcast_in_dim3A_357 = vector.shape_cast %reduce_min3A_356 : vector<4xi32> to vector<4x1xi32>
    %swap3A_358 = arith.constant 0 : index
    %swap3A_359 = arith.constant 15 : index
    %swap3A_360 = vector.load %arg3[%swap3A_358, %swap3A_359] : memref<4x64xf32, #tpu.memory_space<vmem>>, vector<4x1xf32>
    tpu.vector_store %arg3[%swap3A_358, %swap3A_359], %broadcast_in_dim3A_349 {strides = array<i32>} : memref<4x64xf32, #tpu.memory_space<vmem>>, vector<4x1xf32>,
    %add3A_361 = arith.constant 1920 : i32
    %add3A_362 = vector.broadcast %add3A_361 : i32 to vector<4x1xi32>
    %add3A_363 = arith.addi %broadcast_in_dim3A_357, %add3A_362 : vector<4x1xi32>
    %swap3A_364 = arith.constant 0 : index
    %swap3A_365 = arith.constant 15 : index
    %swap3A_366 = vector.load %arg4[%swap3A_364, %swap3A_365] : memref<4x64xi32, #tpu.memory_space<vmem>>, vector<4x1xi32>
    tpu.vector_store %arg4[%swap3A_364, %swap3A_365], %add3A_363 {strides = array<i32>} : memref<4x64xi32, #tpu.memory_space<vmem>>, vector<4x1xi32>,
    %get3A_367 = arith.constant 0 : index
    %get3A_368 = arith.constant 2048 : index
    %get3A_369 = vector.load %arg2[%get3A_367, %get3A_368] : memref<4x8192xf32, #tpu.memory_space<vmem>>, vector<4x128xf32>
    %reduce_max3A_370 = arith.constant dense<0xFF800000> : vector<4xf32>
    %reduce_max3A_371 = vector.multi_reduction <maximumf>, %get3A_369, %reduce_max3A_370 [1] : vector<4x128xf32> to vector<4xf32>
    %broadcast_in_dim3A_372 = vector.shape_cast %reduce_max3A_371 : vector<4xf32> to vector<4x1xf32>
    %eq3A_373 = vector.broadcast %broadcast_in_dim3A_372 : vector<4x1xf32> to vector<4x128xf32>
    %eq3A_374 = arith.cmpf oeq, %get3A_369, %eq3A_373 : vector<4x128xf32>
    %jit3A_375 = arith.constant 1048576 : i32
    %broadcast_in_dim3A_376 = vector.broadcast %jit3A_375 : i32 to vector<4x128xi32>
    %select_n3A_377 = arith.select %eq3A_374, %iota3A, %broadcast_in_dim3A_376 : vector<4x128xi1>, vector<4x128xi32>
    %reduce_min3A_378 = arith.constant dense<2147483647> : vector<4xi32>
    %reduce_min3A_379 = vector.multi_reduction <minsi>, %select_n3A_377, %reduce_min3A_378 [1] : vector<4x128xi32> to vector<4xi32>
    %broadcast_in_dim3A_380 = vector.shape_cast %reduce_min3A_379 : vector<4xi32> to vector<4x1xi32>
    %swap3A_381 = arith.constant 0 : index
    %swap3A_382 = arith.constant 16 : index
    %swap3A_383 = vector.load %arg3[%swap3A_381, %swap3A_382] : memref<4x64xf32, #tpu.memory_space<vmem>>, vector<4x1xf32>
    tpu.vector_store %arg3[%swap3A_381, %swap3A_382], %broadcast_in_dim3A_372 {strides = array<i32>} : memref<4x64xf32, #tpu.memory_space<vmem>>, vector<4x1xf32>,
    %add3A_384 = arith.constant 2048 : i32
    %add3A_385 = vector.broadcast %add3A_384 : i32 to vector<4x1xi32>
    %add3A_386 = arith.addi %broadcast_in_dim3A_380, %add3A_385 : vector<4x1xi32>
    %swap3A_387 = arith.constant 0 : index
    %swap3A_388 = arith.constant 16 : index
    %swap3A_389 = vector.load %arg4[%swap3A_387, %swap3A_388] : memref<4x64xi32, #tpu.memory_space<vmem>>, vector<4x1xi32>
    tpu.vector_store %arg4[%swap3A_387, %swap3A_388], %add3A_386 {strides = array<i32>} : memref<4x64xi32, #tpu.memory_space<vmem>>, vector<4x1xi32>,
    %get3A_390 = arith.constant 0 : index
    %get3A_391 = arith.constant 2176 : index
    %get3A_392 = vector.load %arg2[%get3A_390, %get3A_391] : memref<4x8192xf32, #tpu.memory_space<vmem>>, vector<4x128xf32>
    %reduce_max3A_393 = arith.constant dense<0xFF800000> : vector<4xf32>
    %reduce_max3A_394 = vector.multi_reduction <maximumf>, %get3A_392, %reduce_max3A_393 [1] : vector<4x128xf32> to vector<4xf32>
    %broadcast_in_dim3A_395 = vector.shape_cast %reduce_max3A_394 : vector<4xf32> to vector<4x1xf32>
    %eq3A_396 = vector.broadcast %broadcast_in_dim3A_395 : vector<4x1xf32> to vector<4x128xf32>
    %eq3A_397 = arith.cmpf oeq, %get3A_392, %eq3A_396 : vector<4x128xf32>
    %jit3A_398 = arith.constant 1048576 : i32
    %broadcast_in_dim3A_399 = vector.broadcast %jit3A_398 : i32 to vector<4x128xi32>
    %select_n3A_400 = arith.select %eq3A_397, %iota3A, %broadcast_in_dim3A_399 : vector<4x128xi1>, vector<4x128xi32>
    %reduce_min3A_401 = arith.constant dense<2147483647> : vector<4xi32>
    %reduce_min3A_402 = vector.multi_reduction <minsi>, %select_n3A_400, %reduce_min3A_401 [1] : vector<4x128xi32> to vector<4xi32>
    %broadcast_in_dim3A_403 = vector.shape_cast %reduce_min3A_402 : vector<4xi32> to vector<4x1xi32>
    %swap3A_404 = arith.constant 0 : index
    %swap3A_405 = arith.constant 17 : index
    %swap3A_406 = vector.load %arg3[%swap3A_404, %swap3A_405] : memref<4x64xf32, #tpu.memory_space<vmem>>, vector<4x1xf32>
    tpu.vector_store %arg3[%swap3A_404, %swap3A_405], %broadcast_in_dim3A_395 {strides = array<i32>} : memref<4x64xf32, #tpu.memory_space<vmem>>, vector<4x1xf32>,
    %add3A_407 = arith.constant 2176 : i32
    %add3A_408 = vector.broadcast %add3A_407 : i32 to vector<4x1xi32>
    %add3A_409 = arith.addi %broadcast_in_dim3A_403, %add3A_408 : vector<4x1xi32>
    %swap3A_410 = arith.constant 0 : index
    %swap3A_411 = arith.constant 17 : index
    %swap3A_412 = vector.load %arg4[%swap3A_410, %swap3A_411] : memref<4x64xi32, #tpu.memory_space<vmem>>, vector<4x1xi32>
    tpu.vector_store %arg4[%swap3A_410, %swap3A_411], %add3A_409 {strides = array<i32>} : memref<4x64xi32, #tpu.memory_space<vmem>>, vector<4x1xi32>,
    %get3A_413 = arith.constant 0 : index
    %get3A_414 = arith.constant 2304 : index
    %get3A_415 = vector.load %arg2[%get3A_413, %get3A_414] : memref<4x8192xf32, #tpu.memory_space<vmem>>, vector<4x128xf32>
    %reduce_max3A_416 = arith.constant dense<0xFF800000> : vector<4xf32>
    %reduce_max3A_417 = vector.multi_reduction <maximumf>, %get3A_415, %reduce_max3A_416 [1] : vector<4x128xf32> to vector<4xf32>
    %broadcast_in_dim3A_418 = vector.shape_cast %reduce_max3A_417 : vector<4xf32> to vector<4x1xf32>
    %eq3A_419 = vector.broadcast %broadcast_in_dim3A_418 : vector<4x1xf32> to vector<4x128xf32>
    %eq3A_420 = arith.cmpf oeq, %get3A_415, %eq3A_419 : vector<4x128xf32>
    %jit3A_421 = arith.constant 1048576 : i32
    %broadcast_in_dim3A_422 = vector.broadcast %jit3A_421 : i32 to vector<4x128xi32>
    %select_n3A_423 = arith.select %eq3A_420, %iota3A, %broadcast_in_dim3A_422 : vector<4x128xi1>, vector<4x128xi32>
    %reduce_min3A_424 = arith.constant dense<2147483647> : vector<4xi32>
    %reduce_min3A_425 = vector.multi_reduction <minsi>, %select_n3A_423, %reduce_min3A_424 [1] : vector<4x128xi32> to vector<4xi32>
    %broadcast_in_dim3A_426 = vector.shape_cast %reduce_min3A_425 : vector<4xi32> to vector<4x1xi32>
    %swap3A_427 = arith.constant 0 : index
    %swap3A_428 = arith.constant 18 : index
    %swap3A_429 = vector.load %arg3[%swap3A_427, %swap3A_428] : memref<4x64xf32, #tpu.memory_space<vmem>>, vector<4x1xf32>
    tpu.vector_store %arg3[%swap3A_427, %swap3A_428], %broadcast_in_dim3A_418 {strides = array<i32>} : memref<4x64xf32, #tpu.memory_space<vmem>>, vector<4x1xf32>,
    %add3A_430 = arith.constant 2304 : i32
    %add3A_431 = vector.broadcast %add3A_430 : i32 to vector<4x1xi32>
    %add3A_432 = arith.addi %broadcast_in_dim3A_426, %add3A_431 : vector<4x1xi32>
    %swap3A_433 = arith.constant 0 : index
    %swap3A_434 = arith.constant 18 : index
    %swap3A_435 = vector.load %arg4[%swap3A_433, %swap3A_434] : memref<4x64xi32, #tpu.memory_space<vmem>>, vector<4x1xi32>
    tpu.vector_store %arg4[%swap3A_433, %swap3A_434], %add3A_432 {strides = array<i32>} : memref<4x64xi32, #tpu.memory_space<vmem>>, vector<4x1xi32>,
    %get3A_436 = arith.constant 0 : index
    %get3A_437 = arith.constant 2432 : index
    %get3A_438 = vector.load %arg2[%get3A_436, %get3A_437] : memref<4x8192xf32, #tpu.memory_space<vmem>>, vector<4x128xf32>
    %reduce_max3A_439 = arith.constant dense<0xFF800000> : vector<4xf32>
    %reduce_max3A_440 = vector.multi_reduction <maximumf>, %get3A_438, %reduce_max3A_439 [1] : vector<4x128xf32> to vector<4xf32>
    %broadcast_in_dim3A_441 = vector.shape_cast %reduce_max3A_440 : vector<4xf32> to vector<4x1xf32>
    %eq3A_442 = vector.broadcast %broadcast_in_dim3A_441 : vector<4x1xf32> to vector<4x128xf32>
    %eq3A_443 = arith.cmpf oeq, %get3A_438, %eq3A_442 : vector<4x128xf32>
    %jit3A_444 = arith.constant 1048576 : i32
    %broadcast_in_dim3A_445 = vector.broadcast %jit3A_444 : i32 to vector<4x128xi32>
    %select_n3A_446 = arith.select %eq3A_443, %iota3A, %broadcast_in_dim3A_445 : vector<4x128xi1>, vector<4x128xi32>
    %reduce_min3A_447 = arith.constant dense<2147483647> : vector<4xi32>
    %reduce_min3A_448 = vector.multi_reduction <minsi>, %select_n3A_446, %reduce_min3A_447 [1] : vector<4x128xi32> to vector<4xi32>
    %broadcast_in_dim3A_449 = vector.shape_cast %reduce_min3A_448 : vector<4xi32> to vector<4x1xi32>
    %swap3A_450 = arith.constant 0 : index
    %swap3A_451 = arith.constant 19 : index
    %swap3A_452 = vector.load %arg3[%swap3A_450, %swap3A_451] : memref<4x64xf32, #tpu.memory_space<vmem>>, vector<4x1xf32>
    tpu.vector_store %arg3[%swap3A_450, %swap3A_451], %broadcast_in_dim3A_441 {strides = array<i32>} : memref<4x64xf32, #tpu.memory_space<vmem>>, vector<4x1xf32>,
    %add3A_453 = arith.constant 2432 : i32
    %add3A_454 = vector.broadcast %add3A_453 : i32 to vector<4x1xi32>
    %add3A_455 = arith.addi %broadcast_in_dim3A_449, %add3A_454 : vector<4x1xi32>
    %swap3A_456 = arith.constant 0 : index
    %swap3A_457 = arith.constant 19 : index
    %swap3A_458 = vector.load %arg4[%swap3A_456, %swap3A_457] : memref<4x64xi32, #tpu.memory_space<vmem>>, vector<4x1xi32>
    tpu.vector_store %arg4[%swap3A_456, %swap3A_457], %add3A_455 {strides = array<i32>} : memref<4x64xi32, #tpu.memory_space<vmem>>, vector<4x1xi32>,
    %get3A_459 = arith.constant 0 : index
    %get3A_460 = arith.constant 2560 : index
    %get3A_461 = vector.load %arg2[%get3A_459, %get3A_460] : memref<4x8192xf32, #tpu.memory_space<vmem>>, vector<4x128xf32>
    %reduce_max3A_462 = arith.constant dense<0xFF800000> : vector<4xf32>
    %reduce_max3A_463 = vector.multi_reduction <maximumf>, %get3A_461, %reduce_max3A_462 [1] : vector<4x128xf32> to vector<4xf32>
    %broadcast_in_dim3A_464 = vector.shape_cast %reduce_max3A_463 : vector<4xf32> to vector<4x1xf32>
    %eq3A_465 = vector.broadcast %broadcast_in_dim3A_464 : vector<4x1xf32> to vector<4x128xf32>
    %eq3A_466 = arith.cmpf oeq, %get3A_461, %eq3A_465 : vector<4x128xf32>
    %jit3A_467 = arith.constant 1048576 : i32
    %broadcast_in_dim3A_468 = vector.broadcast %jit3A_467 : i32 to vector<4x128xi32>
    %select_n3A_469 = arith.select %eq3A_466, %iota3A, %broadcast_in_dim3A_468 : vector<4x128xi1>, vector<4x128xi32>
    %reduce_min3A_470 = arith.constant dense<2147483647> : vector<4xi32>
    %reduce_min3A_471 = vector.multi_reduction <minsi>, %select_n3A_469, %reduce_min3A_470 [1] : vector<4x128xi32> to vector<4xi32>
    %broadcast_in_dim3A_472 = vector.shape_cast %reduce_min3A_471 : vector<4xi32> to vector<4x1xi32>
    %swap3A_473 = arith.constant 0 : index
    %swap3A_474 = arith.constant 20 : index
    %swap3A_475 = vector.load %arg3[%swap3A_473, %swap3A_474] : memref<4x64xf32, #tpu.memory_space<vmem>>, vector<4x1xf32>
    tpu.vector_store %arg3[%swap3A_473, %swap3A_474], %broadcast_in_dim3A_464 {strides = array<i32>} : memref<4x64xf32, #tpu.memory_space<vmem>>, vector<4x1xf32>,
    %add3A_476 = arith.constant 2560 : i32
    %add3A_477 = vector.broadcast %add3A_476 : i32 to vector<4x1xi32>
    %add3A_478 = arith.addi %broadcast_in_dim3A_472, %add3A_477 : vector<4x1xi32>
    %swap3A_479 = arith.constant 0 : index
    %swap3A_480 = arith.constant 20 : index
    %swap3A_481 = vector.load %arg4[%swap3A_479, %swap3A_480] : memref<4x64xi32, #tpu.memory_space<vmem>>, vector<4x1xi32>
    tpu.vector_store %arg4[%swap3A_479, %swap3A_480], %add3A_478 {strides = array<i32>} : memref<4x64xi32, #tpu.memory_space<vmem>>, vector<4x1xi32>,
    %get3A_482 = arith.constant 0 : index
    %get3A_483 = arith.constant 2688 : index
    %get3A_484 = vector.load %arg2[%get3A_482, %get3A_483] : memref<4x8192xf32, #tpu.memory_space<vmem>>, vector<4x128xf32>
    %reduce_max3A_485 = arith.constant dense<0xFF800000> : vector<4xf32>
    %reduce_max3A_486 = vector.multi_reduction <maximumf>, %get3A_484, %reduce_max3A_485 [1] : vector<4x128xf32> to vector<4xf32>
    %broadcast_in_dim3A_487 = vector.shape_cast %reduce_max3A_486 : vector<4xf32> to vector<4x1xf32>
    %eq3A_488 = vector.broadcast %broadcast_in_dim3A_487 : vector<4x1xf32> to vector<4x128xf32>
    %eq3A_489 = arith.cmpf oeq, %get3A_484, %eq3A_488 : vector<4x128xf32>
    %jit3A_490 = arith.constant 1048576 : i32
    %broadcast_in_dim3A_491 = vector.broadcast %jit3A_490 : i32 to vector<4x128xi32>
    %select_n3A_492 = arith.select %eq3A_489, %iota3A, %broadcast_in_dim3A_491 : vector<4x128xi1>, vector<4x128xi32>
    %reduce_min3A_493 = arith.constant dense<2147483647> : vector<4xi32>
    %reduce_min3A_494 = vector.multi_reduction <minsi>, %select_n3A_492, %reduce_min3A_493 [1] : vector<4x128xi32> to vector<4xi32>
    %broadcast_in_dim3A_495 = vector.shape_cast %reduce_min3A_494 : vector<4xi32> to vector<4x1xi32>
    %swap3A_496 = arith.constant 0 : index
    %swap3A_497 = arith.constant 21 : index
    %swap3A_498 = vector.load %arg3[%swap3A_496, %swap3A_497] : memref<4x64xf32, #tpu.memory_space<vmem>>, vector<4x1xf32>
    tpu.vector_store %arg3[%swap3A_496, %swap3A_497], %broadcast_in_dim3A_487 {strides = array<i32>} : memref<4x64xf32, #tpu.memory_space<vmem>>, vector<4x1xf32>,
    %add3A_499 = arith.constant 2688 : i32
    %add3A_500 = vector.broadcast %add3A_499 : i32 to vector<4x1xi32>
    %add3A_501 = arith.addi %broadcast_in_dim3A_495, %add3A_500 : vector<4x1xi32>
    %swap3A_502 = arith.constant 0 : index
    %swap3A_503 = arith.constant 21 : index
    %swap3A_504 = vector.load %arg4[%swap3A_502, %swap3A_503] : memref<4x64xi32, #tpu.memory_space<vmem>>, vector<4x1xi32>
    tpu.vector_store %arg4[%swap3A_502, %swap3A_503], %add3A_501 {strides = array<i32>} : memref<4x64xi32, #tpu.memory_space<vmem>>, vector<4x1xi32>,
    %get3A_505 = arith.constant 0 : index
    %get3A_506 = arith.constant 2816 : index
    %get3A_507 = vector.load %arg2[%get3A_505, %get3A_506] : memref<4x8192xf32, #tpu.memory_space<vmem>>, vector<4x128xf32>
    %reduce_max3A_508 = arith.constant dense<0xFF800000> : vector<4xf32>
    %reduce_max3A_509 = vector.multi_reduction <maximumf>, %get3A_507, %reduce_max3A_508 [1] : vector<4x128xf32> to vector<4xf32>
    %broadcast_in_dim3A_510 = vector.shape_cast %reduce_max3A_509 : vector<4xf32> to vector<4x1xf32>
    %eq3A_511 = vector.broadcast %broadcast_in_dim3A_510 : vector<4x1xf32> to vector<4x128xf32>
    %eq3A_512 = arith.cmpf oeq, %get3A_507, %eq3A_511 : vector<4x128xf32>
    %jit3A_513 = arith.constant 1048576 : i32
    %broadcast_in_dim3A_514 = vector.broadcast %jit3A_513 : i32 to vector<4x128xi32>
    %select_n3A_515 = arith.select %eq3A_512, %iota3A, %broadcast_in_dim3A_514 : vector<4x128xi1>, vector<4x128xi32>
    %reduce_min3A_516 = arith.constant dense<2147483647> : vector<4xi32>
    %reduce_min3A_517 = vector.multi_reduction <minsi>, %select_n3A_515, %reduce_min3A_516 [1] : vector<4x128xi32> to vector<4xi32>
    %broadcast_in_dim3A_518 = vector.shape_cast %reduce_min3A_517 : vector<4xi32> to vector<4x1xi32>
    %swap3A_519 = arith.constant 0 : index
    %swap3A_520 = arith.constant 22 : index
    %swap3A_521 = vector.load %arg3[%swap3A_519, %swap3A_520] : memref<4x64xf32, #tpu.memory_space<vmem>>, vector<4x1xf32>
    tpu.vector_store %arg3[%swap3A_519, %swap3A_520], %broadcast_in_dim3A_510 {strides = array<i32>} : memref<4x64xf32, #tpu.memory_space<vmem>>, vector<4x1xf32>,
    %add3A_522 = arith.constant 2816 : i32
    %add3A_523 = vector.broadcast %add3A_522 : i32 to vector<4x1xi32>
    %add3A_524 = arith.addi %broadcast_in_dim3A_518, %add3A_523 : vector<4x1xi32>
    %swap3A_525 = arith.constant 0 : index
    %swap3A_526 = arith.constant 22 : index
    %swap3A_527 = vector.load %arg4[%swap3A_525, %swap3A_526] : memref<4x64xi32, #tpu.memory_space<vmem>>, vector<4x1xi32>
    tpu.vector_store %arg4[%swap3A_525, %swap3A_526], %add3A_524 {strides = array<i32>} : memref<4x64xi32, #tpu.memory_space<vmem>>, vector<4x1xi32>,
    %get3A_528 = arith.constant 0 : index
    %get3A_529 = arith.constant 2944 : index
    %get3A_530 = vector.load %arg2[%get3A_528, %get3A_529] : memref<4x8192xf32, #tpu.memory_space<vmem>>, vector<4x128xf32>
    %reduce_max3A_531 = arith.constant dense<0xFF800000> : vector<4xf32>
    %reduce_max3A_532 = vector.multi_reduction <maximumf>, %get3A_530, %reduce_max3A_531 [1] : vector<4x128xf32> to vector<4xf32>
    %broadcast_in_dim3A_533 = vector.shape_cast %reduce_max3A_532 : vector<4xf32> to vector<4x1xf32>
    %eq3A_534 = vector.broadcast %broadcast_in_dim3A_533 : vector<4x1xf32> to vector<4x128xf32>
    %eq3A_535 = arith.cmpf oeq, %get3A_530, %eq3A_534 : vector<4x128xf32>
    %jit3A_536 = arith.constant 1048576 : i32
    %broadcast_in_dim3A_537 = vector.broadcast %jit3A_536 : i32 to vector<4x128xi32>
    %select_n3A_538 = arith.select %eq3A_535, %iota3A, %broadcast_in_dim3A_537 : vector<4x128xi1>, vector<4x128xi32>
    %reduce_min3A_539 = arith.constant dense<2147483647> : vector<4xi32>
    %reduce_min3A_540 = vector.multi_reduction <minsi>, %select_n3A_538, %reduce_min3A_539 [1] : vector<4x128xi32> to vector<4xi32>
    %broadcast_in_dim3A_541 = vector.shape_cast %reduce_min3A_540 : vector<4xi32> to vector<4x1xi32>
    %swap3A_542 = arith.constant 0 : index
    %swap3A_543 = arith.constant 23 : index
    %swap3A_544 = vector.load %arg3[%swap3A_542, %swap3A_543] : memref<4x64xf32, #tpu.memory_space<vmem>>, vector<4x1xf32>
    tpu.vector_store %arg3[%swap3A_542, %swap3A_543], %broadcast_in_dim3A_533 {strides = array<i32>} : memref<4x64xf32, #tpu.memory_space<vmem>>, vector<4x1xf32>,
    %add3A_545 = arith.constant 2944 : i32
    %add3A_546 = vector.broadcast %add3A_545 : i32 to vector<4x1xi32>
    %add3A_547 = arith.addi %broadcast_in_dim3A_541, %add3A_546 : vector<4x1xi32>
    %swap3A_548 = arith.constant 0 : index
    %swap3A_549 = arith.constant 23 : index
    %swap3A_550 = vector.load %arg4[%swap3A_548, %swap3A_549] : memref<4x64xi32, #tpu.memory_space<vmem>>, vector<4x1xi32>
    tpu.vector_store %arg4[%swap3A_548, %swap3A_549], %add3A_547 {strides = array<i32>} : memref<4x64xi32, #tpu.memory_space<vmem>>, vector<4x1xi32>,
    %get3A_551 = arith.constant 0 : index
    %get3A_552 = arith.constant 3072 : index
    %get3A_553 = vector.load %arg2[%get3A_551, %get3A_552] : memref<4x8192xf32, #tpu.memory_space<vmem>>, vector<4x128xf32>
    %reduce_max3A_554 = arith.constant dense<0xFF800000> : vector<4xf32>
    %reduce_max3A_555 = vector.multi_reduction <maximumf>, %get3A_553, %reduce_max3A_554 [1] : vector<4x128xf32> to vector<4xf32>
    %broadcast_in_dim3A_556 = vector.shape_cast %reduce_max3A_555 : vector<4xf32> to vector<4x1xf32>
    %eq3A_557 = vector.broadcast %broadcast_in_dim3A_556 : vector<4x1xf32> to vector<4x128xf32>
    %eq3A_558 = arith.cmpf oeq, %get3A_553, %eq3A_557 : vector<4x128xf32>
    %jit3A_559 = arith.constant 1048576 : i32
    %broadcast_in_dim3A_560 = vector.broadcast %jit3A_559 : i32 to vector<4x128xi32>
    %select_n3A_561 = arith.select %eq3A_558, %iota3A, %broadcast_in_dim3A_560 : vector<4x128xi1>, vector<4x128xi32>
    %reduce_min3A_562 = arith.constant dense<2147483647> : vector<4xi32>
    %reduce_min3A_563 = vector.multi_reduction <minsi>, %select_n3A_561, %reduce_min3A_562 [1] : vector<4x128xi32> to vector<4xi32>
    %broadcast_in_dim3A_564 = vector.shape_cast %reduce_min3A_563 : vector<4xi32> to vector<4x1xi32>
    %swap3A_565 = arith.constant 0 : index
    %swap3A_566 = arith.constant 24 : index
    %swap3A_567 = vector.load %arg3[%swap3A_565, %swap3A_566] : memref<4x64xf32, #tpu.memory_space<vmem>>, vector<4x1xf32>
    tpu.vector_store %arg3[%swap3A_565, %swap3A_566], %broadcast_in_dim3A_556 {strides = array<i32>} : memref<4x64xf32, #tpu.memory_space<vmem>>, vector<4x1xf32>,
    %add3A_568 = arith.constant 3072 : i32
    %add3A_569 = vector.broadcast %add3A_568 : i32 to vector<4x1xi32>
    %add3A_570 = arith.addi %broadcast_in_dim3A_564, %add3A_569 : vector<4x1xi32>
    %swap3A_571 = arith.constant 0 : index
    %swap3A_572 = arith.constant 24 : index
    %swap3A_573 = vector.load %arg4[%swap3A_571, %swap3A_572] : memref<4x64xi32, #tpu.memory_space<vmem>>, vector<4x1xi32>
    tpu.vector_store %arg4[%swap3A_571, %swap3A_572], %add3A_570 {strides = array<i32>} : memref<4x64xi32, #tpu.memory_space<vmem>>, vector<4x1xi32>,
    %get3A_574 = arith.constant 0 : index
    %get3A_575 = arith.constant 3200 : index
    %get3A_576 = vector.load %arg2[%get3A_574, %get3A_575] : memref<4x8192xf32, #tpu.memory_space<vmem>>, vector<4x128xf32>
    %reduce_max3A_577 = arith.constant dense<0xFF800000> : vector<4xf32>
    %reduce_max3A_578 = vector.multi_reduction <maximumf>, %get3A_576, %reduce_max3A_577 [1] : vector<4x128xf32> to vector<4xf32>
    %broadcast_in_dim3A_579 = vector.shape_cast %reduce_max3A_578 : vector<4xf32> to vector<4x1xf32>
    %eq3A_580 = vector.broadcast %broadcast_in_dim3A_579 : vector<4x1xf32> to vector<4x128xf32>
    %eq3A_581 = arith.cmpf oeq, %get3A_576, %eq3A_580 : vector<4x128xf32>
    %jit3A_582 = arith.constant 1048576 : i32
    %broadcast_in_dim3A_583 = vector.broadcast %jit3A_582 : i32 to vector<4x128xi32>
    %select_n3A_584 = arith.select %eq3A_581, %iota3A, %broadcast_in_dim3A_583 : vector<4x128xi1>, vector<4x128xi32>
    %reduce_min3A_585 = arith.constant dense<2147483647> : vector<4xi32>
    %reduce_min3A_586 = vector.multi_reduction <minsi>, %select_n3A_584, %reduce_min3A_585 [1] : vector<4x128xi32> to vector<4xi32>
    %broadcast_in_dim3A_587 = vector.shape_cast %reduce_min3A_586 : vector<4xi32> to vector<4x1xi32>
    %swap3A_588 = arith.constant 0 : index
    %swap3A_589 = arith.constant 25 : index
    %swap3A_590 = vector.load %arg3[%swap3A_588, %swap3A_589] : memref<4x64xf32, #tpu.memory_space<vmem>>, vector<4x1xf32>
    tpu.vector_store %arg3[%swap3A_588, %swap3A_589], %broadcast_in_dim3A_579 {strides = array<i32>} : memref<4x64xf32, #tpu.memory_space<vmem>>, vector<4x1xf32>,
    %add3A_591 = arith.constant 3200 : i32
    %add3A_592 = vector.broadcast %add3A_591 : i32 to vector<4x1xi32>
    %add3A_593 = arith.addi %broadcast_in_dim3A_587, %add3A_592 : vector<4x1xi32>
    %swap3A_594 = arith.constant 0 : index
    %swap3A_595 = arith.constant 25 : index
    %swap3A_596 = vector.load %arg4[%swap3A_594, %swap3A_595] : memref<4x64xi32, #tpu.memory_space<vmem>>, vector<4x1xi32>
    tpu.vector_store %arg4[%swap3A_594, %swap3A_595], %add3A_593 {strides = array<i32>} : memref<4x64xi32, #tpu.memory_space<vmem>>, vector<4x1xi32>,
    %get3A_597 = arith.constant 0 : index
    %get3A_598 = arith.constant 3328 : index
    %get3A_599 = vector.load %arg2[%get3A_597, %get3A_598] : memref<4x8192xf32, #tpu.memory_space<vmem>>, vector<4x128xf32>
    %reduce_max3A_600 = arith.constant dense<0xFF800000> : vector<4xf32>
    %reduce_max3A_601 = vector.multi_reduction <maximumf>, %get3A_599, %reduce_max3A_600 [1] : vector<4x128xf32> to vector<4xf32>
    %broadcast_in_dim3A_602 = vector.shape_cast %reduce_max3A_601 : vector<4xf32> to vector<4x1xf32>
    %eq3A_603 = vector.broadcast %broadcast_in_dim3A_602 : vector<4x1xf32> to vector<4x128xf32>
    %eq3A_604 = arith.cmpf oeq, %get3A_599, %eq3A_603 : vector<4x128xf32>
    %jit3A_605 = arith.constant 1048576 : i32
    %broadcast_in_dim3A_606 = vector.broadcast %jit3A_605 : i32 to vector<4x128xi32>
    %select_n3A_607 = arith.select %eq3A_604, %iota3A, %broadcast_in_dim3A_606 : vector<4x128xi1>, vector<4x128xi32>
    %reduce_min3A_608 = arith.constant dense<2147483647> : vector<4xi32>
    %reduce_min3A_609 = vector.multi_reduction <minsi>, %select_n3A_607, %reduce_min3A_608 [1] : vector<4x128xi32> to vector<4xi32>
    %broadcast_in_dim3A_610 = vector.shape_cast %reduce_min3A_609 : vector<4xi32> to vector<4x1xi32>
    %swap3A_611 = arith.constant 0 : index
    %swap3A_612 = arith.constant 26 : index
    %swap3A_613 = vector.load %arg3[%swap3A_611, %swap3A_612] : memref<4x64xf32, #tpu.memory_space<vmem>>, vector<4x1xf32>
    tpu.vector_store %arg3[%swap3A_611, %swap3A_612], %broadcast_in_dim3A_602 {strides = array<i32>} : memref<4x64xf32, #tpu.memory_space<vmem>>, vector<4x1xf32>,
    %add3A_614 = arith.constant 3328 : i32
    %add3A_615 = vector.broadcast %add3A_614 : i32 to vector<4x1xi32>
    %add3A_616 = arith.addi %broadcast_in_dim3A_610, %add3A_615 : vector<4x1xi32>
    %swap3A_617 = arith.constant 0 : index
    %swap3A_618 = arith.constant 26 : index
    %swap3A_619 = vector.load %arg4[%swap3A_617, %swap3A_618] : memref<4x64xi32, #tpu.memory_space<vmem>>, vector<4x1xi32>
    tpu.vector_store %arg4[%swap3A_617, %swap3A_618], %add3A_616 {strides = array<i32>} : memref<4x64xi32, #tpu.memory_space<vmem>>, vector<4x1xi32>,
    %get3A_620 = arith.constant 0 : index
    %get3A_621 = arith.constant 3456 : index
    %get3A_622 = vector.load %arg2[%get3A_620, %get3A_621] : memref<4x8192xf32, #tpu.memory_space<vmem>>, vector<4x128xf32>
    %reduce_max3A_623 = arith.constant dense<0xFF800000> : vector<4xf32>
    %reduce_max3A_624 = vector.multi_reduction <maximumf>, %get3A_622, %reduce_max3A_623 [1] : vector<4x128xf32> to vector<4xf32>
    %broadcast_in_dim3A_625 = vector.shape_cast %reduce_max3A_624 : vector<4xf32> to vector<4x1xf32>
    %eq3A_626 = vector.broadcast %broadcast_in_dim3A_625 : vector<4x1xf32> to vector<4x128xf32>
    %eq3A_627 = arith.cmpf oeq, %get3A_622, %eq3A_626 : vector<4x128xf32>
    %jit3A_628 = arith.constant 1048576 : i32
    %broadcast_in_dim3A_629 = vector.broadcast %jit3A_628 : i32 to vector<4x128xi32>
    %select_n3A_630 = arith.select %eq3A_627, %iota3A, %broadcast_in_dim3A_629 : vector<4x128xi1>, vector<4x128xi32>
    %reduce_min3A_631 = arith.constant dense<2147483647> : vector<4xi32>
    %reduce_min3A_632 = vector.multi_reduction <minsi>, %select_n3A_630, %reduce_min3A_631 [1] : vector<4x128xi32> to vector<4xi32>
    %broadcast_in_dim3A_633 = vector.shape_cast %reduce_min3A_632 : vector<4xi32> to vector<4x1xi32>
    %swap3A_634 = arith.constant 0 : index
    %swap3A_635 = arith.constant 27 : index
    %swap3A_636 = vector.load %arg3[%swap3A_634, %swap3A_635] : memref<4x64xf32, #tpu.memory_space<vmem>>, vector<4x1xf32>
    tpu.vector_store %arg3[%swap3A_634, %swap3A_635], %broadcast_in_dim3A_625 {strides = array<i32>} : memref<4x64xf32, #tpu.memory_space<vmem>>, vector<4x1xf32>,
    %add3A_637 = arith.constant 3456 : i32
    %add3A_638 = vector.broadcast %add3A_637 : i32 to vector<4x1xi32>
    %add3A_639 = arith.addi %broadcast_in_dim3A_633, %add3A_638 : vector<4x1xi32>
    %swap3A_640 = arith.constant 0 : index
    %swap3A_641 = arith.constant 27 : index
    %swap3A_642 = vector.load %arg4[%swap3A_640, %swap3A_641] : memref<4x64xi32, #tpu.memory_space<vmem>>, vector<4x1xi32>
    tpu.vector_store %arg4[%swap3A_640, %swap3A_641], %add3A_639 {strides = array<i32>} : memref<4x64xi32, #tpu.memory_space<vmem>>, vector<4x1xi32>,
    %get3A_643 = arith.constant 0 : index
    %get3A_644 = arith.constant 3584 : index
    %get3A_645 = vector.load %arg2[%get3A_643, %get3A_644] : memref<4x8192xf32, #tpu.memory_space<vmem>>, vector<4x128xf32>
    %reduce_max3A_646 = arith.constant dense<0xFF800000> : vector<4xf32>
    %reduce_max3A_647 = vector.multi_reduction <maximumf>, %get3A_645, %reduce_max3A_646 [1] : vector<4x128xf32> to vector<4xf32>
    %broadcast_in_dim3A_648 = vector.shape_cast %reduce_max3A_647 : vector<4xf32> to vector<4x1xf32>
    %eq3A_649 = vector.broadcast %broadcast_in_dim3A_648 : vector<4x1xf32> to vector<4x128xf32>
    %eq3A_650 = arith.cmpf oeq, %get3A_645, %eq3A_649 : vector<4x128xf32>
    %jit3A_651 = arith.constant 1048576 : i32
    %broadcast_in_dim3A_652 = vector.broadcast %jit3A_651 : i32 to vector<4x128xi32>
    %select_n3A_653 = arith.select %eq3A_650, %iota3A, %broadcast_in_dim3A_652 : vector<4x128xi1>, vector<4x128xi32>
    %reduce_min3A_654 = arith.constant dense<2147483647> : vector<4xi32>
    %reduce_min3A_655 = vector.multi_reduction <minsi>, %select_n3A_653, %reduce_min3A_654 [1] : vector<4x128xi32> to vector<4xi32>
    %broadcast_in_dim3A_656 = vector.shape_cast %reduce_min3A_655 : vector<4xi32> to vector<4x1xi32>
    %swap3A_657 = arith.constant 0 : index
    %swap3A_658 = arith.constant 28 : index
    %swap3A_659 = vector.load %arg3[%swap3A_657, %swap3A_658] : memref<4x64xf32, #tpu.memory_space<vmem>>, vector<4x1xf32>
    tpu.vector_store %arg3[%swap3A_657, %swap3A_658], %broadcast_in_dim3A_648 {strides = array<i32>} : memref<4x64xf32, #tpu.memory_space<vmem>>, vector<4x1xf32>,
    %add3A_660 = arith.constant 3584 : i32
    %add3A_661 = vector.broadcast %add3A_660 : i32 to vector<4x1xi32>
    %add3A_662 = arith.addi %broadcast_in_dim3A_656, %add3A_661 : vector<4x1xi32>
    %swap3A_663 = arith.constant 0 : index
    %swap3A_664 = arith.constant 28 : index
    %swap3A_665 = vector.load %arg4[%swap3A_663, %swap3A_664] : memref<4x64xi32, #tpu.memory_space<vmem>>, vector<4x1xi32>
    tpu.vector_store %arg4[%swap3A_663, %swap3A_664], %add3A_662 {strides = array<i32>} : memref<4x64xi32, #tpu.memory_space<vmem>>, vector<4x1xi32>,
    %get3A_666 = arith.constant 0 : index
    %get3A_667 = arith.constant 3712 : index
    %get3A_668 = vector.load %arg2[%get3A_666, %get3A_667] : memref<4x8192xf32, #tpu.memory_space<vmem>>, vector<4x128xf32>
    %reduce_max3A_669 = arith.constant dense<0xFF800000> : vector<4xf32>
    %reduce_max3A_670 = vector.multi_reduction <maximumf>, %get3A_668, %reduce_max3A_669 [1] : vector<4x128xf32> to vector<4xf32>
    %broadcast_in_dim3A_671 = vector.shape_cast %reduce_max3A_670 : vector<4xf32> to vector<4x1xf32>
    %eq3A_672 = vector.broadcast %broadcast_in_dim3A_671 : vector<4x1xf32> to vector<4x128xf32>
    %eq3A_673 = arith.cmpf oeq, %get3A_668, %eq3A_672 : vector<4x128xf32>
    %jit3A_674 = arith.constant 1048576 : i32
    %broadcast_in_dim3A_675 = vector.broadcast %jit3A_674 : i32 to vector<4x128xi32>
    %select_n3A_676 = arith.select %eq3A_673, %iota3A, %broadcast_in_dim3A_675 : vector<4x128xi1>, vector<4x128xi32>
    %reduce_min3A_677 = arith.constant dense<2147483647> : vector<4xi32>
    %reduce_min3A_678 = vector.multi_reduction <minsi>, %select_n3A_676, %reduce_min3A_677 [1] : vector<4x128xi32> to vector<4xi32>
    %broadcast_in_dim3A_679 = vector.shape_cast %reduce_min3A_678 : vector<4xi32> to vector<4x1xi32>
    %swap3A_680 = arith.constant 0 : index
    %swap3A_681 = arith.constant 29 : index
    %swap3A_682 = vector.load %arg3[%swap3A_680, %swap3A_681] : memref<4x64xf32, #tpu.memory_space<vmem>>, vector<4x1xf32>
    tpu.vector_store %arg3[%swap3A_680, %swap3A_681], %broadcast_in_dim3A_671 {strides = array<i32>} : memref<4x64xf32, #tpu.memory_space<vmem>>, vector<4x1xf32>,
    %add3A_683 = arith.constant 3712 : i32
    %add3A_684 = vector.broadcast %add3A_683 : i32 to vector<4x1xi32>
    %add3A_685 = arith.addi %broadcast_in_dim3A_679, %add3A_684 : vector<4x1xi32>
    %swap3A_686 = arith.constant 0 : index
    %swap3A_687 = arith.constant 29 : index
    %swap3A_688 = vector.load %arg4[%swap3A_686, %swap3A_687] : memref<4x64xi32, #tpu.memory_space<vmem>>, vector<4x1xi32>
    tpu.vector_store %arg4[%swap3A_686, %swap3A_687], %add3A_685 {strides = array<i32>} : memref<4x64xi32, #tpu.memory_space<vmem>>, vector<4x1xi32>,
    %get3A_689 = arith.constant 0 : index
    %get3A_690 = arith.constant 3840 : index
    %get3A_691 = vector.load %arg2[%get3A_689, %get3A_690] : memref<4x8192xf32, #tpu.memory_space<vmem>>, vector<4x128xf32>
    %reduce_max3A_692 = arith.constant dense<0xFF800000> : vector<4xf32>
    %reduce_max3A_693 = vector.multi_reduction <maximumf>, %get3A_691, %reduce_max3A_692 [1] : vector<4x128xf32> to vector<4xf32>
    %broadcast_in_dim3A_694 = vector.shape_cast %reduce_max3A_693 : vector<4xf32> to vector<4x1xf32>
    %eq3A_695 = vector.broadcast %broadcast_in_dim3A_694 : vector<4x1xf32> to vector<4x128xf32>
    %eq3A_696 = arith.cmpf oeq, %get3A_691, %eq3A_695 : vector<4x128xf32>
    %jit3A_697 = arith.constant 1048576 : i32
    %broadcast_in_dim3A_698 = vector.broadcast %jit3A_697 : i32 to vector<4x128xi32>
    %select_n3A_699 = arith.select %eq3A_696, %iota3A, %broadcast_in_dim3A_698 : vector<4x128xi1>, vector<4x128xi32>
    %reduce_min3A_700 = arith.constant dense<2147483647> : vector<4xi32>
    %reduce_min3A_701 = vector.multi_reduction <minsi>, %select_n3A_699, %reduce_min3A_700 [1] : vector<4x128xi32> to vector<4xi32>
    %broadcast_in_dim3A_702 = vector.shape_cast %reduce_min3A_701 : vector<4xi32> to vector<4x1xi32>
    %swap3A_703 = arith.constant 0 : index
    %swap3A_704 = arith.constant 30 : index
    %swap3A_705 = vector.load %arg3[%swap3A_703, %swap3A_704] : memref<4x64xf32, #tpu.memory_space<vmem>>, vector<4x1xf32>
    tpu.vector_store %arg3[%swap3A_703, %swap3A_704], %broadcast_in_dim3A_694 {strides = array<i32>} : memref<4x64xf32, #tpu.memory_space<vmem>>, vector<4x1xf32>,
    %add3A_706 = arith.constant 3840 : i32
    %add3A_707 = vector.broadcast %add3A_706 : i32 to vector<4x1xi32>
    %add3A_708 = arith.addi %broadcast_in_dim3A_702, %add3A_707 : vector<4x1xi32>
    %swap3A_709 = arith.constant 0 : index
    %swap3A_710 = arith.constant 30 : index
    %swap3A_711 = vector.load %arg4[%swap3A_709, %swap3A_710] : memref<4x64xi32, #tpu.memory_space<vmem>>, vector<4x1xi32>
    tpu.vector_store %arg4[%swap3A_709, %swap3A_710], %add3A_708 {strides = array<i32>} : memref<4x64xi32, #tpu.memory_space<vmem>>, vector<4x1xi32>,
    %get3A_712 = arith.constant 0 : index
    %get3A_713 = arith.constant 3968 : index
    %get3A_714 = vector.load %arg2[%get3A_712, %get3A_713] : memref<4x8192xf32, #tpu.memory_space<vmem>>, vector<4x128xf32>
    %reduce_max3A_715 = arith.constant dense<0xFF800000> : vector<4xf32>
    %reduce_max3A_716 = vector.multi_reduction <maximumf>, %get3A_714, %reduce_max3A_715 [1] : vector<4x128xf32> to vector<4xf32>
    %broadcast_in_dim3A_717 = vector.shape_cast %reduce_max3A_716 : vector<4xf32> to vector<4x1xf32>
    %eq3A_718 = vector.broadcast %broadcast_in_dim3A_717 : vector<4x1xf32> to vector<4x128xf32>
    %eq3A_719 = arith.cmpf oeq, %get3A_714, %eq3A_718 : vector<4x128xf32>
    %jit3A_720 = arith.constant 1048576 : i32
    %broadcast_in_dim3A_721 = vector.broadcast %jit3A_720 : i32 to vector<4x128xi32>
    %select_n3A_722 = arith.select %eq3A_719, %iota3A, %broadcast_in_dim3A_721 : vector<4x128xi1>, vector<4x128xi32>
    %reduce_min3A_723 = arith.constant dense<2147483647> : vector<4xi32>
    %reduce_min3A_724 = vector.multi_reduction <minsi>, %select_n3A_722, %reduce_min3A_723 [1] : vector<4x128xi32> to vector<4xi32>
    %broadcast_in_dim3A_725 = vector.shape_cast %reduce_min3A_724 : vector<4xi32> to vector<4x1xi32>
    %swap3A_726 = arith.constant 0 : index
    %swap3A_727 = arith.constant 31 : index
    %swap3A_728 = vector.load %arg3[%swap3A_726, %swap3A_727] : memref<4x64xf32, #tpu.memory_space<vmem>>, vector<4x1xf32>
    tpu.vector_store %arg3[%swap3A_726, %swap3A_727], %broadcast_in_dim3A_717 {strides = array<i32>} : memref<4x64xf32, #tpu.memory_space<vmem>>, vector<4x1xf32>,
    %add3A_729 = arith.constant 3968 : i32
    %add3A_730 = vector.broadcast %add3A_729 : i32 to vector<4x1xi32>
    %add3A_731 = arith.addi %broadcast_in_dim3A_725, %add3A_730 : vector<4x1xi32>
    %swap3A_732 = arith.constant 0 : index
    %swap3A_733 = arith.constant 31 : index
    %swap3A_734 = vector.load %arg4[%swap3A_732, %swap3A_733] : memref<4x64xi32, #tpu.memory_space<vmem>>, vector<4x1xi32>
    tpu.vector_store %arg4[%swap3A_732, %swap3A_733], %add3A_731 {strides = array<i32>} : memref<4x64xi32, #tpu.memory_space<vmem>>, vector<4x1xi32>,
    %get3A_735 = arith.constant 0 : index
    %get3A_736 = arith.constant 4096 : index
    %get3A_737 = vector.load %arg2[%get3A_735, %get3A_736] : memref<4x8192xf32, #tpu.memory_space<vmem>>, vector<4x128xf32>
    %reduce_max3A_738 = arith.constant dense<0xFF800000> : vector<4xf32>
    %reduce_max3A_739 = vector.multi_reduction <maximumf>, %get3A_737, %reduce_max3A_738 [1] : vector<4x128xf32> to vector<4xf32>
    %broadcast_in_dim3A_740 = vector.shape_cast %reduce_max3A_739 : vector<4xf32> to vector<4x1xf32>
    %eq3A_741 = vector.broadcast %broadcast_in_dim3A_740 : vector<4x1xf32> to vector<4x128xf32>
    %eq3A_742 = arith.cmpf oeq, %get3A_737, %eq3A_741 : vector<4x128xf32>
    %jit3A_743 = arith.constant 1048576 : i32
    %broadcast_in_dim3A_744 = vector.broadcast %jit3A_743 : i32 to vector<4x128xi32>
    %select_n3A_745 = arith.select %eq3A_742, %iota3A, %broadcast_in_dim3A_744 : vector<4x128xi1>, vector<4x128xi32>
    %reduce_min3A_746 = arith.constant dense<2147483647> : vector<4xi32>
    %reduce_min3A_747 = vector.multi_reduction <minsi>, %select_n3A_745, %reduce_min3A_746 [1] : vector<4x128xi32> to vector<4xi32>
    %broadcast_in_dim3A_748 = vector.shape_cast %reduce_min3A_747 : vector<4xi32> to vector<4x1xi32>
    %swap3A_749 = arith.constant 0 : index
    %swap3A_750 = arith.constant 32 : index
    %swap3A_751 = vector.load %arg3[%swap3A_749, %swap3A_750] : memref<4x64xf32, #tpu.memory_space<vmem>>, vector<4x1xf32>
    tpu.vector_store %arg3[%swap3A_749, %swap3A_750], %broadcast_in_dim3A_740 {strides = array<i32>} : memref<4x64xf32, #tpu.memory_space<vmem>>, vector<4x1xf32>,
    %add3A_752 = arith.constant 4096 : i32
    %add3A_753 = vector.broadcast %add3A_752 : i32 to vector<4x1xi32>
    %add3A_754 = arith.addi %broadcast_in_dim3A_748, %add3A_753 : vector<4x1xi32>
    %swap3A_755 = arith.constant 0 : index
    %swap3A_756 = arith.constant 32 : index
    %swap3A_757 = vector.load %arg4[%swap3A_755, %swap3A_756] : memref<4x64xi32, #tpu.memory_space<vmem>>, vector<4x1xi32>
    tpu.vector_store %arg4[%swap3A_755, %swap3A_756], %add3A_754 {strides = array<i32>} : memref<4x64xi32, #tpu.memory_space<vmem>>, vector<4x1xi32>,
    %get3A_758 = arith.constant 0 : index
    %get3A_759 = arith.constant 4224 : index
    %get3A_760 = vector.load %arg2[%get3A_758, %get3A_759] : memref<4x8192xf32, #tpu.memory_space<vmem>>, vector<4x128xf32>
    %reduce_max3A_761 = arith.constant dense<0xFF800000> : vector<4xf32>
    %reduce_max3A_762 = vector.multi_reduction <maximumf>, %get3A_760, %reduce_max3A_761 [1] : vector<4x128xf32> to vector<4xf32>
    %broadcast_in_dim3A_763 = vector.shape_cast %reduce_max3A_762 : vector<4xf32> to vector<4x1xf32>
    %eq3A_764 = vector.broadcast %broadcast_in_dim3A_763 : vector<4x1xf32> to vector<4x128xf32>
    %eq3A_765 = arith.cmpf oeq, %get3A_760, %eq3A_764 : vector<4x128xf32>
    %jit3A_766 = arith.constant 1048576 : i32
    %broadcast_in_dim3A_767 = vector.broadcast %jit3A_766 : i32 to vector<4x128xi32>
    %select_n3A_768 = arith.select %eq3A_765, %iota3A, %broadcast_in_dim3A_767 : vector<4x128xi1>, vector<4x128xi32>
    %reduce_min3A_769 = arith.constant dense<2147483647> : vector<4xi32>
    %reduce_min3A_770 = vector.multi_reduction <minsi>, %select_n3A_768, %reduce_min3A_769 [1] : vector<4x128xi32> to vector<4xi32>
    %broadcast_in_dim3A_771 = vector.shape_cast %reduce_min3A_770 : vector<4xi32> to vector<4x1xi32>
    %swap3A_772 = arith.constant 0 : index
    %swap3A_773 = arith.constant 33 : index
    %swap3A_774 = vector.load %arg3[%swap3A_772, %swap3A_773] : memref<4x64xf32, #tpu.memory_space<vmem>>, vector<4x1xf32>
    tpu.vector_store %arg3[%swap3A_772, %swap3A_773], %broadcast_in_dim3A_763 {strides = array<i32>} : memref<4x64xf32, #tpu.memory_space<vmem>>, vector<4x1xf32>,
    %add3A_775 = arith.constant 4224 : i32
    %add3A_776 = vector.broadcast %add3A_775 : i32 to vector<4x1xi32>
    %add3A_777 = arith.addi %broadcast_in_dim3A_771, %add3A_776 : vector<4x1xi32>
    %swap3A_778 = arith.constant 0 : index
    %swap3A_779 = arith.constant 33 : index
    %swap3A_780 = vector.load %arg4[%swap3A_778, %swap3A_779] : memref<4x64xi32, #tpu.memory_space<vmem>>, vector<4x1xi32>
    tpu.vector_store %arg4[%swap3A_778, %swap3A_779], %add3A_777 {strides = array<i32>} : memref<4x64xi32, #tpu.memory_space<vmem>>, vector<4x1xi32>,
    %get3A_781 = arith.constant 0 : index
    %get3A_782 = arith.constant 4352 : index
    %get3A_783 = vector.load %arg2[%get3A_781, %get3A_782] : memref<4x8192xf32, #tpu.memory_space<vmem>>, vector<4x128xf32>
    %reduce_max3A_784 = arith.constant dense<0xFF800000> : vector<4xf32>
    %reduce_max3A_785 = vector.multi_reduction <maximumf>, %get3A_783, %reduce_max3A_784 [1] : vector<4x128xf32> to vector<4xf32>
    %broadcast_in_dim3A_786 = vector.shape_cast %reduce_max3A_785 : vector<4xf32> to vector<4x1xf32>
    %eq3A_787 = vector.broadcast %broadcast_in_dim3A_786 : vector<4x1xf32> to vector<4x128xf32>
    %eq3A_788 = arith.cmpf oeq, %get3A_783, %eq3A_787 : vector<4x128xf32>
    %jit3A_789 = arith.constant 1048576 : i32
    %broadcast_in_dim3A_790 = vector.broadcast %jit3A_789 : i32 to vector<4x128xi32>
    %select_n3A_791 = arith.select %eq3A_788, %iota3A, %broadcast_in_dim3A_790 : vector<4x128xi1>, vector<4x128xi32>
    %reduce_min3A_792 = arith.constant dense<2147483647> : vector<4xi32>
    %reduce_min3A_793 = vector.multi_reduction <minsi>, %select_n3A_791, %reduce_min3A_792 [1] : vector<4x128xi32> to vector<4xi32>
    %broadcast_in_dim3A_794 = vector.shape_cast %reduce_min3A_793 : vector<4xi32> to vector<4x1xi32>
    %swap3A_795 = arith.constant 0 : index
    %swap3A_796 = arith.constant 34 : index
    %swap3A_797 = vector.load %arg3[%swap3A_795, %swap3A_796] : memref<4x64xf32, #tpu.memory_space<vmem>>, vector<4x1xf32>
    tpu.vector_store %arg3[%swap3A_795, %swap3A_796], %broadcast_in_dim3A_786 {strides = array<i32>} : memref<4x64xf32, #tpu.memory_space<vmem>>, vector<4x1xf32>,
    %add3A_798 = arith.constant 4352 : i32
    %add3A_799 = vector.broadcast %add3A_798 : i32 to vector<4x1xi32>
    %add3A_800 = arith.addi %broadcast_in_dim3A_794, %add3A_799 : vector<4x1xi32>
    %swap3A_801 = arith.constant 0 : index
    %swap3A_802 = arith.constant 34 : index
    %swap3A_803 = vector.load %arg4[%swap3A_801, %swap3A_802] : memref<4x64xi32, #tpu.memory_space<vmem>>, vector<4x1xi32>
    tpu.vector_store %arg4[%swap3A_801, %swap3A_802], %add3A_800 {strides = array<i32>} : memref<4x64xi32, #tpu.memory_space<vmem>>, vector<4x1xi32>,
    %get3A_804 = arith.constant 0 : index
    %get3A_805 = arith.constant 4480 : index
    %get3A_806 = vector.load %arg2[%get3A_804, %get3A_805] : memref<4x8192xf32, #tpu.memory_space<vmem>>, vector<4x128xf32>
    %reduce_max3A_807 = arith.constant dense<0xFF800000> : vector<4xf32>
    %reduce_max3A_808 = vector.multi_reduction <maximumf>, %get3A_806, %reduce_max3A_807 [1] : vector<4x128xf32> to vector<4xf32>
    %broadcast_in_dim3A_809 = vector.shape_cast %reduce_max3A_808 : vector<4xf32> to vector<4x1xf32>
    %eq3A_810 = vector.broadcast %broadcast_in_dim3A_809 : vector<4x1xf32> to vector<4x128xf32>
    %eq3A_811 = arith.cmpf oeq, %get3A_806, %eq3A_810 : vector<4x128xf32>
    %jit3A_812 = arith.constant 1048576 : i32
    %broadcast_in_dim3A_813 = vector.broadcast %jit3A_812 : i32 to vector<4x128xi32>
    %select_n3A_814 = arith.select %eq3A_811, %iota3A, %broadcast_in_dim3A_813 : vector<4x128xi1>, vector<4x128xi32>
    %reduce_min3A_815 = arith.constant dense<2147483647> : vector<4xi32>
    %reduce_min3A_816 = vector.multi_reduction <minsi>, %select_n3A_814, %reduce_min3A_815 [1] : vector<4x128xi32> to vector<4xi32>
    %broadcast_in_dim3A_817 = vector.shape_cast %reduce_min3A_816 : vector<4xi32> to vector<4x1xi32>
    %swap3A_818 = arith.constant 0 : index
    %swap3A_819 = arith.constant 35 : index
    %swap3A_820 = vector.load %arg3[%swap3A_818, %swap3A_819] : memref<4x64xf32, #tpu.memory_space<vmem>>, vector<4x1xf32>
    tpu.vector_store %arg3[%swap3A_818, %swap3A_819], %broadcast_in_dim3A_809 {strides = array<i32>} : memref<4x64xf32, #tpu.memory_space<vmem>>, vector<4x1xf32>,
    %add3A_821 = arith.constant 4480 : i32
    %add3A_822 = vector.broadcast %add3A_821 : i32 to vector<4x1xi32>
    %add3A_823 = arith.addi %broadcast_in_dim3A_817, %add3A_822 : vector<4x1xi32>
    %swap3A_824 = arith.constant 0 : index
    %swap3A_825 = arith.constant 35 : index
    %swap3A_826 = vector.load %arg4[%swap3A_824, %swap3A_825] : memref<4x64xi32, #tpu.memory_space<vmem>>, vector<4x1xi32>
    tpu.vector_store %arg4[%swap3A_824, %swap3A_825], %add3A_823 {strides = array<i32>} : memref<4x64xi32, #tpu.memory_space<vmem>>, vector<4x1xi32>,
    %get3A_827 = arith.constant 0 : index
    %get3A_828 = arith.constant 4608 : index
    %get3A_829 = vector.load %arg2[%get3A_827, %get3A_828] : memref<4x8192xf32, #tpu.memory_space<vmem>>, vector<4x128xf32>
    %reduce_max3A_830 = arith.constant dense<0xFF800000> : vector<4xf32>
    %reduce_max3A_831 = vector.multi_reduction <maximumf>, %get3A_829, %reduce_max3A_830 [1] : vector<4x128xf32> to vector<4xf32>
    %broadcast_in_dim3A_832 = vector.shape_cast %reduce_max3A_831 : vector<4xf32> to vector<4x1xf32>
    %eq3A_833 = vector.broadcast %broadcast_in_dim3A_832 : vector<4x1xf32> to vector<4x128xf32>
    %eq3A_834 = arith.cmpf oeq, %get3A_829, %eq3A_833 : vector<4x128xf32>
    %jit3A_835 = arith.constant 1048576 : i32
    %broadcast_in_dim3A_836 = vector.broadcast %jit3A_835 : i32 to vector<4x128xi32>
    %select_n3A_837 = arith.select %eq3A_834, %iota3A, %broadcast_in_dim3A_836 : vector<4x128xi1>, vector<4x128xi32>
    %reduce_min3A_838 = arith.constant dense<2147483647> : vector<4xi32>
    %reduce_min3A_839 = vector.multi_reduction <minsi>, %select_n3A_837, %reduce_min3A_838 [1] : vector<4x128xi32> to vector<4xi32>
    %broadcast_in_dim3A_840 = vector.shape_cast %reduce_min3A_839 : vector<4xi32> to vector<4x1xi32>
    %swap3A_841 = arith.constant 0 : index
    %swap3A_842 = arith.constant 36 : index
    %swap3A_843 = vector.load %arg3[%swap3A_841, %swap3A_842] : memref<4x64xf32, #tpu.memory_space<vmem>>, vector<4x1xf32>
    tpu.vector_store %arg3[%swap3A_841, %swap3A_842], %broadcast_in_dim3A_832 {strides = array<i32>} : memref<4x64xf32, #tpu.memory_space<vmem>>, vector<4x1xf32>,
    %add3A_844 = arith.constant 4608 : i32
    %add3A_845 = vector.broadcast %add3A_844 : i32 to vector<4x1xi32>
    %add3A_846 = arith.addi %broadcast_in_dim3A_840, %add3A_845 : vector<4x1xi32>
    %swap3A_847 = arith.constant 0 : index
    %swap3A_848 = arith.constant 36 : index
    %swap3A_849 = vector.load %arg4[%swap3A_847, %swap3A_848] : memref<4x64xi32, #tpu.memory_space<vmem>>, vector<4x1xi32>
    tpu.vector_store %arg4[%swap3A_847, %swap3A_848], %add3A_846 {strides = array<i32>} : memref<4x64xi32, #tpu.memory_space<vmem>>, vector<4x1xi32>,
    %get3A_850 = arith.constant 0 : index
    %get3A_851 = arith.constant 4736 : index
    %get3A_852 = vector.load %arg2[%get3A_850, %get3A_851] : memref<4x8192xf32, #tpu.memory_space<vmem>>, vector<4x128xf32>
    %reduce_max3A_853 = arith.constant dense<0xFF800000> : vector<4xf32>
    %reduce_max3A_854 = vector.multi_reduction <maximumf>, %get3A_852, %reduce_max3A_853 [1] : vector<4x128xf32> to vector<4xf32>
    %broadcast_in_dim3A_855 = vector.shape_cast %reduce_max3A_854 : vector<4xf32> to vector<4x1xf32>
    %eq3A_856 = vector.broadcast %broadcast_in_dim3A_855 : vector<4x1xf32> to vector<4x128xf32>
    %eq3A_857 = arith.cmpf oeq, %get3A_852, %eq3A_856 : vector<4x128xf32>
    %jit3A_858 = arith.constant 1048576 : i32
    %broadcast_in_dim3A_859 = vector.broadcast %jit3A_858 : i32 to vector<4x128xi32>
    %select_n3A_860 = arith.select %eq3A_857, %iota3A, %broadcast_in_dim3A_859 : vector<4x128xi1>, vector<4x128xi32>
    %reduce_min3A_861 = arith.constant dense<2147483647> : vector<4xi32>
    %reduce_min3A_862 = vector.multi_reduction <minsi>, %select_n3A_860, %reduce_min3A_861 [1] : vector<4x128xi32> to vector<4xi32>
    %broadcast_in_dim3A_863 = vector.shape_cast %reduce_min3A_862 : vector<4xi32> to vector<4x1xi32>
    %swap3A_864 = arith.constant 0 : index
    %swap3A_865 = arith.constant 37 : index
    %swap3A_866 = vector.load %arg3[%swap3A_864, %swap3A_865] : memref<4x64xf32, #tpu.memory_space<vmem>>, vector<4x1xf32>
    tpu.vector_store %arg3[%swap3A_864, %swap3A_865], %broadcast_in_dim3A_855 {strides = array<i32>} : memref<4x64xf32, #tpu.memory_space<vmem>>, vector<4x1xf32>,
    %add3A_867 = arith.constant 4736 : i32
    %add3A_868 = vector.broadcast %add3A_867 : i32 to vector<4x1xi32>
    %add3A_869 = arith.addi %broadcast_in_dim3A_863, %add3A_868 : vector<4x1xi32>
    %swap3A_870 = arith.constant 0 : index
    %swap3A_871 = arith.constant 37 : index
    %swap3A_872 = vector.load %arg4[%swap3A_870, %swap3A_871] : memref<4x64xi32, #tpu.memory_space<vmem>>, vector<4x1xi32>
    tpu.vector_store %arg4[%swap3A_870, %swap3A_871], %add3A_869 {strides = array<i32>} : memref<4x64xi32, #tpu.memory_space<vmem>>, vector<4x1xi32>,
    %get3A_873 = arith.constant 0 : index
    %get3A_874 = arith.constant 4864 : index
    %get3A_875 = vector.load %arg2[%get3A_873, %get3A_874] : memref<4x8192xf32, #tpu.memory_space<vmem>>, vector<4x128xf32>
    %reduce_max3A_876 = arith.constant dense<0xFF800000> : vector<4xf32>
    %reduce_max3A_877 = vector.multi_reduction <maximumf>, %get3A_875, %reduce_max3A_876 [1] : vector<4x128xf32> to vector<4xf32>
    %broadcast_in_dim3A_878 = vector.shape_cast %reduce_max3A_877 : vector<4xf32> to vector<4x1xf32>
    %eq3A_879 = vector.broadcast %broadcast_in_dim3A_878 : vector<4x1xf32> to vector<4x128xf32>
    %eq3A_880 = arith.cmpf oeq, %get3A_875, %eq3A_879 : vector<4x128xf32>
    %jit3A_881 = arith.constant 1048576 : i32
    %broadcast_in_dim3A_882 = vector.broadcast %jit3A_881 : i32 to vector<4x128xi32>
    %select_n3A_883 = arith.select %eq3A_880, %iota3A, %broadcast_in_dim3A_882 : vector<4x128xi1>, vector<4x128xi32>
    %reduce_min3A_884 = arith.constant dense<2147483647> : vector<4xi32>
    %reduce_min3A_885 = vector.multi_reduction <minsi>, %select_n3A_883, %reduce_min3A_884 [1] : vector<4x128xi32> to vector<4xi32>
    %broadcast_in_dim3A_886 = vector.shape_cast %reduce_min3A_885 : vector<4xi32> to vector<4x1xi32>
    %swap3A_887 = arith.constant 0 : index
    %swap3A_888 = arith.constant 38 : index
    %swap3A_889 = vector.load %arg3[%swap3A_887, %swap3A_888] : memref<4x64xf32, #tpu.memory_space<vmem>>, vector<4x1xf32>
    tpu.vector_store %arg3[%swap3A_887, %swap3A_888], %broadcast_in_dim3A_878 {strides = array<i32>} : memref<4x64xf32, #tpu.memory_space<vmem>>, vector<4x1xf32>,
    %add3A_890 = arith.constant 4864 : i32
    %add3A_891 = vector.broadcast %add3A_890 : i32 to vector<4x1xi32>
    %add3A_892 = arith.addi %broadcast_in_dim3A_886, %add3A_891 : vector<4x1xi32>
    %swap3A_893 = arith.constant 0 : index
    %swap3A_894 = arith.constant 38 : index
    %swap3A_895 = vector.load %arg4[%swap3A_893, %swap3A_894] : memref<4x64xi32, #tpu.memory_space<vmem>>, vector<4x1xi32>
    tpu.vector_store %arg4[%swap3A_893, %swap3A_894], %add3A_892 {strides = array<i32>} : memref<4x64xi32, #tpu.memory_space<vmem>>, vector<4x1xi32>,
    %get3A_896 = arith.constant 0 : index
    %get3A_897 = arith.constant 4992 : index
    %get3A_898 = vector.load %arg2[%get3A_896, %get3A_897] : memref<4x8192xf32, #tpu.memory_space<vmem>>, vector<4x128xf32>
    %reduce_max3A_899 = arith.constant dense<0xFF800000> : vector<4xf32>
    %reduce_max3A_900 = vector.multi_reduction <maximumf>, %get3A_898, %reduce_max3A_899 [1] : vector<4x128xf32> to vector<4xf32>
    %broadcast_in_dim3A_901 = vector.shape_cast %reduce_max3A_900 : vector<4xf32> to vector<4x1xf32>
    %eq3A_902 = vector.broadcast %broadcast_in_dim3A_901 : vector<4x1xf32> to vector<4x128xf32>
    %eq3A_903 = arith.cmpf oeq, %get3A_898, %eq3A_902 : vector<4x128xf32>
    %jit3A_904 = arith.constant 1048576 : i32
    %broadcast_in_dim3A_905 = vector.broadcast %jit3A_904 : i32 to vector<4x128xi32>
    %select_n3A_906 = arith.select %eq3A_903, %iota3A, %broadcast_in_dim3A_905 : vector<4x128xi1>, vector<4x128xi32>
    %reduce_min3A_907 = arith.constant dense<2147483647> : vector<4xi32>
    %reduce_min3A_908 = vector.multi_reduction <minsi>, %select_n3A_906, %reduce_min3A_907 [1] : vector<4x128xi32> to vector<4xi32>
    %broadcast_in_dim3A_909 = vector.shape_cast %reduce_min3A_908 : vector<4xi32> to vector<4x1xi32>
    %swap3A_910 = arith.constant 0 : index
    %swap3A_911 = arith.constant 39 : index
    %swap3A_912 = vector.load %arg3[%swap3A_910, %swap3A_911] : memref<4x64xf32, #tpu.memory_space<vmem>>, vector<4x1xf32>
    tpu.vector_store %arg3[%swap3A_910, %swap3A_911], %broadcast_in_dim3A_901 {strides = array<i32>} : memref<4x64xf32, #tpu.memory_space<vmem>>, vector<4x1xf32>,
    %add3A_913 = arith.constant 4992 : i32
    %add3A_914 = vector.broadcast %add3A_913 : i32 to vector<4x1xi32>
    %add3A_915 = arith.addi %broadcast_in_dim3A_909, %add3A_914 : vector<4x1xi32>
    %swap3A_916 = arith.constant 0 : index
    %swap3A_917 = arith.constant 39 : index
    %swap3A_918 = vector.load %arg4[%swap3A_916, %swap3A_917] : memref<4x64xi32, #tpu.memory_space<vmem>>, vector<4x1xi32>
    tpu.vector_store %arg4[%swap3A_916, %swap3A_917], %add3A_915 {strides = array<i32>} : memref<4x64xi32, #tpu.memory_space<vmem>>, vector<4x1xi32>,
    %get3A_919 = arith.constant 0 : index
    %get3A_920 = arith.constant 5120 : index
    %get3A_921 = vector.load %arg2[%get3A_919, %get3A_920] : memref<4x8192xf32, #tpu.memory_space<vmem>>, vector<4x128xf32>
    %reduce_max3A_922 = arith.constant dense<0xFF800000> : vector<4xf32>
    %reduce_max3A_923 = vector.multi_reduction <maximumf>, %get3A_921, %reduce_max3A_922 [1] : vector<4x128xf32> to vector<4xf32>
    %broadcast_in_dim3A_924 = vector.shape_cast %reduce_max3A_923 : vector<4xf32> to vector<4x1xf32>
    %eq3A_925 = vector.broadcast %broadcast_in_dim3A_924 : vector<4x1xf32> to vector<4x128xf32>
    %eq3A_926 = arith.cmpf oeq, %get3A_921, %eq3A_925 : vector<4x128xf32>
    %jit3A_927 = arith.constant 1048576 : i32
    %broadcast_in_dim3A_928 = vector.broadcast %jit3A_927 : i32 to vector<4x128xi32>
    %select_n3A_929 = arith.select %eq3A_926, %iota3A, %broadcast_in_dim3A_928 : vector<4x128xi1>, vector<4x128xi32>
    %reduce_min3A_930 = arith.constant dense<2147483647> : vector<4xi32>
    %reduce_min3A_931 = vector.multi_reduction <minsi>, %select_n3A_929, %reduce_min3A_930 [1] : vector<4x128xi32> to vector<4xi32>
    %broadcast_in_dim3A_932 = vector.shape_cast %reduce_min3A_931 : vector<4xi32> to vector<4x1xi32>
    %swap3A_933 = arith.constant 0 : index
    %swap3A_934 = arith.constant 40 : index
    %swap3A_935 = vector.load %arg3[%swap3A_933, %swap3A_934] : memref<4x64xf32, #tpu.memory_space<vmem>>, vector<4x1xf32>
    tpu.vector_store %arg3[%swap3A_933, %swap3A_934], %broadcast_in_dim3A_924 {strides = array<i32>} : memref<4x64xf32, #tpu.memory_space<vmem>>, vector<4x1xf32>,
    %add3A_936 = arith.constant 5120 : i32
    %add3A_937 = vector.broadcast %add3A_936 : i32 to vector<4x1xi32>
    %add3A_938 = arith.addi %broadcast_in_dim3A_932, %add3A_937 : vector<4x1xi32>
    %swap3A_939 = arith.constant 0 : index
    %swap3A_940 = arith.constant 40 : index
    %swap3A_941 = vector.load %arg4[%swap3A_939, %swap3A_940] : memref<4x64xi32, #tpu.memory_space<vmem>>, vector<4x1xi32>
    tpu.vector_store %arg4[%swap3A_939, %swap3A_940], %add3A_938 {strides = array<i32>} : memref<4x64xi32, #tpu.memory_space<vmem>>, vector<4x1xi32>,
    %get3A_942 = arith.constant 0 : index
    %get3A_943 = arith.constant 5248 : index
    %get3A_944 = vector.load %arg2[%get3A_942, %get3A_943] : memref<4x8192xf32, #tpu.memory_space<vmem>>, vector<4x128xf32>
    %reduce_max3A_945 = arith.constant dense<0xFF800000> : vector<4xf32>
    %reduce_max3A_946 = vector.multi_reduction <maximumf>, %get3A_944, %reduce_max3A_945 [1] : vector<4x128xf32> to vector<4xf32>
    %broadcast_in_dim3A_947 = vector.shape_cast %reduce_max3A_946 : vector<4xf32> to vector<4x1xf32>
    %eq3A_948 = vector.broadcast %broadcast_in_dim3A_947 : vector<4x1xf32> to vector<4x128xf32>
    %eq3A_949 = arith.cmpf oeq, %get3A_944, %eq3A_948 : vector<4x128xf32>
    %jit3A_950 = arith.constant 1048576 : i32
    %broadcast_in_dim3A_951 = vector.broadcast %jit3A_950 : i32 to vector<4x128xi32>
    %select_n3A_952 = arith.select %eq3A_949, %iota3A, %broadcast_in_dim3A_951 : vector<4x128xi1>, vector<4x128xi32>
    %reduce_min3A_953 = arith.constant dense<2147483647> : vector<4xi32>
    %reduce_min3A_954 = vector.multi_reduction <minsi>, %select_n3A_952, %reduce_min3A_953 [1] : vector<4x128xi32> to vector<4xi32>
    %broadcast_in_dim3A_955 = vector.shape_cast %reduce_min3A_954 : vector<4xi32> to vector<4x1xi32>
    %swap3A_956 = arith.constant 0 : index
    %swap3A_957 = arith.constant 41 : index
    %swap3A_958 = vector.load %arg3[%swap3A_956, %swap3A_957] : memref<4x64xf32, #tpu.memory_space<vmem>>, vector<4x1xf32>
    tpu.vector_store %arg3[%swap3A_956, %swap3A_957], %broadcast_in_dim3A_947 {strides = array<i32>} : memref<4x64xf32, #tpu.memory_space<vmem>>, vector<4x1xf32>,
    %add3A_959 = arith.constant 5248 : i32
    %add3A_960 = vector.broadcast %add3A_959 : i32 to vector<4x1xi32>
    %add3A_961 = arith.addi %broadcast_in_dim3A_955, %add3A_960 : vector<4x1xi32>
    %swap3A_962 = arith.constant 0 : index
    %swap3A_963 = arith.constant 41 : index
    %swap3A_964 = vector.load %arg4[%swap3A_962, %swap3A_963] : memref<4x64xi32, #tpu.memory_space<vmem>>, vector<4x1xi32>
    tpu.vector_store %arg4[%swap3A_962, %swap3A_963], %add3A_961 {strides = array<i32>} : memref<4x64xi32, #tpu.memory_space<vmem>>, vector<4x1xi32>,
    %get3A_965 = arith.constant 0 : index
    %get3A_966 = arith.constant 5376 : index
    %get3A_967 = vector.load %arg2[%get3A_965, %get3A_966] : memref<4x8192xf32, #tpu.memory_space<vmem>>, vector<4x128xf32>
    %reduce_max3A_968 = arith.constant dense<0xFF800000> : vector<4xf32>
    %reduce_max3A_969 = vector.multi_reduction <maximumf>, %get3A_967, %reduce_max3A_968 [1] : vector<4x128xf32> to vector<4xf32>
    %broadcast_in_dim3A_970 = vector.shape_cast %reduce_max3A_969 : vector<4xf32> to vector<4x1xf32>
    %eq3A_971 = vector.broadcast %broadcast_in_dim3A_970 : vector<4x1xf32> to vector<4x128xf32>
    %eq3A_972 = arith.cmpf oeq, %get3A_967, %eq3A_971 : vector<4x128xf32>
    %jit3A_973 = arith.constant 1048576 : i32
    %broadcast_in_dim3A_974 = vector.broadcast %jit3A_973 : i32 to vector<4x128xi32>
    %select_n3A_975 = arith.select %eq3A_972, %iota3A, %broadcast_in_dim3A_974 : vector<4x128xi1>, vector<4x128xi32>
    %reduce_min3A_976 = arith.constant dense<2147483647> : vector<4xi32>
    %reduce_min3A_977 = vector.multi_reduction <minsi>, %select_n3A_975, %reduce_min3A_976 [1] : vector<4x128xi32> to vector<4xi32>
    %broadcast_in_dim3A_978 = vector.shape_cast %reduce_min3A_977 : vector<4xi32> to vector<4x1xi32>
    %swap3A_979 = arith.constant 0 : index
    %swap3A_980 = arith.constant 42 : index
    %swap3A_981 = vector.load %arg3[%swap3A_979, %swap3A_980] : memref<4x64xf32, #tpu.memory_space<vmem>>, vector<4x1xf32>
    tpu.vector_store %arg3[%swap3A_979, %swap3A_980], %broadcast_in_dim3A_970 {strides = array<i32>} : memref<4x64xf32, #tpu.memory_space<vmem>>, vector<4x1xf32>,
    %add3A_982 = arith.constant 5376 : i32
    %add3A_983 = vector.broadcast %add3A_982 : i32 to vector<4x1xi32>
    %add3A_984 = arith.addi %broadcast_in_dim3A_978, %add3A_983 : vector<4x1xi32>
    %swap3A_985 = arith.constant 0 : index
    %swap3A_986 = arith.constant 42 : index
    %swap3A_987 = vector.load %arg4[%swap3A_985, %swap3A_986] : memref<4x64xi32, #tpu.memory_space<vmem>>, vector<4x1xi32>
    tpu.vector_store %arg4[%swap3A_985, %swap3A_986], %add3A_984 {strides = array<i32>} : memref<4x64xi32, #tpu.memory_space<vmem>>, vector<4x1xi32>,
    %get3A_988 = arith.constant 0 : index
    %get3A_989 = arith.constant 5504 : index
    %get3A_990 = vector.load %arg2[%get3A_988, %get3A_989] : memref<4x8192xf32, #tpu.memory_space<vmem>>, vector<4x128xf32>
    %reduce_max3A_991 = arith.constant dense<0xFF800000> : vector<4xf32>
    %reduce_max3A_992 = vector.multi_reduction <maximumf>, %get3A_990, %reduce_max3A_991 [1] : vector<4x128xf32> to vector<4xf32>
    %broadcast_in_dim3A_993 = vector.shape_cast %reduce_max3A_992 : vector<4xf32> to vector<4x1xf32>
    %eq3A_994 = vector.broadcast %broadcast_in_dim3A_993 : vector<4x1xf32> to vector<4x128xf32>
    %eq3A_995 = arith.cmpf oeq, %get3A_990, %eq3A_994 : vector<4x128xf32>
    %jit3A_996 = arith.constant 1048576 : i32
    %broadcast_in_dim3A_997 = vector.broadcast %jit3A_996 : i32 to vector<4x128xi32>
    %select_n3A_998 = arith.select %eq3A_995, %iota3A, %broadcast_in_dim3A_997 : vector<4x128xi1>, vector<4x128xi32>
    %reduce_min3A_999 = arith.constant dense<2147483647> : vector<4xi32>
    %reduce_min3A_1000 = vector.multi_reduction <minsi>, %select_n3A_998, %reduce_min3A_999 [1] : vector<4x128xi32> to vector<4xi32>
    %broadcast_in_dim3A_1001 = vector.shape_cast %reduce_min3A_1000 : vector<4xi32> to vector<4x1xi32>
    %swap3A_1002 = arith.constant 0 : index
    %swap3A_1003 = arith.constant 43 : index
    %swap3A_1004 = vector.load %arg3[%swap3A_1002, %swap3A_1003] : memref<4x64xf32, #tpu.memory_space<vmem>>, vector<4x1xf32>
    tpu.vector_store %arg3[%swap3A_1002, %swap3A_1003], %broadcast_in_dim3A_993 {strides = array<i32>} : memref<4x64xf32, #tpu.memory_space<vmem>>, vector<4x1xf32>,
    %add3A_1005 = arith.constant 5504 : i32
    %add3A_1006 = vector.broadcast %add3A_1005 : i32 to vector<4x1xi32>
    %add3A_1007 = arith.addi %broadcast_in_dim3A_1001, %add3A_1006 : vector<4x1xi32>
    %swap3A_1008 = arith.constant 0 : index
    %swap3A_1009 = arith.constant 43 : index
    %swap3A_1010 = vector.load %arg4[%swap3A_1008, %swap3A_1009] : memref<4x64xi32, #tpu.memory_space<vmem>>, vector<4x1xi32>
    tpu.vector_store %arg4[%swap3A_1008, %swap3A_1009], %add3A_1007 {strides = array<i32>} : memref<4x64xi32, #tpu.memory_space<vmem>>, vector<4x1xi32>,
    %get3A_1011 = arith.constant 0 : index
    %get3A_1012 = arith.constant 5632 : index
    %get3A_1013 = vector.load %arg2[%get3A_1011, %get3A_1012] : memref<4x8192xf32, #tpu.memory_space<vmem>>, vector<4x128xf32>
    %reduce_max3A_1014 = arith.constant dense<0xFF800000> : vector<4xf32>
    %reduce_max3A_1015 = vector.multi_reduction <maximumf>, %get3A_1013, %reduce_max3A_1014 [1] : vector<4x128xf32> to vector<4xf32>
    %broadcast_in_dim3A_1016 = vector.shape_cast %reduce_max3A_1015 : vector<4xf32> to vector<4x1xf32>
    %eq3A_1017 = vector.broadcast %broadcast_in_dim3A_1016 : vector<4x1xf32> to vector<4x128xf32>
    %eq3A_1018 = arith.cmpf oeq, %get3A_1013, %eq3A_1017 : vector<4x128xf32>
    %jit3A_1019 = arith.constant 1048576 : i32
    %broadcast_in_dim3A_1020 = vector.broadcast %jit3A_1019 : i32 to vector<4x128xi32>
    %select_n3A_1021 = arith.select %eq3A_1018, %iota3A, %broadcast_in_dim3A_1020 : vector<4x128xi1>, vector<4x128xi32>
    %reduce_min3A_1022 = arith.constant dense<2147483647> : vector<4xi32>
    %reduce_min3A_1023 = vector.multi_reduction <minsi>, %select_n3A_1021, %reduce_min3A_1022 [1] : vector<4x128xi32> to vector<4xi32>
    %broadcast_in_dim3A_1024 = vector.shape_cast %reduce_min3A_1023 : vector<4xi32> to vector<4x1xi32>
    %swap3A_1025 = arith.constant 0 : index
    %swap3A_1026 = arith.constant 44 : index
    %swap3A_1027 = vector.load %arg3[%swap3A_1025, %swap3A_1026] : memref<4x64xf32, #tpu.memory_space<vmem>>, vector<4x1xf32>
    tpu.vector_store %arg3[%swap3A_1025, %swap3A_1026], %broadcast_in_dim3A_1016 {strides = array<i32>} : memref<4x64xf32, #tpu.memory_space<vmem>>, vector<4x1xf32>,
    %add3A_1028 = arith.constant 5632 : i32
    %add3A_1029 = vector.broadcast %add3A_1028 : i32 to vector<4x1xi32>
    %add3A_1030 = arith.addi %broadcast_in_dim3A_1024, %add3A_1029 : vector<4x1xi32>
    %swap3A_1031 = arith.constant 0 : index
    %swap3A_1032 = arith.constant 44 : index
    %swap3A_1033 = vector.load %arg4[%swap3A_1031, %swap3A_1032] : memref<4x64xi32, #tpu.memory_space<vmem>>, vector<4x1xi32>
    tpu.vector_store %arg4[%swap3A_1031, %swap3A_1032], %add3A_1030 {strides = array<i32>} : memref<4x64xi32, #tpu.memory_space<vmem>>, vector<4x1xi32>,
    %get3A_1034 = arith.constant 0 : index
    %get3A_1035 = arith.constant 5760 : index
    %get3A_1036 = vector.load %arg2[%get3A_1034, %get3A_1035] : memref<4x8192xf32, #tpu.memory_space<vmem>>, vector<4x128xf32>
    %reduce_max3A_1037 = arith.constant dense<0xFF800000> : vector<4xf32>
    %reduce_max3A_1038 = vector.multi_reduction <maximumf>, %get3A_1036, %reduce_max3A_1037 [1] : vector<4x128xf32> to vector<4xf32>
    %broadcast_in_dim3A_1039 = vector.shape_cast %reduce_max3A_1038 : vector<4xf32> to vector<4x1xf32>
    %eq3A_1040 = vector.broadcast %broadcast_in_dim3A_1039 : vector<4x1xf32> to vector<4x128xf32>
    %eq3A_1041 = arith.cmpf oeq, %get3A_1036, %eq3A_1040 : vector<4x128xf32>
    %jit3A_1042 = arith.constant 1048576 : i32
    %broadcast_in_dim3A_1043 = vector.broadcast %jit3A_1042 : i32 to vector<4x128xi32>
    %select_n3A_1044 = arith.select %eq3A_1041, %iota3A, %broadcast_in_dim3A_1043 : vector<4x128xi1>, vector<4x128xi32>
    %reduce_min3A_1045 = arith.constant dense<2147483647> : vector<4xi32>
    %reduce_min3A_1046 = vector.multi_reduction <minsi>, %select_n3A_1044, %reduce_min3A_1045 [1] : vector<4x128xi32> to vector<4xi32>
    %broadcast_in_dim3A_1047 = vector.shape_cast %reduce_min3A_1046 : vector<4xi32> to vector<4x1xi32>
    %swap3A_1048 = arith.constant 0 : index
    %swap3A_1049 = arith.constant 45 : index
    %swap3A_1050 = vector.load %arg3[%swap3A_1048, %swap3A_1049] : memref<4x64xf32, #tpu.memory_space<vmem>>, vector<4x1xf32>
    tpu.vector_store %arg3[%swap3A_1048, %swap3A_1049], %broadcast_in_dim3A_1039 {strides = array<i32>} : memref<4x64xf32, #tpu.memory_space<vmem>>, vector<4x1xf32>,
    %add3A_1051 = arith.constant 5760 : i32
    %add3A_1052 = vector.broadcast %add3A_1051 : i32 to vector<4x1xi32>
    %add3A_1053 = arith.addi %broadcast_in_dim3A_1047, %add3A_1052 : vector<4x1xi32>
    %swap3A_1054 = arith.constant 0 : index
    %swap3A_1055 = arith.constant 45 : index
    %swap3A_1056 = vector.load %arg4[%swap3A_1054, %swap3A_1055] : memref<4x64xi32, #tpu.memory_space<vmem>>, vector<4x1xi32>
    tpu.vector_store %arg4[%swap3A_1054, %swap3A_1055], %add3A_1053 {strides = array<i32>} : memref<4x64xi32, #tpu.memory_space<vmem>>, vector<4x1xi32>,
    %get3A_1057 = arith.constant 0 : index
    %get3A_1058 = arith.constant 5888 : index
    %get3A_1059 = vector.load %arg2[%get3A_1057, %get3A_1058] : memref<4x8192xf32, #tpu.memory_space<vmem>>, vector<4x128xf32>
    %reduce_max3A_1060 = arith.constant dense<0xFF800000> : vector<4xf32>
    %reduce_max3A_1061 = vector.multi_reduction <maximumf>, %get3A_1059, %reduce_max3A_1060 [1] : vector<4x128xf32> to vector<4xf32>
    %broadcast_in_dim3A_1062 = vector.shape_cast %reduce_max3A_1061 : vector<4xf32> to vector<4x1xf32>
    %eq3A_1063 = vector.broadcast %broadcast_in_dim3A_1062 : vector<4x1xf32> to vector<4x128xf32>
    %eq3A_1064 = arith.cmpf oeq, %get3A_1059, %eq3A_1063 : vector<4x128xf32>
    %jit3A_1065 = arith.constant 1048576 : i32
    %broadcast_in_dim3A_1066 = vector.broadcast %jit3A_1065 : i32 to vector<4x128xi32>
    %select_n3A_1067 = arith.select %eq3A_1064, %iota3A, %broadcast_in_dim3A_1066 : vector<4x128xi1>, vector<4x128xi32>
    %reduce_min3A_1068 = arith.constant dense<2147483647> : vector<4xi32>
    %reduce_min3A_1069 = vector.multi_reduction <minsi>, %select_n3A_1067, %reduce_min3A_1068 [1] : vector<4x128xi32> to vector<4xi32>
    %broadcast_in_dim3A_1070 = vector.shape_cast %reduce_min3A_1069 : vector<4xi32> to vector<4x1xi32>
    %swap3A_1071 = arith.constant 0 : index
    %swap3A_1072 = arith.constant 46 : index
    %swap3A_1073 = vector.load %arg3[%swap3A_1071, %swap3A_1072] : memref<4x64xf32, #tpu.memory_space<vmem>>, vector<4x1xf32>
    tpu.vector_store %arg3[%swap3A_1071, %swap3A_1072], %broadcast_in_dim3A_1062 {strides = array<i32>} : memref<4x64xf32, #tpu.memory_space<vmem>>, vector<4x1xf32>,
    %add3A_1074 = arith.constant 5888 : i32
    %add3A_1075 = vector.broadcast %add3A_1074 : i32 to vector<4x1xi32>
    %add3A_1076 = arith.addi %broadcast_in_dim3A_1070, %add3A_1075 : vector<4x1xi32>
    %swap3A_1077 = arith.constant 0 : index
    %swap3A_1078 = arith.constant 46 : index
    %swap3A_1079 = vector.load %arg4[%swap3A_1077, %swap3A_1078] : memref<4x64xi32, #tpu.memory_space<vmem>>, vector<4x1xi32>
    tpu.vector_store %arg4[%swap3A_1077, %swap3A_1078], %add3A_1076 {strides = array<i32>} : memref<4x64xi32, #tpu.memory_space<vmem>>, vector<4x1xi32>,
    %get3A_1080 = arith.constant 0 : index
    %get3A_1081 = arith.constant 6016 : index
    %get3A_1082 = vector.load %arg2[%get3A_1080, %get3A_1081] : memref<4x8192xf32, #tpu.memory_space<vmem>>, vector<4x128xf32>
    %reduce_max3A_1083 = arith.constant dense<0xFF800000> : vector<4xf32>
    %reduce_max3A_1084 = vector.multi_reduction <maximumf>, %get3A_1082, %reduce_max3A_1083 [1] : vector<4x128xf32> to vector<4xf32>
    %broadcast_in_dim3A_1085 = vector.shape_cast %reduce_max3A_1084 : vector<4xf32> to vector<4x1xf32>
    %eq3A_1086 = vector.broadcast %broadcast_in_dim3A_1085 : vector<4x1xf32> to vector<4x128xf32>
    %eq3A_1087 = arith.cmpf oeq, %get3A_1082, %eq3A_1086 : vector<4x128xf32>
    %jit3A_1088 = arith.constant 1048576 : i32
    %broadcast_in_dim3A_1089 = vector.broadcast %jit3A_1088 : i32 to vector<4x128xi32>
    %select_n3A_1090 = arith.select %eq3A_1087, %iota3A, %broadcast_in_dim3A_1089 : vector<4x128xi1>, vector<4x128xi32>
    %reduce_min3A_1091 = arith.constant dense<2147483647> : vector<4xi32>
    %reduce_min3A_1092 = vector.multi_reduction <minsi>, %select_n3A_1090, %reduce_min3A_1091 [1] : vector<4x128xi32> to vector<4xi32>
    %broadcast_in_dim3A_1093 = vector.shape_cast %reduce_min3A_1092 : vector<4xi32> to vector<4x1xi32>
    %swap3A_1094 = arith.constant 0 : index
    %swap3A_1095 = arith.constant 47 : index
    %swap3A_1096 = vector.load %arg3[%swap3A_1094, %swap3A_1095] : memref<4x64xf32, #tpu.memory_space<vmem>>, vector<4x1xf32>
    tpu.vector_store %arg3[%swap3A_1094, %swap3A_1095], %broadcast_in_dim3A_1085 {strides = array<i32>} : memref<4x64xf32, #tpu.memory_space<vmem>>, vector<4x1xf32>,
    %add3A_1097 = arith.constant 6016 : i32
    %add3A_1098 = vector.broadcast %add3A_1097 : i32 to vector<4x1xi32>
    %add3A_1099 = arith.addi %broadcast_in_dim3A_1093, %add3A_1098 : vector<4x1xi32>
    %swap3A_1100 = arith.constant 0 : index
    %swap3A_1101 = arith.constant 47 : index
    %swap3A_1102 = vector.load %arg4[%swap3A_1100, %swap3A_1101] : memref<4x64xi32, #tpu.memory_space<vmem>>, vector<4x1xi32>
    tpu.vector_store %arg4[%swap3A_1100, %swap3A_1101], %add3A_1099 {strides = array<i32>} : memref<4x64xi32, #tpu.memory_space<vmem>>, vector<4x1xi32>,
    %get3A_1103 = arith.constant 0 : index
    %get3A_1104 = arith.constant 6144 : index
    %get3A_1105 = vector.load %arg2[%get3A_1103, %get3A_1104] : memref<4x8192xf32, #tpu.memory_space<vmem>>, vector<4x128xf32>
    %reduce_max3A_1106 = arith.constant dense<0xFF800000> : vector<4xf32>
    %reduce_max3A_1107 = vector.multi_reduction <maximumf>, %get3A_1105, %reduce_max3A_1106 [1] : vector<4x128xf32> to vector<4xf32>
    %broadcast_in_dim3A_1108 = vector.shape_cast %reduce_max3A_1107 : vector<4xf32> to vector<4x1xf32>
    %eq3A_1109 = vector.broadcast %broadcast_in_dim3A_1108 : vector<4x1xf32> to vector<4x128xf32>
    %eq3A_1110 = arith.cmpf oeq, %get3A_1105, %eq3A_1109 : vector<4x128xf32>
    %jit3A_1111 = arith.constant 1048576 : i32
    %broadcast_in_dim3A_1112 = vector.broadcast %jit3A_1111 : i32 to vector<4x128xi32>
    %select_n3A_1113 = arith.select %eq3A_1110, %iota3A, %broadcast_in_dim3A_1112 : vector<4x128xi1>, vector<4x128xi32>
    %reduce_min3A_1114 = arith.constant dense<2147483647> : vector<4xi32>
    %reduce_min3A_1115 = vector.multi_reduction <minsi>, %select_n3A_1113, %reduce_min3A_1114 [1] : vector<4x128xi32> to vector<4xi32>
    %broadcast_in_dim3A_1116 = vector.shape_cast %reduce_min3A_1115 : vector<4xi32> to vector<4x1xi32>
    %swap3A_1117 = arith.constant 0 : index
    %swap3A_1118 = arith.constant 48 : index
    %swap3A_1119 = vector.load %arg3[%swap3A_1117, %swap3A_1118] : memref<4x64xf32, #tpu.memory_space<vmem>>, vector<4x1xf32>
    tpu.vector_store %arg3[%swap3A_1117, %swap3A_1118], %broadcast_in_dim3A_1108 {strides = array<i32>} : memref<4x64xf32, #tpu.memory_space<vmem>>, vector<4x1xf32>,
    %add3A_1120 = arith.constant 6144 : i32
    %add3A_1121 = vector.broadcast %add3A_1120 : i32 to vector<4x1xi32>
    %add3A_1122 = arith.addi %broadcast_in_dim3A_1116, %add3A_1121 : vector<4x1xi32>
    %swap3A_1123 = arith.constant 0 : index
    %swap3A_1124 = arith.constant 48 : index
    %swap3A_1125 = vector.load %arg4[%swap3A_1123, %swap3A_1124] : memref<4x64xi32, #tpu.memory_space<vmem>>, vector<4x1xi32>
    tpu.vector_store %arg4[%swap3A_1123, %swap3A_1124], %add3A_1122 {strides = array<i32>} : memref<4x64xi32, #tpu.memory_space<vmem>>, vector<4x1xi32>,
    %get3A_1126 = arith.constant 0 : index
    %get3A_1127 = arith.constant 6272 : index
    %get3A_1128 = vector.load %arg2[%get3A_1126, %get3A_1127] : memref<4x8192xf32, #tpu.memory_space<vmem>>, vector<4x128xf32>
    %reduce_max3A_1129 = arith.constant dense<0xFF800000> : vector<4xf32>
    %reduce_max3A_1130 = vector.multi_reduction <maximumf>, %get3A_1128, %reduce_max3A_1129 [1] : vector<4x128xf32> to vector<4xf32>
    %broadcast_in_dim3A_1131 = vector.shape_cast %reduce_max3A_1130 : vector<4xf32> to vector<4x1xf32>
    %eq3A_1132 = vector.broadcast %broadcast_in_dim3A_1131 : vector<4x1xf32> to vector<4x128xf32>
    %eq3A_1133 = arith.cmpf oeq, %get3A_1128, %eq3A_1132 : vector<4x128xf32>
    %jit3A_1134 = arith.constant 1048576 : i32
    %broadcast_in_dim3A_1135 = vector.broadcast %jit3A_1134 : i32 to vector<4x128xi32>
    %select_n3A_1136 = arith.select %eq3A_1133, %iota3A, %broadcast_in_dim3A_1135 : vector<4x128xi1>, vector<4x128xi32>
    %reduce_min3A_1137 = arith.constant dense<2147483647> : vector<4xi32>
    %reduce_min3A_1138 = vector.multi_reduction <minsi>, %select_n3A_1136, %reduce_min3A_1137 [1] : vector<4x128xi32> to vector<4xi32>
    %broadcast_in_dim3A_1139 = vector.shape_cast %reduce_min3A_1138 : vector<4xi32> to vector<4x1xi32>
    %swap3A_1140 = arith.constant 0 : index
    %swap3A_1141 = arith.constant 49 : index
    %swap3A_1142 = vector.load %arg3[%swap3A_1140, %swap3A_1141] : memref<4x64xf32, #tpu.memory_space<vmem>>, vector<4x1xf32>
    tpu.vector_store %arg3[%swap3A_1140, %swap3A_1141], %broadcast_in_dim3A_1131 {strides = array<i32>} : memref<4x64xf32, #tpu.memory_space<vmem>>, vector<4x1xf32>,
    %add3A_1143 = arith.constant 6272 : i32
    %add3A_1144 = vector.broadcast %add3A_1143 : i32 to vector<4x1xi32>
    %add3A_1145 = arith.addi %broadcast_in_dim3A_1139, %add3A_1144 : vector<4x1xi32>
    %swap3A_1146 = arith.constant 0 : index
    %swap3A_1147 = arith.constant 49 : index
    %swap3A_1148 = vector.load %arg4[%swap3A_1146, %swap3A_1147] : memref<4x64xi32, #tpu.memory_space<vmem>>, vector<4x1xi32>
    tpu.vector_store %arg4[%swap3A_1146, %swap3A_1147], %add3A_1145 {strides = array<i32>} : memref<4x64xi32, #tpu.memory_space<vmem>>, vector<4x1xi32>,
    %get3A_1149 = arith.constant 0 : index
    %get3A_1150 = arith.constant 6400 : index
    %get3A_1151 = vector.load %arg2[%get3A_1149, %get3A_1150] : memref<4x8192xf32, #tpu.memory_space<vmem>>, vector<4x128xf32>
    %reduce_max3A_1152 = arith.constant dense<0xFF800000> : vector<4xf32>
    %reduce_max3A_1153 = vector.multi_reduction <maximumf>, %get3A_1151, %reduce_max3A_1152 [1] : vector<4x128xf32> to vector<4xf32>
    %broadcast_in_dim3A_1154 = vector.shape_cast %reduce_max3A_1153 : vector<4xf32> to vector<4x1xf32>
    %eq3A_1155 = vector.broadcast %broadcast_in_dim3A_1154 : vector<4x1xf32> to vector<4x128xf32>
    %eq3A_1156 = arith.cmpf oeq, %get3A_1151, %eq3A_1155 : vector<4x128xf32>
    %jit3A_1157 = arith.constant 1048576 : i32
    %broadcast_in_dim3A_1158 = vector.broadcast %jit3A_1157 : i32 to vector<4x128xi32>
    %select_n3A_1159 = arith.select %eq3A_1156, %iota3A, %broadcast_in_dim3A_1158 : vector<4x128xi1>, vector<4x128xi32>
    %reduce_min3A_1160 = arith.constant dense<2147483647> : vector<4xi32>
    %reduce_min3A_1161 = vector.multi_reduction <minsi>, %select_n3A_1159, %reduce_min3A_1160 [1] : vector<4x128xi32> to vector<4xi32>
    %broadcast_in_dim3A_1162 = vector.shape_cast %reduce_min3A_1161 : vector<4xi32> to vector<4x1xi32>
    %swap3A_1163 = arith.constant 0 : index
    %swap3A_1164 = arith.constant 50 : index
    %swap3A_1165 = vector.load %arg3[%swap3A_1163, %swap3A_1164] : memref<4x64xf32, #tpu.memory_space<vmem>>, vector<4x1xf32>
    tpu.vector_store %arg3[%swap3A_1163, %swap3A_1164], %broadcast_in_dim3A_1154 {strides = array<i32>} : memref<4x64xf32, #tpu.memory_space<vmem>>, vector<4x1xf32>,
    %add3A_1166 = arith.constant 6400 : i32
    %add3A_1167 = vector.broadcast %add3A_1166 : i32 to vector<4x1xi32>
    %add3A_1168 = arith.addi %broadcast_in_dim3A_1162, %add3A_1167 : vector<4x1xi32>
    %swap3A_1169 = arith.constant 0 : index
    %swap3A_1170 = arith.constant 50 : index
    %swap3A_1171 = vector.load %arg4[%swap3A_1169, %swap3A_1170] : memref<4x64xi32, #tpu.memory_space<vmem>>, vector<4x1xi32>
    tpu.vector_store %arg4[%swap3A_1169, %swap3A_1170], %add3A_1168 {strides = array<i32>} : memref<4x64xi32, #tpu.memory_space<vmem>>, vector<4x1xi32>,
    %get3A_1172 = arith.constant 0 : index
    %get3A_1173 = arith.constant 6528 : index
    %get3A_1174 = vector.load %arg2[%get3A_1172, %get3A_1173] : memref<4x8192xf32, #tpu.memory_space<vmem>>, vector<4x128xf32>
    %reduce_max3A_1175 = arith.constant dense<0xFF800000> : vector<4xf32>
    %reduce_max3A_1176 = vector.multi_reduction <maximumf>, %get3A_1174, %reduce_max3A_1175 [1] : vector<4x128xf32> to vector<4xf32>
    %broadcast_in_dim3A_1177 = vector.shape_cast %reduce_max3A_1176 : vector<4xf32> to vector<4x1xf32>
    %eq3A_1178 = vector.broadcast %broadcast_in_dim3A_1177 : vector<4x1xf32> to vector<4x128xf32>
    %eq3A_1179 = arith.cmpf oeq, %get3A_1174, %eq3A_1178 : vector<4x128xf32>
    %jit3A_1180 = arith.constant 1048576 : i32
    %broadcast_in_dim3A_1181 = vector.broadcast %jit3A_1180 : i32 to vector<4x128xi32>
    %select_n3A_1182 = arith.select %eq3A_1179, %iota3A, %broadcast_in_dim3A_1181 : vector<4x128xi1>, vector<4x128xi32>
    %reduce_min3A_1183 = arith.constant dense<2147483647> : vector<4xi32>
    %reduce_min3A_1184 = vector.multi_reduction <minsi>, %select_n3A_1182, %reduce_min3A_1183 [1] : vector<4x128xi32> to vector<4xi32>
    %broadcast_in_dim3A_1185 = vector.shape_cast %reduce_min3A_1184 : vector<4xi32> to vector<4x1xi32>
    %swap3A_1186 = arith.constant 0 : index
    %swap3A_1187 = arith.constant 51 : index
    %swap3A_1188 = vector.load %arg3[%swap3A_1186, %swap3A_1187] : memref<4x64xf32, #tpu.memory_space<vmem>>, vector<4x1xf32>
    tpu.vector_store %arg3[%swap3A_1186, %swap3A_1187], %broadcast_in_dim3A_1177 {strides = array<i32>} : memref<4x64xf32, #tpu.memory_space<vmem>>, vector<4x1xf32>,
    %add3A_1189 = arith.constant 6528 : i32
    %add3A_1190 = vector.broadcast %add3A_1189 : i32 to vector<4x1xi32>
    %add3A_1191 = arith.addi %broadcast_in_dim3A_1185, %add3A_1190 : vector<4x1xi32>
    %swap3A_1192 = arith.constant 0 : index
    %swap3A_1193 = arith.constant 51 : index
    %swap3A_1194 = vector.load %arg4[%swap3A_1192, %swap3A_1193] : memref<4x64xi32, #tpu.memory_space<vmem>>, vector<4x1xi32>
    tpu.vector_store %arg4[%swap3A_1192, %swap3A_1193], %add3A_1191 {strides = array<i32>} : memref<4x64xi32, #tpu.memory_space<vmem>>, vector<4x1xi32>,
    %get3A_1195 = arith.constant 0 : index
    %get3A_1196 = arith.constant 6656 : index
    %get3A_1197 = vector.load %arg2[%get3A_1195, %get3A_1196] : memref<4x8192xf32, #tpu.memory_space<vmem>>, vector<4x128xf32>
    %reduce_max3A_1198 = arith.constant dense<0xFF800000> : vector<4xf32>
    %reduce_max3A_1199 = vector.multi_reduction <maximumf>, %get3A_1197, %reduce_max3A_1198 [1] : vector<4x128xf32> to vector<4xf32>
    %broadcast_in_dim3A_1200 = vector.shape_cast %reduce_max3A_1199 : vector<4xf32> to vector<4x1xf32>
    %eq3A_1201 = vector.broadcast %broadcast_in_dim3A_1200 : vector<4x1xf32> to vector<4x128xf32>
    %eq3A_1202 = arith.cmpf oeq, %get3A_1197, %eq3A_1201 : vector<4x128xf32>
    %jit3A_1203 = arith.constant 1048576 : i32
    %broadcast_in_dim3A_1204 = vector.broadcast %jit3A_1203 : i32 to vector<4x128xi32>
    %select_n3A_1205 = arith.select %eq3A_1202, %iota3A, %broadcast_in_dim3A_1204 : vector<4x128xi1>, vector<4x128xi32>
    %reduce_min3A_1206 = arith.constant dense<2147483647> : vector<4xi32>
    %reduce_min3A_1207 = vector.multi_reduction <minsi>, %select_n3A_1205, %reduce_min3A_1206 [1] : vector<4x128xi32> to vector<4xi32>
    %broadcast_in_dim3A_1208 = vector.shape_cast %reduce_min3A_1207 : vector<4xi32> to vector<4x1xi32>
    %swap3A_1209 = arith.constant 0 : index
    %swap3A_1210 = arith.constant 52 : index
    %swap3A_1211 = vector.load %arg3[%swap3A_1209, %swap3A_1210] : memref<4x64xf32, #tpu.memory_space<vmem>>, vector<4x1xf32>
    tpu.vector_store %arg3[%swap3A_1209, %swap3A_1210], %broadcast_in_dim3A_1200 {strides = array<i32>} : memref<4x64xf32, #tpu.memory_space<vmem>>, vector<4x1xf32>,
    %add3A_1212 = arith.constant 6656 : i32
    %add3A_1213 = vector.broadcast %add3A_1212 : i32 to vector<4x1xi32>
    %add3A_1214 = arith.addi %broadcast_in_dim3A_1208, %add3A_1213 : vector<4x1xi32>
    %swap3A_1215 = arith.constant 0 : index
    %swap3A_1216 = arith.constant 52 : index
    %swap3A_1217 = vector.load %arg4[%swap3A_1215, %swap3A_1216] : memref<4x64xi32, #tpu.memory_space<vmem>>, vector<4x1xi32>
    tpu.vector_store %arg4[%swap3A_1215, %swap3A_1216], %add3A_1214 {strides = array<i32>} : memref<4x64xi32, #tpu.memory_space<vmem>>, vector<4x1xi32>,
    %get3A_1218 = arith.constant 0 : index
    %get3A_1219 = arith.constant 6784 : index
    %get3A_1220 = vector.load %arg2[%get3A_1218, %get3A_1219] : memref<4x8192xf32, #tpu.memory_space<vmem>>, vector<4x128xf32>
    %reduce_max3A_1221 = arith.constant dense<0xFF800000> : vector<4xf32>
    %reduce_max3A_1222 = vector.multi_reduction <maximumf>, %get3A_1220, %reduce_max3A_1221 [1] : vector<4x128xf32> to vector<4xf32>
    %broadcast_in_dim3A_1223 = vector.shape_cast %reduce_max3A_1222 : vector<4xf32> to vector<4x1xf32>
    %eq3A_1224 = vector.broadcast %broadcast_in_dim3A_1223 : vector<4x1xf32> to vector<4x128xf32>
    %eq3A_1225 = arith.cmpf oeq, %get3A_1220, %eq3A_1224 : vector<4x128xf32>
    %jit3A_1226 = arith.constant 1048576 : i32
    %broadcast_in_dim3A_1227 = vector.broadcast %jit3A_1226 : i32 to vector<4x128xi32>
    %select_n3A_1228 = arith.select %eq3A_1225, %iota3A, %broadcast_in_dim3A_1227 : vector<4x128xi1>, vector<4x128xi32>
    %reduce_min3A_1229 = arith.constant dense<2147483647> : vector<4xi32>
    %reduce_min3A_1230 = vector.multi_reduction <minsi>, %select_n3A_1228, %reduce_min3A_1229 [1] : vector<4x128xi32> to vector<4xi32>
    %broadcast_in_dim3A_1231 = vector.shape_cast %reduce_min3A_1230 : vector<4xi32> to vector<4x1xi32>
    %swap3A_1232 = arith.constant 0 : index
    %swap3A_1233 = arith.constant 53 : index
    %swap3A_1234 = vector.load %arg3[%swap3A_1232, %swap3A_1233] : memref<4x64xf32, #tpu.memory_space<vmem>>, vector<4x1xf32>
    tpu.vector_store %arg3[%swap3A_1232, %swap3A_1233], %broadcast_in_dim3A_1223 {strides = array<i32>} : memref<4x64xf32, #tpu.memory_space<vmem>>, vector<4x1xf32>,
    %add3A_1235 = arith.constant 6784 : i32
    %add3A_1236 = vector.broadcast %add3A_1235 : i32 to vector<4x1xi32>
    %add3A_1237 = arith.addi %broadcast_in_dim3A_1231, %add3A_1236 : vector<4x1xi32>
    %swap3A_1238 = arith.constant 0 : index
    %swap3A_1239 = arith.constant 53 : index
    %swap3A_1240 = vector.load %arg4[%swap3A_1238, %swap3A_1239] : memref<4x64xi32, #tpu.memory_space<vmem>>, vector<4x1xi32>
    tpu.vector_store %arg4[%swap3A_1238, %swap3A_1239], %add3A_1237 {strides = array<i32>} : memref<4x64xi32, #tpu.memory_space<vmem>>, vector<4x1xi32>,
    %get3A_1241 = arith.constant 0 : index
    %get3A_1242 = arith.constant 6912 : index
    %get3A_1243 = vector.load %arg2[%get3A_1241, %get3A_1242] : memref<4x8192xf32, #tpu.memory_space<vmem>>, vector<4x128xf32>
    %reduce_max3A_1244 = arith.constant dense<0xFF800000> : vector<4xf32>
    %reduce_max3A_1245 = vector.multi_reduction <maximumf>, %get3A_1243, %reduce_max3A_1244 [1] : vector<4x128xf32> to vector<4xf32>
    %broadcast_in_dim3A_1246 = vector.shape_cast %reduce_max3A_1245 : vector<4xf32> to vector<4x1xf32>
    %eq3A_1247 = vector.broadcast %broadcast_in_dim3A_1246 : vector<4x1xf32> to vector<4x128xf32>
    %eq3A_1248 = arith.cmpf oeq, %get3A_1243, %eq3A_1247 : vector<4x128xf32>
    %jit3A_1249 = arith.constant 1048576 : i32
    %broadcast_in_dim3A_1250 = vector.broadcast %jit3A_1249 : i32 to vector<4x128xi32>
    %select_n3A_1251 = arith.select %eq3A_1248, %iota3A, %broadcast_in_dim3A_1250 : vector<4x128xi1>, vector<4x128xi32>
    %reduce_min3A_1252 = arith.constant dense<2147483647> : vector<4xi32>
    %reduce_min3A_1253 = vector.multi_reduction <minsi>, %select_n3A_1251, %reduce_min3A_1252 [1] : vector<4x128xi32> to vector<4xi32>
    %broadcast_in_dim3A_1254 = vector.shape_cast %reduce_min3A_1253 : vector<4xi32> to vector<4x1xi32>
    %swap3A_1255 = arith.constant 0 : index
    %swap3A_1256 = arith.constant 54 : index
    %swap3A_1257 = vector.load %arg3[%swap3A_1255, %swap3A_1256] : memref<4x64xf32, #tpu.memory_space<vmem>>, vector<4x1xf32>
    tpu.vector_store %arg3[%swap3A_1255, %swap3A_1256], %broadcast_in_dim3A_1246 {strides = array<i32>} : memref<4x64xf32, #tpu.memory_space<vmem>>, vector<4x1xf32>,
    %add3A_1258 = arith.constant 6912 : i32
    %add3A_1259 = vector.broadcast %add3A_1258 : i32 to vector<4x1xi32>
    %add3A_1260 = arith.addi %broadcast_in_dim3A_1254, %add3A_1259 : vector<4x1xi32>
    %swap3A_1261 = arith.constant 0 : index
    %swap3A_1262 = arith.constant 54 : index
    %swap3A_1263 = vector.load %arg4[%swap3A_1261, %swap3A_1262] : memref<4x64xi32, #tpu.memory_space<vmem>>, vector<4x1xi32>
    tpu.vector_store %arg4[%swap3A_1261, %swap3A_1262], %add3A_1260 {strides = array<i32>} : memref<4x64xi32, #tpu.memory_space<vmem>>, vector<4x1xi32>,
    %get3A_1264 = arith.constant 0 : index
    %get3A_1265 = arith.constant 7040 : index
    %get3A_1266 = vector.load %arg2[%get3A_1264, %get3A_1265] : memref<4x8192xf32, #tpu.memory_space<vmem>>, vector<4x128xf32>
    %reduce_max3A_1267 = arith.constant dense<0xFF800000> : vector<4xf32>
    %reduce_max3A_1268 = vector.multi_reduction <maximumf>, %get3A_1266, %reduce_max3A_1267 [1] : vector<4x128xf32> to vector<4xf32>
    %broadcast_in_dim3A_1269 = vector.shape_cast %reduce_max3A_1268 : vector<4xf32> to vector<4x1xf32>
    %eq3A_1270 = vector.broadcast %broadcast_in_dim3A_1269 : vector<4x1xf32> to vector<4x128xf32>
    %eq3A_1271 = arith.cmpf oeq, %get3A_1266, %eq3A_1270 : vector<4x128xf32>
    %jit3A_1272 = arith.constant 1048576 : i32
    %broadcast_in_dim3A_1273 = vector.broadcast %jit3A_1272 : i32 to vector<4x128xi32>
    %select_n3A_1274 = arith.select %eq3A_1271, %iota3A, %broadcast_in_dim3A_1273 : vector<4x128xi1>, vector<4x128xi32>
    %reduce_min3A_1275 = arith.constant dense<2147483647> : vector<4xi32>
    %reduce_min3A_1276 = vector.multi_reduction <minsi>, %select_n3A_1274, %reduce_min3A_1275 [1] : vector<4x128xi32> to vector<4xi32>
    %broadcast_in_dim3A_1277 = vector.shape_cast %reduce_min3A_1276 : vector<4xi32> to vector<4x1xi32>
    %swap3A_1278 = arith.constant 0 : index
    %swap3A_1279 = arith.constant 55 : index
    %swap3A_1280 = vector.load %arg3[%swap3A_1278, %swap3A_1279] : memref<4x64xf32, #tpu.memory_space<vmem>>, vector<4x1xf32>
    tpu.vector_store %arg3[%swap3A_1278, %swap3A_1279], %broadcast_in_dim3A_1269 {strides = array<i32>} : memref<4x64xf32, #tpu.memory_space<vmem>>, vector<4x1xf32>,
    %add3A_1281 = arith.constant 7040 : i32
    %add3A_1282 = vector.broadcast %add3A_1281 : i32 to vector<4x1xi32>
    %add3A_1283 = arith.addi %broadcast_in_dim3A_1277, %add3A_1282 : vector<4x1xi32>
    %swap3A_1284 = arith.constant 0 : index
    %swap3A_1285 = arith.constant 55 : index
    %swap3A_1286 = vector.load %arg4[%swap3A_1284, %swap3A_1285] : memref<4x64xi32, #tpu.memory_space<vmem>>, vector<4x1xi32>
    tpu.vector_store %arg4[%swap3A_1284, %swap3A_1285], %add3A_1283 {strides = array<i32>} : memref<4x64xi32, #tpu.memory_space<vmem>>, vector<4x1xi32>,
    %get3A_1287 = arith.constant 0 : index
    %get3A_1288 = arith.constant 7168 : index
    %get3A_1289 = vector.load %arg2[%get3A_1287, %get3A_1288] : memref<4x8192xf32, #tpu.memory_space<vmem>>, vector<4x128xf32>
    %reduce_max3A_1290 = arith.constant dense<0xFF800000> : vector<4xf32>
    %reduce_max3A_1291 = vector.multi_reduction <maximumf>, %get3A_1289, %reduce_max3A_1290 [1] : vector<4x128xf32> to vector<4xf32>
    %broadcast_in_dim3A_1292 = vector.shape_cast %reduce_max3A_1291 : vector<4xf32> to vector<4x1xf32>
    %eq3A_1293 = vector.broadcast %broadcast_in_dim3A_1292 : vector<4x1xf32> to vector<4x128xf32>
    %eq3A_1294 = arith.cmpf oeq, %get3A_1289, %eq3A_1293 : vector<4x128xf32>
    %jit3A_1295 = arith.constant 1048576 : i32
    %broadcast_in_dim3A_1296 = vector.broadcast %jit3A_1295 : i32 to vector<4x128xi32>
    %select_n3A_1297 = arith.select %eq3A_1294, %iota3A, %broadcast_in_dim3A_1296 : vector<4x128xi1>, vector<4x128xi32>
    %reduce_min3A_1298 = arith.constant dense<2147483647> : vector<4xi32>
    %reduce_min3A_1299 = vector.multi_reduction <minsi>, %select_n3A_1297, %reduce_min3A_1298 [1] : vector<4x128xi32> to vector<4xi32>
    %broadcast_in_dim3A_1300 = vector.shape_cast %reduce_min3A_1299 : vector<4xi32> to vector<4x1xi32>
    %swap3A_1301 = arith.constant 0 : index
    %swap3A_1302 = arith.constant 56 : index
    %swap3A_1303 = vector.load %arg3[%swap3A_1301, %swap3A_1302] : memref<4x64xf32, #tpu.memory_space<vmem>>, vector<4x1xf32>
    tpu.vector_store %arg3[%swap3A_1301, %swap3A_1302], %broadcast_in_dim3A_1292 {strides = array<i32>} : memref<4x64xf32, #tpu.memory_space<vmem>>, vector<4x1xf32>,
    %add3A_1304 = arith.constant 7168 : i32
    %add3A_1305 = vector.broadcast %add3A_1304 : i32 to vector<4x1xi32>
    %add3A_1306 = arith.addi %broadcast_in_dim3A_1300, %add3A_1305 : vector<4x1xi32>
    %swap3A_1307 = arith.constant 0 : index
    %swap3A_1308 = arith.constant 56 : index
    %swap3A_1309 = vector.load %arg4[%swap3A_1307, %swap3A_1308] : memref<4x64xi32, #tpu.memory_space<vmem>>, vector<4x1xi32>
    tpu.vector_store %arg4[%swap3A_1307, %swap3A_1308], %add3A_1306 {strides = array<i32>} : memref<4x64xi32, #tpu.memory_space<vmem>>, vector<4x1xi32>,
    %get3A_1310 = arith.constant 0 : index
    %get3A_1311 = arith.constant 7296 : index
    %get3A_1312 = vector.load %arg2[%get3A_1310, %get3A_1311] : memref<4x8192xf32, #tpu.memory_space<vmem>>, vector<4x128xf32>
    %reduce_max3A_1313 = arith.constant dense<0xFF800000> : vector<4xf32>
    %reduce_max3A_1314 = vector.multi_reduction <maximumf>, %get3A_1312, %reduce_max3A_1313 [1] : vector<4x128xf32> to vector<4xf32>
    %broadcast_in_dim3A_1315 = vector.shape_cast %reduce_max3A_1314 : vector<4xf32> to vector<4x1xf32>
    %eq3A_1316 = vector.broadcast %broadcast_in_dim3A_1315 : vector<4x1xf32> to vector<4x128xf32>
    %eq3A_1317 = arith.cmpf oeq, %get3A_1312, %eq3A_1316 : vector<4x128xf32>
    %jit3A_1318 = arith.constant 1048576 : i32
    %broadcast_in_dim3A_1319 = vector.broadcast %jit3A_1318 : i32 to vector<4x128xi32>
    %select_n3A_1320 = arith.select %eq3A_1317, %iota3A, %broadcast_in_dim3A_1319 : vector<4x128xi1>, vector<4x128xi32>
    %reduce_min3A_1321 = arith.constant dense<2147483647> : vector<4xi32>
    %reduce_min3A_1322 = vector.multi_reduction <minsi>, %select_n3A_1320, %reduce_min3A_1321 [1] : vector<4x128xi32> to vector<4xi32>
    %broadcast_in_dim3A_1323 = vector.shape_cast %reduce_min3A_1322 : vector<4xi32> to vector<4x1xi32>
    %swap3A_1324 = arith.constant 0 : index
    %swap3A_1325 = arith.constant 57 : index
    %swap3A_1326 = vector.load %arg3[%swap3A_1324, %swap3A_1325] : memref<4x64xf32, #tpu.memory_space<vmem>>, vector<4x1xf32>
    tpu.vector_store %arg3[%swap3A_1324, %swap3A_1325], %broadcast_in_dim3A_1315 {strides = array<i32>} : memref<4x64xf32, #tpu.memory_space<vmem>>, vector<4x1xf32>,
    %add3A_1327 = arith.constant 7296 : i32
    %add3A_1328 = vector.broadcast %add3A_1327 : i32 to vector<4x1xi32>
    %add3A_1329 = arith.addi %broadcast_in_dim3A_1323, %add3A_1328 : vector<4x1xi32>
    %swap3A_1330 = arith.constant 0 : index
    %swap3A_1331 = arith.constant 57 : index
    %swap3A_1332 = vector.load %arg4[%swap3A_1330, %swap3A_1331] : memref<4x64xi32, #tpu.memory_space<vmem>>, vector<4x1xi32>
    tpu.vector_store %arg4[%swap3A_1330, %swap3A_1331], %add3A_1329 {strides = array<i32>} : memref<4x64xi32, #tpu.memory_space<vmem>>, vector<4x1xi32>,
    %get3A_1333 = arith.constant 0 : index
    %get3A_1334 = arith.constant 7424 : index
    %get3A_1335 = vector.load %arg2[%get3A_1333, %get3A_1334] : memref<4x8192xf32, #tpu.memory_space<vmem>>, vector<4x128xf32>
    %reduce_max3A_1336 = arith.constant dense<0xFF800000> : vector<4xf32>
    %reduce_max3A_1337 = vector.multi_reduction <maximumf>, %get3A_1335, %reduce_max3A_1336 [1] : vector<4x128xf32> to vector<4xf32>
    %broadcast_in_dim3A_1338 = vector.shape_cast %reduce_max3A_1337 : vector<4xf32> to vector<4x1xf32>
    %eq3A_1339 = vector.broadcast %broadcast_in_dim3A_1338 : vector<4x1xf32> to vector<4x128xf32>
    %eq3A_1340 = arith.cmpf oeq, %get3A_1335, %eq3A_1339 : vector<4x128xf32>
    %jit3A_1341 = arith.constant 1048576 : i32
    %broadcast_in_dim3A_1342 = vector.broadcast %jit3A_1341 : i32 to vector<4x128xi32>
    %select_n3A_1343 = arith.select %eq3A_1340, %iota3A, %broadcast_in_dim3A_1342 : vector<4x128xi1>, vector<4x128xi32>
    %reduce_min3A_1344 = arith.constant dense<2147483647> : vector<4xi32>
    %reduce_min3A_1345 = vector.multi_reduction <minsi>, %select_n3A_1343, %reduce_min3A_1344 [1] : vector<4x128xi32> to vector<4xi32>
    %broadcast_in_dim3A_1346 = vector.shape_cast %reduce_min3A_1345 : vector<4xi32> to vector<4x1xi32>
    %swap3A_1347 = arith.constant 0 : index
    %swap3A_1348 = arith.constant 58 : index
    %swap3A_1349 = vector.load %arg3[%swap3A_1347, %swap3A_1348] : memref<4x64xf32, #tpu.memory_space<vmem>>, vector<4x1xf32>
    tpu.vector_store %arg3[%swap3A_1347, %swap3A_1348], %broadcast_in_dim3A_1338 {strides = array<i32>} : memref<4x64xf32, #tpu.memory_space<vmem>>, vector<4x1xf32>,
    %add3A_1350 = arith.constant 7424 : i32
    %add3A_1351 = vector.broadcast %add3A_1350 : i32 to vector<4x1xi32>
    %add3A_1352 = arith.addi %broadcast_in_dim3A_1346, %add3A_1351 : vector<4x1xi32>
    %swap3A_1353 = arith.constant 0 : index
    %swap3A_1354 = arith.constant 58 : index
    %swap3A_1355 = vector.load %arg4[%swap3A_1353, %swap3A_1354] : memref<4x64xi32, #tpu.memory_space<vmem>>, vector<4x1xi32>
    tpu.vector_store %arg4[%swap3A_1353, %swap3A_1354], %add3A_1352 {strides = array<i32>} : memref<4x64xi32, #tpu.memory_space<vmem>>, vector<4x1xi32>,
    %get3A_1356 = arith.constant 0 : index
    %get3A_1357 = arith.constant 7552 : index
    %get3A_1358 = vector.load %arg2[%get3A_1356, %get3A_1357] : memref<4x8192xf32, #tpu.memory_space<vmem>>, vector<4x128xf32>
    %reduce_max3A_1359 = arith.constant dense<0xFF800000> : vector<4xf32>
    %reduce_max3A_1360 = vector.multi_reduction <maximumf>, %get3A_1358, %reduce_max3A_1359 [1] : vector<4x128xf32> to vector<4xf32>
    %broadcast_in_dim3A_1361 = vector.shape_cast %reduce_max3A_1360 : vector<4xf32> to vector<4x1xf32>
    %eq3A_1362 = vector.broadcast %broadcast_in_dim3A_1361 : vector<4x1xf32> to vector<4x128xf32>
    %eq3A_1363 = arith.cmpf oeq, %get3A_1358, %eq3A_1362 : vector<4x128xf32>
    %jit3A_1364 = arith.constant 1048576 : i32
    %broadcast_in_dim3A_1365 = vector.broadcast %jit3A_1364 : i32 to vector<4x128xi32>
    %select_n3A_1366 = arith.select %eq3A_1363, %iota3A, %broadcast_in_dim3A_1365 : vector<4x128xi1>, vector<4x128xi32>
    %reduce_min3A_1367 = arith.constant dense<2147483647> : vector<4xi32>
    %reduce_min3A_1368 = vector.multi_reduction <minsi>, %select_n3A_1366, %reduce_min3A_1367 [1] : vector<4x128xi32> to vector<4xi32>
    %broadcast_in_dim3A_1369 = vector.shape_cast %reduce_min3A_1368 : vector<4xi32> to vector<4x1xi32>
    %swap3A_1370 = arith.constant 0 : index
    %swap3A_1371 = arith.constant 59 : index
    %swap3A_1372 = vector.load %arg3[%swap3A_1370, %swap3A_1371] : memref<4x64xf32, #tpu.memory_space<vmem>>, vector<4x1xf32>
    tpu.vector_store %arg3[%swap3A_1370, %swap3A_1371], %broadcast_in_dim3A_1361 {strides = array<i32>} : memref<4x64xf32, #tpu.memory_space<vmem>>, vector<4x1xf32>,
    %add3A_1373 = arith.constant 7552 : i32
    %add3A_1374 = vector.broadcast %add3A_1373 : i32 to vector<4x1xi32>
    %add3A_1375 = arith.addi %broadcast_in_dim3A_1369, %add3A_1374 : vector<4x1xi32>
    %swap3A_1376 = arith.constant 0 : index
    %swap3A_1377 = arith.constant 59 : index
    %swap3A_1378 = vector.load %arg4[%swap3A_1376, %swap3A_1377] : memref<4x64xi32, #tpu.memory_space<vmem>>, vector<4x1xi32>
    tpu.vector_store %arg4[%swap3A_1376, %swap3A_1377], %add3A_1375 {strides = array<i32>} : memref<4x64xi32, #tpu.memory_space<vmem>>, vector<4x1xi32>,
    %get3A_1379 = arith.constant 0 : index
    %get3A_1380 = arith.constant 7680 : index
    %get3A_1381 = vector.load %arg2[%get3A_1379, %get3A_1380] : memref<4x8192xf32, #tpu.memory_space<vmem>>, vector<4x128xf32>
    %reduce_max3A_1382 = arith.constant dense<0xFF800000> : vector<4xf32>
    %reduce_max3A_1383 = vector.multi_reduction <maximumf>, %get3A_1381, %reduce_max3A_1382 [1] : vector<4x128xf32> to vector<4xf32>
    %broadcast_in_dim3A_1384 = vector.shape_cast %reduce_max3A_1383 : vector<4xf32> to vector<4x1xf32>
    %eq3A_1385 = vector.broadcast %broadcast_in_dim3A_1384 : vector<4x1xf32> to vector<4x128xf32>
    %eq3A_1386 = arith.cmpf oeq, %get3A_1381, %eq3A_1385 : vector<4x128xf32>
    %jit3A_1387 = arith.constant 1048576 : i32
    %broadcast_in_dim3A_1388 = vector.broadcast %jit3A_1387 : i32 to vector<4x128xi32>
    %select_n3A_1389 = arith.select %eq3A_1386, %iota3A, %broadcast_in_dim3A_1388 : vector<4x128xi1>, vector<4x128xi32>
    %reduce_min3A_1390 = arith.constant dense<2147483647> : vector<4xi32>
    %reduce_min3A_1391 = vector.multi_reduction <minsi>, %select_n3A_1389, %reduce_min3A_1390 [1] : vector<4x128xi32> to vector<4xi32>
    %broadcast_in_dim3A_1392 = vector.shape_cast %reduce_min3A_1391 : vector<4xi32> to vector<4x1xi32>
    %swap3A_1393 = arith.constant 0 : index
    %swap3A_1394 = arith.constant 60 : index
    %swap3A_1395 = vector.load %arg3[%swap3A_1393, %swap3A_1394] : memref<4x64xf32, #tpu.memory_space<vmem>>, vector<4x1xf32>
    tpu.vector_store %arg3[%swap3A_1393, %swap3A_1394], %broadcast_in_dim3A_1384 {strides = array<i32>} : memref<4x64xf32, #tpu.memory_space<vmem>>, vector<4x1xf32>,
    %add3A_1396 = arith.constant 7680 : i32
    %add3A_1397 = vector.broadcast %add3A_1396 : i32 to vector<4x1xi32>
    %add3A_1398 = arith.addi %broadcast_in_dim3A_1392, %add3A_1397 : vector<4x1xi32>
    %swap3A_1399 = arith.constant 0 : index
    %swap3A_1400 = arith.constant 60 : index
    %swap3A_1401 = vector.load %arg4[%swap3A_1399, %swap3A_1400] : memref<4x64xi32, #tpu.memory_space<vmem>>, vector<4x1xi32>
    tpu.vector_store %arg4[%swap3A_1399, %swap3A_1400], %add3A_1398 {strides = array<i32>} : memref<4x64xi32, #tpu.memory_space<vmem>>, vector<4x1xi32>,
    %get3A_1402 = arith.constant 0 : index
    %get3A_1403 = arith.constant 7808 : index
    %get3A_1404 = vector.load %arg2[%get3A_1402, %get3A_1403] : memref<4x8192xf32, #tpu.memory_space<vmem>>, vector<4x128xf32>
    %reduce_max3A_1405 = arith.constant dense<0xFF800000> : vector<4xf32>
    %reduce_max3A_1406 = vector.multi_reduction <maximumf>, %get3A_1404, %reduce_max3A_1405 [1] : vector<4x128xf32> to vector<4xf32>
    %broadcast_in_dim3A_1407 = vector.shape_cast %reduce_max3A_1406 : vector<4xf32> to vector<4x1xf32>
    %eq3A_1408 = vector.broadcast %broadcast_in_dim3A_1407 : vector<4x1xf32> to vector<4x128xf32>
    %eq3A_1409 = arith.cmpf oeq, %get3A_1404, %eq3A_1408 : vector<4x128xf32>
    %jit3A_1410 = arith.constant 1048576 : i32
    %broadcast_in_dim3A_1411 = vector.broadcast %jit3A_1410 : i32 to vector<4x128xi32>
    %select_n3A_1412 = arith.select %eq3A_1409, %iota3A, %broadcast_in_dim3A_1411 : vector<4x128xi1>, vector<4x128xi32>
    %reduce_min3A_1413 = arith.constant dense<2147483647> : vector<4xi32>
    %reduce_min3A_1414 = vector.multi_reduction <minsi>, %select_n3A_1412, %reduce_min3A_1413 [1] : vector<4x128xi32> to vector<4xi32>
    %broadcast_in_dim3A_1415 = vector.shape_cast %reduce_min3A_1414 : vector<4xi32> to vector<4x1xi32>
    %swap3A_1416 = arith.constant 0 : index
    %swap3A_1417 = arith.constant 61 : index
    %swap3A_1418 = vector.load %arg3[%swap3A_1416, %swap3A_1417] : memref<4x64xf32, #tpu.memory_space<vmem>>, vector<4x1xf32>
    tpu.vector_store %arg3[%swap3A_1416, %swap3A_1417], %broadcast_in_dim3A_1407 {strides = array<i32>} : memref<4x64xf32, #tpu.memory_space<vmem>>, vector<4x1xf32>,
    %add3A_1419 = arith.constant 7808 : i32
    %add3A_1420 = vector.broadcast %add3A_1419 : i32 to vector<4x1xi32>
    %add3A_1421 = arith.addi %broadcast_in_dim3A_1415, %add3A_1420 : vector<4x1xi32>
    %swap3A_1422 = arith.constant 0 : index
    %swap3A_1423 = arith.constant 61 : index
    %swap3A_1424 = vector.load %arg4[%swap3A_1422, %swap3A_1423] : memref<4x64xi32, #tpu.memory_space<vmem>>, vector<4x1xi32>
    tpu.vector_store %arg4[%swap3A_1422, %swap3A_1423], %add3A_1421 {strides = array<i32>} : memref<4x64xi32, #tpu.memory_space<vmem>>, vector<4x1xi32>,
    %get3A_1425 = arith.constant 0 : index
    %get3A_1426 = arith.constant 7936 : index
    %get3A_1427 = vector.load %arg2[%get3A_1425, %get3A_1426] : memref<4x8192xf32, #tpu.memory_space<vmem>>, vector<4x128xf32>
    %reduce_max3A_1428 = arith.constant dense<0xFF800000> : vector<4xf32>
    %reduce_max3A_1429 = vector.multi_reduction <maximumf>, %get3A_1427, %reduce_max3A_1428 [1] : vector<4x128xf32> to vector<4xf32>
    %broadcast_in_dim3A_1430 = vector.shape_cast %reduce_max3A_1429 : vector<4xf32> to vector<4x1xf32>
    %eq3A_1431 = vector.broadcast %broadcast_in_dim3A_1430 : vector<4x1xf32> to vector<4x128xf32>
    %eq3A_1432 = arith.cmpf oeq, %get3A_1427, %eq3A_1431 : vector<4x128xf32>
    %jit3A_1433 = arith.constant 1048576 : i32
    %broadcast_in_dim3A_1434 = vector.broadcast %jit3A_1433 : i32 to vector<4x128xi32>
    %select_n3A_1435 = arith.select %eq3A_1432, %iota3A, %broadcast_in_dim3A_1434 : vector<4x128xi1>, vector<4x128xi32>
    %reduce_min3A_1436 = arith.constant dense<2147483647> : vector<4xi32>
    %reduce_min3A_1437 = vector.multi_reduction <minsi>, %select_n3A_1435, %reduce_min3A_1436 [1] : vector<4x128xi32> to vector<4xi32>
    %broadcast_in_dim3A_1438 = vector.shape_cast %reduce_min3A_1437 : vector<4xi32> to vector<4x1xi32>
    %swap3A_1439 = arith.constant 0 : index
    %swap3A_1440 = arith.constant 62 : index
    %swap3A_1441 = vector.load %arg3[%swap3A_1439, %swap3A_1440] : memref<4x64xf32, #tpu.memory_space<vmem>>, vector<4x1xf32>
    tpu.vector_store %arg3[%swap3A_1439, %swap3A_1440], %broadcast_in_dim3A_1430 {strides = array<i32>} : memref<4x64xf32, #tpu.memory_space<vmem>>, vector<4x1xf32>,
    %add3A_1442 = arith.constant 7936 : i32
    %add3A_1443 = vector.broadcast %add3A_1442 : i32 to vector<4x1xi32>
    %add3A_1444 = arith.addi %broadcast_in_dim3A_1438, %add3A_1443 : vector<4x1xi32>
    %swap3A_1445 = arith.constant 0 : index
    %swap3A_1446 = arith.constant 62 : index
    %swap3A_1447 = vector.load %arg4[%swap3A_1445, %swap3A_1446] : memref<4x64xi32, #tpu.memory_space<vmem>>, vector<4x1xi32>
    tpu.vector_store %arg4[%swap3A_1445, %swap3A_1446], %add3A_1444 {strides = array<i32>} : memref<4x64xi32, #tpu.memory_space<vmem>>, vector<4x1xi32>,
    %get3A_1448 = arith.constant 0 : index
    %get3A_1449 = arith.constant 8064 : index
    %get3A_1450 = vector.load %arg2[%get3A_1448, %get3A_1449] : memref<4x8192xf32, #tpu.memory_space<vmem>>, vector<4x128xf32>
    %reduce_max3A_1451 = arith.constant dense<0xFF800000> : vector<4xf32>
    %reduce_max3A_1452 = vector.multi_reduction <maximumf>, %get3A_1450, %reduce_max3A_1451 [1] : vector<4x128xf32> to vector<4xf32>
    %broadcast_in_dim3A_1453 = vector.shape_cast %reduce_max3A_1452 : vector<4xf32> to vector<4x1xf32>
    %eq3A_1454 = vector.broadcast %broadcast_in_dim3A_1453 : vector<4x1xf32> to vector<4x128xf32>
    %eq3A_1455 = arith.cmpf oeq, %get3A_1450, %eq3A_1454 : vector<4x128xf32>
    %jit3A_1456 = arith.constant 1048576 : i32
    %broadcast_in_dim3A_1457 = vector.broadcast %jit3A_1456 : i32 to vector<4x128xi32>
    %select_n3A_1458 = arith.select %eq3A_1455, %iota3A, %broadcast_in_dim3A_1457 : vector<4x128xi1>, vector<4x128xi32>
    %reduce_min3A_1459 = arith.constant dense<2147483647> : vector<4xi32>
    %reduce_min3A_1460 = vector.multi_reduction <minsi>, %select_n3A_1458, %reduce_min3A_1459 [1] : vector<4x128xi32> to vector<4xi32>
    %broadcast_in_dim3A_1461 = vector.shape_cast %reduce_min3A_1460 : vector<4xi32> to vector<4x1xi32>
    %swap3A_1462 = arith.constant 0 : index
    %swap3A_1463 = arith.constant 63 : index
    %swap3A_1464 = vector.load %arg3[%swap3A_1462, %swap3A_1463] : memref<4x64xf32, #tpu.memory_space<vmem>>, vector<4x1xf32>
    tpu.vector_store %arg3[%swap3A_1462, %swap3A_1463], %broadcast_in_dim3A_1453 {strides = array<i32>} : memref<4x64xf32, #tpu.memory_space<vmem>>, vector<4x1xf32>,
    %add3A_1465 = arith.constant 8064 : i32
    %add3A_1466 = vector.broadcast %add3A_1465 : i32 to vector<4x1xi32>
    %add3A_1467 = arith.addi %broadcast_in_dim3A_1461, %add3A_1466 : vector<4x1xi32>
    %swap3A_1468 = arith.constant 0 : index
    %swap3A_1469 = arith.constant 63 : index
    %swap3A_1470 = vector.load %arg4[%swap3A_1468, %swap3A_1469] : memref<4x64xi32, #tpu.memory_space<vmem>>, vector<4x1xi32>
    tpu.vector_store %arg4[%swap3A_1468, %swap3A_1469], %add3A_1467 {strides = array<i32>} : memref<4x64xi32, #tpu.memory_space<vmem>>, vector<4x1xi32>,
    %scan3A = arith.constant 0 : i32
    %scan3A_1471 = arith.constant 512 : i32
    %scan3A_1472 = arith.addi %scan3A, %scan3A_1471 : i32
    %scan3A_1473 = arith.constant 2 : i32
    scf.for %scan3A_1475 = %scan3A to %scan3A_1472 step %scan3A_1473  : i32 {
      %get3A_1476 = arith.constant 0 : index
      %get3A_1477 = arith.constant 0 : index
      %get3A_1478 = vector.load %arg3[%get3A_1476, %get3A_1477] : memref<4x64xf32, #tpu.memory_space<vmem>>, vector<4x64xf32>
      %reduce_max3A_1479 = arith.constant dense<0xFF800000> : vector<4xf32>
      %reduce_max3A_1480 = vector.multi_reduction <maximumf>, %get3A_1478, %reduce_max3A_1479 [1] : vector<4x64xf32> to vector<4xf32>
      %broadcast_in_dim3A_1481 = vector.shape_cast %reduce_max3A_1480 : vector<4xf32> to vector<4x1xf32>
      %eq3A_1482 = vector.broadcast %broadcast_in_dim3A_1481 : vector<4x1xf32> to vector<4x64xf32>
      %eq3A_1483 = arith.cmpf oeq, %get3A_1478, %eq3A_1482 : vector<4x64xf32>
      %jit3A_1484 = arith.constant 1048576 : i32
      %broadcast_in_dim3A_1485 = vector.broadcast %jit3A_1484 : i32 to vector<4x64xi32>
      %select_n3A_1486 = arith.select %eq3A_1483, %iota3A_4, %broadcast_in_dim3A_1485 : vector<4x64xi1>, vector<4x64xi32>
      %reduce_min3A_1487 = arith.constant dense<2147483647> : vector<4xi32>
      %reduce_min3A_1488 = vector.multi_reduction <minsi>, %select_n3A_1486, %reduce_min3A_1487 [1] : vector<4x64xi32> to vector<4xi32>
      %broadcast_in_dim3A_1489 = vector.shape_cast %reduce_min3A_1488 : vector<4xi32> to vector<4x1xi32>
      %eq3A_1490 = vector.broadcast %broadcast_in_dim3A_1489 : vector<4x1xi32> to vector<4x64xi32>
      %eq3A_1491 = arith.cmpi eq, %iota3A_4, %eq3A_1490 : vector<4x64xi32>
      %get3A_1492 = arith.constant 0 : index
      %get3A_1493 = arith.constant 0 : index
      %get3A_1494 = vector.load %arg4[%get3A_1492, %get3A_1493] : memref<4x64xi32, #tpu.memory_space<vmem>>, vector<4x64xi32>
      %jit3A_1495 = arith.constant 0 : i32
      %broadcast_in_dim3A_1496 = vector.broadcast %jit3A_1495 : i32 to vector<4x64xi32>
      %select_n3A_1497 = arith.select %eq3A_1491, %get3A_1494, %broadcast_in_dim3A_1496 : vector<4x64xi1>, vector<4x64xi32>
      %reduce_sum3A = arith.constant dense<0> : vector<4xi32>
      %reduce_sum3A_1498 = vector.multi_reduction <add>, %select_n3A_1497, %reduce_sum3A [1] : vector<4x64xi32> to vector<4xi32>
      %broadcast_in_dim3A_1499 = vector.shape_cast %reduce_sum3A_1498 : vector<4xi32> to vector<4x1xi32>
      %reshape3A = vector.shape_cast %broadcast_in_dim3A_1499 : vector<4x1xi32> to vector<1x4xi32>
      %swap3A_1500 = arith.index_cast %scan3A_1475 : i32 to index
      %swap3A_1501 = arith.constant 0 : index
      %swap3A_1502 = vector.load %arg1[%swap3A_1500, %swap3A_1501] : memref<512x4xi32, #tpu.memory_space<vmem>>, vector<1x4xi32>
      tpu.vector_store %arg1[%swap3A_1500, %swap3A_1501], %reshape3A {strides = array<i32>} : memref<512x4xi32, #tpu.memory_space<vmem>>, vector<1x4xi32>,
      %swap3A_1503 = arith.constant 0 : index
      %swap3A_1504 = arith.constant 0 : index
      %swap3A_1505 = vector.load %arg5[%swap3A_1503, %swap3A_1504] : memref<4x128xi32, #tpu.memory_space<vmem>>, vector<4x1xi32>
      tpu.vector_store %arg5[%swap3A_1503, %swap3A_1504], %broadcast_in_dim3A_1489 {strides = array<i32>} : memref<4x128xi32, #tpu.memory_space<vmem>>, vector<4x1xi32>,
      %swap3A_1506 = arith.constant 0 : index
      %swap3A_1507 = arith.constant 1 : index
      %swap3A_1508 = vector.load %arg5[%swap3A_1506, %swap3A_1507] : memref<4x128xi32, #tpu.memory_space<vmem>>, vector<4x1xi32>
      tpu.vector_store %arg5[%swap3A_1506, %swap3A_1507], %broadcast_in_dim3A_1499 {strides = array<i32>} : memref<4x128xi32, #tpu.memory_space<vmem>>, vector<4x1xi32>,
      %get3A_1509 = arith.constant 0 : index
      %get3A_1510 = arith.constant 0 : index
      %get3A_1511 = vector.load %arg5[%get3A_1509, %get3A_1510] : memref<4x128xi32, #tpu.memory_space<vmem>>, vector<1x1xi32>
      %get3A_1512 = vector.extract %get3A_1511[0, 0] : i32 from vector<1x1xi32>
      %get3A_1513 = arith.constant 0 : index
      %get3A_1514 = arith.constant 1 : index
      %get3A_1515 = vector.load %arg5[%get3A_1513, %get3A_1514] : memref<4x128xi32, #tpu.memory_space<vmem>>, vector<1x1xi32>
      %get3A_1516 = vector.extract %get3A_1515[0, 0] : i32 from vector<1x1xi32>
      %mul3A = arith.constant 128 : i32
      %mul3A_1517 = arith.muli %get3A_1512, %mul3A : i32
      %multiple_of3A = tpu.assume_multiple %mul3A_1517, 128 : i32
      %get3A_1518 = arith.constant 0 : index
      %get3A_1519 = arith.index_cast %multiple_of3A : i32 to index
      %get3A_1520 = vector.load %arg2[%get3A_1518, %get3A_1519] : memref<4x8192xf32, #tpu.memory_space<vmem>>, vector<1x128xf32>
      %mul3A_1521 = arith.constant 128 : i32
      %mul3A_1522 = arith.muli %get3A_1512, %mul3A_1521 : i32
      %sub3A = arith.subi %get3A_1516, %mul3A_1522 : i32
      %eq3A_1523 = vector.broadcast %sub3A : i32 to vector<1x128xi32>
      %eq3A_1524 = arith.cmpi eq, %slice3A, %eq3A_1523 : vector<1x128xi32>
      %jit3A_1525 = arith.constant 0xFF800000 : f32
      %broadcast_in_dim3A_1526 = vector.broadcast %jit3A_1525 : f32 to vector<1x128xf32>
      %select_n3A_1527 = arith.select %eq3A_1524, %broadcast_in_dim3A_1526, %get3A_1520 : vector<1x128xi1>, vector<1x128xf32>
      %swap3A_1528 = arith.constant 0 : index
      %swap3A_1529 = arith.index_cast %multiple_of3A : i32 to index
      %swap3A_1530 = vector.load %arg2[%swap3A_1528, %swap3A_1529] : memref<4x8192xf32, #tpu.memory_space<vmem>>, vector<1x128xf32>
      tpu.vector_store %arg2[%swap3A_1528, %swap3A_1529], %select_n3A_1527 {strides = array<i32>} : memref<4x8192xf32, #tpu.memory_space<vmem>>, vector<1x128xf32>,
      %reduce_max3A_1531 = arith.constant dense<0xFF800000> : vector<1xf32>
      %reduce_max3A_1532 = vector.multi_reduction <maximumf>, %select_n3A_1527, %reduce_max3A_1531 [1] : vector<1x128xf32> to vector<1xf32>
      %broadcast_in_dim3A_1533 = vector.shape_cast %reduce_max3A_1532 : vector<1xf32> to vector<1x1xf32>
      %eq3A_1534 = vector.broadcast %broadcast_in_dim3A_1533 : vector<1x1xf32> to vector<1x128xf32>
      %eq3A_1535 = arith.cmpf oeq, %select_n3A_1527, %eq3A_1534 : vector<1x128xf32>
      %jit3A_1536 = arith.constant 1048576 : i32
      %broadcast_in_dim3A_1537 = vector.broadcast %jit3A_1536 : i32 to vector<1x128xi32>
      %select_n3A_1538 = arith.select %eq3A_1535, %slice3A, %broadcast_in_dim3A_1537 : vector<1x128xi1>, vector<1x128xi32>
      %reduce_min3A_1539 = arith.constant dense<2147483647> : vector<1xi32>
      %reduce_min3A_1540 = vector.multi_reduction <minsi>, %select_n3A_1538, %reduce_min3A_1539 [1] : vector<1x128xi32> to vector<1xi32>
      %broadcast_in_dim3A_1541 = vector.shape_cast %reduce_min3A_1540 : vector<1xi32> to vector<1x1xi32>
      %mul3A_1542 = arith.constant 128 : i32
      %mul3A_1543 = arith.muli %get3A_1512, %mul3A_1542 : i32
      %add3A_1544 = vector.broadcast %mul3A_1543 : i32 to vector<1x1xi32>
      %add3A_1545 = arith.addi %broadcast_in_dim3A_1541, %add3A_1544 : vector<1x1xi32>
      %eq3A_1546 = vector.broadcast %get3A_1512 : i32 to vector<1x64xi32>
      %eq3A_1547 = arith.cmpi eq, %slice3A_5, %eq3A_1546 : vector<1x64xi32>
      %get3A_1548 = arith.constant 0 : index
      %get3A_1549 = arith.constant 0 : index
      %get3A_1550 = vector.load %arg3[%get3A_1548, %get3A_1549] : memref<4x64xf32, #tpu.memory_space<vmem>>, vector<1x64xf32>
      %broadcast_in_dim3A_1551 = vector.shape_cast %broadcast_in_dim3A_1533 : vector<1x1xf32> to vector<1x1xf32>
      %broadcast_in_dim3A_1552 = vector.broadcast %broadcast_in_dim3A_1551 : vector<1x1xf32> to vector<1x64xf32>
      %select_n3A_1553 = arith.select %eq3A_1547, %broadcast_in_dim3A_1552, %get3A_1550 : vector<1x64xi1>, vector<1x64xf32>
      %swap3A_1554 = arith.constant 0 : index
      %swap3A_1555 = arith.constant 0 : index
      %swap3A_1556 = vector.load %arg3[%swap3A_1554, %swap3A_1555] : memref<4x64xf32, #tpu.memory_space<vmem>>, vector<1x64xf32>
      tpu.vector_store %arg3[%swap3A_1554, %swap3A_1555], %select_n3A_1553 {strides = array<i32>} : memref<4x64xf32, #tpu.memory_space<vmem>>, vector<1x64xf32>,
      %get3A_1557 = arith.constant 0 : index
      %get3A_1558 = arith.constant 0 : index
      %get3A_1559 = vector.load %arg4[%get3A_1557, %get3A_1558] : memref<4x64xi32, #tpu.memory_space<vmem>>, vector<1x64xi32>
      %broadcast_in_dim3A_1560 = vector.shape_cast %add3A_1545 : vector<1x1xi32> to vector<1x1xi32>
      %broadcast_in_dim3A_1561 = vector.broadcast %broadcast_in_dim3A_1560 : vector<1x1xi32> to vector<1x64xi32>
      %select_n3A_1562 = arith.select %eq3A_1547, %broadcast_in_dim3A_1561, %get3A_1559 : vector<1x64xi1>, vector<1x64xi32>
      %swap3A_1563 = arith.constant 0 : index
      %swap3A_1564 = arith.constant 0 : index
      %swap3A_1565 = vector.load %arg4[%swap3A_1563, %swap3A_1564] : memref<4x64xi32, #tpu.memory_space<vmem>>, vector<1x64xi32>
      tpu.vector_store %arg4[%swap3A_1563, %swap3A_1564], %select_n3A_1562 {strides = array<i32>} : memref<4x64xi32, #tpu.memory_space<vmem>>, vector<1x64xi32>,
      %get3A_1566 = arith.constant 1 : index
      %get3A_1567 = arith.constant 0 : index
      %get3A_1568 = vector.load %arg5[%get3A_1566, %get3A_1567] : memref<4x128xi32, #tpu.memory_space<vmem>>, vector<1x1xi32>
      %get3A_1569 = vector.extract %get3A_1568[0, 0] : i32 from vector<1x1xi32>
      %get3A_1570 = arith.constant 1 : index
      %get3A_1571 = arith.constant 1 : index
      %get3A_1572 = vector.load %arg5[%get3A_1570, %get3A_1571] : memref<4x128xi32, #tpu.memory_space<vmem>>, vector<1x1xi32>
      %get3A_1573 = vector.extract %get3A_1572[0, 0] : i32 from vector<1x1xi32>
      %mul3A_1574 = arith.constant 128 : i32
      %mul3A_1575 = arith.muli %get3A_1569, %mul3A_1574 : i32
      %multiple_of3A_1576 = tpu.assume_multiple %mul3A_1575, 128 : i32
      %get3A_1577 = arith.constant 1 : index
      %get3A_1578 = arith.index_cast %multiple_of3A_1576 : i32 to index
      %get3A_1579 = vector.load %arg2[%get3A_1577, %get3A_1578] : memref<4x8192xf32, #tpu.memory_space<vmem>>, vector<1x128xf32>
      %mul3A_1580 = arith.constant 128 : i32
      %mul3A_1581 = arith.muli %get3A_1569, %mul3A_1580 : i32
      %sub3A_1582 = arith.subi %get3A_1573, %mul3A_1581 : i32
      %eq3A_1583 = vector.broadcast %sub3A_1582 : i32 to vector<1x128xi32>
      %eq3A_1584 = arith.cmpi eq, %slice3A, %eq3A_1583 : vector<1x128xi32>
      %jit3A_1585 = arith.constant 0xFF800000 : f32
      %broadcast_in_dim3A_1586 = vector.broadcast %jit3A_1585 : f32 to vector<1x128xf32>
      %select_n3A_1587 = arith.select %eq3A_1584, %broadcast_in_dim3A_1586, %get3A_1579 : vector<1x128xi1>, vector<1x128xf32>
      %swap3A_1588 = arith.constant 1 : index
      %swap3A_1589 = arith.index_cast %multiple_of3A_1576 : i32 to index
      %swap3A_1590 = vector.load %arg2[%swap3A_1588, %swap3A_1589] : memref<4x8192xf32, #tpu.memory_space<vmem>>, vector<1x128xf32>
      tpu.vector_store %arg2[%swap3A_1588, %swap3A_1589], %select_n3A_1587 {strides = array<i32>} : memref<4x8192xf32, #tpu.memory_space<vmem>>, vector<1x128xf32>,
      %reduce_max3A_1591 = arith.constant dense<0xFF800000> : vector<1xf32>
      %reduce_max3A_1592 = vector.multi_reduction <maximumf>, %select_n3A_1587, %reduce_max3A_1591 [1] : vector<1x128xf32> to vector<1xf32>
      %broadcast_in_dim3A_1593 = vector.shape_cast %reduce_max3A_1592 : vector<1xf32> to vector<1x1xf32>
      %eq3A_1594 = vector.broadcast %broadcast_in_dim3A_1593 : vector<1x1xf32> to vector<1x128xf32>
      %eq3A_1595 = arith.cmpf oeq, %select_n3A_1587, %eq3A_1594 : vector<1x128xf32>
      %jit3A_1596 = arith.constant 1048576 : i32
      %broadcast_in_dim3A_1597 = vector.broadcast %jit3A_1596 : i32 to vector<1x128xi32>
      %select_n3A_1598 = arith.select %eq3A_1595, %slice3A, %broadcast_in_dim3A_1597 : vector<1x128xi1>, vector<1x128xi32>
      %reduce_min3A_1599 = arith.constant dense<2147483647> : vector<1xi32>
      %reduce_min3A_1600 = vector.multi_reduction <minsi>, %select_n3A_1598, %reduce_min3A_1599 [1] : vector<1x128xi32> to vector<1xi32>
      %broadcast_in_dim3A_1601 = vector.shape_cast %reduce_min3A_1600 : vector<1xi32> to vector<1x1xi32>
      %mul3A_1602 = arith.constant 128 : i32
      %mul3A_1603 = arith.muli %get3A_1569, %mul3A_1602 : i32
      %add3A_1604 = vector.broadcast %mul3A_1603 : i32 to vector<1x1xi32>
      %add3A_1605 = arith.addi %broadcast_in_dim3A_1601, %add3A_1604 : vector<1x1xi32>
      %eq3A_1606 = vector.broadcast %get3A_1569 : i32 to vector<1x64xi32>
      %eq3A_1607 = arith.cmpi eq, %slice3A_5, %eq3A_1606 : vector<1x64xi32>
      %get3A_1608 = arith.constant 1 : index
      %get3A_1609 = arith.constant 0 : index
      %get3A_1610 = vector.load %arg3[%get3A_1608, %get3A_1609] : memref<4x64xf32, #tpu.memory_space<vmem>>, vector<1x64xf32>
      %broadcast_in_dim3A_1611 = vector.shape_cast %broadcast_in_dim3A_1593 : vector<1x1xf32> to vector<1x1xf32>
      %broadcast_in_dim3A_1612 = vector.broadcast %broadcast_in_dim3A_1611 : vector<1x1xf32> to vector<1x64xf32>
      %select_n3A_1613 = arith.select %eq3A_1607, %broadcast_in_dim3A_1612, %get3A_1610 : vector<1x64xi1>, vector<1x64xf32>
      %swap3A_1614 = arith.constant 1 : index
      %swap3A_1615 = arith.constant 0 : index
      %swap3A_1616 = vector.load %arg3[%swap3A_1614, %swap3A_1615] : memref<4x64xf32, #tpu.memory_space<vmem>>, vector<1x64xf32>
      tpu.vector_store %arg3[%swap3A_1614, %swap3A_1615], %select_n3A_1613 {strides = array<i32>} : memref<4x64xf32, #tpu.memory_space<vmem>>, vector<1x64xf32>,
      %get3A_1617 = arith.constant 1 : index
      %get3A_1618 = arith.constant 0 : index
      %get3A_1619 = vector.load %arg4[%get3A_1617, %get3A_1618] : memref<4x64xi32, #tpu.memory_space<vmem>>, vector<1x64xi32>
      %broadcast_in_dim3A_1620 = vector.shape_cast %add3A_1605 : vector<1x1xi32> to vector<1x1xi32>
      %broadcast_in_dim3A_1621 = vector.broadcast %broadcast_in_dim3A_1620 : vector<1x1xi32> to vector<1x64xi32>
      %select_n3A_1622 = arith.select %eq3A_1607, %broadcast_in_dim3A_1621, %get3A_1619 : vector<1x64xi1>, vector<1x64xi32>
      %swap3A_1623 = arith.constant 1 : index
      %swap3A_1624 = arith.constant 0 : index
      %swap3A_1625 = vector.load %arg4[%swap3A_1623, %swap3A_1624] : memref<4x64xi32, #tpu.memory_space<vmem>>, vector<1x64xi32>
      tpu.vector_store %arg4[%swap3A_1623, %swap3A_1624], %select_n3A_1622 {strides = array<i32>} : memref<4x64xi32, #tpu.memory_space<vmem>>, vector<1x64xi32>,
      %get3A_1626 = arith.constant 2 : index
      %get3A_1627 = arith.constant 0 : index
      %get3A_1628 = vector.load %arg5[%get3A_1626, %get3A_1627] : memref<4x128xi32, #tpu.memory_space<vmem>>, vector<1x1xi32>
      %get3A_1629 = vector.extract %get3A_1628[0, 0] : i32 from vector<1x1xi32>
      %get3A_1630 = arith.constant 2 : index
      %get3A_1631 = arith.constant 1 : index
      %get3A_1632 = vector.load %arg5[%get3A_1630, %get3A_1631] : memref<4x128xi32, #tpu.memory_space<vmem>>, vector<1x1xi32>
      %get3A_1633 = vector.extract %get3A_1632[0, 0] : i32 from vector<1x1xi32>
      %mul3A_1634 = arith.constant 128 : i32
      %mul3A_1635 = arith.muli %get3A_1629, %mul3A_1634 : i32
      %multiple_of3A_1636 = tpu.assume_multiple %mul3A_1635, 128 : i32
      %get3A_1637 = arith.constant 2 : index
      %get3A_1638 = arith.index_cast %multiple_of3A_1636 : i32 to index
      %get3A_1639 = vector.load %arg2[%get3A_1637, %get3A_1638] : memref<4x8192xf32, #tpu.memory_space<vmem>>, vector<1x128xf32>
      %mul3A_1640 = arith.constant 128 : i32
      %mul3A_1641 = arith.muli %get3A_1629, %mul3A_1640 : i32
      %sub3A_1642 = arith.subi %get3A_1633, %mul3A_1641 : i32
      %eq3A_1643 = vector.broadcast %sub3A_1642 : i32 to vector<1x128xi32>
      %eq3A_1644 = arith.cmpi eq, %slice3A, %eq3A_1643 : vector<1x128xi32>
      %jit3A_1645 = arith.constant 0xFF800000 : f32
      %broadcast_in_dim3A_1646 = vector.broadcast %jit3A_1645 : f32 to vector<1x128xf32>
      %select_n3A_1647 = arith.select %eq3A_1644, %broadcast_in_dim3A_1646, %get3A_1639 : vector<1x128xi1>, vector<1x128xf32>
      %swap3A_1648 = arith.constant 2 : index
      %swap3A_1649 = arith.index_cast %multiple_of3A_1636 : i32 to index
      %swap3A_1650 = vector.load %arg2[%swap3A_1648, %swap3A_1649] : memref<4x8192xf32, #tpu.memory_space<vmem>>, vector<1x128xf32>
      tpu.vector_store %arg2[%swap3A_1648, %swap3A_1649], %select_n3A_1647 {strides = array<i32>} : memref<4x8192xf32, #tpu.memory_space<vmem>>, vector<1x128xf32>,
      %reduce_max3A_1651 = arith.constant dense<0xFF800000> : vector<1xf32>
      %reduce_max3A_1652 = vector.multi_reduction <maximumf>, %select_n3A_1647, %reduce_max3A_1651 [1] : vector<1x128xf32> to vector<1xf32>
      %broadcast_in_dim3A_1653 = vector.shape_cast %reduce_max3A_1652 : vector<1xf32> to vector<1x1xf32>
      %eq3A_1654 = vector.broadcast %broadcast_in_dim3A_1653 : vector<1x1xf32> to vector<1x128xf32>
      %eq3A_1655 = arith.cmpf oeq, %select_n3A_1647, %eq3A_1654 : vector<1x128xf32>
      %jit3A_1656 = arith.constant 1048576 : i32
      %broadcast_in_dim3A_1657 = vector.broadcast %jit3A_1656 : i32 to vector<1x128xi32>
      %select_n3A_1658 = arith.select %eq3A_1655, %slice3A, %broadcast_in_dim3A_1657 : vector<1x128xi1>, vector<1x128xi32>
      %reduce_min3A_1659 = arith.constant dense<2147483647> : vector<1xi32>
      %reduce_min3A_1660 = vector.multi_reduction <minsi>, %select_n3A_1658, %reduce_min3A_1659 [1] : vector<1x128xi32> to vector<1xi32>
      %broadcast_in_dim3A_1661 = vector.shape_cast %reduce_min3A_1660 : vector<1xi32> to vector<1x1xi32>
      %mul3A_1662 = arith.constant 128 : i32
      %mul3A_1663 = arith.muli %get3A_1629, %mul3A_1662 : i32
      %add3A_1664 = vector.broadcast %mul3A_1663 : i32 to vector<1x1xi32>
      %add3A_1665 = arith.addi %broadcast_in_dim3A_1661, %add3A_1664 : vector<1x1xi32>
      %eq3A_1666 = vector.broadcast %get3A_1629 : i32 to vector<1x64xi32>
      %eq3A_1667 = arith.cmpi eq, %slice3A_5, %eq3A_1666 : vector<1x64xi32>
      %get3A_1668 = arith.constant 2 : index
      %get3A_1669 = arith.constant 0 : index
      %get3A_1670 = vector.load %arg3[%get3A_1668, %get3A_1669] : memref<4x64xf32, #tpu.memory_space<vmem>>, vector<1x64xf32>
      %broadcast_in_dim3A_1671 = vector.shape_cast %broadcast_in_dim3A_1653 : vector<1x1xf32> to vector<1x1xf32>
      %broadcast_in_dim3A_1672 = vector.broadcast %broadcast_in_dim3A_1671 : vector<1x1xf32> to vector<1x64xf32>
      %select_n3A_1673 = arith.select %eq3A_1667, %broadcast_in_dim3A_1672, %get3A_1670 : vector<1x64xi1>, vector<1x64xf32>
      %swap3A_1674 = arith.constant 2 : index
      %swap3A_1675 = arith.constant 0 : index
      %swap3A_1676 = vector.load %arg3[%swap3A_1674, %swap3A_1675] : memref<4x64xf32, #tpu.memory_space<vmem>>, vector<1x64xf32>
      tpu.vector_store %arg3[%swap3A_1674, %swap3A_1675], %select_n3A_1673 {strides = array<i32>} : memref<4x64xf32, #tpu.memory_space<vmem>>, vector<1x64xf32>,
      %get3A_1677 = arith.constant 2 : index
      %get3A_1678 = arith.constant 0 : index
      %get3A_1679 = vector.load %arg4[%get3A_1677, %get3A_1678] : memref<4x64xi32, #tpu.memory_space<vmem>>, vector<1x64xi32>
      %broadcast_in_dim3A_1680 = vector.shape_cast %add3A_1665 : vector<1x1xi32> to vector<1x1xi32>
      %broadcast_in_dim3A_1681 = vector.broadcast %broadcast_in_dim3A_1680 : vector<1x1xi32> to vector<1x64xi32>
      %select_n3A_1682 = arith.select %eq3A_1667, %broadcast_in_dim3A_1681, %get3A_1679 : vector<1x64xi1>, vector<1x64xi32>
      %swap3A_1683 = arith.constant 2 : index
      %swap3A_1684 = arith.constant 0 : index
      %swap3A_1685 = vector.load %arg4[%swap3A_1683, %swap3A_1684] : memref<4x64xi32, #tpu.memory_space<vmem>>, vector<1x64xi32>
      tpu.vector_store %arg4[%swap3A_1683, %swap3A_1684], %select_n3A_1682 {strides = array<i32>} : memref<4x64xi32, #tpu.memory_space<vmem>>, vector<1x64xi32>,
      %get3A_1686 = arith.constant 3 : index
      %get3A_1687 = arith.constant 0 : index
      %get3A_1688 = vector.load %arg5[%get3A_1686, %get3A_1687] : memref<4x128xi32, #tpu.memory_space<vmem>>, vector<1x1xi32>
      %get3A_1689 = vector.extract %get3A_1688[0, 0] : i32 from vector<1x1xi32>
      %get3A_1690 = arith.constant 3 : index
      %get3A_1691 = arith.constant 1 : index
      %get3A_1692 = vector.load %arg5[%get3A_1690, %get3A_1691] : memref<4x128xi32, #tpu.memory_space<vmem>>, vector<1x1xi32>
      %get3A_1693 = vector.extract %get3A_1692[0, 0] : i32 from vector<1x1xi32>
      %mul3A_1694 = arith.constant 128 : i32
      %mul3A_1695 = arith.muli %get3A_1689, %mul3A_1694 : i32
      %multiple_of3A_1696 = tpu.assume_multiple %mul3A_1695, 128 : i32
      %get3A_1697 = arith.constant 3 : index
      %get3A_1698 = arith.index_cast %multiple_of3A_1696 : i32 to index
      %get3A_1699 = vector.load %arg2[%get3A_1697, %get3A_1698] : memref<4x8192xf32, #tpu.memory_space<vmem>>, vector<1x128xf32>
      %mul3A_1700 = arith.constant 128 : i32
      %mul3A_1701 = arith.muli %get3A_1689, %mul3A_1700 : i32
      %sub3A_1702 = arith.subi %get3A_1693, %mul3A_1701 : i32
      %eq3A_1703 = vector.broadcast %sub3A_1702 : i32 to vector<1x128xi32>
      %eq3A_1704 = arith.cmpi eq, %slice3A, %eq3A_1703 : vector<1x128xi32>
      %jit3A_1705 = arith.constant 0xFF800000 : f32
      %broadcast_in_dim3A_1706 = vector.broadcast %jit3A_1705 : f32 to vector<1x128xf32>
      %select_n3A_1707 = arith.select %eq3A_1704, %broadcast_in_dim3A_1706, %get3A_1699 : vector<1x128xi1>, vector<1x128xf32>
      %swap3A_1708 = arith.constant 3 : index
      %swap3A_1709 = arith.index_cast %multiple_of3A_1696 : i32 to index
      %swap3A_1710 = vector.load %arg2[%swap3A_1708, %swap3A_1709] : memref<4x8192xf32, #tpu.memory_space<vmem>>, vector<1x128xf32>
      tpu.vector_store %arg2[%swap3A_1708, %swap3A_1709], %select_n3A_1707 {strides = array<i32>} : memref<4x8192xf32, #tpu.memory_space<vmem>>, vector<1x128xf32>,
      %reduce_max3A_1711 = arith.constant dense<0xFF800000> : vector<1xf32>
      %reduce_max3A_1712 = vector.multi_reduction <maximumf>, %select_n3A_1707, %reduce_max3A_1711 [1] : vector<1x128xf32> to vector<1xf32>
      %broadcast_in_dim3A_1713 = vector.shape_cast %reduce_max3A_1712 : vector<1xf32> to vector<1x1xf32>
      %eq3A_1714 = vector.broadcast %broadcast_in_dim3A_1713 : vector<1x1xf32> to vector<1x128xf32>
      %eq3A_1715 = arith.cmpf oeq, %select_n3A_1707, %eq3A_1714 : vector<1x128xf32>
      %jit3A_1716 = arith.constant 1048576 : i32
      %broadcast_in_dim3A_1717 = vector.broadcast %jit3A_1716 : i32 to vector<1x128xi32>
      %select_n3A_1718 = arith.select %eq3A_1715, %slice3A, %broadcast_in_dim3A_1717 : vector<1x128xi1>, vector<1x128xi32>
      %reduce_min3A_1719 = arith.constant dense<2147483647> : vector<1xi32>
      %reduce_min3A_1720 = vector.multi_reduction <minsi>, %select_n3A_1718, %reduce_min3A_1719 [1] : vector<1x128xi32> to vector<1xi32>
      %broadcast_in_dim3A_1721 = vector.shape_cast %reduce_min3A_1720 : vector<1xi32> to vector<1x1xi32>
      %mul3A_1722 = arith.constant 128 : i32
      %mul3A_1723 = arith.muli %get3A_1689, %mul3A_1722 : i32
      %add3A_1724 = vector.broadcast %mul3A_1723 : i32 to vector<1x1xi32>
      %add3A_1725 = arith.addi %broadcast_in_dim3A_1721, %add3A_1724 : vector<1x1xi32>
      %eq3A_1726 = vector.broadcast %get3A_1689 : i32 to vector<1x64xi32>
      %eq3A_1727 = arith.cmpi eq, %slice3A_5, %eq3A_1726 : vector<1x64xi32>
      %get3A_1728 = arith.constant 3 : index
      %get3A_1729 = arith.constant 0 : index
      %get3A_1730 = vector.load %arg3[%get3A_1728, %get3A_1729] : memref<4x64xf32, #tpu.memory_space<vmem>>, vector<1x64xf32>
      %broadcast_in_dim3A_1731 = vector.shape_cast %broadcast_in_dim3A_1713 : vector<1x1xf32> to vector<1x1xf32>
      %broadcast_in_dim3A_1732 = vector.broadcast %broadcast_in_dim3A_1731 : vector<1x1xf32> to vector<1x64xf32>
      %select_n3A_1733 = arith.select %eq3A_1727, %broadcast_in_dim3A_1732, %get3A_1730 : vector<1x64xi1>, vector<1x64xf32>
      %swap3A_1734 = arith.constant 3 : index
      %swap3A_1735 = arith.constant 0 : index
      %swap3A_1736 = vector.load %arg3[%swap3A_1734, %swap3A_1735] : memref<4x64xf32, #tpu.memory_space<vmem>>, vector<1x64xf32>
      tpu.vector_store %arg3[%swap3A_1734, %swap3A_1735], %select_n3A_1733 {strides = array<i32>} : memref<4x64xf32, #tpu.memory_space<vmem>>, vector<1x64xf32>,
      %get3A_1737 = arith.constant 3 : index
      %get3A_1738 = arith.constant 0 : index
      %get3A_1739 = vector.load %arg4[%get3A_1737, %get3A_1738] : memref<4x64xi32, #tpu.memory_space<vmem>>, vector<1x64xi32>
      %broadcast_in_dim3A_1740 = vector.shape_cast %add3A_1725 : vector<1x1xi32> to vector<1x1xi32>
      %broadcast_in_dim3A_1741 = vector.broadcast %broadcast_in_dim3A_1740 : vector<1x1xi32> to vector<1x64xi32>
      %select_n3A_1742 = arith.select %eq3A_1727, %broadcast_in_dim3A_1741, %get3A_1739 : vector<1x64xi1>, vector<1x64xi32>
      %swap3A_1743 = arith.constant 3 : index
      %swap3A_1744 = arith.constant 0 : index
      %swap3A_1745 = vector.load %arg4[%swap3A_1743, %swap3A_1744] : memref<4x64xi32, #tpu.memory_space<vmem>>, vector<1x64xi32>
      tpu.vector_store %arg4[%swap3A_1743, %swap3A_1744], %select_n3A_1742 {strides = array<i32>} : memref<4x64xi32, #tpu.memory_space<vmem>>, vector<1x64xi32>,
      %scan3A_1746 = arith.constant 1 : i32
      %scan3A_1747 = arith.addi %scan3A_1475, %scan3A_1746 : i32
      %get3A_1748 = arith.constant 0 : index
      %get3A_1749 = arith.constant 0 : index
      %get3A_1750 = vector.load %arg3[%get3A_1748, %get3A_1749] : memref<4x64xf32, #tpu.memory_space<vmem>>, vector<4x64xf32>
      %reduce_max3A_1751 = arith.constant dense<0xFF800000> : vector<4xf32>
      %reduce_max3A_1752 = vector.multi_reduction <maximumf>, %get3A_1750, %reduce_max3A_1751 [1] : vector<4x64xf32> to vector<4xf32>
      %broadcast_in_dim3A_1753 = vector.shape_cast %reduce_max3A_1752 : vector<4xf32> to vector<4x1xf32>
      %eq3A_1754 = vector.broadcast %broadcast_in_dim3A_1753 : vector<4x1xf32> to vector<4x64xf32>
      %eq3A_1755 = arith.cmpf oeq, %get3A_1750, %eq3A_1754 : vector<4x64xf32>
      %jit3A_1756 = arith.constant 1048576 : i32
      %broadcast_in_dim3A_1757 = vector.broadcast %jit3A_1756 : i32 to vector<4x64xi32>
      %select_n3A_1758 = arith.select %eq3A_1755, %iota3A_4, %broadcast_in_dim3A_1757 : vector<4x64xi1>, vector<4x64xi32>
      %reduce_min3A_1759 = arith.constant dense<2147483647> : vector<4xi32>
      %reduce_min3A_1760 = vector.multi_reduction <minsi>, %select_n3A_1758, %reduce_min3A_1759 [1] : vector<4x64xi32> to vector<4xi32>
      %broadcast_in_dim3A_1761 = vector.shape_cast %reduce_min3A_1760 : vector<4xi32> to vector<4x1xi32>
      %eq3A_1762 = vector.broadcast %broadcast_in_dim3A_1761 : vector<4x1xi32> to vector<4x64xi32>
      %eq3A_1763 = arith.cmpi eq, %iota3A_4, %eq3A_1762 : vector<4x64xi32>
      %get3A_1764 = arith.constant 0 : index
      %get3A_1765 = arith.constant 0 : index
      %get3A_1766 = vector.load %arg4[%get3A_1764, %get3A_1765] : memref<4x64xi32, #tpu.memory_space<vmem>>, vector<4x64xi32>
      %jit3A_1767 = arith.constant 0 : i32
      %broadcast_in_dim3A_1768 = vector.broadcast %jit3A_1767 : i32 to vector<4x64xi32>
      %select_n3A_1769 = arith.select %eq3A_1763, %get3A_1766, %broadcast_in_dim3A_1768 : vector<4x64xi1>, vector<4x64xi32>
      %reduce_sum3A_1770 = arith.constant dense<0> : vector<4xi32>
      %reduce_sum3A_1771 = vector.multi_reduction <add>, %select_n3A_1769, %reduce_sum3A_1770 [1] : vector<4x64xi32> to vector<4xi32>
      %broadcast_in_dim3A_1772 = vector.shape_cast %reduce_sum3A_1771 : vector<4xi32> to vector<4x1xi32>
      %reshape3A_1773 = vector.shape_cast %broadcast_in_dim3A_1772 : vector<4x1xi32> to vector<1x4xi32>
      %swap3A_1774 = arith.index_cast %scan3A_1747 : i32 to index
      %swap3A_1775 = arith.constant 0 : index
      %swap3A_1776 = vector.load %arg1[%swap3A_1774, %swap3A_1775] : memref<512x4xi32, #tpu.memory_space<vmem>>, vector<1x4xi32>
      tpu.vector_store %arg1[%swap3A_1774, %swap3A_1775], %reshape3A_1773 {strides = array<i32>} : memref<512x4xi32, #tpu.memory_space<vmem>>, vector<1x4xi32>,
      %swap3A_1777 = arith.constant 0 : index
      %swap3A_1778 = arith.constant 0 : index
      %swap3A_1779 = vector.load %arg5[%swap3A_1777, %swap3A_1778] : memref<4x128xi32, #tpu.memory_space<vmem>>, vector<4x1xi32>
      tpu.vector_store %arg5[%swap3A_1777, %swap3A_1778], %broadcast_in_dim3A_1761 {strides = array<i32>} : memref<4x128xi32, #tpu.memory_space<vmem>>, vector<4x1xi32>,
      %swap3A_1780 = arith.constant 0 : index
      %swap3A_1781 = arith.constant 1 : index
      %swap3A_1782 = vector.load %arg5[%swap3A_1780, %swap3A_1781] : memref<4x128xi32, #tpu.memory_space<vmem>>, vector<4x1xi32>
      tpu.vector_store %arg5[%swap3A_1780, %swap3A_1781], %broadcast_in_dim3A_1772 {strides = array<i32>} : memref<4x128xi32, #tpu.memory_space<vmem>>, vector<4x1xi32>,
      %get3A_1783 = arith.constant 0 : index
      %get3A_1784 = arith.constant 0 : index
      %get3A_1785 = vector.load %arg5[%get3A_1783, %get3A_1784] : memref<4x128xi32, #tpu.memory_space<vmem>>, vector<1x1xi32>
      %get3A_1786 = vector.extract %get3A_1785[0, 0] : i32 from vector<1x1xi32>
      %get3A_1787 = arith.constant 0 : index
      %get3A_1788 = arith.constant 1 : index
      %get3A_1789 = vector.load %arg5[%get3A_1787, %get3A_1788] : memref<4x128xi32, #tpu.memory_space<vmem>>, vector<1x1xi32>
      %get3A_1790 = vector.extract %get3A_1789[0, 0] : i32 from vector<1x1xi32>
      %mul3A_1791 = arith.constant 128 : i32
      %mul3A_1792 = arith.muli %get3A_1786, %mul3A_1791 : i32
      %multiple_of3A_1793 = tpu.assume_multiple %mul3A_1792, 128 : i32
      %get3A_1794 = arith.constant 0 : index
      %get3A_1795 = arith.index_cast %multiple_of3A_1793 : i32 to index
      %get3A_1796 = vector.load %arg2[%get3A_1794, %get3A_1795] : memref<4x8192xf32, #tpu.memory_space<vmem>>, vector<1x128xf32>
      %mul3A_1797 = arith.constant 128 : i32
      %mul3A_1798 = arith.muli %get3A_1786, %mul3A_1797 : i32
      %sub3A_1799 = arith.subi %get3A_1790, %mul3A_1798 : i32
      %eq3A_1800 = vector.broadcast %sub3A_1799 : i32 to vector<1x128xi32>
      %eq3A_1801 = arith.cmpi eq, %slice3A, %eq3A_1800 : vector<1x128xi32>
      %jit3A_1802 = arith.constant 0xFF800000 : f32
      %broadcast_in_dim3A_1803 = vector.broadcast %jit3A_1802 : f32 to vector<1x128xf32>
      %select_n3A_1804 = arith.select %eq3A_1801, %broadcast_in_dim3A_1803, %get3A_1796 : vector<1x128xi1>, vector<1x128xf32>
      %swap3A_1805 = arith.constant 0 : index
      %swap3A_1806 = arith.index_cast %multiple_of3A_1793 : i32 to index
      %swap3A_1807 = vector.load %arg2[%swap3A_1805, %swap3A_1806] : memref<4x8192xf32, #tpu.memory_space<vmem>>, vector<1x128xf32>
      tpu.vector_store %arg2[%swap3A_1805, %swap3A_1806], %select_n3A_1804 {strides = array<i32>} : memref<4x8192xf32, #tpu.memory_space<vmem>>, vector<1x128xf32>,
      %reduce_max3A_1808 = arith.constant dense<0xFF800000> : vector<1xf32>
      %reduce_max3A_1809 = vector.multi_reduction <maximumf>, %select_n3A_1804, %reduce_max3A_1808 [1] : vector<1x128xf32> to vector<1xf32>
      %broadcast_in_dim3A_1810 = vector.shape_cast %reduce_max3A_1809 : vector<1xf32> to vector<1x1xf32>
      %eq3A_1811 = vector.broadcast %broadcast_in_dim3A_1810 : vector<1x1xf32> to vector<1x128xf32>
      %eq3A_1812 = arith.cmpf oeq, %select_n3A_1804, %eq3A_1811 : vector<1x128xf32>
      %jit3A_1813 = arith.constant 1048576 : i32
      %broadcast_in_dim3A_1814 = vector.broadcast %jit3A_1813 : i32 to vector<1x128xi32>
      %select_n3A_1815 = arith.select %eq3A_1812, %slice3A, %broadcast_in_dim3A_1814 : vector<1x128xi1>, vector<1x128xi32>
      %reduce_min3A_1816 = arith.constant dense<2147483647> : vector<1xi32>
      %reduce_min3A_1817 = vector.multi_reduction <minsi>, %select_n3A_1815, %reduce_min3A_1816 [1] : vector<1x128xi32> to vector<1xi32>
      %broadcast_in_dim3A_1818 = vector.shape_cast %reduce_min3A_1817 : vector<1xi32> to vector<1x1xi32>
      %mul3A_1819 = arith.constant 128 : i32
      %mul3A_1820 = arith.muli %get3A_1786, %mul3A_1819 : i32
      %add3A_1821 = vector.broadcast %mul3A_1820 : i32 to vector<1x1xi32>
      %add3A_1822 = arith.addi %broadcast_in_dim3A_1818, %add3A_1821 : vector<1x1xi32>
      %eq3A_1823 = vector.broadcast %get3A_1786 : i32 to vector<1x64xi32>
      %eq3A_1824 = arith.cmpi eq, %slice3A_5, %eq3A_1823 : vector<1x64xi32>
      %get3A_1825 = arith.constant 0 : index
      %get3A_1826 = arith.constant 0 : index
      %get3A_1827 = vector.load %arg3[%get3A_1825, %get3A_1826] : memref<4x64xf32, #tpu.memory_space<vmem>>, vector<1x64xf32>
      %broadcast_in_dim3A_1828 = vector.shape_cast %broadcast_in_dim3A_1810 : vector<1x1xf32> to vector<1x1xf32>
      %broadcast_in_dim3A_1829 = vector.broadcast %broadcast_in_dim3A_1828 : vector<1x1xf32> to vector<1x64xf32>
      %select_n3A_1830 = arith.select %eq3A_1824, %broadcast_in_dim3A_1829, %get3A_1827 : vector<1x64xi1>, vector<1x64xf32>
      %swap3A_1831 = arith.constant 0 : index
      %swap3A_1832 = arith.constant 0 : index
      %swap3A_1833 = vector.load %arg3[%swap3A_1831, %swap3A_1832] : memref<4x64xf32, #tpu.memory_space<vmem>>, vector<1x64xf32>
      tpu.vector_store %arg3[%swap3A_1831, %swap3A_1832], %select_n3A_1830 {strides = array<i32>} : memref<4x64xf32, #tpu.memory_space<vmem>>, vector<1x64xf32>,
      %get3A_1834 = arith.constant 0 : index
      %get3A_1835 = arith.constant 0 : index
      %get3A_1836 = vector.load %arg4[%get3A_1834, %get3A_1835] : memref<4x64xi32, #tpu.memory_space<vmem>>, vector<1x64xi32>
      %broadcast_in_dim3A_1837 = vector.shape_cast %add3A_1822 : vector<1x1xi32> to vector<1x1xi32>
      %broadcast_in_dim3A_1838 = vector.broadcast %broadcast_in_dim3A_1837 : vector<1x1xi32> to vector<1x64xi32>
      %select_n3A_1839 = arith.select %eq3A_1824, %broadcast_in_dim3A_1838, %get3A_1836 : vector<1x64xi1>, vector<1x64xi32>
      %swap3A_1840 = arith.constant 0 : index
      %swap3A_1841 = arith.constant 0 : index
      %swap3A_1842 = vector.load %arg4[%swap3A_1840, %swap3A_1841] : memref<4x64xi32, #tpu.memory_space<vmem>>, vector<1x64xi32>
      tpu.vector_store %arg4[%swap3A_1840, %swap3A_1841], %select_n3A_1839 {strides = array<i32>} : memref<4x64xi32, #tpu.memory_space<vmem>>, vector<1x64xi32>,
      %get3A_1843 = arith.constant 1 : index
      %get3A_1844 = arith.constant 0 : index
      %get3A_1845 = vector.load %arg5[%get3A_1843, %get3A_1844] : memref<4x128xi32, #tpu.memory_space<vmem>>, vector<1x1xi32>
      %get3A_1846 = vector.extract %get3A_1845[0, 0] : i32 from vector<1x1xi32>
      %get3A_1847 = arith.constant 1 : index
      %get3A_1848 = arith.constant 1 : index
      %get3A_1849 = vector.load %arg5[%get3A_1847, %get3A_1848] : memref<4x128xi32, #tpu.memory_space<vmem>>, vector<1x1xi32>
      %get3A_1850 = vector.extract %get3A_1849[0, 0] : i32 from vector<1x1xi32>
      %mul3A_1851 = arith.constant 128 : i32
      %mul3A_1852 = arith.muli %get3A_1846, %mul3A_1851 : i32
      %multiple_of3A_1853 = tpu.assume_multiple %mul3A_1852, 128 : i32
      %get3A_1854 = arith.constant 1 : index
      %get3A_1855 = arith.index_cast %multiple_of3A_1853 : i32 to index
      %get3A_1856 = vector.load %arg2[%get3A_1854, %get3A_1855] : memref<4x8192xf32, #tpu.memory_space<vmem>>, vector<1x128xf32>
      %mul3A_1857 = arith.constant 128 : i32
      %mul3A_1858 = arith.muli %get3A_1846, %mul3A_1857 : i32
      %sub3A_1859 = arith.subi %get3A_1850, %mul3A_1858 : i32
      %eq3A_1860 = vector.broadcast %sub3A_1859 : i32 to vector<1x128xi32>
      %eq3A_1861 = arith.cmpi eq, %slice3A, %eq3A_1860 : vector<1x128xi32>
      %jit3A_1862 = arith.constant 0xFF800000 : f32
      %broadcast_in_dim3A_1863 = vector.broadcast %jit3A_1862 : f32 to vector<1x128xf32>
      %select_n3A_1864 = arith.select %eq3A_1861, %broadcast_in_dim3A_1863, %get3A_1856 : vector<1x128xi1>, vector<1x128xf32>
      %swap3A_1865 = arith.constant 1 : index
      %swap3A_1866 = arith.index_cast %multiple_of3A_1853 : i32 to index
      %swap3A_1867 = vector.load %arg2[%swap3A_1865, %swap3A_1866] : memref<4x8192xf32, #tpu.memory_space<vmem>>, vector<1x128xf32>
      tpu.vector_store %arg2[%swap3A_1865, %swap3A_1866], %select_n3A_1864 {strides = array<i32>} : memref<4x8192xf32, #tpu.memory_space<vmem>>, vector<1x128xf32>,
      %reduce_max3A_1868 = arith.constant dense<0xFF800000> : vector<1xf32>
      %reduce_max3A_1869 = vector.multi_reduction <maximumf>, %select_n3A_1864, %reduce_max3A_1868 [1] : vector<1x128xf32> to vector<1xf32>
      %broadcast_in_dim3A_1870 = vector.shape_cast %reduce_max3A_1869 : vector<1xf32> to vector<1x1xf32>
      %eq3A_1871 = vector.broadcast %broadcast_in_dim3A_1870 : vector<1x1xf32> to vector<1x128xf32>
      %eq3A_1872 = arith.cmpf oeq, %select_n3A_1864, %eq3A_1871 : vector<1x128xf32>
      %jit3A_1873 = arith.constant 1048576 : i32
      %broadcast_in_dim3A_1874 = vector.broadcast %jit3A_1873 : i32 to vector<1x128xi32>
      %select_n3A_1875 = arith.select %eq3A_1872, %slice3A, %broadcast_in_dim3A_1874 : vector<1x128xi1>, vector<1x128xi32>
      %reduce_min3A_1876 = arith.constant dense<2147483647> : vector<1xi32>
      %reduce_min3A_1877 = vector.multi_reduction <minsi>, %select_n3A_1875, %reduce_min3A_1876 [1] : vector<1x128xi32> to vector<1xi32>
      %broadcast_in_dim3A_1878 = vector.shape_cast %reduce_min3A_1877 : vector<1xi32> to vector<1x1xi32>
      %mul3A_1879 = arith.constant 128 : i32
      %mul3A_1880 = arith.muli %get3A_1846, %mul3A_1879 : i32
      %add3A_1881 = vector.broadcast %mul3A_1880 : i32 to vector<1x1xi32>
      %add3A_1882 = arith.addi %broadcast_in_dim3A_1878, %add3A_1881 : vector<1x1xi32>
      %eq3A_1883 = vector.broadcast %get3A_1846 : i32 to vector<1x64xi32>
      %eq3A_1884 = arith.cmpi eq, %slice3A_5, %eq3A_1883 : vector<1x64xi32>
      %get3A_1885 = arith.constant 1 : index
      %get3A_1886 = arith.constant 0 : index
      %get3A_1887 = vector.load %arg3[%get3A_1885, %get3A_1886] : memref<4x64xf32, #tpu.memory_space<vmem>>, vector<1x64xf32>
      %broadcast_in_dim3A_1888 = vector.shape_cast %broadcast_in_dim3A_1870 : vector<1x1xf32> to vector<1x1xf32>
      %broadcast_in_dim3A_1889 = vector.broadcast %broadcast_in_dim3A_1888 : vector<1x1xf32> to vector<1x64xf32>
      %select_n3A_1890 = arith.select %eq3A_1884, %broadcast_in_dim3A_1889, %get3A_1887 : vector<1x64xi1>, vector<1x64xf32>
      %swap3A_1891 = arith.constant 1 : index
      %swap3A_1892 = arith.constant 0 : index
      %swap3A_1893 = vector.load %arg3[%swap3A_1891, %swap3A_1892] : memref<4x64xf32, #tpu.memory_space<vmem>>, vector<1x64xf32>
      tpu.vector_store %arg3[%swap3A_1891, %swap3A_1892], %select_n3A_1890 {strides = array<i32>} : memref<4x64xf32, #tpu.memory_space<vmem>>, vector<1x64xf32>,
      %get3A_1894 = arith.constant 1 : index
      %get3A_1895 = arith.constant 0 : index
      %get3A_1896 = vector.load %arg4[%get3A_1894, %get3A_1895] : memref<4x64xi32, #tpu.memory_space<vmem>>, vector<1x64xi32>
      %broadcast_in_dim3A_1897 = vector.shape_cast %add3A_1882 : vector<1x1xi32> to vector<1x1xi32>
      %broadcast_in_dim3A_1898 = vector.broadcast %broadcast_in_dim3A_1897 : vector<1x1xi32> to vector<1x64xi32>
      %select_n3A_1899 = arith.select %eq3A_1884, %broadcast_in_dim3A_1898, %get3A_1896 : vector<1x64xi1>, vector<1x64xi32>
      %swap3A_1900 = arith.constant 1 : index
      %swap3A_1901 = arith.constant 0 : index
      %swap3A_1902 = vector.load %arg4[%swap3A_1900, %swap3A_1901] : memref<4x64xi32, #tpu.memory_space<vmem>>, vector<1x64xi32>
      tpu.vector_store %arg4[%swap3A_1900, %swap3A_1901], %select_n3A_1899 {strides = array<i32>} : memref<4x64xi32, #tpu.memory_space<vmem>>, vector<1x64xi32>,
      %get3A_1903 = arith.constant 2 : index
      %get3A_1904 = arith.constant 0 : index
      %get3A_1905 = vector.load %arg5[%get3A_1903, %get3A_1904] : memref<4x128xi32, #tpu.memory_space<vmem>>, vector<1x1xi32>
      %get3A_1906 = vector.extract %get3A_1905[0, 0] : i32 from vector<1x1xi32>
      %get3A_1907 = arith.constant 2 : index
      %get3A_1908 = arith.constant 1 : index
      %get3A_1909 = vector.load %arg5[%get3A_1907, %get3A_1908] : memref<4x128xi32, #tpu.memory_space<vmem>>, vector<1x1xi32>
      %get3A_1910 = vector.extract %get3A_1909[0, 0] : i32 from vector<1x1xi32>
      %mul3A_1911 = arith.constant 128 : i32
      %mul3A_1912 = arith.muli %get3A_1906, %mul3A_1911 : i32
      %multiple_of3A_1913 = tpu.assume_multiple %mul3A_1912, 128 : i32
      %get3A_1914 = arith.constant 2 : index
      %get3A_1915 = arith.index_cast %multiple_of3A_1913 : i32 to index
      %get3A_1916 = vector.load %arg2[%get3A_1914, %get3A_1915] : memref<4x8192xf32, #tpu.memory_space<vmem>>, vector<1x128xf32>
      %mul3A_1917 = arith.constant 128 : i32
      %mul3A_1918 = arith.muli %get3A_1906, %mul3A_1917 : i32
      %sub3A_1919 = arith.subi %get3A_1910, %mul3A_1918 : i32
      %eq3A_1920 = vector.broadcast %sub3A_1919 : i32 to vector<1x128xi32>
      %eq3A_1921 = arith.cmpi eq, %slice3A, %eq3A_1920 : vector<1x128xi32>
      %jit3A_1922 = arith.constant 0xFF800000 : f32
      %broadcast_in_dim3A_1923 = vector.broadcast %jit3A_1922 : f32 to vector<1x128xf32>
      %select_n3A_1924 = arith.select %eq3A_1921, %broadcast_in_dim3A_1923, %get3A_1916 : vector<1x128xi1>, vector<1x128xf32>
      %swap3A_1925 = arith.constant 2 : index
      %swap3A_1926 = arith.index_cast %multiple_of3A_1913 : i32 to index
      %swap3A_1927 = vector.load %arg2[%swap3A_1925, %swap3A_1926] : memref<4x8192xf32, #tpu.memory_space<vmem>>, vector<1x128xf32>
      tpu.vector_store %arg2[%swap3A_1925, %swap3A_1926], %select_n3A_1924 {strides = array<i32>} : memref<4x8192xf32, #tpu.memory_space<vmem>>, vector<1x128xf32>,
      %reduce_max3A_1928 = arith.constant dense<0xFF800000> : vector<1xf32>
      %reduce_max3A_1929 = vector.multi_reduction <maximumf>, %select_n3A_1924, %reduce_max3A_1928 [1] : vector<1x128xf32> to vector<1xf32>
      %broadcast_in_dim3A_1930 = vector.shape_cast %reduce_max3A_1929 : vector<1xf32> to vector<1x1xf32>
      %eq3A_1931 = vector.broadcast %broadcast_in_dim3A_1930 : vector<1x1xf32> to vector<1x128xf32>
      %eq3A_1932 = arith.cmpf oeq, %select_n3A_1924, %eq3A_1931 : vector<1x128xf32>
      %jit3A_1933 = arith.constant 1048576 : i32
      %broadcast_in_dim3A_1934 = vector.broadcast %jit3A_1933 : i32 to vector<1x128xi32>
      %select_n3A_1935 = arith.select %eq3A_1932, %slice3A, %broadcast_in_dim3A_1934 : vector<1x128xi1>, vector<1x128xi32>
      %reduce_min3A_1936 = arith.constant dense<2147483647> : vector<1xi32>
      %reduce_min3A_1937 = vector.multi_reduction <minsi>, %select_n3A_1935, %reduce_min3A_1936 [1] : vector<1x128xi32> to vector<1xi32>
      %broadcast_in_dim3A_1938 = vector.shape_cast %reduce_min3A_1937 : vector<1xi32> to vector<1x1xi32>
      %mul3A_1939 = arith.constant 128 : i32
      %mul3A_1940 = arith.muli %get3A_1906, %mul3A_1939 : i32
      %add3A_1941 = vector.broadcast %mul3A_1940 : i32 to vector<1x1xi32>
      %add3A_1942 = arith.addi %broadcast_in_dim3A_1938, %add3A_1941 : vector<1x1xi32>
      %eq3A_1943 = vector.broadcast %get3A_1906 : i32 to vector<1x64xi32>
      %eq3A_1944 = arith.cmpi eq, %slice3A_5, %eq3A_1943 : vector<1x64xi32>
      %get3A_1945 = arith.constant 2 : index
      %get3A_1946 = arith.constant 0 : index
      %get3A_1947 = vector.load %arg3[%get3A_1945, %get3A_1946] : memref<4x64xf32, #tpu.memory_space<vmem>>, vector<1x64xf32>
      %broadcast_in_dim3A_1948 = vector.shape_cast %broadcast_in_dim3A_1930 : vector<1x1xf32> to vector<1x1xf32>
      %broadcast_in_dim3A_1949 = vector.broadcast %broadcast_in_dim3A_1948 : vector<1x1xf32> to vector<1x64xf32>
      %select_n3A_1950 = arith.select %eq3A_1944, %broadcast_in_dim3A_1949, %get3A_1947 : vector<1x64xi1>, vector<1x64xf32>
      %swap3A_1951 = arith.constant 2 : index
      %swap3A_1952 = arith.constant 0 : index
      %swap3A_1953 = vector.load %arg3[%swap3A_1951, %swap3A_1952] : memref<4x64xf32, #tpu.memory_space<vmem>>, vector<1x64xf32>
      tpu.vector_store %arg3[%swap3A_1951, %swap3A_1952], %select_n3A_1950 {strides = array<i32>} : memref<4x64xf32, #tpu.memory_space<vmem>>, vector<1x64xf32>,
      %get3A_1954 = arith.constant 2 : index
      %get3A_1955 = arith.constant 0 : index
      %get3A_1956 = vector.load %arg4[%get3A_1954, %get3A_1955] : memref<4x64xi32, #tpu.memory_space<vmem>>, vector<1x64xi32>
      %broadcast_in_dim3A_1957 = vector.shape_cast %add3A_1942 : vector<1x1xi32> to vector<1x1xi32>
      %broadcast_in_dim3A_1958 = vector.broadcast %broadcast_in_dim3A_1957 : vector<1x1xi32> to vector<1x64xi32>
      %select_n3A_1959 = arith.select %eq3A_1944, %broadcast_in_dim3A_1958, %get3A_1956 : vector<1x64xi1>, vector<1x64xi32>
      %swap3A_1960 = arith.constant 2 : index
      %swap3A_1961 = arith.constant 0 : index
      %swap3A_1962 = vector.load %arg4[%swap3A_1960, %swap3A_1961] : memref<4x64xi32, #tpu.memory_space<vmem>>, vector<1x64xi32>
      tpu.vector_store %arg4[%swap3A_1960, %swap3A_1961], %select_n3A_1959 {strides = array<i32>} : memref<4x64xi32, #tpu.memory_space<vmem>>, vector<1x64xi32>,
      %get3A_1963 = arith.constant 3 : index
      %get3A_1964 = arith.constant 0 : index
      %get3A_1965 = vector.load %arg5[%get3A_1963, %get3A_1964] : memref<4x128xi32, #tpu.memory_space<vmem>>, vector<1x1xi32>
      %get3A_1966 = vector.extract %get3A_1965[0, 0] : i32 from vector<1x1xi32>
      %get3A_1967 = arith.constant 3 : index
      %get3A_1968 = arith.constant 1 : index
      %get3A_1969 = vector.load %arg5[%get3A_1967, %get3A_1968] : memref<4x128xi32, #tpu.memory_space<vmem>>, vector<1x1xi32>
      %get3A_1970 = vector.extract %get3A_1969[0, 0] : i32 from vector<1x1xi32>
      %mul3A_1971 = arith.constant 128 : i32
      %mul3A_1972 = arith.muli %get3A_1966, %mul3A_1971 : i32
      %multiple_of3A_1973 = tpu.assume_multiple %mul3A_1972, 128 : i32
      %get3A_1974 = arith.constant 3 : index
      %get3A_1975 = arith.index_cast %multiple_of3A_1973 : i32 to index
      %get3A_1976 = vector.load %arg2[%get3A_1974, %get3A_1975] : memref<4x8192xf32, #tpu.memory_space<vmem>>, vector<1x128xf32>
      %mul3A_1977 = arith.constant 128 : i32
      %mul3A_1978 = arith.muli %get3A_1966, %mul3A_1977 : i32
      %sub3A_1979 = arith.subi %get3A_1970, %mul3A_1978 : i32
      %eq3A_1980 = vector.broadcast %sub3A_1979 : i32 to vector<1x128xi32>
      %eq3A_1981 = arith.cmpi eq, %slice3A, %eq3A_1980 : vector<1x128xi32>
      %jit3A_1982 = arith.constant 0xFF800000 : f32
      %broadcast_in_dim3A_1983 = vector.broadcast %jit3A_1982 : f32 to vector<1x128xf32>
      %select_n3A_1984 = arith.select %eq3A_1981, %broadcast_in_dim3A_1983, %get3A_1976 : vector<1x128xi1>, vector<1x128xf32>
      %swap3A_1985 = arith.constant 3 : index
      %swap3A_1986 = arith.index_cast %multiple_of3A_1973 : i32 to index
      %swap3A_1987 = vector.load %arg2[%swap3A_1985, %swap3A_1986] : memref<4x8192xf32, #tpu.memory_space<vmem>>, vector<1x128xf32>
      tpu.vector_store %arg2[%swap3A_1985, %swap3A_1986], %select_n3A_1984 {strides = array<i32>} : memref<4x8192xf32, #tpu.memory_space<vmem>>, vector<1x128xf32>,
      %reduce_max3A_1988 = arith.constant dense<0xFF800000> : vector<1xf32>
      %reduce_max3A_1989 = vector.multi_reduction <maximumf>, %select_n3A_1984, %reduce_max3A_1988 [1] : vector<1x128xf32> to vector<1xf32>
      %broadcast_in_dim3A_1990 = vector.shape_cast %reduce_max3A_1989 : vector<1xf32> to vector<1x1xf32>
      %eq3A_1991 = vector.broadcast %broadcast_in_dim3A_1990 : vector<1x1xf32> to vector<1x128xf32>
      %eq3A_1992 = arith.cmpf oeq, %select_n3A_1984, %eq3A_1991 : vector<1x128xf32>
      %jit3A_1993 = arith.constant 1048576 : i32
      %broadcast_in_dim3A_1994 = vector.broadcast %jit3A_1993 : i32 to vector<1x128xi32>
      %select_n3A_1995 = arith.select %eq3A_1992, %slice3A, %broadcast_in_dim3A_1994 : vector<1x128xi1>, vector<1x128xi32>
      %reduce_min3A_1996 = arith.constant dense<2147483647> : vector<1xi32>
      %reduce_min3A_1997 = vector.multi_reduction <minsi>, %select_n3A_1995, %reduce_min3A_1996 [1] : vector<1x128xi32> to vector<1xi32>
      %broadcast_in_dim3A_1998 = vector.shape_cast %reduce_min3A_1997 : vector<1xi32> to vector<1x1xi32>
      %mul3A_1999 = arith.constant 128 : i32
      %mul3A_2000 = arith.muli %get3A_1966, %mul3A_1999 : i32
      %add3A_2001 = vector.broadcast %mul3A_2000 : i32 to vector<1x1xi32>
      %add3A_2002 = arith.addi %broadcast_in_dim3A_1998, %add3A_2001 : vector<1x1xi32>
      %eq3A_2003 = vector.broadcast %get3A_1966 : i32 to vector<1x64xi32>
      %eq3A_2004 = arith.cmpi eq, %slice3A_5, %eq3A_2003 : vector<1x64xi32>
      %get3A_2005 = arith.constant 3 : index
      %get3A_2006 = arith.constant 0 : index
      %get3A_2007 = vector.load %arg3[%get3A_2005, %get3A_2006] : memref<4x64xf32, #tpu.memory_space<vmem>>, vector<1x64xf32>
      %broadcast_in_dim3A_2008 = vector.shape_cast %broadcast_in_dim3A_1990 : vector<1x1xf32> to vector<1x1xf32>
      %broadcast_in_dim3A_2009 = vector.broadcast %broadcast_in_dim3A_2008 : vector<1x1xf32> to vector<1x64xf32>
      %select_n3A_2010 = arith.select %eq3A_2004, %broadcast_in_dim3A_2009, %get3A_2007 : vector<1x64xi1>, vector<1x64xf32>
      %swap3A_2011 = arith.constant 3 : index
      %swap3A_2012 = arith.constant 0 : index
      %swap3A_2013 = vector.load %arg3[%swap3A_2011, %swap3A_2012] : memref<4x64xf32, #tpu.memory_space<vmem>>, vector<1x64xf32>
      tpu.vector_store %arg3[%swap3A_2011, %swap3A_2012], %select_n3A_2010 {strides = array<i32>} : memref<4x64xf32, #tpu.memory_space<vmem>>, vector<1x64xf32>,
      %get3A_2014 = arith.constant 3 : index
      %get3A_2015 = arith.constant 0 : index
      %get3A_2016 = vector.load %arg4[%get3A_2014, %get3A_2015] : memref<4x64xi32, #tpu.memory_space<vmem>>, vector<1x64xi32>
      %broadcast_in_dim3A_2017 = vector.shape_cast %add3A_2002 : vector<1x1xi32> to vector<1x1xi32>
      %broadcast_in_dim3A_2018 = vector.broadcast %broadcast_in_dim3A_2017 : vector<1x1xi32> to vector<1x64xi32>
      %select_n3A_2019 = arith.select %eq3A_2004, %broadcast_in_dim3A_2018, %get3A_2016 : vector<1x64xi1>, vector<1x64xi32>
      %swap3A_2020 = arith.constant 3 : index
      %swap3A_2021 = arith.constant 0 : index
      %swap3A_2022 = vector.load %arg4[%swap3A_2020, %swap3A_2021] : memref<4x64xi32, #tpu.memory_space<vmem>>, vector<1x64xi32>
      tpu.vector_store %arg4[%swap3A_2020, %swap3A_2021], %select_n3A_2019 {strides = array<i32>} : memref<4x64xi32, #tpu.memory_space<vmem>>, vector<1x64xi32>,
    }
    %scan3A_1474 = arith.constant 512 : i32
    return
  }
}

</mosaic_0001>

<sc_bundles>
// kernel: kernel.6.cloned.1.call-start
scs
__scs_entry_jumppad:
0x0: {  	(pc) =	sbr.rel $0x88, $3  }
0x1: {  	(tag) =	ssettag $0x0;
	lr =	simm.s32 $0x1  }
0x2: {  	[smem:$0x3F9F] =	sst lr;
	_ =	strace $0xD0000000  }
0x3: {  	_ = 	snop  }
0x4: {  	_ = 	snop  }
0x5: {  	_ = 	snop  }
0x6: {  	_ = 	snop  }
0x7: {  	_ = 	snop  }
__scs_overlays_trampoline_lowered:
0x8: {  	[smem:$0x3FAE] =	sst s0  }
0x9: {  	[smem:$0x3FAF] =	sst s1  }
0xa: {  	[smem:$0x3FB0] =	sst s2  }
0xb: {  	[smem:$0x3FB1] =	sst s3  }
0xc: {  	[smem:$0x3FB2] =	sst s4  }
0xd: {  	[smem:$0x3FB3] =	sst s5  }
0xe: {  	[smem:$0x3FB4] =	sst s6  }
0xf: {  	[smem:$0x3FB5] =	sst s7  }
0x10: {  	[smem:$0x3FB6] =	sst s8  }
0x11: {  	[smem:$0x3FB7] =	sst s9;
	s0 =	simm.s32 @!p0 $0x0  }
0x12: {  	s1 =	sld [smem:$0x3F9D];
	s0 =	simm.s32 @p0 $0x1  }
0x13: {  	[smem:$0x3FB8] =	sst s0;
	s0 =	simm.s32 @!p1 $0x0  }
0x14: {  	s2 =	sld [smem:$0x3F9C];
	s0 =	simm.s32 @p1 $0x1  }
0x15: {  	[smem:$0x3FB9] =	sst s0;
	s0 =	simm.s32 @!p2 $0x0  }
0x16: {  	s3 =	sld [smem:$0x3FDB];
	s0 =	simm.s32 @p2 $0x1  }
0x17: {  	s4 =	simm.s32 $0x1BF5;
	[smem:$0x3FBB] =	sst s0  }
0x18: {  	s0 =	sld [smem:$0x3F9E];
	_ =	swait.ge [sflag:s4], $0x0  }
0x19: {  	s7 =	sld [smem:$0x3F9F]  }
0x1a: {  	s8 =	sadd.s32 $0xFFFFE003, lr  }
0x1b: {  	s9 =	sadd.s32 $0xFFFFFEF7, lr;
	s5 =	simm.s32 $0xFFFFFFFF;
	p2 =	slt.u32 s8, $0xFFFFF086  }
0x1c: {  	p1 =	slt.u32 s9, $0xF7A;
	s5 =	simm.s32 @!p2 $0x0  }
0x1d: {  	s5 =	simm.s32 @p1 $0x1;
	p0 =	seq.s32 s7, s2  }
0x1e: {  	s7 =	smul.u32 @!p0 $0xF7A, s2;
	p2 =	seq.s32 @!p0 s5, $0x0  }
0x1f: {  	s9 =	smul.u32 $0xF7A, s1;
	s8 =	simm.s32 @!p0 $0x1BF5;
	p2 =	por !p2, p0  }
0x20: {  	[sflag:s8] =	ssyncset.s32 @!p0 $0xFFFFF086;
	s6 =	sadd.s32 @!p0 s3, s7;
	s7 =	simm.s32 @!p0 $0x108  }
0x21: {  	s3 =	sadd.s32 s3, s9;
	s6 =	sadd.s32 @!p0 $0x88, s6;
	s7 =	simm.s32 @p2 $0x1082  }
0x22: {  	[simem:s7], [sflag:s8] =	dma.local @!p0 [hbm:s6], $0xF7A  }
0x23: {  	s9 =	sor.u32 $0xD0000000, s2;
	s6 =	simm.s32 $0x108;
	_ =	swait.ge @!p0 [sflag:s8], $0x0  }
0x24: {  	s3 =	sadd.s32 $0x88, s3;
	s6 =	simm.s32 @!p1 $0x1082;
	[sflag:s4] =	ssyncset.s32 $0xFFFFF086  }
0x25: {  	[simem:s6], [sflag:s4] =	dma.local [hbm:s3], $0xF7A  }
0x26: {  	[smem:$0x3F9F] =	sst s1;
	(tag) =	ssettag s2;
	_ =	strace s9  }
0x27: {  	s1 =	sld [smem:$0x3FAF]  }
0x28: {  	s2 =	sld [smem:$0x3FB0]  }
0x29: {  	s4 =	sld [smem:$0x3FB2]  }
0x2a: {  	p0 =	seq.s32 s5, $0x0;
	s5 =	sld [smem:$0x3FB3]  }
0x2b: {  	s6 =	sld [smem:$0x3FB4]  }
0x2c: {  	s7 =	sld [smem:$0x3FB5]  }
0x2d: {  	s3 =	simm.s32 $0x108;
	s8 =	sld [smem:$0x3FB6]  }
0x2e: {  	s3 =	simm.s32 @!p0 $0x1082;
	s9 =	sld [smem:$0x3FB7]  }
0x2f: {  	lr =	sadd.s32 s0, s3;
	s0 =	sld [smem:$0x3FAE]  }
0x30: {  	s3 =	sld [smem:$0x3FB1]  }
0x31: {  	[smem:$0x3FBA] =	sst s10  }
0x32: {  	s10 =	sld [smem:$0x3FB8];
	_ =	sdelay $0x3  }
0x33: {  	p0 =	seq.s32 s10, $0x1;
	s10 =	sld [smem:$0x3FBA];
	_ =	sdelay $0x3  }
0x34: {  	[smem:$0x3FBA] =	sst s10  }
0x35: {  	s10 =	sld [smem:$0x3FB9];
	_ =	sdelay $0x3  }
0x36: {  	p1 =	seq.s32 s10, $0x1;
	s10 =	sld [smem:$0x3FBA];
	_ =	sdelay $0x3  }
0x37: {  	[smem:$0x3FBA] =	sst s10  }
0x38: {  	s10 =	sld [smem:$0x3FBB]  }
0x39: {  	_ = 	snop;
	(pc) =	sbr.ind lr, $3  }
0x3a: {  	_ = 	snop  }
0x3b: {  	_ = 	snop  }
0x3c: {  	p2 =	seq.s32 s10, $0x1;
	s10 =	sld [smem:$0x3FBA]  }
0x3d: {  	_ =	shalt  }
0x3e: {  	_ =	shalt  }
0x3f: {  	_ =	shalt  }
0x40: {  	_ =	shalt  }
0x41: {  	_ =	shalt  }
0x42: {  	_ =	shalt  }
0x43: {  	_ =	shalt  }
0x44: {  	_ =	shalt  }
0x45: {  	_ =	shalt  }
0x46: {  	_ =	shalt  }
0x47: {  	_ =	shalt  }
0x48: {  	_ =	shalt  }
0x49: {  	_ =	shalt  }
0x4a: {  	_ =	shalt  }
0x4b: {  	_ =	shalt  }
0x4c: {  	_ =	shalt  }
0x4d: {  	_ =	shalt  }
0x4e: {  	_ =	shalt  }
0x4f: {  	_ =	shalt  }
0x50: {  	_ =	shalt  }
0x51: {  	_ =	shalt  }
0x52: {  	_ =	shalt  }
0x53: {  	_ =	shalt  }
0x54: {  	_ =	shalt  }
0x55: {  	_ =	shalt  }
0x56: {  	_ =	shalt  }
0x57: {  	_ =	shalt  }
0x58: {  	_ =	shalt  }
0x59: {  	_ =	shalt  }
0x5a: {  	_ =	shalt  }
0x5b: {  	_ =	shalt  }
0x5c: {  	_ =	shalt  }
0x5d: {  	_ =	shalt  }
0x5e: {  	_ =	shalt  }
0x5f: {  	_ =	shalt  }
0x60: {  	_ =	shalt  }
0x61: {  	_ =	shalt  }
0x62: {  	_ =	shalt  }
0x63: {  	_ =	shalt  }
0x64: {  	_ =	shalt  }
0x65: {  	_ =	shalt  }
0x66: {  	_ =	shalt  }
0x67: {  	_ =	shalt  }
0x68: {  	_ =	shalt  }
0x69: {  	_ =	shalt  }
0x6a: {  	_ =	shalt  }
0x6b: {  	_ =	shalt  }
0x6c: {  	_ =	shalt  }
0x6d: {  	_ =	shalt  }
0x6e: {  	_ =	shalt  }
0x6f: {  	_ =	shalt  }
0x70: {  	_ =	shalt  }
0x71: {  	_ =	shalt  }
0x72: {  	_ =	shalt  }
0x73: {  	_ =	shalt  }
0x74: {  	_ =	shalt  }
0x75: {  	_ =	shalt  }
0x76: {  	_ =	shalt  }
0x77: {  	_ =	shalt  }
0x78: {  	_ =	shalt  }
0x79: {  	_ =	shalt  }
0x7a: {  	_ =	shalt  }
0x7b: {  	_ =	shalt  }
0x7c: {  	_ =	shalt  }
0x7d: {  	_ =	shalt  }
0x7e: {  	_ =	shalt  }
0x7f: {  	_ =	shalt  }
0x80: {  	_ =	shalt  }
0x81: {  	_ =	shalt  }
0x82: {  	_ =	shalt  }
0x83: {  	_ =	shalt  }
0x84: {  	_ =	shalt  }
0x85: {  	_ =	shalt  }
0x86: {  	_ =	shalt  }
0x87: {  	_ =	shalt  }
.Lfunc_end0:
.L_simem_size_0:
called_computation_lowered:
.L_overlay_start_0:
0x88: {  	s2 =	sld [smem:$0x3FD9]  }
0x89: {  	s3 =	sld [smem:$0x3FFE];
	_ =	sdelay $0x1  }
0x8a: {  	s1 =	srdreg.scid  }
0x8b: {  	s0 =	sand.u32 $0x1, s1  }
0x8c: {  	s14 =	sshll.u32 s0, $0xA;
	s2 =	sadd.s32 s3, s2  }
0x8d: {  	s2 =	sadd.s32 s2, s14  }
0x8e: {  	[smem:$0x3FC6] =	sst s2  }
0x8f: {  	_ = 	snop  }
0x90: {  	s2 =	sld [smem:$0x3FD0];
	_ =	sdelay $0x2  }
0x91: {  	s15 =	simm.s32 $0xA;
	s4 =	simm.s32 $0x10  }
0x92: {  	[smem:s4], [sflag:s15] =	dma.local [hbm:s2], $0x1  }
0x93: {  	_ =	swait.eq [sflag:s15], $0x1  }
0x94: {  	[sflag:s15] =	ssyncset.done $0x0  }
0x95: {  	s16 =	sld [smem:$0x10];
	[sflag:s15] =	ssyncadd.s32 $0xFFFFFFFF  }
0x96: {  	s17 =	sld [smem:$0x11];
	(tm) =	ssettm $0x1  }
0x97: {  	s18 =	sld [smem:$0x3FFB];
	_ =	sdelay $0x3  }
0x98: {  	_ =	strace s18  }
0x99: {  	s4 =	sld [smem:$0x3FFC];
	_ =	sdelay $0x3  }
0x9a: {  	_ =	strace s4  }
0x9b: {  	s4 =	sld [smem:$0x3FFD];
	_ =	sdelay $0x3  }
0x9c: {  	_ =	strace s4  }
0x9d: {  	_ =	strace $0x8FFFFFFF  }
0x9e: {  	s19 =	sld [smem:$0x3FDB];
	_ =	sdelay $0x1  }
0x9f: {  	s5 =	simm.s32 $_scs_section_size  }
0xa0: {  	s6 =	simm.s32 $_size__tile_overlayer_lowered;
	s7 =	simm.s32 $_tile_overlayer_lowered  }
0xa1: {  	s22 =	simm.s32 $0x1BFF;
	s21 =	sshll.u32 s7, $0x1;
	s4 =	sadd.s32 s5, s19  }
0xa2: {  	s8 =	simm.s32 $0x0;
	s20 =	sshll.u32 s6, $0x1;
	s6 =	sadd.s32 s21, s4  }
0xa3: {  	[timem:s8], [sflag:s22] =	dma.local [hbm:s6], s20  }
0xa4: {  	_ =	swait.ge [sflag:s22], s20  }
0xa5: {  	s5 =	ssub.s32 $0x0, s20;
	[sflag:s22] =	ssyncset.done $0x0  }
0xa6: {  	[sflag:s22] =	ssyncadd.s32 s5;
	_ =	sdelay $0x1  }
0xa7: {  	s23 =	simm.s32 $0x1B8B  }
0xa8: {  	_ =	swait.ge [sflag:s23], $0x1  }
0xa9: {  	[sflag:s23] =	ssyncset.done $0x0  }
0xaa: {  	s25 =	simm.s32 $0x1B8E;
	s24 =	sld [smem:$0x3FFE];
	[sflag:s23] =	ssyncadd.s32 $0xFFFFFFFF  }
0xab: {  	s26 =	simm.s32 $execute0_lowered;
	[smem:$0x3FD2] =	sst s25  }
0xac: {  	s6 =	sshll.u32 s26, $0x1;
	_ =	strace $0x80000046;
	[dreg:$0x1] =	wrdreg $0xFFFFFFFF  }
0xad: {  	s28 =	simm.s32 $_size_execute0_lowered;
	s4 =	sadd.s32 s4, s6;
	[dreg:$0x0] =	wrdreg $0x0  }
0xae: {  	s6 =	sshll.u32 s28, $0x1;
	[dreg:$0x2] =	wrdreg s4  }
0xaf: {  	[dreg:$0x3] =	wrdreg s6  }
0xb0: {  	[dreg:$0x4] =	wrdreg $0xC0  }
0xb1: {  	_ =	task [dreg:s8], $0x5FFFF  }
0xb2: {  	[dreg:$0x1] =	wrdreg $0xFFFFFFFF  }
0xb3: {  	[dreg:$0x0] =	wrdreg $0x60  }
0xb4: {  	[dreg:$0x2] =	wrdreg s24  }
0xb5: {  	[dreg:$0x3] =	wrdreg s16  }
0xb6: {  	[dreg:$0x4] =	wrdreg s17  }
0xb7: {  	[dreg:$0x5] =	wrdreg $0x9  }
0xb8: {  	_ =	task.clear_ibuf [dreg:s8], $0x6FFFF;
	_ =	strace $0x90000046  }
0xb9: {  	s29 =	simm.s32 $0x9;
	_ =	strace $0x80000048  }
0xba: {  	_ =	swait.ge [sflag:s29], $0x1  }
0xbb: {  	[sflag:s29] =	ssyncadd.s32 $0xFFFFFFFF  }
0xbc: {  	_ =	strace $0x90000048  }
0xbd: {  	_ =	sfence  }
0xbe: {  	s30 =	sld [smem:$0x0];
	_ =	sdelay $0x2  }
0xbf: {  	s31 =	sshll.u32 s1, $0xD;
	s1 =	sshrl.u32 s1, $0x2  }
0xc0: {  	s3 =	sand.u32 $0x4000, s31;
	s1 =	sadd.s32 s1, s30  }
0xc1: {  	s0 =	sor.u32 s3, s0;
	s1 =	sshll.u32 s1, $0x11  }
0xc2: {  	s0 =	sor.u32 s1, s0  }
0xc3: {  	s0 =	sadd.s32 $0x8F2B, s0  }
0xc4: {  	[sflag:s0] =	ssyncadd.remote.s32 $0x1  }
0xc5: {  	_ =	sfence.sel $0xFFFF  }
0xc6: {  	[dreg:$0x0] =	wrdreg $0xFFFFFFFF;
	(pc) =	sbr.abs _section_cstart, $3  }
0xc7: {  	[dreg:$0x1] =	wrdreg $0xFFFFFFFF  }
0xc8: {  	_ =	task.clear_ibuf [dreg:s8], $0x2FFFF;
	_ =	strace $0x9FFFFFFF  }
0xc9: {  	(tm) =	ssettm $0x7FFFFFFF  }
tec
execute0_lowered:
.L_overlay_start_1:
0x0: {  	(tag) =	ssettag $0x1  }
0x1: {  	s5 =	rddreg [dreg:$0x0]  }
0x2: {  	s6 =	rddreg [dreg:$0x1];
	s1 =	srdreg.scid  }
0x3: {  	s0 =	stileid.u32;
	s7 =	rddreg [dreg:$0x2]  }
0x4: {  	s2 =	simm.s32 $0x0;
	s14 =	simm.s32 $0x6200;
	s15 =	simm.s32 $0xC200  }
0x5: {  	s16 =	simm.s32 $0x0;
	s8 =	sand.u32 $0x1, s1;
	s1 =	rddreg [dreg:$0x3]  }
0x6: {  	s3 =	sshll.u32 s0, $0x1;
	[smem:$0x7FF] =	sst s2;
	s4 =	sadd.s32 $0x180A00, s5  }
0x7: {  	s12 =	sshll.u32 s0, $0x4;
	s13 =	smul.u32 $0xC0000, s0;
	s3 =	sor.u32 s8, s3  }
0x8: {  	_ =	strace $0x80000047;
	s29 =	ssub.s32 $0x2, s8;
	s31 =	smul.u32 $0x60000, s8  }
0x9: {  	s30 =	sand.u32 $0xC0, s12;
	s9 =	smul.u32 $0xC00, s3;
	s11 =	sshrl.u32 s29, $0x1  }
0xa: {  	s12 =	simm.s32 $0x1;
	s3 =	sadd.s32 $0xA00, s5;
	s11 =	ssub.s32 s29, s11  }
0xb: {  	s10 =	sadd.s32 s9, s5;
	s5 =	sadd.s32 s6, s30;
	s6 =	sadd.s32 s7, s9  }
0xc: {  	s8 =	smax.u32 s11, $0x1;
	s9 =	sadd.s32 s31, s13;
	s11 =	simm.s32 $0x80  }
0xd: {  	s13 =	simm.s32 $0x2;
	s7 =	sadd.s32 $0x300A00, s10;
	s10 =	simm.s32 $0x3  }
.LBB2_1:
0xe: {  	[tilespmem:s2], [sflag:$0x3] =	stream.linear.gather [hbm4b:s5+s2], $0x200, $0x38;
	[tilespmem:$0x12200] =	vst v63  }
0xf: {  	_ =	swait.ge [sflag:s10], $0x200  }
0x10: {  	[sflag:s10] =	ssyncset.done $0x0  }
0x11: {  	[sflag:s10] =	ssyncadd.s32 $0xFFFFFE00  }
0x12: {  	v0 =	vld [tilespmem:$0x0];
	_ =	sdelay $0x4  }
0x13: {  	s17 =	simm.s32 $0x0;
	v0 =	vadd.s32 s9, v0  }
0x14: {  	[tilespmem:s17+$0x200] =	vst v0  }
0x15: {  	v0 =	vld [tilespmem:$0x10];
	_ =	sdelay $0x4  }
0x16: {  	v0 =	vadd.s32 s9, v0  }
0x17: {  	[tilespmem:s17+$0x210] =	vst v0  }
0x18: {  	v0 =	vld [tilespmem:$0x20];
	_ =	sdelay $0x4  }
0x19: {  	v0 =	vadd.s32 s9, v0  }
0x1a: {  	[tilespmem:s17+$0x220] =	vst v0  }
0x1b: {  	v0 =	vld [tilespmem:$0x30];
	_ =	sdelay $0x4  }
0x1c: {  	v0 =	vadd.s32 s9, v0  }
0x1d: {  	[tilespmem:s17+$0x230] =	vst v0  }
0x1e: {  	v0 =	vld [tilespmem:$0x40];
	_ =	sdelay $0x4  }
0x1f: {  	v0 =	vadd.s32 s9, v0  }
0x20: {  	[tilespmem:s17+$0x240] =	vst v0  }
0x21: {  	v0 =	vld [tilespmem:$0x50];
	_ =	sdelay $0x4  }
0x22: {  	v0 =	vadd.s32 s9, v0  }
0x23: {  	[tilespmem:s17+$0x250] =	vst v0  }
0x24: {  	v0 =	vld [tilespmem:$0x60];
	_ =	sdelay $0x4  }
0x25: {  	v0 =	vadd.s32 s9, v0  }
0x26: {  	[tilespmem:s17+$0x260] =	vst v0  }
0x27: {  	v0 =	vld [tilespmem:$0x70];
	_ =	sdelay $0x4  }
0x28: {  	v0 =	vadd.s32 s9, v0  }
0x29: {  	[tilespmem:s17+$0x270] =	vst v0  }
0x2a: {  	v0 =	vld [tilespmem:$0x80];
	_ =	sdelay $0x4  }
0x2b: {  	v0 =	vadd.s32 s9, v0  }
0x2c: {  	[tilespmem:s17+$0x280] =	vst v0  }
0x2d: {  	v0 =	vld [tilespmem:$0x90];
	_ =	sdelay $0x4  }
0x2e: {  	v0 =	vadd.s32 s9, v0  }
0x2f: {  	[tilespmem:s17+$0x290] =	vst v0  }
0x30: {  	v0 =	vld [tilespmem:$0xA0];
	_ =	sdelay $0x4  }
0x31: {  	v0 =	vadd.s32 s9, v0  }
0x32: {  	[tilespmem:s17+$0x2A0] =	vst v0  }
0x33: {  	v0 =	vld [tilespmem:$0xB0];
	_ =	sdelay $0x4  }
0x34: {  	v0 =	vadd.s32 s9, v0  }
0x35: {  	[tilespmem:s17+$0x2B0] =	vst v0  }
0x36: {  	v0 =	vld [tilespmem:$0xC0];
	_ =	sdelay $0x4  }
0x37: {  	v0 =	vadd.s32 s9, v0  }
0x38: {  	[tilespmem:s17+$0x2C0] =	vst v0  }
0x39: {  	v0 =	vld [tilespmem:$0xD0];
	_ =	sdelay $0x4  }
0x3a: {  	v0 =	vadd.s32 s9, v0  }
0x3b: {  	[tilespmem:s17+$0x2D0] =	vst v0  }
0x3c: {  	v0 =	vld [tilespmem:$0xE0];
	_ =	sdelay $0x4  }
0x3d: {  	v0 =	vadd.s32 s9, v0  }
0x3e: {  	[tilespmem:s17+$0x2E0] =	vst v0  }
0x3f: {  	v0 =	vld [tilespmem:$0xF0];
	_ =	sdelay $0x4  }
0x40: {  	v0 =	vadd.s32 s9, v0  }
0x41: {  	[tilespmem:s17+$0x2F0] =	vst v0  }
0x42: {  	v0 =	vld [tilespmem:$0x100];
	_ =	sdelay $0x4  }
0x43: {  	v0 =	vadd.s32 s9, v0  }
0x44: {  	[tilespmem:s17+$0x300] =	vst v0  }
0x45: {  	v0 =	vld [tilespmem:$0x110];
	_ =	sdelay $0x4  }
0x46: {  	v0 =	vadd.s32 s9, v0  }
0x47: {  	[tilespmem:s17+$0x310] =	vst v0  }
0x48: {  	v0 =	vld [tilespmem:$0x120];
	_ =	sdelay $0x4  }
0x49: {  	v0 =	vadd.s32 s9, v0  }
0x4a: {  	[tilespmem:s17+$0x320] =	vst v0  }
0x4b: {  	v0 =	vld [tilespmem:$0x130];
	_ =	sdelay $0x4  }
0x4c: {  	v0 =	vadd.s32 s9, v0  }
0x4d: {  	[tilespmem:s17+$0x330] =	vst v0  }
0x4e: {  	v0 =	vld [tilespmem:$0x140];
	_ =	sdelay $0x4  }
0x4f: {  	v0 =	vadd.s32 s9, v0  }
0x50: {  	[tilespmem:s17+$0x340] =	vst v0  }
0x51: {  	v0 =	vld [tilespmem:$0x150];
	_ =	sdelay $0x4  }
0x52: {  	v0 =	vadd.s32 s9, v0  }
0x53: {  	[tilespmem:s17+$0x350] =	vst v0  }
0x54: {  	v0 =	vld [tilespmem:$0x160];
	_ =	sdelay $0x4  }
0x55: {  	v0 =	vadd.s32 s9, v0  }
0x56: {  	[tilespmem:s17+$0x360] =	vst v0  }
0x57: {  	v0 =	vld [tilespmem:$0x170];
	_ =	sdelay $0x4  }
0x58: {  	v0 =	vadd.s32 s9, v0  }
0x59: {  	[tilespmem:s17+$0x370] =	vst v0  }
0x5a: {  	v0 =	vld [tilespmem:$0x180];
	_ =	sdelay $0x4  }
0x5b: {  	v0 =	vadd.s32 s9, v0  }
0x5c: {  	[tilespmem:s17+$0x380] =	vst v0  }
0x5d: {  	v0 =	vld [tilespmem:$0x190];
	_ =	sdelay $0x4  }
0x5e: {  	v0 =	vadd.s32 s9, v0  }
0x5f: {  	[tilespmem:s17+$0x390] =	vst v0  }
0x60: {  	v0 =	vld [tilespmem:$0x1A0];
	_ =	sdelay $0x4  }
0x61: {  	v0 =	vadd.s32 s9, v0  }
0x62: {  	[tilespmem:s17+$0x3A0] =	vst v0  }
0x63: {  	v0 =	vld [tilespmem:$0x1B0];
	_ =	sdelay $0x4  }
0x64: {  	v0 =	vadd.s32 s9, v0  }
0x65: {  	[tilespmem:s17+$0x3B0] =	vst v0  }
0x66: {  	v0 =	vld [tilespmem:$0x1C0];
	_ =	sdelay $0x4  }
0x67: {  	v0 =	vadd.s32 s9, v0  }
0x68: {  	[tilespmem:s17+$0x3C0] =	vst v0  }
0x69: {  	v0 =	vld [tilespmem:$0x1D0];
	_ =	sdelay $0x4  }
0x6a: {  	v0 =	vadd.s32 s9, v0  }
0x6b: {  	[tilespmem:s17+$0x3D0] =	vst v0  }
0x6c: {  	v0 =	vld [tilespmem:$0x1E0];
	_ =	sdelay $0x4  }
0x6d: {  	v0 =	vadd.s32 s9, v0  }
0x6e: {  	[tilespmem:s17+$0x3E0] =	vst v0  }
0x6f: {  	v0 =	vld [tilespmem:$0x1F0];
	_ =	sdelay $0x4  }
0x70: {  	v0 =	vadd.s32 s9, v0  }
0x71: {  	s18 =	simm.s32 $0x200;
	s20 =	simm.s32 $0x6200;
	[tilespmem:s17+$0x3F0] =	vst v0  }
0x72: {  	[tilespmem:s20], [sflag:$0x1] =	stream.indirect.gather [hbm4b:s3+s11], $0x1, s18, s11, $0xb8;
	[tilespmem:$0x12200] =	vst v63  }
0x73: {  	s21 =	simm.s32 $0xC200  }
0x74: {  	[tilespmem:s21], [sflag:$0x2] =	stream.indirect.gather [hbm4b:s4+s11], $0x1, s18, s11, $0xb8;
	[tilespmem:$0x12200] =	vst v63  }
0x75: {  	s22 =	simm.s32 $0x280;
	s23 =	simm.s32 $0x6280  }
0x76: {  	[tilespmem:s23], [sflag:$0x1] =	stream.indirect.gather [hbm4b:s3+s11], $0x1, s22, s11, $0xb8;
	[tilespmem:$0x12200] =	vst v63  }
0x77: {  	s24 =	simm.s32 $0xC280  }
0x78: {  	[tilespmem:s24], [sflag:$0x2] =	stream.indirect.gather [hbm4b:s4+s11], $0x1, s22, s11, $0xb8;
	[tilespmem:$0x12200] =	vst v63  }
0x79: {  	s25 =	simm.s32 $0x300;
	s26 =	simm.s32 $0x6300  }
0x7a: {  	[tilespmem:s26], [sflag:$0x1] =	stream.indirect.gather [hbm4b:s3+s11], $0x1, s25, s11, $0xb8;
	[tilespmem:$0x12200] =	vst v63  }
0x7b: {  	s28 =	simm.s32 $0xC300  }
0x7c: {  	[tilespmem:s28], [sflag:$0x2] =	stream.indirect.gather [hbm4b:s4+s11], $0x1, s25, s11, $0xb8;
	[tilespmem:$0x12200] =	vst v63  }
0x7d: {  	s29 =	simm.s32 $0x380;
	s30 =	simm.s32 $0x6380  }
0x7e: {  	[tilespmem:s30], [sflag:$0x1] =	stream.indirect.gather [hbm4b:s3+s11], $0x1, s29, s11, $0xb8;
	[tilespmem:$0x12200] =	vst v63  }
0x7f: {  	s31 =	simm.s32 $0xC380  }
0x80: {  	[tilespmem:s31], [sflag:$0x2] =	stream.indirect.gather [hbm4b:s4+s11], $0x1, s29, s11, $0xb8;
	[tilespmem:$0x12200] =	vst v63  }
0x81: {  	_ =	swait.ge [sflag:s12], $0x80  }
0x82: {  	[sflag:s12] =	ssyncset.done $0x0  }
0x83: {  	[sflag:s12] =	ssyncadd.s32 $0xFFFFFF80  }
0x84: {  	_ =	swait.ge [sflag:s13], $0x80  }
0x85: {  	[sflag:s13] =	ssyncset.done $0x0  }
0x86: {  	[sflag:s13] =	ssyncadd.s32 $0xFFFFFF80  }
0x87: {  	_ =	swait.ge [sflag:s12], $0x80  }
0x88: {  	[sflag:s12] =	ssyncset.done $0x0  }
0x89: {  	[sflag:s12] =	ssyncadd.s32 $0xFFFFFF80  }
0x8a: {  	_ =	swait.ge [sflag:s13], $0x80  }
0x8b: {  	[sflag:s13] =	ssyncset.done $0x0  }
0x8c: {  	[sflag:s13] =	ssyncadd.s32 $0xFFFFFF80  }
0x8d: {  	_ =	swait.ge [sflag:s12], $0x80  }
0x8e: {  	[sflag:s12] =	ssyncset.done $0x0  }
0x8f: {  	[sflag:s12] =	ssyncadd.s32 $0xFFFFFF80  }
0x90: {  	_ =	swait.ge [sflag:s13], $0x80  }
0x91: {  	[sflag:s13] =	ssyncset.done $0x0  }
0x92: {  	[sflag:s13] =	ssyncadd.s32 $0xFFFFFF80  }
0x93: {  	_ =	swait.ge [sflag:s12], $0x80  }
0x94: {  	[sflag:s12] =	ssyncset.done $0x0  }
0x95: {  	[sflag:s12] =	ssyncadd.s32 $0xFFFFFF80  }
0x96: {  	_ =	swait.ge [sflag:s13], $0x80  }
0x97: {  	s17 =	simm.s32 $0x800;
	s18 =	smov.u32 s9;
	[sflag:s13] =	ssyncset.done $0x0  }
.LBB2_2:
0x98: {  	p0 =	sne.s32 s17, $0x17800;
	[sflag:s13] =	ssyncadd.s32 $0xFFFFFF80;
	s18 =	sadd.s32 $0x2000, s18  }
0x99: {  	s19 =	smov.u32 s17;
	s17 =	sadd.s32 $0x800, s17;
	v0 =	vld [tilespmem:$0x0];
	_ =	sdelay $0x4  }
0x9a: {  	s19 =	sshra.s32 s19, $0x2;
	v0 =	vadd.s32 s18, v0  }
0x9b: {  	[tilespmem:s19+$0x200] =	vst v0  }
0x9c: {  	v0 =	vld [tilespmem:$0x10];
	_ =	sdelay $0x4  }
0x9d: {  	v0 =	vadd.s32 s18, v0  }
0x9e: {  	[tilespmem:s19+$0x210] =	vst v0  }
0x9f: {  	v0 =	vld [tilespmem:$0x20];
	_ =	sdelay $0x4  }
0xa0: {  	v0 =	vadd.s32 s18, v0  }
0xa1: {  	[tilespmem:s19+$0x220] =	vst v0  }
0xa2: {  	v0 =	vld [tilespmem:$0x30];
	_ =	sdelay $0x4  }
0xa3: {  	v0 =	vadd.s32 s18, v0  }
0xa4: {  	[tilespmem:s19+$0x230] =	vst v0  }
0xa5: {  	v0 =	vld [tilespmem:$0x40];
	_ =	sdelay $0x4  }
0xa6: {  	v0 =	vadd.s32 s18, v0  }
0xa7: {  	[tilespmem:s19+$0x240] =	vst v0  }
0xa8: {  	v0 =	vld [tilespmem:$0x50];
	_ =	sdelay $0x4  }
0xa9: {  	v0 =	vadd.s32 s18, v0  }
0xaa: {  	[tilespmem:s19+$0x250] =	vst v0  }
0xab: {  	v0 =	vld [tilespmem:$0x60];
	_ =	sdelay $0x4  }
0xac: {  	v0 =	vadd.s32 s18, v0  }
0xad: {  	[tilespmem:s19+$0x260] =	vst v0  }
0xae: {  	v0 =	vld [tilespmem:$0x70];
	_ =	sdelay $0x4  }
0xaf: {  	v0 =	vadd.s32 s18, v0  }
0xb0: {  	[tilespmem:s19+$0x270] =	vst v0  }
0xb1: {  	v0 =	vld [tilespmem:$0x80];
	_ =	sdelay $0x4  }
0xb2: {  	v0 =	vadd.s32 s18, v0  }
0xb3: {  	[tilespmem:s19+$0x280] =	vst v0  }
0xb4: {  	v0 =	vld [tilespmem:$0x90];
	_ =	sdelay $0x4  }
0xb5: {  	v0 =	vadd.s32 s18, v0  }
0xb6: {  	[tilespmem:s19+$0x290] =	vst v0  }
0xb7: {  	v0 =	vld [tilespmem:$0xA0];
	_ =	sdelay $0x4  }
0xb8: {  	v0 =	vadd.s32 s18, v0  }
0xb9: {  	[tilespmem:s19+$0x2A0] =	vst v0  }
0xba: {  	v0 =	vld [tilespmem:$0xB0];
	_ =	sdelay $0x4  }
0xbb: {  	v0 =	vadd.s32 s18, v0  }
0xbc: {  	[tilespmem:s19+$0x2B0] =	vst v0  }
0xbd: {  	v0 =	vld [tilespmem:$0xC0];
	_ =	sdelay $0x4  }
0xbe: {  	v0 =	vadd.s32 s18, v0  }
0xbf: {  	[tilespmem:s19+$0x2C0] =	vst v0  }
0xc0: {  	v0 =	vld [tilespmem:$0xD0];
	_ =	sdelay $0x4  }
0xc1: {  	v0 =	vadd.s32 s18, v0  }
0xc2: {  	[tilespmem:s19+$0x2D0] =	vst v0  }
0xc3: {  	v0 =	vld [tilespmem:$0xE0];
	_ =	sdelay $0x4  }
0xc4: {  	v0 =	vadd.s32 s18, v0  }
0xc5: {  	[tilespmem:s19+$0x2E0] =	vst v0  }
0xc6: {  	v0 =	vld [tilespmem:$0xF0];
	_ =	sdelay $0x4  }
0xc7: {  	v0 =	vadd.s32 s18, v0  }
0xc8: {  	[tilespmem:s19+$0x2F0] =	vst v0  }
0xc9: {  	v0 =	vld [tilespmem:$0x100];
	_ =	sdelay $0x4  }
0xca: {  	v0 =	vadd.s32 s18, v0  }
0xcb: {  	[tilespmem:s19+$0x300] =	vst v0  }
0xcc: {  	v0 =	vld [tilespmem:$0x110];
	_ =	sdelay $0x4  }
0xcd: {  	v0 =	vadd.s32 s18, v0  }
0xce: {  	[tilespmem:s19+$0x310] =	vst v0  }
0xcf: {  	v0 =	vld [tilespmem:$0x120];
	_ =	sdelay $0x4  }
0xd0: {  	v0 =	vadd.s32 s18, v0  }
0xd1: {  	[tilespmem:s19+$0x320] =	vst v0  }
0xd2: {  	v0 =	vld [tilespmem:$0x130];
	_ =	sdelay $0x4  }
0xd3: {  	v0 =	vadd.s32 s18, v0  }
0xd4: {  	[tilespmem:s19+$0x330] =	vst v0  }
0xd5: {  	v0 =	vld [tilespmem:$0x140];
	_ =	sdelay $0x4  }
0xd6: {  	v0 =	vadd.s32 s18, v0  }
0xd7: {  	[tilespmem:s19+$0x340] =	vst v0  }
0xd8: {  	v0 =	vld [tilespmem:$0x150];
	_ =	sdelay $0x4  }
0xd9: {  	v0 =	vadd.s32 s18, v0  }
0xda: {  	[tilespmem:s19+$0x350] =	vst v0  }
0xdb: {  	v0 =	vld [tilespmem:$0x160];
	_ =	sdelay $0x4  }
0xdc: {  	v0 =	vadd.s32 s18, v0  }
0xdd: {  	[tilespmem:s19+$0x360] =	vst v0  }
0xde: {  	v0 =	vld [tilespmem:$0x170];
	_ =	sdelay $0x4  }
0xdf: {  	v0 =	vadd.s32 s18, v0  }
0xe0: {  	[tilespmem:s19+$0x370] =	vst v0  }
0xe1: {  	v0 =	vld [tilespmem:$0x180];
	_ =	sdelay $0x4  }
0xe2: {  	v0 =	vadd.s32 s18, v0  }
0xe3: {  	[tilespmem:s19+$0x380] =	vst v0  }
0xe4: {  	v0 =	vld [tilespmem:$0x190];
	_ =	sdelay $0x4  }
0xe5: {  	v0 =	vadd.s32 s18, v0  }
0xe6: {  	[tilespmem:s19+$0x390] =	vst v0  }
0xe7: {  	v0 =	vld [tilespmem:$0x1A0];
	_ =	sdelay $0x4  }
0xe8: {  	v0 =	vadd.s32 s18, v0  }
0xe9: {  	[tilespmem:s19+$0x3A0] =	vst v0  }
0xea: {  	v0 =	vld [tilespmem:$0x1B0];
	_ =	sdelay $0x4  }
0xeb: {  	v0 =	vadd.s32 s18, v0  }
0xec: {  	[tilespmem:s19+$0x3B0] =	vst v0  }
0xed: {  	v0 =	vld [tilespmem:$0x1C0];
	_ =	sdelay $0x4  }
0xee: {  	v0 =	vadd.s32 s18, v0  }
0xef: {  	[tilespmem:s19+$0x3C0] =	vst v0  }
0xf0: {  	v0 =	vld [tilespmem:$0x1D0];
	_ =	sdelay $0x4  }
0xf1: {  	v0 =	vadd.s32 s18, v0  }
0xf2: {  	[tilespmem:s19+$0x3D0] =	vst v0  }
0xf3: {  	v0 =	vld [tilespmem:$0x1E0];
	_ =	sdelay $0x4  }
0xf4: {  	v0 =	vadd.s32 s18, v0  }
0xf5: {  	[tilespmem:s19+$0x3E0] =	vst v0  }
0xf6: {  	v0 =	vld [tilespmem:$0x1F0];
	_ =	sdelay $0x4  }
0xf7: {  	v0 =	vadd.s32 s18, v0  }
0xf8: {  	s20 =	sadd.s32 $0x200, s19;
	s21 =	sadd.s32 $0x6200, s19;
	[tilespmem:s19+$0x3F0] =	vst v0  }
0xf9: {  	[tilespmem:s21], [sflag:$0x1] =	stream.indirect.gather [hbm4b:s3+s11], $0x1, s20, s11, $0xb8;
	[tilespmem:$0x12200] =	vst v63  }
0xfa: {  	s21 =	sadd.s32 $0xC200, s19  }
0xfb: {  	[tilespmem:s21], [sflag:$0x2] =	stream.indirect.gather [hbm4b:s4+s11], $0x1, s20, s11, $0xb8;
	[tilespmem:$0x12200] =	vst v63  }
0xfc: {  	s20 =	sadd.s32 $0x280, s19;
	s21 =	sadd.s32 $0x6280, s19  }
0xfd: {  	[tilespmem:s21], [sflag:$0x1] =	stream.indirect.gather [hbm4b:s3+s11], $0x1, s20, s11, $0xb8;
	[tilespmem:$0x12200] =	vst v63  }
0xfe: {  	s21 =	sadd.s32 $0xC280, s19  }
0xff: {  	[tilespmem:s21], [sflag:$0x2] =	stream.indirect.gather [hbm4b:s4+s11], $0x1, s20, s11, $0xb8;
	[tilespmem:$0x12200] =	vst v63  }
0x100: {  	s20 =	sadd.s32 $0x300, s19;
	s21 =	sadd.s32 $0x6300, s19  }
0x101: {  	[tilespmem:s21], [sflag:$0x1] =	stream.indirect.gather [hbm4b:s3+s11], $0x1, s20, s11, $0xb8;
	[tilespmem:$0x12200] =	vst v63  }
0x102: {  	s21 =	sadd.s32 $0xC300, s19  }
0x103: {  	[tilespmem:s21], [sflag:$0x2] =	stream.indirect.gather [hbm4b:s4+s11], $0x1, s20, s11, $0xb8;
	[tilespmem:$0x12200] =	vst v63  }
0x104: {  	s20 =	sadd.s32 $0x380, s19;
	s21 =	sadd.s32 $0x6380, s19  }
0x105: {  	[tilespmem:s21], [sflag:$0x1] =	stream.indirect.gather [hbm4b:s3+s11], $0x1, s20, s11, $0xb8;
	[tilespmem:$0x12200] =	vst v63  }
0x106: {  	s19 =	sadd.s32 $0xC380, s19  }
0x107: {  	[tilespmem:s19], [sflag:$0x2] =	stream.indirect.gather [hbm4b:s4+s11], $0x1, s20, s11, $0xb8;
	[tilespmem:$0x12200] =	vst v63  }
0x108: {  	_ =	swait.ge [sflag:s12], $0x80  }
0x109: {  	[sflag:s12] =	ssyncset.done $0x0  }
0x10a: {  	[sflag:s12] =	ssyncadd.s32 $0xFFFFFF80  }
0x10b: {  	_ =	swait.ge [sflag:s13], $0x80  }
0x10c: {  	[sflag:s13] =	ssyncset.done $0x0  }
0x10d: {  	[sflag:s13] =	ssyncadd.s32 $0xFFFFFF80  }
0x10e: {  	_ =	swait.ge [sflag:s12], $0x80  }
0x10f: {  	[sflag:s12] =	ssyncset.done $0x0  }
0x110: {  	[sflag:s12] =	ssyncadd.s32 $0xFFFFFF80  }
0x111: {  	_ =	swait.ge [sflag:s13], $0x80  }
0x112: {  	[sflag:s13] =	ssyncset.done $0x0  }
0x113: {  	[sflag:s13] =	ssyncadd.s32 $0xFFFFFF80  }
0x114: {  	_ =	swait.ge [sflag:s12], $0x80  }
0x115: {  	[sflag:s12] =	ssyncset.done $0x0  }
0x116: {  	[sflag:s12] =	ssyncadd.s32 $0xFFFFFF80  }
0x117: {  	_ =	swait.ge [sflag:s13], $0x80  }
0x118: {  	[sflag:s13] =	ssyncset.done $0x0  }
0x119: {  	[sflag:s13] =	ssyncadd.s32 $0xFFFFFF80  }
.Ltmp0:
0x11a: {  	_ =	swait.ge [sflag:s12], $0x80;
	(pc) =	sbr.rel @p0 .LBB2_2-.Ltmp0, $4  }
0x11b: {  	[sflag:s12] =	ssyncset.done $0x0  }
0x11c: {  	[sflag:s12] =	ssyncadd.s32 $0xFFFFFF80  }
0x11d: {  	_ =	swait.ge [sflag:s13], $0x80  }
0x11e: {  	[sflag:s13] =	ssyncset.done $0x0  }
0x11f: {  	[sflag:s13] =	ssyncadd.s32 $0xFFFFFF80  }
0x120: {  	[hbm4b:s6+s2] =	stream.linear.scatter [tilespmem:s14], [sflag:$0x3], $0x6000, $0x38;
	[tilespmem:$0x12200] =	vst v63  }
0x121: {  	s16 =	sadd.s32 $0x1, s16;
	_ =	swait.ge [sflag:s10], $0x6000  }
0x122: {  	p0 =	sne.s32 s16, s8;
	[sflag:s10] =	ssyncset.done $0x0  }
.Ltmp1:
0x123: {  	[sflag:s10] =	ssyncadd.s32 $0xFFFFA000;
	(pc) =	sbr.rel @p0 .LBB2_1-.Ltmp1, $4  }
0x124: {  	[hbm4b:s7+s2] =	stream.linear.scatter [tilespmem:s15], [sflag:$0x3], $0x6000, $0x38;
	[tilespmem:$0x12200] =	vst v63  }
0x125: {  	_ =	swait.ge [sflag:s10], $0x6000  }
0x126: {  	[sflag:s10] =	ssyncset.done $0x0  }
0x127: {  	[sflag:s10] =	ssyncadd.s32 $0xFFFFA000  }
0x128: {  	_ =	sfence.sel $0x180000  }
0x129: {  	[bflag:$0x0] =	sbarrier.arrive $0xFFFF  }
0x12a: {  	p0 =	sne.s32 s0, $0x0;
	_ =	strace $0x90000047  }
0x12b: {  	s0 =	sadd.s32 @!p0 $0x100000, s1;
	[bflag:$0x2] =	sbarrier.arrive $0xFFFF  }
0x12c: {  	[sflag:s0] =	ssyncadd.tile.s32 @!p0 $0x1;
	_ =	shalt  }
.Lfunc_end2:
_tile_overlayer_lowered:
.L_overlay_start_2:
0x12d: {  	(tag) =	ssettag $0x2  }
0x12e: {  	s0 =	rddreg [dreg:$0x0];
	s2 =	stileid.u32  }
0x12f: {  	s1 =	rddreg [dreg:$0x1];
	p0 =	sne.s32 s2, $0x0  }
0x130: {  	s3 =	rddreg [dreg:$0x2];
	[bflag:$0x3] =	sbarrier.arrive $0xFFFF;
	s2 =	simm.s32 @!p0 $0x1C03  }
0x131: {  	[timem:s3], [sflag:s2] =	dma.local @!p0 [hbm:s0], s1  }
0x132: {  	s0 =	simm.s32 @!p0 $0x3  }
0x133: {  	_ =	swait.ge @!p0 [sflag:s0], s1  }
0x134: {  	s1 =	ssub.s32 @!p0 $0x0, s1;
	[sflag:s0] =	ssyncset.done @!p0 $0x0  }
0x135: {  	[sflag:s0] =	ssyncadd.s32 @!p0 s1  }
0x136: {  	[bflag:$0x3] =	sbarrier.arrive $0xFFFF  }
0x137: {  	_ =	shalt  }

</sc_bundles>
